<compile_context>
chip_gen: v7x
topology: tpu7x:2x2x1
jax: 0.10.2.dev20260603
libtpu: 0.0.44.dev20260713+nightly
codegen_flags: <defaults>
</compile_context>

<pallas_src>
import jax
import jax.numpy as jnp
from jax import lax
from jax.experimental import pallas as pl
from jax.experimental.pallas import tpu as pltpu
from jax.experimental.pallas import tpu_sc as plsc

_B = 16384
_D = 32
_NC = 2
_NS = 16
_NW = _NC * _NS
_BPW = _B // _NW
_CW = 4
_NCH = _BPW // _CW


def _sc_body(user_ref, item_ref, ut_ref, it_ref, par_ref, out_ref,
             idx_u, idx_i, fb_u, fb_i, out_v, w_b,
             sem_u0, sem_u1, sem_u2, sem_i0, sem_i1, sem_i2):
    wid = lax.axis_index("s") * _NC + lax.axis_index("c")
    pltpu.sync_copy(user_ref.at[wid], idx_u.at[pl.ds(0, _BPW)])
    pltpu.sync_copy(item_ref.at[wid], idx_i.at[pl.ds(0, _BPW)])
    pltpu.sync_copy(par_ref, w_b)

    def start_chunk(c, bsel, sem_u, sem_i):
        iu = idx_u[pl.ds(c * _CW, 16)]
        ii = idx_i[pl.ds(c * _CW, 16)]
        for r in range(_CW):
            su = pl.multiple_of((iu[r] // 128) * 128, 128)
            si = pl.multiple_of((ii[r] // 128) * 128, 128)
            pltpu.async_copy(ut_ref.at[:, pl.ds(su, 128)], fb_u.at[bsel, r], sem_u)
            pltpu.async_copy(it_ref.at[:, pl.ds(si, 128)], fb_i.at[bsel, r], sem_i)

    def start_chunk_guarded(c, bsel, sem_u, sem_i):
        @pl.when(c < _NCH)
        def _():
            start_chunk(c, bsel, sem_u, sem_i)

    def drain(bsel, sem_u, sem_i):
        pltpu.make_async_copy(ut_ref.at[:, pl.ds(0, _CW * 128)],
                              fb_u.at[bsel], sem_u).wait()
        pltpu.make_async_copy(it_ref.at[:, pl.ds(0, _CW * 128)],
                              fb_i.at[bsel], sem_i).wait()

    wu0 = w_b[0]
    wu1 = w_b[1]
    wi0 = w_b[2]
    wi1 = w_b[3]
    bias = w_b[4]
    lane = jnp.arange(16, dtype=jnp.int32)
    ci = jnp.arange(16, dtype=jnp.int32)

    def compute_chunk(c, bsel, acc):
        acc = jnp.where((c % 4) == 0, bias, acc)
        iu = idx_u[pl.ds(c * _CW, 16)]
        ii = idx_i[pl.ds(c * _CW, 16)]
        for r in range(_CW):
            rlu = jnp.full((16,), iu[r] & 127, jnp.int32)
            rli = jnp.full((16,), ii[r] & 127, jnp.int32)
            gu0 = plsc.load_gather(fb_u.at[bsel, r], [ci, rlu])
            gu1 = plsc.load_gather(fb_u.at[bsel, r], [ci + 16, rlu])
            gi0 = plsc.load_gather(fb_i.at[bsel, r], [ci, rli])
            gi1 = plsc.load_gather(fb_i.at[bsel, r], [ci + 16, rli])
            t = gu0 * wu0 + gu1 * wu1 + gi0 * wi0 + gi1 * wi1
            acc = jnp.where(lane == (c % 4) * _CW + r, acc + jnp.sum(t), acc)

        @pl.when(((c % 4) == 3) & (c < _NCH))
        def _():
            out_v[pl.ds((c // 4) * 16, 16)] = 1.0 / (1.0 + jnp.exp(-acc))
        return acc

    sems = ((sem_u0, sem_i0), (sem_u1, sem_i1), (sem_u2, sem_i2))
    start_chunk(0, 0, *sems[0])
    start_chunk(1, 1, *sems[1])

    def step(k, acc):
        for p in range(3):
            c = 3 * k + p
            nxt = (p + 2) % 3
            start_chunk_guarded(c + 2, nxt, *sems[nxt])

            @pl.when(c < _NCH)
            def _():
                drain(p, *sems[p])
            acc2 = compute_chunk(c, p, acc)
            acc = jnp.where(c < _NCH, acc2, acc)
        return acc

    lax.fori_loop(0, (_NCH + 2) // 3, step, jnp.zeros((16,), jnp.float32))
    pltpu.sync_copy(out_v, out_ref.at[pl.ds(wid * _BPW, _BPW)])


_sc_call = pl.kernel(
    _sc_body,
    out_type=jax.ShapeDtypeStruct((_B,), jnp.float32),
    mesh=plsc.VectorSubcoreMesh(core_axis_name="c", subcore_axis_name="s"),
    scratch_types=[
        pltpu.VMEM((_BPW + 32,), jnp.int32),
        pltpu.VMEM((_BPW + 32,), jnp.int32),
        pltpu.VMEM((3, _CW, _D, 128), jnp.float32),
        pltpu.VMEM((3, _CW, _D, 128), jnp.float32),
        pltpu.VMEM((_BPW,), jnp.float32),
        pltpu.VMEM((5, 16), jnp.float32),
        pltpu.SemaphoreType.DMA,
        pltpu.SemaphoreType.DMA,
        pltpu.SemaphoreType.DMA,
        pltpu.SemaphoreType.DMA,
        pltpu.SemaphoreType.DMA,
        pltpu.SemaphoreType.DMA,
    ],
    compiler_params=pltpu.CompilerParams(
        needs_layout_passes=False, use_tc_tiling_on_sc=True,
        disable_bounds_checks=True),
)


def kernel(user, item, user_table, item_table, fc_w, fc_b):
    u2 = user.reshape(_NW, _BPW)
    i2 = item.reshape(_NW, _BPW)
    w = fc_w.reshape(4, 16)
    params = jnp.concatenate(
        [w, jnp.broadcast_to(fc_b.reshape(1, 1), (1, 16))], axis=0)
    out = _sc_call(u2, i2, user_table.T, item_table.T, params)
    return out.reshape(_B, 1)

# --- scband reference (transcript-rebuilt; emitter-appended) ---
"""Pipeline reference for scband-simple-rec-15504831938792 (READ-ONLY COPY).

The authoritative reference and input builder live on the scoring server;
editing this copy changes nothing except your own understanding.
"""

import jax, jax.numpy as jnp
import numpy as np

NUM_USERS = 1000000
NUM_ITEMS = 1000000
EMBED_DIM = 32
BATCH = 16384


def setup_inputs(seed: int = 0) -> dict:
    key = jax.random.key(seed)
    k1, k2, k3, k4, k5, k6 = jax.random.split(key, 6)
    user = jax.random.randint(k1, (BATCH,), 0, NUM_USERS, dtype=jnp.int64) if jax.config.jax_enable_x64 else jax.random.randint(k1, (BATCH,), 0, NUM_USERS, dtype=jnp.int32)
    item = jax.random.randint(k2, (BATCH,), 0, NUM_ITEMS, dtype=jnp.int32)
    user = user.astype(jnp.int32)
    user_table = jax.random.normal(k3, (NUM_USERS, EMBED_DIM), dtype=jnp.float32)
    item_table = jax.random.normal(k4, (NUM_ITEMS, EMBED_DIM), dtype=jnp.float32)
    fc_w = jax.random.normal(k5, (1, EMBED_DIM * 2), dtype=jnp.float32) * (1.0 / np.sqrt(EMBED_DIM * 2))
    fc_b = jax.random.normal(k6, (1,), dtype=jnp.float32) * 0.01
    return {"user": user, "item": item, "user_table": user_table, "item_table": item_table, "fc_w": fc_w, "fc_b": fc_b}


def reference(user, item, user_table, item_table, fc_w, fc_b):
    u = jnp.take(user_table, user, axis=0)
    i = jnp.take(item_table, item, axis=0)
    x = jnp.concatenate([u, i], axis=1)
    logits = x @ fc_w.T + fc_b
    return jax.nn.sigmoid(logits)

if __name__ == "__main__":
    import jax
    _d = setup_inputs()
    print(jax.jit(kernel)(*tuple(_d.values())))

</pallas_src>

<mosaic_0001>
#map = affine_map<(d0, d1) -> (0, 0)>
#map1 = affine_map<(d0, d1) -> (0)>
module attributes {stable_mosaic.version = 14 : i64} {
  func.func @_sc_body(%arg0: i32, %arg1: i32, %arg2: memref<32x512xi32, #tpu.memory_space<hbm>>, %arg3: memref<32x512xi32, #tpu.memory_space<hbm>>, %arg4: memref<32x1000000xf32, #tpu.memory_space<hbm>>, %arg5: memref<32x1000000xf32, #tpu.memory_space<hbm>>, %arg6: memref<5x16xf32, #tpu.memory_space<hbm>>, %arg7: memref<16384xf32, #tpu.memory_space<hbm>>, %arg8: memref<544xi32, #tpu.memory_space<vmem>>, %arg9: memref<544xi32, #tpu.memory_space<vmem>>, %arg10: memref<3x4x32x128xf32, #tpu.memory_space<vmem>>, %arg11: memref<3x4x32x128xf32, #tpu.memory_space<vmem>>, %arg12: memref<512xf32, #tpu.memory_space<vmem>>, %arg13: memref<5x16xf32, #tpu.memory_space<vmem>>, %arg14: memref<!tpu.dma_semaphore, #tpu.memory_space<semaphore_mem>>, %arg15: memref<!tpu.dma_semaphore, #tpu.memory_space<semaphore_mem>>, %arg16: memref<!tpu.dma_semaphore, #tpu.memory_space<semaphore_mem>>, %arg17: memref<!tpu.dma_semaphore, #tpu.memory_space<semaphore_mem>>, %arg18: memref<!tpu.dma_semaphore, #tpu.memory_space<semaphore_mem>>, %arg19: memref<!tpu.dma_semaphore, #tpu.memory_space<semaphore_mem>>) attributes {dimension_semantics = [#tpu.dimension_semantics<core_parallel>, #tpu.dimension_semantics<subcore_parallel>], iteration_bounds = array<i64: 2, 16>, scalar_prefetch = 0 : i64, scratch_operands = 12 : i64, tpu.core_type = #tpu.core_type<sc_vector_subcore>, window_params = [{transform_indices = #map}, {transform_indices = #map}, {transform_indices = #map}, {transform_indices = #map}, {transform_indices = #map}, {transform_indices = #map1}]} {
    %mul3A = arith.constant 2 : i32
    %mul3A_0 = arith.muli %arg1, %mul3A : i32
    %add3A = arith.addi %mul3A_0, %arg0 : i32
    "tpu.region"() ({
      %run_scoped3A = tpu.sem_alloc : memref<!tpu.dma_semaphore, #tpu.memory_space<semaphore_mem>>
      %dma_start3A_713 = arith.constant 0 : i32
      %dma_start3A_714 = tpu.memref_slice %arg8[%dma_start3A_713] : memref<544xi32, #tpu.memory_space<vmem>> -> memref<512xi32, #tpu.memory_space<vmem>>
      %dma_start3A_715 = arith.constant 0 : i32
      %dma_start3A_716 = tpu.memref_slice %arg2[%add3A, %dma_start3A_715] : memref<32x512xi32, #tpu.memory_space<hbm>> -> memref<1x512xi32, #tpu.memory_space<hbm>>
      %dma_start3A_717 = tpu.memref_squeeze %dma_start3A_716 : memref<1x512xi32, #tpu.memory_space<hbm>> -> memref<512xi32, #tpu.memory_space<hbm>>
      %dma_start3A_718 = arith.constant 0 : i32
      %dma_start3A_719 = tpu.memref_slice %arg8[%dma_start3A_718] : memref<544xi32, #tpu.memory_space<vmem>> -> memref<512xi32, #tpu.memory_space<vmem>>
      %dma_start3A_720 = arith.constant 0 : i32
      %dma_start3A_721 = tpu.memref_slice %arg2[%add3A, %dma_start3A_720] : memref<32x512xi32, #tpu.memory_space<hbm>> -> memref<1x512xi32, #tpu.memory_space<hbm>>
      %dma_start3A_722 = tpu.memref_squeeze %dma_start3A_721 : memref<1x512xi32, #tpu.memory_space<hbm>> -> memref<512xi32, #tpu.memory_space<hbm>>
      tpu.enqueue_dma source(%dma_start3A_722 : memref<512xi32, #tpu.memory_space<hbm>>) target(%dma_start3A_719 : memref<512xi32, #tpu.memory_space<vmem>>) target_semaphore(%run_scoped3A : memref<!tpu.dma_semaphore, #tpu.memory_space<semaphore_mem>>)
      %dma_wait3A = arith.constant 0 : i32
      %dma_wait3A_723 = tpu.memref_slice %arg8[%dma_wait3A] : memref<544xi32, #tpu.memory_space<vmem>> -> memref<512xi32, #tpu.memory_space<vmem>>
      %dma_wait3A_724 = arith.constant 0 : i32
      %dma_wait3A_725 = tpu.memref_slice %arg2[%add3A, %dma_wait3A_724] : memref<32x512xi32, #tpu.memory_space<hbm>> -> memref<1x512xi32, #tpu.memory_space<hbm>>
      %dma_wait3A_726 = tpu.memref_squeeze %dma_wait3A_725 : memref<1x512xi32, #tpu.memory_space<hbm>> -> memref<512xi32, #tpu.memory_space<hbm>>
      %dma_wait3A_727 = arith.constant 0 : i32
      %dma_wait3A_728 = tpu.memref_slice %arg8[%dma_wait3A_727] : memref<544xi32, #tpu.memory_space<vmem>> -> memref<512xi32, #tpu.memory_space<vmem>>
      %dma_wait3A_729 = arith.constant 0 : i32
      %dma_wait3A_730 = tpu.memref_slice %arg2[%add3A, %dma_wait3A_729] : memref<32x512xi32, #tpu.memory_space<hbm>> -> memref<1x512xi32, #tpu.memory_space<hbm>>
      %dma_wait3A_731 = tpu.memref_squeeze %dma_wait3A_730 : memref<1x512xi32, #tpu.memory_space<hbm>> -> memref<512xi32, #tpu.memory_space<hbm>>
      tpu.wait_dma2 semaphore(%run_scoped3A : memref<!tpu.dma_semaphore, #tpu.memory_space<semaphore_mem>>) src(%dma_wait3A_731 : memref<512xi32, #tpu.memory_space<hbm>>) dst(%dma_wait3A_728 : memref<512xi32, #tpu.memory_space<vmem>>)
      tpu.yield
    }) : () -> ()
    "tpu.region"() ({
      %run_scoped3A = tpu.sem_alloc : memref<!tpu.dma_semaphore, #tpu.memory_space<semaphore_mem>>
      %dma_start3A_713 = arith.constant 0 : i32
      %dma_start3A_714 = tpu.memref_slice %arg9[%dma_start3A_713] : memref<544xi32, #tpu.memory_space<vmem>> -> memref<512xi32, #tpu.memory_space<vmem>>
      %dma_start3A_715 = arith.constant 0 : i32
      %dma_start3A_716 = tpu.memref_slice %arg3[%add3A, %dma_start3A_715] : memref<32x512xi32, #tpu.memory_space<hbm>> -> memref<1x512xi32, #tpu.memory_space<hbm>>
      %dma_start3A_717 = tpu.memref_squeeze %dma_start3A_716 : memref<1x512xi32, #tpu.memory_space<hbm>> -> memref<512xi32, #tpu.memory_space<hbm>>
      %dma_start3A_718 = arith.constant 0 : i32
      %dma_start3A_719 = tpu.memref_slice %arg9[%dma_start3A_718] : memref<544xi32, #tpu.memory_space<vmem>> -> memref<512xi32, #tpu.memory_space<vmem>>
      %dma_start3A_720 = arith.constant 0 : i32
      %dma_start3A_721 = tpu.memref_slice %arg3[%add3A, %dma_start3A_720] : memref<32x512xi32, #tpu.memory_space<hbm>> -> memref<1x512xi32, #tpu.memory_space<hbm>>
      %dma_start3A_722 = tpu.memref_squeeze %dma_start3A_721 : memref<1x512xi32, #tpu.memory_space<hbm>> -> memref<512xi32, #tpu.memory_space<hbm>>
      tpu.enqueue_dma source(%dma_start3A_722 : memref<512xi32, #tpu.memory_space<hbm>>) target(%dma_start3A_719 : memref<512xi32, #tpu.memory_space<vmem>>) target_semaphore(%run_scoped3A : memref<!tpu.dma_semaphore, #tpu.memory_space<semaphore_mem>>)
      %dma_wait3A = arith.constant 0 : i32
      %dma_wait3A_723 = tpu.memref_slice %arg9[%dma_wait3A] : memref<544xi32, #tpu.memory_space<vmem>> -> memref<512xi32, #tpu.memory_space<vmem>>
      %dma_wait3A_724 = arith.constant 0 : i32
      %dma_wait3A_725 = tpu.memref_slice %arg3[%add3A, %dma_wait3A_724] : memref<32x512xi32, #tpu.memory_space<hbm>> -> memref<1x512xi32, #tpu.memory_space<hbm>>
      %dma_wait3A_726 = tpu.memref_squeeze %dma_wait3A_725 : memref<1x512xi32, #tpu.memory_space<hbm>> -> memref<512xi32, #tpu.memory_space<hbm>>
      %dma_wait3A_727 = arith.constant 0 : i32
      %dma_wait3A_728 = tpu.memref_slice %arg9[%dma_wait3A_727] : memref<544xi32, #tpu.memory_space<vmem>> -> memref<512xi32, #tpu.memory_space<vmem>>
      %dma_wait3A_729 = arith.constant 0 : i32
      %dma_wait3A_730 = tpu.memref_slice %arg3[%add3A, %dma_wait3A_729] : memref<32x512xi32, #tpu.memory_space<hbm>> -> memref<1x512xi32, #tpu.memory_space<hbm>>
      %dma_wait3A_731 = tpu.memref_squeeze %dma_wait3A_730 : memref<1x512xi32, #tpu.memory_space<hbm>> -> memref<512xi32, #tpu.memory_space<hbm>>
      tpu.wait_dma2 semaphore(%run_scoped3A : memref<!tpu.dma_semaphore, #tpu.memory_space<semaphore_mem>>) src(%dma_wait3A_731 : memref<512xi32, #tpu.memory_space<hbm>>) dst(%dma_wait3A_728 : memref<512xi32, #tpu.memory_space<vmem>>)
      tpu.yield
    }) : () -> ()
    "tpu.region"() ({
      %run_scoped3A = tpu.sem_alloc : memref<!tpu.dma_semaphore, #tpu.memory_space<semaphore_mem>>
      tpu.enqueue_dma source(%arg6 : memref<5x16xf32, #tpu.memory_space<hbm>>) target(%arg13 : memref<5x16xf32, #tpu.memory_space<vmem>>) target_semaphore(%run_scoped3A : memref<!tpu.dma_semaphore, #tpu.memory_space<semaphore_mem>>)
      tpu.wait_dma2 semaphore(%run_scoped3A : memref<!tpu.dma_semaphore, #tpu.memory_space<semaphore_mem>>) src(%arg6 : memref<5x16xf32, #tpu.memory_space<hbm>>) dst(%arg13 : memref<5x16xf32, #tpu.memory_space<vmem>>)
      tpu.yield
    }) : () -> ()
    %get3A = arith.constant 0 : i32
    %get3A_1 = arith.index_cast %get3A : i32 to index
    %get3A_2 = arith.constant 0 : index
    %get3A_3 = tpu.vector_load %arg13[%get3A_1, %get3A_2] {strides = array<i32>} : memref<5x16xf32, #tpu.memory_space<vmem>>, vector<16xf32>,
    %get3A_4 = arith.constant 1 : i32
    %get3A_5 = arith.index_cast %get3A_4 : i32 to index
    %get3A_6 = arith.constant 0 : index
    %get3A_7 = tpu.vector_load %arg13[%get3A_5, %get3A_6] {strides = array<i32>} : memref<5x16xf32, #tpu.memory_space<vmem>>, vector<16xf32>,
    %get3A_8 = arith.constant 2 : i32
    %get3A_9 = arith.index_cast %get3A_8 : i32 to index
    %get3A_10 = arith.constant 0 : index
    %get3A_11 = tpu.vector_load %arg13[%get3A_9, %get3A_10] {strides = array<i32>} : memref<5x16xf32, #tpu.memory_space<vmem>>, vector<16xf32>,
    %get3A_12 = arith.constant 3 : i32
    %get3A_13 = arith.index_cast %get3A_12 : i32 to index
    %get3A_14 = arith.constant 0 : index
    %get3A_15 = tpu.vector_load %arg13[%get3A_13, %get3A_14] {strides = array<i32>} : memref<5x16xf32, #tpu.memory_space<vmem>>, vector<16xf32>,
    %get3A_16 = arith.constant 4 : i32
    %get3A_17 = arith.index_cast %get3A_16 : i32 to index
    %get3A_18 = arith.constant 0 : index
    %get3A_19 = tpu.vector_load %arg13[%get3A_17, %get3A_18] {strides = array<i32>} : memref<5x16xf32, #tpu.memory_space<vmem>>, vector<16xf32>,
    %iota3A = tpu.iota {dimensions = array<i32: 0>} : vector<16xi32>
    %iota3A_20 = tpu.iota {dimensions = array<i32: 0>} : vector<16xi32>
    %get3A_21 = arith.constant 0 : index
    %get3A_22 = tpu.vector_load %arg8[%get3A_21] {strides = array<i32>} : memref<544xi32, #tpu.memory_space<vmem>>, vector<16xi32>,
    %get3A_23 = arith.constant 0 : index
    %get3A_24 = tpu.vector_load %arg9[%get3A_23] {strides = array<i32>} : memref<544xi32, #tpu.memory_space<vmem>>, vector<16xi32>,
    %slice3A = vector.extract_strided_slice %get3A_22 {offsets = [0], sizes = [1], strides = [1]} : vector<16xi32> to vector<1xi32>
    %squeeze3A = vector.extract %slice3A[0] : i32 from vector<1xi32>
    %jit3A = arith.constant 128 : i32
    %div3A = arith.divsi %squeeze3A, %jit3A : i32
    %sign3A = arith.constant 0 : i32
    %sign3A_25 = arith.cmpi sgt, %squeeze3A, %sign3A : i32
    %sign3A_26 = arith.extui %sign3A_25 : i1 to i32
    %sign3A_27 = arith.constant 0 : i32
    %sign3A_28 = arith.cmpi slt, %squeeze3A, %sign3A_27 : i32
    %sign3A_29 = arith.extui %sign3A_28 : i1 to i32
    %sign3A_30 = arith.subi %sign3A_26, %sign3A_29 : i32
    %sign3A_31 = arith.constant 0 : i32
    %sign3A_32 = arith.cmpi sgt, %jit3A, %sign3A_31 : i32
    %sign3A_33 = arith.extui %sign3A_32 : i1 to i32
    %sign3A_34 = arith.constant 0 : i32
    %sign3A_35 = arith.cmpi slt, %jit3A, %sign3A_34 : i32
    %sign3A_36 = arith.extui %sign3A_35 : i1 to i32
    %sign3A_37 = arith.subi %sign3A_33, %sign3A_36 : i32
    %ne3A = arith.cmpi ne, %sign3A_30, %sign3A_37 : i32
    %rem3A = arith.remsi %squeeze3A, %jit3A : i32
    %ne3A_38 = arith.constant 0 : i32
    %ne3A_39 = arith.cmpi ne, %rem3A, %ne3A_38 : i32
    %and3A = arith.andi %ne3A, %ne3A_39 : i1
    %sub3A = arith.constant 1 : i32
    %sub3A_40 = arith.subi %div3A, %sub3A : i32
    %select_n3A = arith.select %and3A, %sub3A_40, %div3A : i32
    %mul3A_41 = arith.constant 128 : i32
    %mul3A_42 = arith.muli %select_n3A, %mul3A_41 : i32
    %multiple_of3A = tpu.assume_multiple %mul3A_42, 128 : i32
    %slice3A_43 = vector.extract_strided_slice %get3A_24 {offsets = [0], sizes = [1], strides = [1]} : vector<16xi32> to vector<1xi32>
    %squeeze3A_44 = vector.extract %slice3A_43[0] : i32 from vector<1xi32>
    %jit3A_45 = arith.constant 128 : i32
    %div3A_46 = arith.divsi %squeeze3A_44, %jit3A_45 : i32
    %sign3A_47 = arith.constant 0 : i32
    %sign3A_48 = arith.cmpi sgt, %squeeze3A_44, %sign3A_47 : i32
    %sign3A_49 = arith.extui %sign3A_48 : i1 to i32
    %sign3A_50 = arith.constant 0 : i32
    %sign3A_51 = arith.cmpi slt, %squeeze3A_44, %sign3A_50 : i32
    %sign3A_52 = arith.extui %sign3A_51 : i1 to i32
    %sign3A_53 = arith.subi %sign3A_49, %sign3A_52 : i32
    %sign3A_54 = arith.constant 0 : i32
    %sign3A_55 = arith.cmpi sgt, %jit3A_45, %sign3A_54 : i32
    %sign3A_56 = arith.extui %sign3A_55 : i1 to i32
    %sign3A_57 = arith.constant 0 : i32
    %sign3A_58 = arith.cmpi slt, %jit3A_45, %sign3A_57 : i32
    %sign3A_59 = arith.extui %sign3A_58 : i1 to i32
    %sign3A_60 = arith.subi %sign3A_56, %sign3A_59 : i32
    %ne3A_61 = arith.cmpi ne, %sign3A_53, %sign3A_60 : i32
    %rem3A_62 = arith.remsi %squeeze3A_44, %jit3A_45 : i32
    %ne3A_63 = arith.constant 0 : i32
    %ne3A_64 = arith.cmpi ne, %rem3A_62, %ne3A_63 : i32
    %and3A_65 = arith.andi %ne3A_61, %ne3A_64 : i1
    %sub3A_66 = arith.constant 1 : i32
    %sub3A_67 = arith.subi %div3A_46, %sub3A_66 : i32
    %select_n3A_68 = arith.select %and3A_65, %sub3A_67, %div3A_46 : i32
    %mul3A_69 = arith.constant 128 : i32
    %mul3A_70 = arith.muli %select_n3A_68, %mul3A_69 : i32
    %multiple_of3A_71 = tpu.assume_multiple %mul3A_70, 128 : i32
    %dma_start3A = arith.constant 0 : i32
    %dma_start3A_72 = arith.constant 0 : i32
    %dma_start3A_73 = arith.constant 0 : i32
    %dma_start3A_74 = arith.constant 0 : i32
    %dma_start3A_75 = tpu.memref_slice %arg10[%dma_start3A, %dma_start3A_72, %dma_start3A_73, %dma_start3A_74] : memref<3x4x32x128xf32, #tpu.memory_space<vmem>> -> memref<1x1x32x128xf32, #tpu.memory_space<vmem>>
    %dma_start3A_76 = tpu.memref_squeeze %dma_start3A_75 : memref<1x1x32x128xf32, #tpu.memory_space<vmem>> -> memref<32x128xf32, #tpu.memory_space<vmem>>
    %dma_start3A_77 = arith.constant 0 : i32
    %dma_start3A_78 = tpu.memref_slice %arg4[%dma_start3A_77, %multiple_of3A] : memref<32x1000000xf32, #tpu.memory_space<hbm>> -> memref<32x128xf32, #tpu.memory_space<hbm>>
    %dma_start3A_79 = arith.constant 0 : i32
    %dma_start3A_80 = arith.constant 0 : i32
    %dma_start3A_81 = tpu.memref_slice %arg10[%dma_start3A, %dma_start3A_72, %dma_start3A_79, %dma_start3A_80] : memref<3x4x32x128xf32, #tpu.memory_space<vmem>> -> memref<1x1x32x128xf32, #tpu.memory_space<vmem>>
    %dma_start3A_82 = tpu.memref_squeeze %dma_start3A_81 : memref<1x1x32x128xf32, #tpu.memory_space<vmem>> -> memref<32x128xf32, #tpu.memory_space<vmem>>
    %dma_start3A_83 = arith.constant 0 : i32
    %dma_start3A_84 = tpu.memref_slice %arg4[%dma_start3A_83, %multiple_of3A] : memref<32x1000000xf32, #tpu.memory_space<hbm>> -> memref<32x128xf32, #tpu.memory_space<hbm>>
    tpu.enqueue_dma source(%dma_start3A_84 : memref<32x128xf32, #tpu.memory_space<hbm>>) target(%dma_start3A_82 : memref<32x128xf32, #tpu.memory_space<vmem>>) target_semaphore(%arg14 : memref<!tpu.dma_semaphore, #tpu.memory_space<semaphore_mem>>)
    %dma_start3A_85 = arith.constant 0 : i32
    %dma_start3A_86 = arith.constant 0 : i32
    %dma_start3A_87 = arith.constant 0 : i32
    %dma_start3A_88 = arith.constant 0 : i32
    %dma_start3A_89 = tpu.memref_slice %arg11[%dma_start3A_85, %dma_start3A_86, %dma_start3A_87, %dma_start3A_88] : memref<3x4x32x128xf32, #tpu.memory_space<vmem>> -> memref<1x1x32x128xf32, #tpu.memory_space<vmem>>
    %dma_start3A_90 = tpu.memref_squeeze %dma_start3A_89 : memref<1x1x32x128xf32, #tpu.memory_space<vmem>> -> memref<32x128xf32, #tpu.memory_space<vmem>>
    %dma_start3A_91 = arith.constant 0 : i32
    %dma_start3A_92 = tpu.memref_slice %arg5[%dma_start3A_91, %multiple_of3A_71] : memref<32x1000000xf32, #tpu.memory_space<hbm>> -> memref<32x128xf32, #tpu.memory_space<hbm>>
    %dma_start3A_93 = arith.constant 0 : i32
    %dma_start3A_94 = arith.constant 0 : i32
    %dma_start3A_95 = tpu.memref_slice %arg11[%dma_start3A_85, %dma_start3A_86, %dma_start3A_93, %dma_start3A_94] : memref<3x4x32x128xf32, #tpu.memory_space<vmem>> -> memref<1x1x32x128xf32, #tpu.memory_space<vmem>>
    %dma_start3A_96 = tpu.memref_squeeze %dma_start3A_95 : memref<1x1x32x128xf32, #tpu.memory_space<vmem>> -> memref<32x128xf32, #tpu.memory_space<vmem>>
    %dma_start3A_97 = arith.constant 0 : i32
    %dma_start3A_98 = tpu.memref_slice %arg5[%dma_start3A_97, %multiple_of3A_71] : memref<32x1000000xf32, #tpu.memory_space<hbm>> -> memref<32x128xf32, #tpu.memory_space<hbm>>
    tpu.enqueue_dma source(%dma_start3A_98 : memref<32x128xf32, #tpu.memory_space<hbm>>) target(%dma_start3A_96 : memref<32x128xf32, #tpu.memory_space<vmem>>) target_semaphore(%arg17 : memref<!tpu.dma_semaphore, #tpu.memory_space<semaphore_mem>>)
    %slice3A_99 = vector.extract_strided_slice %get3A_22 {offsets = [1], sizes = [1], strides = [1]} : vector<16xi32> to vector<1xi32>
    %squeeze3A_100 = vector.extract %slice3A_99[0] : i32 from vector<1xi32>
    %jit3A_101 = arith.constant 128 : i32
    %div3A_102 = arith.divsi %squeeze3A_100, %jit3A_101 : i32
    %sign3A_103 = arith.constant 0 : i32
    %sign3A_104 = arith.cmpi sgt, %squeeze3A_100, %sign3A_103 : i32
    %sign3A_105 = arith.extui %sign3A_104 : i1 to i32
    %sign3A_106 = arith.constant 0 : i32
    %sign3A_107 = arith.cmpi slt, %squeeze3A_100, %sign3A_106 : i32
    %sign3A_108 = arith.extui %sign3A_107 : i1 to i32
    %sign3A_109 = arith.subi %sign3A_105, %sign3A_108 : i32
    %sign3A_110 = arith.constant 0 : i32
    %sign3A_111 = arith.cmpi sgt, %jit3A_101, %sign3A_110 : i32
    %sign3A_112 = arith.extui %sign3A_111 : i1 to i32
    %sign3A_113 = arith.constant 0 : i32
    %sign3A_114 = arith.cmpi slt, %jit3A_101, %sign3A_113 : i32
    %sign3A_115 = arith.extui %sign3A_114 : i1 to i32
    %sign3A_116 = arith.subi %sign3A_112, %sign3A_115 : i32
    %ne3A_117 = arith.cmpi ne, %sign3A_109, %sign3A_116 : i32
    %rem3A_118 = arith.remsi %squeeze3A_100, %jit3A_101 : i32
    %ne3A_119 = arith.constant 0 : i32
    %ne3A_120 = arith.cmpi ne, %rem3A_118, %ne3A_119 : i32
    %and3A_121 = arith.andi %ne3A_117, %ne3A_120 : i1
    %sub3A_122 = arith.constant 1 : i32
    %sub3A_123 = arith.subi %div3A_102, %sub3A_122 : i32
    %select_n3A_124 = arith.select %and3A_121, %sub3A_123, %div3A_102 : i32
    %mul3A_125 = arith.constant 128 : i32
    %mul3A_126 = arith.muli %select_n3A_124, %mul3A_125 : i32
    %multiple_of3A_127 = tpu.assume_multiple %mul3A_126, 128 : i32
    %slice3A_128 = vector.extract_strided_slice %get3A_24 {offsets = [1], sizes = [1], strides = [1]} : vector<16xi32> to vector<1xi32>
    %squeeze3A_129 = vector.extract %slice3A_128[0] : i32 from vector<1xi32>
    %jit3A_130 = arith.constant 128 : i32
    %div3A_131 = arith.divsi %squeeze3A_129, %jit3A_130 : i32
    %sign3A_132 = arith.constant 0 : i32
    %sign3A_133 = arith.cmpi sgt, %squeeze3A_129, %sign3A_132 : i32
    %sign3A_134 = arith.extui %sign3A_133 : i1 to i32
    %sign3A_135 = arith.constant 0 : i32
    %sign3A_136 = arith.cmpi slt, %squeeze3A_129, %sign3A_135 : i32
    %sign3A_137 = arith.extui %sign3A_136 : i1 to i32
    %sign3A_138 = arith.subi %sign3A_134, %sign3A_137 : i32
    %sign3A_139 = arith.constant 0 : i32
    %sign3A_140 = arith.cmpi sgt, %jit3A_130, %sign3A_139 : i32
    %sign3A_141 = arith.extui %sign3A_140 : i1 to i32
    %sign3A_142 = arith.constant 0 : i32
    %sign3A_143 = arith.cmpi slt, %jit3A_130, %sign3A_142 : i32
    %sign3A_144 = arith.extui %sign3A_143 : i1 to i32
    %sign3A_145 = arith.subi %sign3A_141, %sign3A_144 : i32
    %ne3A_146 = arith.cmpi ne, %sign3A_138, %sign3A_145 : i32
    %rem3A_147 = arith.remsi %squeeze3A_129, %jit3A_130 : i32
    %ne3A_148 = arith.constant 0 : i32
    %ne3A_149 = arith.cmpi ne, %rem3A_147, %ne3A_148 : i32
    %and3A_150 = arith.andi %ne3A_146, %ne3A_149 : i1
    %sub3A_151 = arith.constant 1 : i32
    %sub3A_152 = arith.subi %div3A_131, %sub3A_151 : i32
    %select_n3A_153 = arith.select %and3A_150, %sub3A_152, %div3A_131 : i32
    %mul3A_154 = arith.constant 128 : i32
    %mul3A_155 = arith.muli %select_n3A_153, %mul3A_154 : i32
    %multiple_of3A_156 = tpu.assume_multiple %mul3A_155, 128 : i32
    %dma_start3A_157 = arith.constant 0 : i32
    %dma_start3A_158 = arith.constant 1 : i32
    %dma_start3A_159 = arith.constant 0 : i32
    %dma_start3A_160 = arith.constant 0 : i32
    %dma_start3A_161 = tpu.memref_slice %arg10[%dma_start3A_157, %dma_start3A_158, %dma_start3A_159, %dma_start3A_160] : memref<3x4x32x128xf32, #tpu.memory_space<vmem>> -> memref<1x1x32x128xf32, #tpu.memory_space<vmem>>
    %dma_start3A_162 = tpu.memref_squeeze %dma_start3A_161 : memref<1x1x32x128xf32, #tpu.memory_space<vmem>> -> memref<32x128xf32, #tpu.memory_space<vmem>>
    %dma_start3A_163 = arith.constant 0 : i32
    %dma_start3A_164 = tpu.memref_slice %arg4[%dma_start3A_163, %multiple_of3A_127] : memref<32x1000000xf32, #tpu.memory_space<hbm>> -> memref<32x128xf32, #tpu.memory_space<hbm>>
    %dma_start3A_165 = arith.constant 0 : i32
    %dma_start3A_166 = arith.constant 0 : i32
    %dma_start3A_167 = tpu.memref_slice %arg10[%dma_start3A_157, %dma_start3A_158, %dma_start3A_165, %dma_start3A_166] : memref<3x4x32x128xf32, #tpu.memory_space<vmem>> -> memref<1x1x32x128xf32, #tpu.memory_space<vmem>>
    %dma_start3A_168 = tpu.memref_squeeze %dma_start3A_167 : memref<1x1x32x128xf32, #tpu.memory_space<vmem>> -> memref<32x128xf32, #tpu.memory_space<vmem>>
    %dma_start3A_169 = arith.constant 0 : i32
    %dma_start3A_170 = tpu.memref_slice %arg4[%dma_start3A_169, %multiple_of3A_127] : memref<32x1000000xf32, #tpu.memory_space<hbm>> -> memref<32x128xf32, #tpu.memory_space<hbm>>
    tpu.enqueue_dma source(%dma_start3A_170 : memref<32x128xf32, #tpu.memory_space<hbm>>) target(%dma_start3A_168 : memref<32x128xf32, #tpu.memory_space<vmem>>) target_semaphore(%arg14 : memref<!tpu.dma_semaphore, #tpu.memory_space<semaphore_mem>>)
    %dma_start3A_171 = arith.constant 0 : i32
    %dma_start3A_172 = arith.constant 1 : i32
    %dma_start3A_173 = arith.constant 0 : i32
    %dma_start3A_174 = arith.constant 0 : i32
    %dma_start3A_175 = tpu.memref_slice %arg11[%dma_start3A_171, %dma_start3A_172, %dma_start3A_173, %dma_start3A_174] : memref<3x4x32x128xf32, #tpu.memory_space<vmem>> -> memref<1x1x32x128xf32, #tpu.memory_space<vmem>>
    %dma_start3A_176 = tpu.memref_squeeze %dma_start3A_175 : memref<1x1x32x128xf32, #tpu.memory_space<vmem>> -> memref<32x128xf32, #tpu.memory_space<vmem>>
    %dma_start3A_177 = arith.constant 0 : i32
    %dma_start3A_178 = tpu.memref_slice %arg5[%dma_start3A_177, %multiple_of3A_156] : memref<32x1000000xf32, #tpu.memory_space<hbm>> -> memref<32x128xf32, #tpu.memory_space<hbm>>
    %dma_start3A_179 = arith.constant 0 : i32
    %dma_start3A_180 = arith.constant 0 : i32
    %dma_start3A_181 = tpu.memref_slice %arg11[%dma_start3A_171, %dma_start3A_172, %dma_start3A_179, %dma_start3A_180] : memref<3x4x32x128xf32, #tpu.memory_space<vmem>> -> memref<1x1x32x128xf32, #tpu.memory_space<vmem>>
    %dma_start3A_182 = tpu.memref_squeeze %dma_start3A_181 : memref<1x1x32x128xf32, #tpu.memory_space<vmem>> -> memref<32x128xf32, #tpu.memory_space<vmem>>
    %dma_start3A_183 = arith.constant 0 : i32
    %dma_start3A_184 = tpu.memref_slice %arg5[%dma_start3A_183, %multiple_of3A_156] : memref<32x1000000xf32, #tpu.memory_space<hbm>> -> memref<32x128xf32, #tpu.memory_space<hbm>>
    tpu.enqueue_dma source(%dma_start3A_184 : memref<32x128xf32, #tpu.memory_space<hbm>>) target(%dma_start3A_182 : memref<32x128xf32, #tpu.memory_space<vmem>>) target_semaphore(%arg17 : memref<!tpu.dma_semaphore, #tpu.memory_space<semaphore_mem>>)
    %slice3A_185 = vector.extract_strided_slice %get3A_22 {offsets = [2], sizes = [1], strides = [1]} : vector<16xi32> to vector<1xi32>
    %squeeze3A_186 = vector.extract %slice3A_185[0] : i32 from vector<1xi32>
    %jit3A_187 = arith.constant 128 : i32
    %div3A_188 = arith.divsi %squeeze3A_186, %jit3A_187 : i32
    %sign3A_189 = arith.constant 0 : i32
    %sign3A_190 = arith.cmpi sgt, %squeeze3A_186, %sign3A_189 : i32
    %sign3A_191 = arith.extui %sign3A_190 : i1 to i32
    %sign3A_192 = arith.constant 0 : i32
    %sign3A_193 = arith.cmpi slt, %squeeze3A_186, %sign3A_192 : i32
    %sign3A_194 = arith.extui %sign3A_193 : i1 to i32
    %sign3A_195 = arith.subi %sign3A_191, %sign3A_194 : i32
    %sign3A_196 = arith.constant 0 : i32
    %sign3A_197 = arith.cmpi sgt, %jit3A_187, %sign3A_196 : i32
    %sign3A_198 = arith.extui %sign3A_197 : i1 to i32
    %sign3A_199 = arith.constant 0 : i32
    %sign3A_200 = arith.cmpi slt, %jit3A_187, %sign3A_199 : i32
    %sign3A_201 = arith.extui %sign3A_200 : i1 to i32
    %sign3A_202 = arith.subi %sign3A_198, %sign3A_201 : i32
    %ne3A_203 = arith.cmpi ne, %sign3A_195, %sign3A_202 : i32
    %rem3A_204 = arith.remsi %squeeze3A_186, %jit3A_187 : i32
    %ne3A_205 = arith.constant 0 : i32
    %ne3A_206 = arith.cmpi ne, %rem3A_204, %ne3A_205 : i32
    %and3A_207 = arith.andi %ne3A_203, %ne3A_206 : i1
    %sub3A_208 = arith.constant 1 : i32
    %sub3A_209 = arith.subi %div3A_188, %sub3A_208 : i32
    %select_n3A_210 = arith.select %and3A_207, %sub3A_209, %div3A_188 : i32
    %mul3A_211 = arith.constant 128 : i32
    %mul3A_212 = arith.muli %select_n3A_210, %mul3A_211 : i32
    %multiple_of3A_213 = tpu.assume_multiple %mul3A_212, 128 : i32
    %slice3A_214 = vector.extract_strided_slice %get3A_24 {offsets = [2], sizes = [1], strides = [1]} : vector<16xi32> to vector<1xi32>
    %squeeze3A_215 = vector.extract %slice3A_214[0] : i32 from vector<1xi32>
    %jit3A_216 = arith.constant 128 : i32
    %div3A_217 = arith.divsi %squeeze3A_215, %jit3A_216 : i32
    %sign3A_218 = arith.constant 0 : i32
    %sign3A_219 = arith.cmpi sgt, %squeeze3A_215, %sign3A_218 : i32
    %sign3A_220 = arith.extui %sign3A_219 : i1 to i32
    %sign3A_221 = arith.constant 0 : i32
    %sign3A_222 = arith.cmpi slt, %squeeze3A_215, %sign3A_221 : i32
    %sign3A_223 = arith.extui %sign3A_222 : i1 to i32
    %sign3A_224 = arith.subi %sign3A_220, %sign3A_223 : i32
    %sign3A_225 = arith.constant 0 : i32
    %sign3A_226 = arith.cmpi sgt, %jit3A_216, %sign3A_225 : i32
    %sign3A_227 = arith.extui %sign3A_226 : i1 to i32
    %sign3A_228 = arith.constant 0 : i32
    %sign3A_229 = arith.cmpi slt, %jit3A_216, %sign3A_228 : i32
    %sign3A_230 = arith.extui %sign3A_229 : i1 to i32
    %sign3A_231 = arith.subi %sign3A_227, %sign3A_230 : i32
    %ne3A_232 = arith.cmpi ne, %sign3A_224, %sign3A_231 : i32
    %rem3A_233 = arith.remsi %squeeze3A_215, %jit3A_216 : i32
    %ne3A_234 = arith.constant 0 : i32
    %ne3A_235 = arith.cmpi ne, %rem3A_233, %ne3A_234 : i32
    %and3A_236 = arith.andi %ne3A_232, %ne3A_235 : i1
    %sub3A_237 = arith.constant 1 : i32
    %sub3A_238 = arith.subi %div3A_217, %sub3A_237 : i32
    %select_n3A_239 = arith.select %and3A_236, %sub3A_238, %div3A_217 : i32
    %mul3A_240 = arith.constant 128 : i32
    %mul3A_241 = arith.muli %select_n3A_239, %mul3A_240 : i32
    %multiple_of3A_242 = tpu.assume_multiple %mul3A_241, 128 : i32
    %dma_start3A_243 = arith.constant 0 : i32
    %dma_start3A_244 = arith.constant 2 : i32
    %dma_start3A_245 = arith.constant 0 : i32
    %dma_start3A_246 = arith.constant 0 : i32
    %dma_start3A_247 = tpu.memref_slice %arg10[%dma_start3A_243, %dma_start3A_244, %dma_start3A_245, %dma_start3A_246] : memref<3x4x32x128xf32, #tpu.memory_space<vmem>> -> memref<1x1x32x128xf32, #tpu.memory_space<vmem>>
    %dma_start3A_248 = tpu.memref_squeeze %dma_start3A_247 : memref<1x1x32x128xf32, #tpu.memory_space<vmem>> -> memref<32x128xf32, #tpu.memory_space<vmem>>
    %dma_start3A_249 = arith.constant 0 : i32
    %dma_start3A_250 = tpu.memref_slice %arg4[%dma_start3A_249, %multiple_of3A_213] : memref<32x1000000xf32, #tpu.memory_space<hbm>> -> memref<32x128xf32, #tpu.memory_space<hbm>>
    %dma_start3A_251 = arith.constant 0 : i32
    %dma_start3A_252 = arith.constant 0 : i32
    %dma_start3A_253 = tpu.memref_slice %arg10[%dma_start3A_243, %dma_start3A_244, %dma_start3A_251, %dma_start3A_252] : memref<3x4x32x128xf32, #tpu.memory_space<vmem>> -> memref<1x1x32x128xf32, #tpu.memory_space<vmem>>
    %dma_start3A_254 = tpu.memref_squeeze %dma_start3A_253 : memref<1x1x32x128xf32, #tpu.memory_space<vmem>> -> memref<32x128xf32, #tpu.memory_space<vmem>>
    %dma_start3A_255 = arith.constant 0 : i32
    %dma_start3A_256 = tpu.memref_slice %arg4[%dma_start3A_255, %multiple_of3A_213] : memref<32x1000000xf32, #tpu.memory_space<hbm>> -> memref<32x128xf32, #tpu.memory_space<hbm>>
    tpu.enqueue_dma source(%dma_start3A_256 : memref<32x128xf32, #tpu.memory_space<hbm>>) target(%dma_start3A_254 : memref<32x128xf32, #tpu.memory_space<vmem>>) target_semaphore(%arg14 : memref<!tpu.dma_semaphore, #tpu.memory_space<semaphore_mem>>)
    %dma_start3A_257 = arith.constant 0 : i32
    %dma_start3A_258 = arith.constant 2 : i32
    %dma_start3A_259 = arith.constant 0 : i32
    %dma_start3A_260 = arith.constant 0 : i32
    %dma_start3A_261 = tpu.memref_slice %arg11[%dma_start3A_257, %dma_start3A_258, %dma_start3A_259, %dma_start3A_260] : memref<3x4x32x128xf32, #tpu.memory_space<vmem>> -> memref<1x1x32x128xf32, #tpu.memory_space<vmem>>
    %dma_start3A_262 = tpu.memref_squeeze %dma_start3A_261 : memref<1x1x32x128xf32, #tpu.memory_space<vmem>> -> memref<32x128xf32, #tpu.memory_space<vmem>>
    %dma_start3A_263 = arith.constant 0 : i32
    %dma_start3A_264 = tpu.memref_slice %arg5[%dma_start3A_263, %multiple_of3A_242] : memref<32x1000000xf32, #tpu.memory_space<hbm>> -> memref<32x128xf32, #tpu.memory_space<hbm>>
    %dma_start3A_265 = arith.constant 0 : i32
    %dma_start3A_266 = arith.constant 0 : i32
    %dma_start3A_267 = tpu.memref_slice %arg11[%dma_start3A_257, %dma_start3A_258, %dma_start3A_265, %dma_start3A_266] : memref<3x4x32x128xf32, #tpu.memory_space<vmem>> -> memref<1x1x32x128xf32, #tpu.memory_space<vmem>>
    %dma_start3A_268 = tpu.memref_squeeze %dma_start3A_267 : memref<1x1x32x128xf32, #tpu.memory_space<vmem>> -> memref<32x128xf32, #tpu.memory_space<vmem>>
    %dma_start3A_269 = arith.constant 0 : i32
    %dma_start3A_270 = tpu.memref_slice %arg5[%dma_start3A_269, %multiple_of3A_242] : memref<32x1000000xf32, #tpu.memory_space<hbm>> -> memref<32x128xf32, #tpu.memory_space<hbm>>
    tpu.enqueue_dma source(%dma_start3A_270 : memref<32x128xf32, #tpu.memory_space<hbm>>) target(%dma_start3A_268 : memref<32x128xf32, #tpu.memory_space<vmem>>) target_semaphore(%arg17 : memref<!tpu.dma_semaphore, #tpu.memory_space<semaphore_mem>>)
    %slice3A_271 = vector.extract_strided_slice %get3A_22 {offsets = [3], sizes = [1], strides = [1]} : vector<16xi32> to vector<1xi32>
    %squeeze3A_272 = vector.extract %slice3A_271[0] : i32 from vector<1xi32>
    %jit3A_273 = arith.constant 128 : i32
    %div3A_274 = arith.divsi %squeeze3A_272, %jit3A_273 : i32
    %sign3A_275 = arith.constant 0 : i32
    %sign3A_276 = arith.cmpi sgt, %squeeze3A_272, %sign3A_275 : i32
    %sign3A_277 = arith.extui %sign3A_276 : i1 to i32
    %sign3A_278 = arith.constant 0 : i32
    %sign3A_279 = arith.cmpi slt, %squeeze3A_272, %sign3A_278 : i32
    %sign3A_280 = arith.extui %sign3A_279 : i1 to i32
    %sign3A_281 = arith.subi %sign3A_277, %sign3A_280 : i32
    %sign3A_282 = arith.constant 0 : i32
    %sign3A_283 = arith.cmpi sgt, %jit3A_273, %sign3A_282 : i32
    %sign3A_284 = arith.extui %sign3A_283 : i1 to i32
    %sign3A_285 = arith.constant 0 : i32
    %sign3A_286 = arith.cmpi slt, %jit3A_273, %sign3A_285 : i32
    %sign3A_287 = arith.extui %sign3A_286 : i1 to i32
    %sign3A_288 = arith.subi %sign3A_284, %sign3A_287 : i32
    %ne3A_289 = arith.cmpi ne, %sign3A_281, %sign3A_288 : i32
    %rem3A_290 = arith.remsi %squeeze3A_272, %jit3A_273 : i32
    %ne3A_291 = arith.constant 0 : i32
    %ne3A_292 = arith.cmpi ne, %rem3A_290, %ne3A_291 : i32
    %and3A_293 = arith.andi %ne3A_289, %ne3A_292 : i1
    %sub3A_294 = arith.constant 1 : i32
    %sub3A_295 = arith.subi %div3A_274, %sub3A_294 : i32
    %select_n3A_296 = arith.select %and3A_293, %sub3A_295, %div3A_274 : i32
    %mul3A_297 = arith.constant 128 : i32
    %mul3A_298 = arith.muli %select_n3A_296, %mul3A_297 : i32
    %multiple_of3A_299 = tpu.assume_multiple %mul3A_298, 128 : i32
    %slice3A_300 = vector.extract_strided_slice %get3A_24 {offsets = [3], sizes = [1], strides = [1]} : vector<16xi32> to vector<1xi32>
    %squeeze3A_301 = vector.extract %slice3A_300[0] : i32 from vector<1xi32>
    %jit3A_302 = arith.constant 128 : i32
    %div3A_303 = arith.divsi %squeeze3A_301, %jit3A_302 : i32
    %sign3A_304 = arith.constant 0 : i32
    %sign3A_305 = arith.cmpi sgt, %squeeze3A_301, %sign3A_304 : i32
    %sign3A_306 = arith.extui %sign3A_305 : i1 to i32
    %sign3A_307 = arith.constant 0 : i32
    %sign3A_308 = arith.cmpi slt, %squeeze3A_301, %sign3A_307 : i32
    %sign3A_309 = arith.extui %sign3A_308 : i1 to i32
    %sign3A_310 = arith.subi %sign3A_306, %sign3A_309 : i32
    %sign3A_311 = arith.constant 0 : i32
    %sign3A_312 = arith.cmpi sgt, %jit3A_302, %sign3A_311 : i32
    %sign3A_313 = arith.extui %sign3A_312 : i1 to i32
    %sign3A_314 = arith.constant 0 : i32
    %sign3A_315 = arith.cmpi slt, %jit3A_302, %sign3A_314 : i32
    %sign3A_316 = arith.extui %sign3A_315 : i1 to i32
    %sign3A_317 = arith.subi %sign3A_313, %sign3A_316 : i32
    %ne3A_318 = arith.cmpi ne, %sign3A_310, %sign3A_317 : i32
    %rem3A_319 = arith.remsi %squeeze3A_301, %jit3A_302 : i32
    %ne3A_320 = arith.constant 0 : i32
    %ne3A_321 = arith.cmpi ne, %rem3A_319, %ne3A_320 : i32
    %and3A_322 = arith.andi %ne3A_318, %ne3A_321 : i1
    %sub3A_323 = arith.constant 1 : i32
    %sub3A_324 = arith.subi %div3A_303, %sub3A_323 : i32
    %select_n3A_325 = arith.select %and3A_322, %sub3A_324, %div3A_303 : i32
    %mul3A_326 = arith.constant 128 : i32
    %mul3A_327 = arith.muli %select_n3A_325, %mul3A_326 : i32
    %multiple_of3A_328 = tpu.assume_multiple %mul3A_327, 128 : i32
    %dma_start3A_329 = arith.constant 0 : i32
    %dma_start3A_330 = arith.constant 3 : i32
    %dma_start3A_331 = arith.constant 0 : i32
    %dma_start3A_332 = arith.constant 0 : i32
    %dma_start3A_333 = tpu.memref_slice %arg10[%dma_start3A_329, %dma_start3A_330, %dma_start3A_331, %dma_start3A_332] : memref<3x4x32x128xf32, #tpu.memory_space<vmem>> -> memref<1x1x32x128xf32, #tpu.memory_space<vmem>>
    %dma_start3A_334 = tpu.memref_squeeze %dma_start3A_333 : memref<1x1x32x128xf32, #tpu.memory_space<vmem>> -> memref<32x128xf32, #tpu.memory_space<vmem>>
    %dma_start3A_335 = arith.constant 0 : i32
    %dma_start3A_336 = tpu.memref_slice %arg4[%dma_start3A_335, %multiple_of3A_299] : memref<32x1000000xf32, #tpu.memory_space<hbm>> -> memref<32x128xf32, #tpu.memory_space<hbm>>
    %dma_start3A_337 = arith.constant 0 : i32
    %dma_start3A_338 = arith.constant 0 : i32
    %dma_start3A_339 = tpu.memref_slice %arg10[%dma_start3A_329, %dma_start3A_330, %dma_start3A_337, %dma_start3A_338] : memref<3x4x32x128xf32, #tpu.memory_space<vmem>> -> memref<1x1x32x128xf32, #tpu.memory_space<vmem>>
    %dma_start3A_340 = tpu.memref_squeeze %dma_start3A_339 : memref<1x1x32x128xf32, #tpu.memory_space<vmem>> -> memref<32x128xf32, #tpu.memory_space<vmem>>
    %dma_start3A_341 = arith.constant 0 : i32
    %dma_start3A_342 = tpu.memref_slice %arg4[%dma_start3A_341, %multiple_of3A_299] : memref<32x1000000xf32, #tpu.memory_space<hbm>> -> memref<32x128xf32, #tpu.memory_space<hbm>>
    tpu.enqueue_dma source(%dma_start3A_342 : memref<32x128xf32, #tpu.memory_space<hbm>>) target(%dma_start3A_340 : memref<32x128xf32, #tpu.memory_space<vmem>>) target_semaphore(%arg14 : memref<!tpu.dma_semaphore, #tpu.memory_space<semaphore_mem>>)
    %dma_start3A_343 = arith.constant 0 : i32
    %dma_start3A_344 = arith.constant 3 : i32
    %dma_start3A_345 = arith.constant 0 : i32
    %dma_start3A_346 = arith.constant 0 : i32
    %dma_start3A_347 = tpu.memref_slice %arg11[%dma_start3A_343, %dma_start3A_344, %dma_start3A_345, %dma_start3A_346] : memref<3x4x32x128xf32, #tpu.memory_space<vmem>> -> memref<1x1x32x128xf32, #tpu.memory_space<vmem>>
    %dma_start3A_348 = tpu.memref_squeeze %dma_start3A_347 : memref<1x1x32x128xf32, #tpu.memory_space<vmem>> -> memref<32x128xf32, #tpu.memory_space<vmem>>
    %dma_start3A_349 = arith.constant 0 : i32
    %dma_start3A_350 = tpu.memref_slice %arg5[%dma_start3A_349, %multiple_of3A_328] : memref<32x1000000xf32, #tpu.memory_space<hbm>> -> memref<32x128xf32, #tpu.memory_space<hbm>>
    %dma_start3A_351 = arith.constant 0 : i32
    %dma_start3A_352 = arith.constant 0 : i32
    %dma_start3A_353 = tpu.memref_slice %arg11[%dma_start3A_343, %dma_start3A_344, %dma_start3A_351, %dma_start3A_352] : memref<3x4x32x128xf32, #tpu.memory_space<vmem>> -> memref<1x1x32x128xf32, #tpu.memory_space<vmem>>
    %dma_start3A_354 = tpu.memref_squeeze %dma_start3A_353 : memref<1x1x32x128xf32, #tpu.memory_space<vmem>> -> memref<32x128xf32, #tpu.memory_space<vmem>>
    %dma_start3A_355 = arith.constant 0 : i32
    %dma_start3A_356 = tpu.memref_slice %arg5[%dma_start3A_355, %multiple_of3A_328] : memref<32x1000000xf32, #tpu.memory_space<hbm>> -> memref<32x128xf32, #tpu.memory_space<hbm>>
    tpu.enqueue_dma source(%dma_start3A_356 : memref<32x128xf32, #tpu.memory_space<hbm>>) target(%dma_start3A_354 : memref<32x128xf32, #tpu.memory_space<vmem>>) target_semaphore(%arg17 : memref<!tpu.dma_semaphore, #tpu.memory_space<semaphore_mem>>)
    %get3A_357 = arith.constant 4 : index
    %get3A_358 = tpu.vector_load %arg8[%get3A_357] {strides = array<i32>} : memref<544xi32, #tpu.memory_space<vmem>>, vector<16xi32>,
    %get3A_359 = arith.constant 4 : index
    %get3A_360 = tpu.vector_load %arg9[%get3A_359] {strides = array<i32>} : memref<544xi32, #tpu.memory_space<vmem>>, vector<16xi32>,
    %slice3A_361 = vector.extract_strided_slice %get3A_358 {offsets = [0], sizes = [1], strides = [1]} : vector<16xi32> to vector<1xi32>
    %squeeze3A_362 = vector.extract %slice3A_361[0] : i32 from vector<1xi32>
    %jit3A_363 = arith.constant 128 : i32
    %div3A_364 = arith.divsi %squeeze3A_362, %jit3A_363 : i32
    %sign3A_365 = arith.constant 0 : i32
    %sign3A_366 = arith.cmpi sgt, %squeeze3A_362, %sign3A_365 : i32
    %sign3A_367 = arith.extui %sign3A_366 : i1 to i32
    %sign3A_368 = arith.constant 0 : i32
    %sign3A_369 = arith.cmpi slt, %squeeze3A_362, %sign3A_368 : i32
    %sign3A_370 = arith.extui %sign3A_369 : i1 to i32
    %sign3A_371 = arith.subi %sign3A_367, %sign3A_370 : i32
    %sign3A_372 = arith.constant 0 : i32
    %sign3A_373 = arith.cmpi sgt, %jit3A_363, %sign3A_372 : i32
    %sign3A_374 = arith.extui %sign3A_373 : i1 to i32
    %sign3A_375 = arith.constant 0 : i32
    %sign3A_376 = arith.cmpi slt, %jit3A_363, %sign3A_375 : i32
    %sign3A_377 = arith.extui %sign3A_376 : i1 to i32
    %sign3A_378 = arith.subi %sign3A_374, %sign3A_377 : i32
    %ne3A_379 = arith.cmpi ne, %sign3A_371, %sign3A_378 : i32
    %rem3A_380 = arith.remsi %squeeze3A_362, %jit3A_363 : i32
    %ne3A_381 = arith.constant 0 : i32
    %ne3A_382 = arith.cmpi ne, %rem3A_380, %ne3A_381 : i32
    %and3A_383 = arith.andi %ne3A_379, %ne3A_382 : i1
    %sub3A_384 = arith.constant 1 : i32
    %sub3A_385 = arith.subi %div3A_364, %sub3A_384 : i32
    %select_n3A_386 = arith.select %and3A_383, %sub3A_385, %div3A_364 : i32
    %mul3A_387 = arith.constant 128 : i32
    %mul3A_388 = arith.muli %select_n3A_386, %mul3A_387 : i32
    %multiple_of3A_389 = tpu.assume_multiple %mul3A_388, 128 : i32
    %slice3A_390 = vector.extract_strided_slice %get3A_360 {offsets = [0], sizes = [1], strides = [1]} : vector<16xi32> to vector<1xi32>
    %squeeze3A_391 = vector.extract %slice3A_390[0] : i32 from vector<1xi32>
    %jit3A_392 = arith.constant 128 : i32
    %div3A_393 = arith.divsi %squeeze3A_391, %jit3A_392 : i32
    %sign3A_394 = arith.constant 0 : i32
    %sign3A_395 = arith.cmpi sgt, %squeeze3A_391, %sign3A_394 : i32
    %sign3A_396 = arith.extui %sign3A_395 : i1 to i32
    %sign3A_397 = arith.constant 0 : i32
    %sign3A_398 = arith.cmpi slt, %squeeze3A_391, %sign3A_397 : i32
    %sign3A_399 = arith.extui %sign3A_398 : i1 to i32
    %sign3A_400 = arith.subi %sign3A_396, %sign3A_399 : i32
    %sign3A_401 = arith.constant 0 : i32
    %sign3A_402 = arith.cmpi sgt, %jit3A_392, %sign3A_401 : i32
    %sign3A_403 = arith.extui %sign3A_402 : i1 to i32
    %sign3A_404 = arith.constant 0 : i32
    %sign3A_405 = arith.cmpi slt, %jit3A_392, %sign3A_404 : i32
    %sign3A_406 = arith.extui %sign3A_405 : i1 to i32
    %sign3A_407 = arith.subi %sign3A_403, %sign3A_406 : i32
    %ne3A_408 = arith.cmpi ne, %sign3A_400, %sign3A_407 : i32
    %rem3A_409 = arith.remsi %squeeze3A_391, %jit3A_392 : i32
    %ne3A_410 = arith.constant 0 : i32
    %ne3A_411 = arith.cmpi ne, %rem3A_409, %ne3A_410 : i32
    %and3A_412 = arith.andi %ne3A_408, %ne3A_411 : i1
    %sub3A_413 = arith.constant 1 : i32
    %sub3A_414 = arith.subi %div3A_393, %sub3A_413 : i32
    %select_n3A_415 = arith.select %and3A_412, %sub3A_414, %div3A_393 : i32
    %mul3A_416 = arith.constant 128 : i32
    %mul3A_417 = arith.muli %select_n3A_415, %mul3A_416 : i32
    %multiple_of3A_418 = tpu.assume_multiple %mul3A_417, 128 : i32
    %dma_start3A_419 = arith.constant 1 : i32
    %dma_start3A_420 = arith.constant 0 : i32
    %dma_start3A_421 = arith.constant 0 : i32
    %dma_start3A_422 = arith.constant 0 : i32
    %dma_start3A_423 = tpu.memref_slice %arg10[%dma_start3A_419, %dma_start3A_420, %dma_start3A_421, %dma_start3A_422] : memref<3x4x32x128xf32, #tpu.memory_space<vmem>> -> memref<1x1x32x128xf32, #tpu.memory_space<vmem>>
    %dma_start3A_424 = tpu.memref_squeeze %dma_start3A_423 : memref<1x1x32x128xf32, #tpu.memory_space<vmem>> -> memref<32x128xf32, #tpu.memory_space<vmem>>
    %dma_start3A_425 = arith.constant 0 : i32
    %dma_start3A_426 = tpu.memref_slice %arg4[%dma_start3A_425, %multiple_of3A_389] : memref<32x1000000xf32, #tpu.memory_space<hbm>> -> memref<32x128xf32, #tpu.memory_space<hbm>>
    %dma_start3A_427 = arith.constant 0 : i32
    %dma_start3A_428 = arith.constant 0 : i32
    %dma_start3A_429 = tpu.memref_slice %arg10[%dma_start3A_419, %dma_start3A_420, %dma_start3A_427, %dma_start3A_428] : memref<3x4x32x128xf32, #tpu.memory_space<vmem>> -> memref<1x1x32x128xf32, #tpu.memory_space<vmem>>
    %dma_start3A_430 = tpu.memref_squeeze %dma_start3A_429 : memref<1x1x32x128xf32, #tpu.memory_space<vmem>> -> memref<32x128xf32, #tpu.memory_space<vmem>>
    %dma_start3A_431 = arith.constant 0 : i32
    %dma_start3A_432 = tpu.memref_slice %arg4[%dma_start3A_431, %multiple_of3A_389] : memref<32x1000000xf32, #tpu.memory_space<hbm>> -> memref<32x128xf32, #tpu.memory_space<hbm>>
    tpu.enqueue_dma source(%dma_start3A_432 : memref<32x128xf32, #tpu.memory_space<hbm>>) target(%dma_start3A_430 : memref<32x128xf32, #tpu.memory_space<vmem>>) target_semaphore(%arg15 : memref<!tpu.dma_semaphore, #tpu.memory_space<semaphore_mem>>)
    %dma_start3A_433 = arith.constant 1 : i32
    %dma_start3A_434 = arith.constant 0 : i32
    %dma_start3A_435 = arith.constant 0 : i32
    %dma_start3A_436 = arith.constant 0 : i32
    %dma_start3A_437 = tpu.memref_slice %arg11[%dma_start3A_433, %dma_start3A_434, %dma_start3A_435, %dma_start3A_436] : memref<3x4x32x128xf32, #tpu.memory_space<vmem>> -> memref<1x1x32x128xf32, #tpu.memory_space<vmem>>
    %dma_start3A_438 = tpu.memref_squeeze %dma_start3A_437 : memref<1x1x32x128xf32, #tpu.memory_space<vmem>> -> memref<32x128xf32, #tpu.memory_space<vmem>>
    %dma_start3A_439 = arith.constant 0 : i32
    %dma_start3A_440 = tpu.memref_slice %arg5[%dma_start3A_439, %multiple_of3A_418] : memref<32x1000000xf32, #tpu.memory_space<hbm>> -> memref<32x128xf32, #tpu.memory_space<hbm>>
    %dma_start3A_441 = arith.constant 0 : i32
    %dma_start3A_442 = arith.constant 0 : i32
    %dma_start3A_443 = tpu.memref_slice %arg11[%dma_start3A_433, %dma_start3A_434, %dma_start3A_441, %dma_start3A_442] : memref<3x4x32x128xf32, #tpu.memory_space<vmem>> -> memref<1x1x32x128xf32, #tpu.memory_space<vmem>>
    %dma_start3A_444 = tpu.memref_squeeze %dma_start3A_443 : memref<1x1x32x128xf32, #tpu.memory_space<vmem>> -> memref<32x128xf32, #tpu.memory_space<vmem>>
    %dma_start3A_445 = arith.constant 0 : i32
    %dma_start3A_446 = tpu.memref_slice %arg5[%dma_start3A_445, %multiple_of3A_418] : memref<32x1000000xf32, #tpu.memory_space<hbm>> -> memref<32x128xf32, #tpu.memory_space<hbm>>
    tpu.enqueue_dma source(%dma_start3A_446 : memref<32x128xf32, #tpu.memory_space<hbm>>) target(%dma_start3A_444 : memref<32x128xf32, #tpu.memory_space<vmem>>) target_semaphore(%arg18 : memref<!tpu.dma_semaphore, #tpu.memory_space<semaphore_mem>>)
    %slice3A_447 = vector.extract_strided_slice %get3A_358 {offsets = [1], sizes = [1], strides = [1]} : vector<16xi32> to vector<1xi32>
    %squeeze3A_448 = vector.extract %slice3A_447[0] : i32 from vector<1xi32>
    %jit3A_449 = arith.constant 128 : i32
    %div3A_450 = arith.divsi %squeeze3A_448, %jit3A_449 : i32
    %sign3A_451 = arith.constant 0 : i32
    %sign3A_452 = arith.cmpi sgt, %squeeze3A_448, %sign3A_451 : i32
    %sign3A_453 = arith.extui %sign3A_452 : i1 to i32
    %sign3A_454 = arith.constant 0 : i32
    %sign3A_455 = arith.cmpi slt, %squeeze3A_448, %sign3A_454 : i32
    %sign3A_456 = arith.extui %sign3A_455 : i1 to i32
    %sign3A_457 = arith.subi %sign3A_453, %sign3A_456 : i32
    %sign3A_458 = arith.constant 0 : i32
    %sign3A_459 = arith.cmpi sgt, %jit3A_449, %sign3A_458 : i32
    %sign3A_460 = arith.extui %sign3A_459 : i1 to i32
    %sign3A_461 = arith.constant 0 : i32
    %sign3A_462 = arith.cmpi slt, %jit3A_449, %sign3A_461 : i32
    %sign3A_463 = arith.extui %sign3A_462 : i1 to i32
    %sign3A_464 = arith.subi %sign3A_460, %sign3A_463 : i32
    %ne3A_465 = arith.cmpi ne, %sign3A_457, %sign3A_464 : i32
    %rem3A_466 = arith.remsi %squeeze3A_448, %jit3A_449 : i32
    %ne3A_467 = arith.constant 0 : i32
    %ne3A_468 = arith.cmpi ne, %rem3A_466, %ne3A_467 : i32
    %and3A_469 = arith.andi %ne3A_465, %ne3A_468 : i1
    %sub3A_470 = arith.constant 1 : i32
    %sub3A_471 = arith.subi %div3A_450, %sub3A_470 : i32
    %select_n3A_472 = arith.select %and3A_469, %sub3A_471, %div3A_450 : i32
    %mul3A_473 = arith.constant 128 : i32
    %mul3A_474 = arith.muli %select_n3A_472, %mul3A_473 : i32
    %multiple_of3A_475 = tpu.assume_multiple %mul3A_474, 128 : i32
    %slice3A_476 = vector.extract_strided_slice %get3A_360 {offsets = [1], sizes = [1], strides = [1]} : vector<16xi32> to vector<1xi32>
    %squeeze3A_477 = vector.extract %slice3A_476[0] : i32 from vector<1xi32>
    %jit3A_478 = arith.constant 128 : i32
    %div3A_479 = arith.divsi %squeeze3A_477, %jit3A_478 : i32
    %sign3A_480 = arith.constant 0 : i32
    %sign3A_481 = arith.cmpi sgt, %squeeze3A_477, %sign3A_480 : i32
    %sign3A_482 = arith.extui %sign3A_481 : i1 to i32
    %sign3A_483 = arith.constant 0 : i32
    %sign3A_484 = arith.cmpi slt, %squeeze3A_477, %sign3A_483 : i32
    %sign3A_485 = arith.extui %sign3A_484 : i1 to i32
    %sign3A_486 = arith.subi %sign3A_482, %sign3A_485 : i32
    %sign3A_487 = arith.constant 0 : i32
    %sign3A_488 = arith.cmpi sgt, %jit3A_478, %sign3A_487 : i32
    %sign3A_489 = arith.extui %sign3A_488 : i1 to i32
    %sign3A_490 = arith.constant 0 : i32
    %sign3A_491 = arith.cmpi slt, %jit3A_478, %sign3A_490 : i32
    %sign3A_492 = arith.extui %sign3A_491 : i1 to i32
    %sign3A_493 = arith.subi %sign3A_489, %sign3A_492 : i32
    %ne3A_494 = arith.cmpi ne, %sign3A_486, %sign3A_493 : i32
    %rem3A_495 = arith.remsi %squeeze3A_477, %jit3A_478 : i32
    %ne3A_496 = arith.constant 0 : i32
    %ne3A_497 = arith.cmpi ne, %rem3A_495, %ne3A_496 : i32
    %and3A_498 = arith.andi %ne3A_494, %ne3A_497 : i1
    %sub3A_499 = arith.constant 1 : i32
    %sub3A_500 = arith.subi %div3A_479, %sub3A_499 : i32
    %select_n3A_501 = arith.select %and3A_498, %sub3A_500, %div3A_479 : i32
    %mul3A_502 = arith.constant 128 : i32
    %mul3A_503 = arith.muli %select_n3A_501, %mul3A_502 : i32
    %multiple_of3A_504 = tpu.assume_multiple %mul3A_503, 128 : i32
    %dma_start3A_505 = arith.constant 1 : i32
    %dma_start3A_506 = arith.constant 1 : i32
    %dma_start3A_507 = arith.constant 0 : i32
    %dma_start3A_508 = arith.constant 0 : i32
    %dma_start3A_509 = tpu.memref_slice %arg10[%dma_start3A_505, %dma_start3A_506, %dma_start3A_507, %dma_start3A_508] : memref<3x4x32x128xf32, #tpu.memory_space<vmem>> -> memref<1x1x32x128xf32, #tpu.memory_space<vmem>>
    %dma_start3A_510 = tpu.memref_squeeze %dma_start3A_509 : memref<1x1x32x128xf32, #tpu.memory_space<vmem>> -> memref<32x128xf32, #tpu.memory_space<vmem>>
    %dma_start3A_511 = arith.constant 0 : i32
    %dma_start3A_512 = tpu.memref_slice %arg4[%dma_start3A_511, %multiple_of3A_475] : memref<32x1000000xf32, #tpu.memory_space<hbm>> -> memref<32x128xf32, #tpu.memory_space<hbm>>
    %dma_start3A_513 = arith.constant 0 : i32
    %dma_start3A_514 = arith.constant 0 : i32
    %dma_start3A_515 = tpu.memref_slice %arg10[%dma_start3A_505, %dma_start3A_506, %dma_start3A_513, %dma_start3A_514] : memref<3x4x32x128xf32, #tpu.memory_space<vmem>> -> memref<1x1x32x128xf32, #tpu.memory_space<vmem>>
    %dma_start3A_516 = tpu.memref_squeeze %dma_start3A_515 : memref<1x1x32x128xf32, #tpu.memory_space<vmem>> -> memref<32x128xf32, #tpu.memory_space<vmem>>
    %dma_start3A_517 = arith.constant 0 : i32
    %dma_start3A_518 = tpu.memref_slice %arg4[%dma_start3A_517, %multiple_of3A_475] : memref<32x1000000xf32, #tpu.memory_space<hbm>> -> memref<32x128xf32, #tpu.memory_space<hbm>>
    tpu.enqueue_dma source(%dma_start3A_518 : memref<32x128xf32, #tpu.memory_space<hbm>>) target(%dma_start3A_516 : memref<32x128xf32, #tpu.memory_space<vmem>>) target_semaphore(%arg15 : memref<!tpu.dma_semaphore, #tpu.memory_space<semaphore_mem>>)
    %dma_start3A_519 = arith.constant 1 : i32
    %dma_start3A_520 = arith.constant 1 : i32
    %dma_start3A_521 = arith.constant 0 : i32
    %dma_start3A_522 = arith.constant 0 : i32
    %dma_start3A_523 = tpu.memref_slice %arg11[%dma_start3A_519, %dma_start3A_520, %dma_start3A_521, %dma_start3A_522] : memref<3x4x32x128xf32, #tpu.memory_space<vmem>> -> memref<1x1x32x128xf32, #tpu.memory_space<vmem>>
    %dma_start3A_524 = tpu.memref_squeeze %dma_start3A_523 : memref<1x1x32x128xf32, #tpu.memory_space<vmem>> -> memref<32x128xf32, #tpu.memory_space<vmem>>
    %dma_start3A_525 = arith.constant 0 : i32
    %dma_start3A_526 = tpu.memref_slice %arg5[%dma_start3A_525, %multiple_of3A_504] : memref<32x1000000xf32, #tpu.memory_space<hbm>> -> memref<32x128xf32, #tpu.memory_space<hbm>>
    %dma_start3A_527 = arith.constant 0 : i32
    %dma_start3A_528 = arith.constant 0 : i32
    %dma_start3A_529 = tpu.memref_slice %arg11[%dma_start3A_519, %dma_start3A_520, %dma_start3A_527, %dma_start3A_528] : memref<3x4x32x128xf32, #tpu.memory_space<vmem>> -> memref<1x1x32x128xf32, #tpu.memory_space<vmem>>
    %dma_start3A_530 = tpu.memref_squeeze %dma_start3A_529 : memref<1x1x32x128xf32, #tpu.memory_space<vmem>> -> memref<32x128xf32, #tpu.memory_space<vmem>>
    %dma_start3A_531 = arith.constant 0 : i32
    %dma_start3A_532 = tpu.memref_slice %arg5[%dma_start3A_531, %multiple_of3A_504] : memref<32x1000000xf32, #tpu.memory_space<hbm>> -> memref<32x128xf32, #tpu.memory_space<hbm>>
    tpu.enqueue_dma source(%dma_start3A_532 : memref<32x128xf32, #tpu.memory_space<hbm>>) target(%dma_start3A_530 : memref<32x128xf32, #tpu.memory_space<vmem>>) target_semaphore(%arg18 : memref<!tpu.dma_semaphore, #tpu.memory_space<semaphore_mem>>)
    %slice3A_533 = vector.extract_strided_slice %get3A_358 {offsets = [2], sizes = [1], strides = [1]} : vector<16xi32> to vector<1xi32>
    %squeeze3A_534 = vector.extract %slice3A_533[0] : i32 from vector<1xi32>
    %jit3A_535 = arith.constant 128 : i32
    %div3A_536 = arith.divsi %squeeze3A_534, %jit3A_535 : i32
    %sign3A_537 = arith.constant 0 : i32
    %sign3A_538 = arith.cmpi sgt, %squeeze3A_534, %sign3A_537 : i32
    %sign3A_539 = arith.extui %sign3A_538 : i1 to i32
    %sign3A_540 = arith.constant 0 : i32
    %sign3A_541 = arith.cmpi slt, %squeeze3A_534, %sign3A_540 : i32
    %sign3A_542 = arith.extui %sign3A_541 : i1 to i32
    %sign3A_543 = arith.subi %sign3A_539, %sign3A_542 : i32
    %sign3A_544 = arith.constant 0 : i32
    %sign3A_545 = arith.cmpi sgt, %jit3A_535, %sign3A_544 : i32
    %sign3A_546 = arith.extui %sign3A_545 : i1 to i32
    %sign3A_547 = arith.constant 0 : i32
    %sign3A_548 = arith.cmpi slt, %jit3A_535, %sign3A_547 : i32
    %sign3A_549 = arith.extui %sign3A_548 : i1 to i32
    %sign3A_550 = arith.subi %sign3A_546, %sign3A_549 : i32
    %ne3A_551 = arith.cmpi ne, %sign3A_543, %sign3A_550 : i32
    %rem3A_552 = arith.remsi %squeeze3A_534, %jit3A_535 : i32
    %ne3A_553 = arith.constant 0 : i32
    %ne3A_554 = arith.cmpi ne, %rem3A_552, %ne3A_553 : i32
    %and3A_555 = arith.andi %ne3A_551, %ne3A_554 : i1
    %sub3A_556 = arith.constant 1 : i32
    %sub3A_557 = arith.subi %div3A_536, %sub3A_556 : i32
    %select_n3A_558 = arith.select %and3A_555, %sub3A_557, %div3A_536 : i32
    %mul3A_559 = arith.constant 128 : i32
    %mul3A_560 = arith.muli %select_n3A_558, %mul3A_559 : i32
    %multiple_of3A_561 = tpu.assume_multiple %mul3A_560, 128 : i32
    %slice3A_562 = vector.extract_strided_slice %get3A_360 {offsets = [2], sizes = [1], strides = [1]} : vector<16xi32> to vector<1xi32>
    %squeeze3A_563 = vector.extract %slice3A_562[0] : i32 from vector<1xi32>
    %jit3A_564 = arith.constant 128 : i32
    %div3A_565 = arith.divsi %squeeze3A_563, %jit3A_564 : i32
    %sign3A_566 = arith.constant 0 : i32
    %sign3A_567 = arith.cmpi sgt, %squeeze3A_563, %sign3A_566 : i32
    %sign3A_568 = arith.extui %sign3A_567 : i1 to i32
    %sign3A_569 = arith.constant 0 : i32
    %sign3A_570 = arith.cmpi slt, %squeeze3A_563, %sign3A_569 : i32
    %sign3A_571 = arith.extui %sign3A_570 : i1 to i32
    %sign3A_572 = arith.subi %sign3A_568, %sign3A_571 : i32
    %sign3A_573 = arith.constant 0 : i32
    %sign3A_574 = arith.cmpi sgt, %jit3A_564, %sign3A_573 : i32
    %sign3A_575 = arith.extui %sign3A_574 : i1 to i32
    %sign3A_576 = arith.constant 0 : i32
    %sign3A_577 = arith.cmpi slt, %jit3A_564, %sign3A_576 : i32
    %sign3A_578 = arith.extui %sign3A_577 : i1 to i32
    %sign3A_579 = arith.subi %sign3A_575, %sign3A_578 : i32
    %ne3A_580 = arith.cmpi ne, %sign3A_572, %sign3A_579 : i32
    %rem3A_581 = arith.remsi %squeeze3A_563, %jit3A_564 : i32
    %ne3A_582 = arith.constant 0 : i32
    %ne3A_583 = arith.cmpi ne, %rem3A_581, %ne3A_582 : i32
    %and3A_584 = arith.andi %ne3A_580, %ne3A_583 : i1
    %sub3A_585 = arith.constant 1 : i32
    %sub3A_586 = arith.subi %div3A_565, %sub3A_585 : i32
    %select_n3A_587 = arith.select %and3A_584, %sub3A_586, %div3A_565 : i32
    %mul3A_588 = arith.constant 128 : i32
    %mul3A_589 = arith.muli %select_n3A_587, %mul3A_588 : i32
    %multiple_of3A_590 = tpu.assume_multiple %mul3A_589, 128 : i32
    %dma_start3A_591 = arith.constant 1 : i32
    %dma_start3A_592 = arith.constant 2 : i32
    %dma_start3A_593 = arith.constant 0 : i32
    %dma_start3A_594 = arith.constant 0 : i32
    %dma_start3A_595 = tpu.memref_slice %arg10[%dma_start3A_591, %dma_start3A_592, %dma_start3A_593, %dma_start3A_594] : memref<3x4x32x128xf32, #tpu.memory_space<vmem>> -> memref<1x1x32x128xf32, #tpu.memory_space<vmem>>
    %dma_start3A_596 = tpu.memref_squeeze %dma_start3A_595 : memref<1x1x32x128xf32, #tpu.memory_space<vmem>> -> memref<32x128xf32, #tpu.memory_space<vmem>>
    %dma_start3A_597 = arith.constant 0 : i32
    %dma_start3A_598 = tpu.memref_slice %arg4[%dma_start3A_597, %multiple_of3A_561] : memref<32x1000000xf32, #tpu.memory_space<hbm>> -> memref<32x128xf32, #tpu.memory_space<hbm>>
    %dma_start3A_599 = arith.constant 0 : i32
    %dma_start3A_600 = arith.constant 0 : i32
    %dma_start3A_601 = tpu.memref_slice %arg10[%dma_start3A_591, %dma_start3A_592, %dma_start3A_599, %dma_start3A_600] : memref<3x4x32x128xf32, #tpu.memory_space<vmem>> -> memref<1x1x32x128xf32, #tpu.memory_space<vmem>>
    %dma_start3A_602 = tpu.memref_squeeze %dma_start3A_601 : memref<1x1x32x128xf32, #tpu.memory_space<vmem>> -> memref<32x128xf32, #tpu.memory_space<vmem>>
    %dma_start3A_603 = arith.constant 0 : i32
    %dma_start3A_604 = tpu.memref_slice %arg4[%dma_start3A_603, %multiple_of3A_561] : memref<32x1000000xf32, #tpu.memory_space<hbm>> -> memref<32x128xf32, #tpu.memory_space<hbm>>
    tpu.enqueue_dma source(%dma_start3A_604 : memref<32x128xf32, #tpu.memory_space<hbm>>) target(%dma_start3A_602 : memref<32x128xf32, #tpu.memory_space<vmem>>) target_semaphore(%arg15 : memref<!tpu.dma_semaphore, #tpu.memory_space<semaphore_mem>>)
    %dma_start3A_605 = arith.constant 1 : i32
    %dma_start3A_606 = arith.constant 2 : i32
    %dma_start3A_607 = arith.constant 0 : i32
    %dma_start3A_608 = arith.constant 0 : i32
    %dma_start3A_609 = tpu.memref_slice %arg11[%dma_start3A_605, %dma_start3A_606, %dma_start3A_607, %dma_start3A_608] : memref<3x4x32x128xf32, #tpu.memory_space<vmem>> -> memref<1x1x32x128xf32, #tpu.memory_space<vmem>>
    %dma_start3A_610 = tpu.memref_squeeze %dma_start3A_609 : memref<1x1x32x128xf32, #tpu.memory_space<vmem>> -> memref<32x128xf32, #tpu.memory_space<vmem>>
    %dma_start3A_611 = arith.constant 0 : i32
    %dma_start3A_612 = tpu.memref_slice %arg5[%dma_start3A_611, %multiple_of3A_590] : memref<32x1000000xf32, #tpu.memory_space<hbm>> -> memref<32x128xf32, #tpu.memory_space<hbm>>
    %dma_start3A_613 = arith.constant 0 : i32
    %dma_start3A_614 = arith.constant 0 : i32
    %dma_start3A_615 = tpu.memref_slice %arg11[%dma_start3A_605, %dma_start3A_606, %dma_start3A_613, %dma_start3A_614] : memref<3x4x32x128xf32, #tpu.memory_space<vmem>> -> memref<1x1x32x128xf32, #tpu.memory_space<vmem>>
    %dma_start3A_616 = tpu.memref_squeeze %dma_start3A_615 : memref<1x1x32x128xf32, #tpu.memory_space<vmem>> -> memref<32x128xf32, #tpu.memory_space<vmem>>
    %dma_start3A_617 = arith.constant 0 : i32
    %dma_start3A_618 = tpu.memref_slice %arg5[%dma_start3A_617, %multiple_of3A_590] : memref<32x1000000xf32, #tpu.memory_space<hbm>> -> memref<32x128xf32, #tpu.memory_space<hbm>>
    tpu.enqueue_dma source(%dma_start3A_618 : memref<32x128xf32, #tpu.memory_space<hbm>>) target(%dma_start3A_616 : memref<32x128xf32, #tpu.memory_space<vmem>>) target_semaphore(%arg18 : memref<!tpu.dma_semaphore, #tpu.memory_space<semaphore_mem>>)
    %slice3A_619 = vector.extract_strided_slice %get3A_358 {offsets = [3], sizes = [1], strides = [1]} : vector<16xi32> to vector<1xi32>
    %squeeze3A_620 = vector.extract %slice3A_619[0] : i32 from vector<1xi32>
    %jit3A_621 = arith.constant 128 : i32
    %div3A_622 = arith.divsi %squeeze3A_620, %jit3A_621 : i32
    %sign3A_623 = arith.constant 0 : i32
    %sign3A_624 = arith.cmpi sgt, %squeeze3A_620, %sign3A_623 : i32
    %sign3A_625 = arith.extui %sign3A_624 : i1 to i32
    %sign3A_626 = arith.constant 0 : i32
    %sign3A_627 = arith.cmpi slt, %squeeze3A_620, %sign3A_626 : i32
    %sign3A_628 = arith.extui %sign3A_627 : i1 to i32
    %sign3A_629 = arith.subi %sign3A_625, %sign3A_628 : i32
    %sign3A_630 = arith.constant 0 : i32
    %sign3A_631 = arith.cmpi sgt, %jit3A_621, %sign3A_630 : i32
    %sign3A_632 = arith.extui %sign3A_631 : i1 to i32
    %sign3A_633 = arith.constant 0 : i32
    %sign3A_634 = arith.cmpi slt, %jit3A_621, %sign3A_633 : i32
    %sign3A_635 = arith.extui %sign3A_634 : i1 to i32
    %sign3A_636 = arith.subi %sign3A_632, %sign3A_635 : i32
    %ne3A_637 = arith.cmpi ne, %sign3A_629, %sign3A_636 : i32
    %rem3A_638 = arith.remsi %squeeze3A_620, %jit3A_621 : i32
    %ne3A_639 = arith.constant 0 : i32
    %ne3A_640 = arith.cmpi ne, %rem3A_638, %ne3A_639 : i32
    %and3A_641 = arith.andi %ne3A_637, %ne3A_640 : i1
    %sub3A_642 = arith.constant 1 : i32
    %sub3A_643 = arith.subi %div3A_622, %sub3A_642 : i32
    %select_n3A_644 = arith.select %and3A_641, %sub3A_643, %div3A_622 : i32
    %mul3A_645 = arith.constant 128 : i32
    %mul3A_646 = arith.muli %select_n3A_644, %mul3A_645 : i32
    %multiple_of3A_647 = tpu.assume_multiple %mul3A_646, 128 : i32
    %slice3A_648 = vector.extract_strided_slice %get3A_360 {offsets = [3], sizes = [1], strides = [1]} : vector<16xi32> to vector<1xi32>
    %squeeze3A_649 = vector.extract %slice3A_648[0] : i32 from vector<1xi32>
    %jit3A_650 = arith.constant 128 : i32
    %div3A_651 = arith.divsi %squeeze3A_649, %jit3A_650 : i32
    %sign3A_652 = arith.constant 0 : i32
    %sign3A_653 = arith.cmpi sgt, %squeeze3A_649, %sign3A_652 : i32
    %sign3A_654 = arith.extui %sign3A_653 : i1 to i32
    %sign3A_655 = arith.constant 0 : i32
    %sign3A_656 = arith.cmpi slt, %squeeze3A_649, %sign3A_655 : i32
    %sign3A_657 = arith.extui %sign3A_656 : i1 to i32
    %sign3A_658 = arith.subi %sign3A_654, %sign3A_657 : i32
    %sign3A_659 = arith.constant 0 : i32
    %sign3A_660 = arith.cmpi sgt, %jit3A_650, %sign3A_659 : i32
    %sign3A_661 = arith.extui %sign3A_660 : i1 to i32
    %sign3A_662 = arith.constant 0 : i32
    %sign3A_663 = arith.cmpi slt, %jit3A_650, %sign3A_662 : i32
    %sign3A_664 = arith.extui %sign3A_663 : i1 to i32
    %sign3A_665 = arith.subi %sign3A_661, %sign3A_664 : i32
    %ne3A_666 = arith.cmpi ne, %sign3A_658, %sign3A_665 : i32
    %rem3A_667 = arith.remsi %squeeze3A_649, %jit3A_650 : i32
    %ne3A_668 = arith.constant 0 : i32
    %ne3A_669 = arith.cmpi ne, %rem3A_667, %ne3A_668 : i32
    %and3A_670 = arith.andi %ne3A_666, %ne3A_669 : i1
    %sub3A_671 = arith.constant 1 : i32
    %sub3A_672 = arith.subi %div3A_651, %sub3A_671 : i32
    %select_n3A_673 = arith.select %and3A_670, %sub3A_672, %div3A_651 : i32
    %mul3A_674 = arith.constant 128 : i32
    %mul3A_675 = arith.muli %select_n3A_673, %mul3A_674 : i32
    %multiple_of3A_676 = tpu.assume_multiple %mul3A_675, 128 : i32
    %dma_start3A_677 = arith.constant 1 : i32
    %dma_start3A_678 = arith.constant 3 : i32
    %dma_start3A_679 = arith.constant 0 : i32
    %dma_start3A_680 = arith.constant 0 : i32
    %dma_start3A_681 = tpu.memref_slice %arg10[%dma_start3A_677, %dma_start3A_678, %dma_start3A_679, %dma_start3A_680] : memref<3x4x32x128xf32, #tpu.memory_space<vmem>> -> memref<1x1x32x128xf32, #tpu.memory_space<vmem>>
    %dma_start3A_682 = tpu.memref_squeeze %dma_start3A_681 : memref<1x1x32x128xf32, #tpu.memory_space<vmem>> -> memref<32x128xf32, #tpu.memory_space<vmem>>
    %dma_start3A_683 = arith.constant 0 : i32
    %dma_start3A_684 = tpu.memref_slice %arg4[%dma_start3A_683, %multiple_of3A_647] : memref<32x1000000xf32, #tpu.memory_space<hbm>> -> memref<32x128xf32, #tpu.memory_space<hbm>>
    %dma_start3A_685 = arith.constant 0 : i32
    %dma_start3A_686 = arith.constant 0 : i32
    %dma_start3A_687 = tpu.memref_slice %arg10[%dma_start3A_677, %dma_start3A_678, %dma_start3A_685, %dma_start3A_686] : memref<3x4x32x128xf32, #tpu.memory_space<vmem>> -> memref<1x1x32x128xf32, #tpu.memory_space<vmem>>
    %dma_start3A_688 = tpu.memref_squeeze %dma_start3A_687 : memref<1x1x32x128xf32, #tpu.memory_space<vmem>> -> memref<32x128xf32, #tpu.memory_space<vmem>>
    %dma_start3A_689 = arith.constant 0 : i32
    %dma_start3A_690 = tpu.memref_slice %arg4[%dma_start3A_689, %multiple_of3A_647] : memref<32x1000000xf32, #tpu.memory_space<hbm>> -> memref<32x128xf32, #tpu.memory_space<hbm>>
    tpu.enqueue_dma source(%dma_start3A_690 : memref<32x128xf32, #tpu.memory_space<hbm>>) target(%dma_start3A_688 : memref<32x128xf32, #tpu.memory_space<vmem>>) target_semaphore(%arg15 : memref<!tpu.dma_semaphore, #tpu.memory_space<semaphore_mem>>)
    %dma_start3A_691 = arith.constant 1 : i32
    %dma_start3A_692 = arith.constant 3 : i32
    %dma_start3A_693 = arith.constant 0 : i32
    %dma_start3A_694 = arith.constant 0 : i32
    %dma_start3A_695 = tpu.memref_slice %arg11[%dma_start3A_691, %dma_start3A_692, %dma_start3A_693, %dma_start3A_694] : memref<3x4x32x128xf32, #tpu.memory_space<vmem>> -> memref<1x1x32x128xf32, #tpu.memory_space<vmem>>
    %dma_start3A_696 = tpu.memref_squeeze %dma_start3A_695 : memref<1x1x32x128xf32, #tpu.memory_space<vmem>> -> memref<32x128xf32, #tpu.memory_space<vmem>>
    %dma_start3A_697 = arith.constant 0 : i32
    %dma_start3A_698 = tpu.memref_slice %arg5[%dma_start3A_697, %multiple_of3A_676] : memref<32x1000000xf32, #tpu.memory_space<hbm>> -> memref<32x128xf32, #tpu.memory_space<hbm>>
    %dma_start3A_699 = arith.constant 0 : i32
    %dma_start3A_700 = arith.constant 0 : i32
    %dma_start3A_701 = tpu.memref_slice %arg11[%dma_start3A_691, %dma_start3A_692, %dma_start3A_699, %dma_start3A_700] : memref<3x4x32x128xf32, #tpu.memory_space<vmem>> -> memref<1x1x32x128xf32, #tpu.memory_space<vmem>>
    %dma_start3A_702 = tpu.memref_squeeze %dma_start3A_701 : memref<1x1x32x128xf32, #tpu.memory_space<vmem>> -> memref<32x128xf32, #tpu.memory_space<vmem>>
    %dma_start3A_703 = arith.constant 0 : i32
    %dma_start3A_704 = tpu.memref_slice %arg5[%dma_start3A_703, %multiple_of3A_676] : memref<32x1000000xf32, #tpu.memory_space<hbm>> -> memref<32x128xf32, #tpu.memory_space<hbm>>
    tpu.enqueue_dma source(%dma_start3A_704 : memref<32x128xf32, #tpu.memory_space<hbm>>) target(%dma_start3A_702 : memref<32x128xf32, #tpu.memory_space<vmem>>) target_semaphore(%arg18 : memref<!tpu.dma_semaphore, #tpu.memory_space<semaphore_mem>>)
    %broadcast_in_dim3A = arith.constant 0.000000e+00 : f32
    %broadcast_in_dim3A_705 = vector.broadcast %broadcast_in_dim3A : f32 to vector<16xf32>
    %scan3A = arith.constant 0 : i32
    %scan3A_706 = arith.constant 43 : i32
    %scan3A_707 = arith.addi %scan3A, %scan3A_706 : i32
    %scan3A_708 = arith.constant 1 : i32
    %scan3A_709 = scf.for %scan3A_713 = %scan3A to %scan3A_707 step %scan3A_708 iter_args(%scan3A_714 = %broadcast_in_dim3A_705) -> (vector<16xf32>)  : i32 {
      %mul3A_715 = arith.constant 3 : i32
      %mul3A_716 = arith.muli %mul3A_715, %scan3A_713 : i32
      %add3A_717 = arith.constant 0 : i32
      %add3A_718 = arith.addi %mul3A_716, %add3A_717 : i32
      %add3A_719 = arith.constant 2 : i32
      %add3A_720 = arith.addi %add3A_718, %add3A_719 : i32
      %lt3A = arith.constant 128 : i32
      %lt3A_721 = arith.cmpi slt, %add3A_720, %lt3A : i32
      %convert_element_type3A = arith.extui %lt3A_721 : i1 to i32
      %cond3A = arith.constant 0 : i32
      %cond3A_722 = arith.cmpi ne, %convert_element_type3A, %cond3A : i32
      scf.if %cond3A_722 {
        %mul3A_1879 = arith.constant 4 : i32
        %mul3A_1880 = arith.muli %add3A_720, %mul3A_1879 : i32
        %get3A_1881 = arith.index_cast %mul3A_1880 : i32 to index
        %get3A_1882 = tpu.vector_load %arg8[%get3A_1881] {strides = array<i32>} : memref<544xi32, #tpu.memory_space<vmem>>, vector<16xi32>,
        %mul3A_1883 = arith.constant 4 : i32
        %mul3A_1884 = arith.muli %add3A_720, %mul3A_1883 : i32
        %get3A_1885 = arith.index_cast %mul3A_1884 : i32 to index
        %get3A_1886 = tpu.vector_load %arg9[%get3A_1885] {strides = array<i32>} : memref<544xi32, #tpu.memory_space<vmem>>, vector<16xi32>,
        %slice3A_1887 = vector.extract_strided_slice %get3A_1882 {offsets = [0], sizes = [1], strides = [1]} : vector<16xi32> to vector<1xi32>
        %squeeze3A_1888 = vector.extract %slice3A_1887[0] : i32 from vector<1xi32>
        %jit3A_1889 = arith.constant 128 : i32
        %div3A_1890 = arith.divsi %squeeze3A_1888, %jit3A_1889 : i32
        %sign3A_1891 = arith.constant 0 : i32
        %sign3A_1892 = arith.cmpi sgt, %squeeze3A_1888, %sign3A_1891 : i32
        %sign3A_1893 = arith.extui %sign3A_1892 : i1 to i32
        %sign3A_1894 = arith.constant 0 : i32
        %sign3A_1895 = arith.cmpi slt, %squeeze3A_1888, %sign3A_1894 : i32
        %sign3A_1896 = arith.extui %sign3A_1895 : i1 to i32
        %sign3A_1897 = arith.subi %sign3A_1893, %sign3A_1896 : i32
        %sign3A_1898 = arith.constant 0 : i32
        %sign3A_1899 = arith.cmpi sgt, %jit3A_1889, %sign3A_1898 : i32
        %sign3A_1900 = arith.extui %sign3A_1899 : i1 to i32
        %sign3A_1901 = arith.constant 0 : i32
        %sign3A_1902 = arith.cmpi slt, %jit3A_1889, %sign3A_1901 : i32
        %sign3A_1903 = arith.extui %sign3A_1902 : i1 to i32
        %sign3A_1904 = arith.subi %sign3A_1900, %sign3A_1903 : i32
        %ne3A_1905 = arith.cmpi ne, %sign3A_1897, %sign3A_1904 : i32
        %rem3A_1906 = arith.remsi %squeeze3A_1888, %jit3A_1889 : i32
        %ne3A_1907 = arith.constant 0 : i32
        %ne3A_1908 = arith.cmpi ne, %rem3A_1906, %ne3A_1907 : i32
        %and3A_1909 = arith.andi %ne3A_1905, %ne3A_1908 : i1
        %sub3A_1910 = arith.constant 1 : i32
        %sub3A_1911 = arith.subi %div3A_1890, %sub3A_1910 : i32
        %select_n3A_1912 = arith.select %and3A_1909, %sub3A_1911, %div3A_1890 : i32
        %mul3A_1913 = arith.constant 128 : i32
        %mul3A_1914 = arith.muli %select_n3A_1912, %mul3A_1913 : i32
        %multiple_of3A_1915 = tpu.assume_multiple %mul3A_1914, 128 : i32
        %slice3A_1916 = vector.extract_strided_slice %get3A_1886 {offsets = [0], sizes = [1], strides = [1]} : vector<16xi32> to vector<1xi32>
        %squeeze3A_1917 = vector.extract %slice3A_1916[0] : i32 from vector<1xi32>
        %jit3A_1918 = arith.constant 128 : i32
        %div3A_1919 = arith.divsi %squeeze3A_1917, %jit3A_1918 : i32
        %sign3A_1920 = arith.constant 0 : i32
        %sign3A_1921 = arith.cmpi sgt, %squeeze3A_1917, %sign3A_1920 : i32
        %sign3A_1922 = arith.extui %sign3A_1921 : i1 to i32
        %sign3A_1923 = arith.constant 0 : i32
        %sign3A_1924 = arith.cmpi slt, %squeeze3A_1917, %sign3A_1923 : i32
        %sign3A_1925 = arith.extui %sign3A_1924 : i1 to i32
        %sign3A_1926 = arith.subi %sign3A_1922, %sign3A_1925 : i32
        %sign3A_1927 = arith.constant 0 : i32
        %sign3A_1928 = arith.cmpi sgt, %jit3A_1918, %sign3A_1927 : i32
        %sign3A_1929 = arith.extui %sign3A_1928 : i1 to i32
        %sign3A_1930 = arith.constant 0 : i32
        %sign3A_1931 = arith.cmpi slt, %jit3A_1918, %sign3A_1930 : i32
        %sign3A_1932 = arith.extui %sign3A_1931 : i1 to i32
        %sign3A_1933 = arith.subi %sign3A_1929, %sign3A_1932 : i32
        %ne3A_1934 = arith.cmpi ne, %sign3A_1926, %sign3A_1933 : i32
        %rem3A_1935 = arith.remsi %squeeze3A_1917, %jit3A_1918 : i32
        %ne3A_1936 = arith.constant 0 : i32
        %ne3A_1937 = arith.cmpi ne, %rem3A_1935, %ne3A_1936 : i32
        %and3A_1938 = arith.andi %ne3A_1934, %ne3A_1937 : i1
        %sub3A_1939 = arith.constant 1 : i32
        %sub3A_1940 = arith.subi %div3A_1919, %sub3A_1939 : i32
        %select_n3A_1941 = arith.select %and3A_1938, %sub3A_1940, %div3A_1919 : i32
        %mul3A_1942 = arith.constant 128 : i32
        %mul3A_1943 = arith.muli %select_n3A_1941, %mul3A_1942 : i32
        %multiple_of3A_1944 = tpu.assume_multiple %mul3A_1943, 128 : i32
        %dma_start3A_1945 = arith.constant 2 : i32
        %dma_start3A_1946 = arith.constant 0 : i32
        %dma_start3A_1947 = arith.constant 0 : i32
        %dma_start3A_1948 = arith.constant 0 : i32
        %dma_start3A_1949 = tpu.memref_slice %arg10[%dma_start3A_1945, %dma_start3A_1946, %dma_start3A_1947, %dma_start3A_1948] : memref<3x4x32x128xf32, #tpu.memory_space<vmem>> -> memref<1x1x32x128xf32, #tpu.memory_space<vmem>>
        %dma_start3A_1950 = tpu.memref_squeeze %dma_start3A_1949 : memref<1x1x32x128xf32, #tpu.memory_space<vmem>> -> memref<32x128xf32, #tpu.memory_space<vmem>>
        %dma_start3A_1951 = arith.constant 0 : i32
        %dma_start3A_1952 = tpu.memref_slice %arg4[%dma_start3A_1951, %multiple_of3A_1915] : memref<32x1000000xf32, #tpu.memory_space<hbm>> -> memref<32x128xf32, #tpu.memory_space<hbm>>
        %dma_start3A_1953 = arith.constant 0 : i32
        %dma_start3A_1954 = arith.constant 0 : i32
        %dma_start3A_1955 = tpu.memref_slice %arg10[%dma_start3A_1945, %dma_start3A_1946, %dma_start3A_1953, %dma_start3A_1954] : memref<3x4x32x128xf32, #tpu.memory_space<vmem>> -> memref<1x1x32x128xf32, #tpu.memory_space<vmem>>
        %dma_start3A_1956 = tpu.memref_squeeze %dma_start3A_1955 : memref<1x1x32x128xf32, #tpu.memory_space<vmem>> -> memref<32x128xf32, #tpu.memory_space<vmem>>
        %dma_start3A_1957 = arith.constant 0 : i32
        %dma_start3A_1958 = tpu.memref_slice %arg4[%dma_start3A_1957, %multiple_of3A_1915] : memref<32x1000000xf32, #tpu.memory_space<hbm>> -> memref<32x128xf32, #tpu.memory_space<hbm>>
        tpu.enqueue_dma source(%dma_start3A_1958 : memref<32x128xf32, #tpu.memory_space<hbm>>) target(%dma_start3A_1956 : memref<32x128xf32, #tpu.memory_space<vmem>>) target_semaphore(%arg16 : memref<!tpu.dma_semaphore, #tpu.memory_space<semaphore_mem>>)
        %dma_start3A_1959 = arith.constant 2 : i32
        %dma_start3A_1960 = arith.constant 0 : i32
        %dma_start3A_1961 = arith.constant 0 : i32
        %dma_start3A_1962 = arith.constant 0 : i32
        %dma_start3A_1963 = tpu.memref_slice %arg11[%dma_start3A_1959, %dma_start3A_1960, %dma_start3A_1961, %dma_start3A_1962] : memref<3x4x32x128xf32, #tpu.memory_space<vmem>> -> memref<1x1x32x128xf32, #tpu.memory_space<vmem>>
        %dma_start3A_1964 = tpu.memref_squeeze %dma_start3A_1963 : memref<1x1x32x128xf32, #tpu.memory_space<vmem>> -> memref<32x128xf32, #tpu.memory_space<vmem>>
        %dma_start3A_1965 = arith.constant 0 : i32
        %dma_start3A_1966 = tpu.memref_slice %arg5[%dma_start3A_1965, %multiple_of3A_1944] : memref<32x1000000xf32, #tpu.memory_space<hbm>> -> memref<32x128xf32, #tpu.memory_space<hbm>>
        %dma_start3A_1967 = arith.constant 0 : i32
        %dma_start3A_1968 = arith.constant 0 : i32
        %dma_start3A_1969 = tpu.memref_slice %arg11[%dma_start3A_1959, %dma_start3A_1960, %dma_start3A_1967, %dma_start3A_1968] : memref<3x4x32x128xf32, #tpu.memory_space<vmem>> -> memref<1x1x32x128xf32, #tpu.memory_space<vmem>>
        %dma_start3A_1970 = tpu.memref_squeeze %dma_start3A_1969 : memref<1x1x32x128xf32, #tpu.memory_space<vmem>> -> memref<32x128xf32, #tpu.memory_space<vmem>>
        %dma_start3A_1971 = arith.constant 0 : i32
        %dma_start3A_1972 = tpu.memref_slice %arg5[%dma_start3A_1971, %multiple_of3A_1944] : memref<32x1000000xf32, #tpu.memory_space<hbm>> -> memref<32x128xf32, #tpu.memory_space<hbm>>
        tpu.enqueue_dma source(%dma_start3A_1972 : memref<32x128xf32, #tpu.memory_space<hbm>>) target(%dma_start3A_1970 : memref<32x128xf32, #tpu.memory_space<vmem>>) target_semaphore(%arg19 : memref<!tpu.dma_semaphore, #tpu.memory_space<semaphore_mem>>)
        %slice3A_1973 = vector.extract_strided_slice %get3A_1882 {offsets = [1], sizes = [1], strides = [1]} : vector<16xi32> to vector<1xi32>
        %squeeze3A_1974 = vector.extract %slice3A_1973[0] : i32 from vector<1xi32>
        %jit3A_1975 = arith.constant 128 : i32
        %div3A_1976 = arith.divsi %squeeze3A_1974, %jit3A_1975 : i32
        %sign3A_1977 = arith.constant 0 : i32
        %sign3A_1978 = arith.cmpi sgt, %squeeze3A_1974, %sign3A_1977 : i32
        %sign3A_1979 = arith.extui %sign3A_1978 : i1 to i32
        %sign3A_1980 = arith.constant 0 : i32
        %sign3A_1981 = arith.cmpi slt, %squeeze3A_1974, %sign3A_1980 : i32
        %sign3A_1982 = arith.extui %sign3A_1981 : i1 to i32
        %sign3A_1983 = arith.subi %sign3A_1979, %sign3A_1982 : i32
        %sign3A_1984 = arith.constant 0 : i32
        %sign3A_1985 = arith.cmpi sgt, %jit3A_1975, %sign3A_1984 : i32
        %sign3A_1986 = arith.extui %sign3A_1985 : i1 to i32
        %sign3A_1987 = arith.constant 0 : i32
        %sign3A_1988 = arith.cmpi slt, %jit3A_1975, %sign3A_1987 : i32
        %sign3A_1989 = arith.extui %sign3A_1988 : i1 to i32
        %sign3A_1990 = arith.subi %sign3A_1986, %sign3A_1989 : i32
        %ne3A_1991 = arith.cmpi ne, %sign3A_1983, %sign3A_1990 : i32
        %rem3A_1992 = arith.remsi %squeeze3A_1974, %jit3A_1975 : i32
        %ne3A_1993 = arith.constant 0 : i32
        %ne3A_1994 = arith.cmpi ne, %rem3A_1992, %ne3A_1993 : i32
        %and3A_1995 = arith.andi %ne3A_1991, %ne3A_1994 : i1
        %sub3A_1996 = arith.constant 1 : i32
        %sub3A_1997 = arith.subi %div3A_1976, %sub3A_1996 : i32
        %select_n3A_1998 = arith.select %and3A_1995, %sub3A_1997, %div3A_1976 : i32
        %mul3A_1999 = arith.constant 128 : i32
        %mul3A_2000 = arith.muli %select_n3A_1998, %mul3A_1999 : i32
        %multiple_of3A_2001 = tpu.assume_multiple %mul3A_2000, 128 : i32
        %slice3A_2002 = vector.extract_strided_slice %get3A_1886 {offsets = [1], sizes = [1], strides = [1]} : vector<16xi32> to vector<1xi32>
        %squeeze3A_2003 = vector.extract %slice3A_2002[0] : i32 from vector<1xi32>
        %jit3A_2004 = arith.constant 128 : i32
        %div3A_2005 = arith.divsi %squeeze3A_2003, %jit3A_2004 : i32
        %sign3A_2006 = arith.constant 0 : i32
        %sign3A_2007 = arith.cmpi sgt, %squeeze3A_2003, %sign3A_2006 : i32
        %sign3A_2008 = arith.extui %sign3A_2007 : i1 to i32
        %sign3A_2009 = arith.constant 0 : i32
        %sign3A_2010 = arith.cmpi slt, %squeeze3A_2003, %sign3A_2009 : i32
        %sign3A_2011 = arith.extui %sign3A_2010 : i1 to i32
        %sign3A_2012 = arith.subi %sign3A_2008, %sign3A_2011 : i32
        %sign3A_2013 = arith.constant 0 : i32
        %sign3A_2014 = arith.cmpi sgt, %jit3A_2004, %sign3A_2013 : i32
        %sign3A_2015 = arith.extui %sign3A_2014 : i1 to i32
        %sign3A_2016 = arith.constant 0 : i32
        %sign3A_2017 = arith.cmpi slt, %jit3A_2004, %sign3A_2016 : i32
        %sign3A_2018 = arith.extui %sign3A_2017 : i1 to i32
        %sign3A_2019 = arith.subi %sign3A_2015, %sign3A_2018 : i32
        %ne3A_2020 = arith.cmpi ne, %sign3A_2012, %sign3A_2019 : i32
        %rem3A_2021 = arith.remsi %squeeze3A_2003, %jit3A_2004 : i32
        %ne3A_2022 = arith.constant 0 : i32
        %ne3A_2023 = arith.cmpi ne, %rem3A_2021, %ne3A_2022 : i32
        %and3A_2024 = arith.andi %ne3A_2020, %ne3A_2023 : i1
        %sub3A_2025 = arith.constant 1 : i32
        %sub3A_2026 = arith.subi %div3A_2005, %sub3A_2025 : i32
        %select_n3A_2027 = arith.select %and3A_2024, %sub3A_2026, %div3A_2005 : i32
        %mul3A_2028 = arith.constant 128 : i32
        %mul3A_2029 = arith.muli %select_n3A_2027, %mul3A_2028 : i32
        %multiple_of3A_2030 = tpu.assume_multiple %mul3A_2029, 128 : i32
        %dma_start3A_2031 = arith.constant 2 : i32
        %dma_start3A_2032 = arith.constant 1 : i32
        %dma_start3A_2033 = arith.constant 0 : i32
        %dma_start3A_2034 = arith.constant 0 : i32
        %dma_start3A_2035 = tpu.memref_slice %arg10[%dma_start3A_2031, %dma_start3A_2032, %dma_start3A_2033, %dma_start3A_2034] : memref<3x4x32x128xf32, #tpu.memory_space<vmem>> -> memref<1x1x32x128xf32, #tpu.memory_space<vmem>>
        %dma_start3A_2036 = tpu.memref_squeeze %dma_start3A_2035 : memref<1x1x32x128xf32, #tpu.memory_space<vmem>> -> memref<32x128xf32, #tpu.memory_space<vmem>>
        %dma_start3A_2037 = arith.constant 0 : i32
        %dma_start3A_2038 = tpu.memref_slice %arg4[%dma_start3A_2037, %multiple_of3A_2001] : memref<32x1000000xf32, #tpu.memory_space<hbm>> -> memref<32x128xf32, #tpu.memory_space<hbm>>
        %dma_start3A_2039 = arith.constant 0 : i32
        %dma_start3A_2040 = arith.constant 0 : i32
        %dma_start3A_2041 = tpu.memref_slice %arg10[%dma_start3A_2031, %dma_start3A_2032, %dma_start3A_2039, %dma_start3A_2040] : memref<3x4x32x128xf32, #tpu.memory_space<vmem>> -> memref<1x1x32x128xf32, #tpu.memory_space<vmem>>
        %dma_start3A_2042 = tpu.memref_squeeze %dma_start3A_2041 : memref<1x1x32x128xf32, #tpu.memory_space<vmem>> -> memref<32x128xf32, #tpu.memory_space<vmem>>
        %dma_start3A_2043 = arith.constant 0 : i32
        %dma_start3A_2044 = tpu.memref_slice %arg4[%dma_start3A_2043, %multiple_of3A_2001] : memref<32x1000000xf32, #tpu.memory_space<hbm>> -> memref<32x128xf32, #tpu.memory_space<hbm>>
        tpu.enqueue_dma source(%dma_start3A_2044 : memref<32x128xf32, #tpu.memory_space<hbm>>) target(%dma_start3A_2042 : memref<32x128xf32, #tpu.memory_space<vmem>>) target_semaphore(%arg16 : memref<!tpu.dma_semaphore, #tpu.memory_space<semaphore_mem>>)
        %dma_start3A_2045 = arith.constant 2 : i32
        %dma_start3A_2046 = arith.constant 1 : i32
        %dma_start3A_2047 = arith.constant 0 : i32
        %dma_start3A_2048 = arith.constant 0 : i32
        %dma_start3A_2049 = tpu.memref_slice %arg11[%dma_start3A_2045, %dma_start3A_2046, %dma_start3A_2047, %dma_start3A_2048] : memref<3x4x32x128xf32, #tpu.memory_space<vmem>> -> memref<1x1x32x128xf32, #tpu.memory_space<vmem>>
        %dma_start3A_2050 = tpu.memref_squeeze %dma_start3A_2049 : memref<1x1x32x128xf32, #tpu.memory_space<vmem>> -> memref<32x128xf32, #tpu.memory_space<vmem>>
        %dma_start3A_2051 = arith.constant 0 : i32
        %dma_start3A_2052 = tpu.memref_slice %arg5[%dma_start3A_2051, %multiple_of3A_2030] : memref<32x1000000xf32, #tpu.memory_space<hbm>> -> memref<32x128xf32, #tpu.memory_space<hbm>>
        %dma_start3A_2053 = arith.constant 0 : i32
        %dma_start3A_2054 = arith.constant 0 : i32
        %dma_start3A_2055 = tpu.memref_slice %arg11[%dma_start3A_2045, %dma_start3A_2046, %dma_start3A_2053, %dma_start3A_2054] : memref<3x4x32x128xf32, #tpu.memory_space<vmem>> -> memref<1x1x32x128xf32, #tpu.memory_space<vmem>>
        %dma_start3A_2056 = tpu.memref_squeeze %dma_start3A_2055 : memref<1x1x32x128xf32, #tpu.memory_space<vmem>> -> memref<32x128xf32, #tpu.memory_space<vmem>>
        %dma_start3A_2057 = arith.constant 0 : i32
        %dma_start3A_2058 = tpu.memref_slice %arg5[%dma_start3A_2057, %multiple_of3A_2030] : memref<32x1000000xf32, #tpu.memory_space<hbm>> -> memref<32x128xf32, #tpu.memory_space<hbm>>
        tpu.enqueue_dma source(%dma_start3A_2058 : memref<32x128xf32, #tpu.memory_space<hbm>>) target(%dma_start3A_2056 : memref<32x128xf32, #tpu.memory_space<vmem>>) target_semaphore(%arg19 : memref<!tpu.dma_semaphore, #tpu.memory_space<semaphore_mem>>)
        %slice3A_2059 = vector.extract_strided_slice %get3A_1882 {offsets = [2], sizes = [1], strides = [1]} : vector<16xi32> to vector<1xi32>
        %squeeze3A_2060 = vector.extract %slice3A_2059[0] : i32 from vector<1xi32>
        %jit3A_2061 = arith.constant 128 : i32
        %div3A_2062 = arith.divsi %squeeze3A_2060, %jit3A_2061 : i32
        %sign3A_2063 = arith.constant 0 : i32
        %sign3A_2064 = arith.cmpi sgt, %squeeze3A_2060, %sign3A_2063 : i32
        %sign3A_2065 = arith.extui %sign3A_2064 : i1 to i32
        %sign3A_2066 = arith.constant 0 : i32
        %sign3A_2067 = arith.cmpi slt, %squeeze3A_2060, %sign3A_2066 : i32
        %sign3A_2068 = arith.extui %sign3A_2067 : i1 to i32
        %sign3A_2069 = arith.subi %sign3A_2065, %sign3A_2068 : i32
        %sign3A_2070 = arith.constant 0 : i32
        %sign3A_2071 = arith.cmpi sgt, %jit3A_2061, %sign3A_2070 : i32
        %sign3A_2072 = arith.extui %sign3A_2071 : i1 to i32
        %sign3A_2073 = arith.constant 0 : i32
        %sign3A_2074 = arith.cmpi slt, %jit3A_2061, %sign3A_2073 : i32
        %sign3A_2075 = arith.extui %sign3A_2074 : i1 to i32
        %sign3A_2076 = arith.subi %sign3A_2072, %sign3A_2075 : i32
        %ne3A_2077 = arith.cmpi ne, %sign3A_2069, %sign3A_2076 : i32
        %rem3A_2078 = arith.remsi %squeeze3A_2060, %jit3A_2061 : i32
        %ne3A_2079 = arith.constant 0 : i32
        %ne3A_2080 = arith.cmpi ne, %rem3A_2078, %ne3A_2079 : i32
        %and3A_2081 = arith.andi %ne3A_2077, %ne3A_2080 : i1
        %sub3A_2082 = arith.constant 1 : i32
        %sub3A_2083 = arith.subi %div3A_2062, %sub3A_2082 : i32
        %select_n3A_2084 = arith.select %and3A_2081, %sub3A_2083, %div3A_2062 : i32
        %mul3A_2085 = arith.constant 128 : i32
        %mul3A_2086 = arith.muli %select_n3A_2084, %mul3A_2085 : i32
        %multiple_of3A_2087 = tpu.assume_multiple %mul3A_2086, 128 : i32
        %slice3A_2088 = vector.extract_strided_slice %get3A_1886 {offsets = [2], sizes = [1], strides = [1]} : vector<16xi32> to vector<1xi32>
        %squeeze3A_2089 = vector.extract %slice3A_2088[0] : i32 from vector<1xi32>
        %jit3A_2090 = arith.constant 128 : i32
        %div3A_2091 = arith.divsi %squeeze3A_2089, %jit3A_2090 : i32
        %sign3A_2092 = arith.constant 0 : i32
        %sign3A_2093 = arith.cmpi sgt, %squeeze3A_2089, %sign3A_2092 : i32
        %sign3A_2094 = arith.extui %sign3A_2093 : i1 to i32
        %sign3A_2095 = arith.constant 0 : i32
        %sign3A_2096 = arith.cmpi slt, %squeeze3A_2089, %sign3A_2095 : i32
        %sign3A_2097 = arith.extui %sign3A_2096 : i1 to i32
        %sign3A_2098 = arith.subi %sign3A_2094, %sign3A_2097 : i32
        %sign3A_2099 = arith.constant 0 : i32
        %sign3A_2100 = arith.cmpi sgt, %jit3A_2090, %sign3A_2099 : i32
        %sign3A_2101 = arith.extui %sign3A_2100 : i1 to i32
        %sign3A_2102 = arith.constant 0 : i32
        %sign3A_2103 = arith.cmpi slt, %jit3A_2090, %sign3A_2102 : i32
        %sign3A_2104 = arith.extui %sign3A_2103 : i1 to i32
        %sign3A_2105 = arith.subi %sign3A_2101, %sign3A_2104 : i32
        %ne3A_2106 = arith.cmpi ne, %sign3A_2098, %sign3A_2105 : i32
        %rem3A_2107 = arith.remsi %squeeze3A_2089, %jit3A_2090 : i32
        %ne3A_2108 = arith.constant 0 : i32
        %ne3A_2109 = arith.cmpi ne, %rem3A_2107, %ne3A_2108 : i32
        %and3A_2110 = arith.andi %ne3A_2106, %ne3A_2109 : i1
        %sub3A_2111 = arith.constant 1 : i32
        %sub3A_2112 = arith.subi %div3A_2091, %sub3A_2111 : i32
        %select_n3A_2113 = arith.select %and3A_2110, %sub3A_2112, %div3A_2091 : i32
        %mul3A_2114 = arith.constant 128 : i32
        %mul3A_2115 = arith.muli %select_n3A_2113, %mul3A_2114 : i32
        %multiple_of3A_2116 = tpu.assume_multiple %mul3A_2115, 128 : i32
        %dma_start3A_2117 = arith.constant 2 : i32
        %dma_start3A_2118 = arith.constant 2 : i32
        %dma_start3A_2119 = arith.constant 0 : i32
        %dma_start3A_2120 = arith.constant 0 : i32
        %dma_start3A_2121 = tpu.memref_slice %arg10[%dma_start3A_2117, %dma_start3A_2118, %dma_start3A_2119, %dma_start3A_2120] : memref<3x4x32x128xf32, #tpu.memory_space<vmem>> -> memref<1x1x32x128xf32, #tpu.memory_space<vmem>>
        %dma_start3A_2122 = tpu.memref_squeeze %dma_start3A_2121 : memref<1x1x32x128xf32, #tpu.memory_space<vmem>> -> memref<32x128xf32, #tpu.memory_space<vmem>>
        %dma_start3A_2123 = arith.constant 0 : i32
        %dma_start3A_2124 = tpu.memref_slice %arg4[%dma_start3A_2123, %multiple_of3A_2087] : memref<32x1000000xf32, #tpu.memory_space<hbm>> -> memref<32x128xf32, #tpu.memory_space<hbm>>
        %dma_start3A_2125 = arith.constant 0 : i32
        %dma_start3A_2126 = arith.constant 0 : i32
        %dma_start3A_2127 = tpu.memref_slice %arg10[%dma_start3A_2117, %dma_start3A_2118, %dma_start3A_2125, %dma_start3A_2126] : memref<3x4x32x128xf32, #tpu.memory_space<vmem>> -> memref<1x1x32x128xf32, #tpu.memory_space<vmem>>
        %dma_start3A_2128 = tpu.memref_squeeze %dma_start3A_2127 : memref<1x1x32x128xf32, #tpu.memory_space<vmem>> -> memref<32x128xf32, #tpu.memory_space<vmem>>
        %dma_start3A_2129 = arith.constant 0 : i32
        %dma_start3A_2130 = tpu.memref_slice %arg4[%dma_start3A_2129, %multiple_of3A_2087] : memref<32x1000000xf32, #tpu.memory_space<hbm>> -> memref<32x128xf32, #tpu.memory_space<hbm>>
        tpu.enqueue_dma source(%dma_start3A_2130 : memref<32x128xf32, #tpu.memory_space<hbm>>) target(%dma_start3A_2128 : memref<32x128xf32, #tpu.memory_space<vmem>>) target_semaphore(%arg16 : memref<!tpu.dma_semaphore, #tpu.memory_space<semaphore_mem>>)
        %dma_start3A_2131 = arith.constant 2 : i32
        %dma_start3A_2132 = arith.constant 2 : i32
        %dma_start3A_2133 = arith.constant 0 : i32
        %dma_start3A_2134 = arith.constant 0 : i32
        %dma_start3A_2135 = tpu.memref_slice %arg11[%dma_start3A_2131, %dma_start3A_2132, %dma_start3A_2133, %dma_start3A_2134] : memref<3x4x32x128xf32, #tpu.memory_space<vmem>> -> memref<1x1x32x128xf32, #tpu.memory_space<vmem>>
        %dma_start3A_2136 = tpu.memref_squeeze %dma_start3A_2135 : memref<1x1x32x128xf32, #tpu.memory_space<vmem>> -> memref<32x128xf32, #tpu.memory_space<vmem>>
        %dma_start3A_2137 = arith.constant 0 : i32
        %dma_start3A_2138 = tpu.memref_slice %arg5[%dma_start3A_2137, %multiple_of3A_2116] : memref<32x1000000xf32, #tpu.memory_space<hbm>> -> memref<32x128xf32, #tpu.memory_space<hbm>>
        %dma_start3A_2139 = arith.constant 0 : i32
        %dma_start3A_2140 = arith.constant 0 : i32
        %dma_start3A_2141 = tpu.memref_slice %arg11[%dma_start3A_2131, %dma_start3A_2132, %dma_start3A_2139, %dma_start3A_2140] : memref<3x4x32x128xf32, #tpu.memory_space<vmem>> -> memref<1x1x32x128xf32, #tpu.memory_space<vmem>>
        %dma_start3A_2142 = tpu.memref_squeeze %dma_start3A_2141 : memref<1x1x32x128xf32, #tpu.memory_space<vmem>> -> memref<32x128xf32, #tpu.memory_space<vmem>>
        %dma_start3A_2143 = arith.constant 0 : i32
        %dma_start3A_2144 = tpu.memref_slice %arg5[%dma_start3A_2143, %multiple_of3A_2116] : memref<32x1000000xf32, #tpu.memory_space<hbm>> -> memref<32x128xf32, #tpu.memory_space<hbm>>
        tpu.enqueue_dma source(%dma_start3A_2144 : memref<32x128xf32, #tpu.memory_space<hbm>>) target(%dma_start3A_2142 : memref<32x128xf32, #tpu.memory_space<vmem>>) target_semaphore(%arg19 : memref<!tpu.dma_semaphore, #tpu.memory_space<semaphore_mem>>)
        %slice3A_2145 = vector.extract_strided_slice %get3A_1882 {offsets = [3], sizes = [1], strides = [1]} : vector<16xi32> to vector<1xi32>
        %squeeze3A_2146 = vector.extract %slice3A_2145[0] : i32 from vector<1xi32>
        %jit3A_2147 = arith.constant 128 : i32
        %div3A_2148 = arith.divsi %squeeze3A_2146, %jit3A_2147 : i32
        %sign3A_2149 = arith.constant 0 : i32
        %sign3A_2150 = arith.cmpi sgt, %squeeze3A_2146, %sign3A_2149 : i32
        %sign3A_2151 = arith.extui %sign3A_2150 : i1 to i32
        %sign3A_2152 = arith.constant 0 : i32
        %sign3A_2153 = arith.cmpi slt, %squeeze3A_2146, %sign3A_2152 : i32
        %sign3A_2154 = arith.extui %sign3A_2153 : i1 to i32
        %sign3A_2155 = arith.subi %sign3A_2151, %sign3A_2154 : i32
        %sign3A_2156 = arith.constant 0 : i32
        %sign3A_2157 = arith.cmpi sgt, %jit3A_2147, %sign3A_2156 : i32
        %sign3A_2158 = arith.extui %sign3A_2157 : i1 to i32
        %sign3A_2159 = arith.constant 0 : i32
        %sign3A_2160 = arith.cmpi slt, %jit3A_2147, %sign3A_2159 : i32
        %sign3A_2161 = arith.extui %sign3A_2160 : i1 to i32
        %sign3A_2162 = arith.subi %sign3A_2158, %sign3A_2161 : i32
        %ne3A_2163 = arith.cmpi ne, %sign3A_2155, %sign3A_2162 : i32
        %rem3A_2164 = arith.remsi %squeeze3A_2146, %jit3A_2147 : i32
        %ne3A_2165 = arith.constant 0 : i32
        %ne3A_2166 = arith.cmpi ne, %rem3A_2164, %ne3A_2165 : i32
        %and3A_2167 = arith.andi %ne3A_2163, %ne3A_2166 : i1
        %sub3A_2168 = arith.constant 1 : i32
        %sub3A_2169 = arith.subi %div3A_2148, %sub3A_2168 : i32
        %select_n3A_2170 = arith.select %and3A_2167, %sub3A_2169, %div3A_2148 : i32
        %mul3A_2171 = arith.constant 128 : i32
        %mul3A_2172 = arith.muli %select_n3A_2170, %mul3A_2171 : i32
        %multiple_of3A_2173 = tpu.assume_multiple %mul3A_2172, 128 : i32
        %slice3A_2174 = vector.extract_strided_slice %get3A_1886 {offsets = [3], sizes = [1], strides = [1]} : vector<16xi32> to vector<1xi32>
        %squeeze3A_2175 = vector.extract %slice3A_2174[0] : i32 from vector<1xi32>
        %jit3A_2176 = arith.constant 128 : i32
        %div3A_2177 = arith.divsi %squeeze3A_2175, %jit3A_2176 : i32
        %sign3A_2178 = arith.constant 0 : i32
        %sign3A_2179 = arith.cmpi sgt, %squeeze3A_2175, %sign3A_2178 : i32
        %sign3A_2180 = arith.extui %sign3A_2179 : i1 to i32
        %sign3A_2181 = arith.constant 0 : i32
        %sign3A_2182 = arith.cmpi slt, %squeeze3A_2175, %sign3A_2181 : i32
        %sign3A_2183 = arith.extui %sign3A_2182 : i1 to i32
        %sign3A_2184 = arith.subi %sign3A_2180, %sign3A_2183 : i32
        %sign3A_2185 = arith.constant 0 : i32
        %sign3A_2186 = arith.cmpi sgt, %jit3A_2176, %sign3A_2185 : i32
        %sign3A_2187 = arith.extui %sign3A_2186 : i1 to i32
        %sign3A_2188 = arith.constant 0 : i32
        %sign3A_2189 = arith.cmpi slt, %jit3A_2176, %sign3A_2188 : i32
        %sign3A_2190 = arith.extui %sign3A_2189 : i1 to i32
        %sign3A_2191 = arith.subi %sign3A_2187, %sign3A_2190 : i32
        %ne3A_2192 = arith.cmpi ne, %sign3A_2184, %sign3A_2191 : i32
        %rem3A_2193 = arith.remsi %squeeze3A_2175, %jit3A_2176 : i32
        %ne3A_2194 = arith.constant 0 : i32
        %ne3A_2195 = arith.cmpi ne, %rem3A_2193, %ne3A_2194 : i32
        %and3A_2196 = arith.andi %ne3A_2192, %ne3A_2195 : i1
        %sub3A_2197 = arith.constant 1 : i32
        %sub3A_2198 = arith.subi %div3A_2177, %sub3A_2197 : i32
        %select_n3A_2199 = arith.select %and3A_2196, %sub3A_2198, %div3A_2177 : i32
        %mul3A_2200 = arith.constant 128 : i32
        %mul3A_2201 = arith.muli %select_n3A_2199, %mul3A_2200 : i32
        %multiple_of3A_2202 = tpu.assume_multiple %mul3A_2201, 128 : i32
        %dma_start3A_2203 = arith.constant 2 : i32
        %dma_start3A_2204 = arith.constant 3 : i32
        %dma_start3A_2205 = arith.constant 0 : i32
        %dma_start3A_2206 = arith.constant 0 : i32
        %dma_start3A_2207 = tpu.memref_slice %arg10[%dma_start3A_2203, %dma_start3A_2204, %dma_start3A_2205, %dma_start3A_2206] : memref<3x4x32x128xf32, #tpu.memory_space<vmem>> -> memref<1x1x32x128xf32, #tpu.memory_space<vmem>>
        %dma_start3A_2208 = tpu.memref_squeeze %dma_start3A_2207 : memref<1x1x32x128xf32, #tpu.memory_space<vmem>> -> memref<32x128xf32, #tpu.memory_space<vmem>>
        %dma_start3A_2209 = arith.constant 0 : i32
        %dma_start3A_2210 = tpu.memref_slice %arg4[%dma_start3A_2209, %multiple_of3A_2173] : memref<32x1000000xf32, #tpu.memory_space<hbm>> -> memref<32x128xf32, #tpu.memory_space<hbm>>
        %dma_start3A_2211 = arith.constant 0 : i32
        %dma_start3A_2212 = arith.constant 0 : i32
        %dma_start3A_2213 = tpu.memref_slice %arg10[%dma_start3A_2203, %dma_start3A_2204, %dma_start3A_2211, %dma_start3A_2212] : memref<3x4x32x128xf32, #tpu.memory_space<vmem>> -> memref<1x1x32x128xf32, #tpu.memory_space<vmem>>
        %dma_start3A_2214 = tpu.memref_squeeze %dma_start3A_2213 : memref<1x1x32x128xf32, #tpu.memory_space<vmem>> -> memref<32x128xf32, #tpu.memory_space<vmem>>
        %dma_start3A_2215 = arith.constant 0 : i32
        %dma_start3A_2216 = tpu.memref_slice %arg4[%dma_start3A_2215, %multiple_of3A_2173] : memref<32x1000000xf32, #tpu.memory_space<hbm>> -> memref<32x128xf32, #tpu.memory_space<hbm>>
        tpu.enqueue_dma source(%dma_start3A_2216 : memref<32x128xf32, #tpu.memory_space<hbm>>) target(%dma_start3A_2214 : memref<32x128xf32, #tpu.memory_space<vmem>>) target_semaphore(%arg16 : memref<!tpu.dma_semaphore, #tpu.memory_space<semaphore_mem>>)
        %dma_start3A_2217 = arith.constant 2 : i32
        %dma_start3A_2218 = arith.constant 3 : i32
        %dma_start3A_2219 = arith.constant 0 : i32
        %dma_start3A_2220 = arith.constant 0 : i32
        %dma_start3A_2221 = tpu.memref_slice %arg11[%dma_start3A_2217, %dma_start3A_2218, %dma_start3A_2219, %dma_start3A_2220] : memref<3x4x32x128xf32, #tpu.memory_space<vmem>> -> memref<1x1x32x128xf32, #tpu.memory_space<vmem>>
        %dma_start3A_2222 = tpu.memref_squeeze %dma_start3A_2221 : memref<1x1x32x128xf32, #tpu.memory_space<vmem>> -> memref<32x128xf32, #tpu.memory_space<vmem>>
        %dma_start3A_2223 = arith.constant 0 : i32
        %dma_start3A_2224 = tpu.memref_slice %arg5[%dma_start3A_2223, %multiple_of3A_2202] : memref<32x1000000xf32, #tpu.memory_space<hbm>> -> memref<32x128xf32, #tpu.memory_space<hbm>>
        %dma_start3A_2225 = arith.constant 0 : i32
        %dma_start3A_2226 = arith.constant 0 : i32
        %dma_start3A_2227 = tpu.memref_slice %arg11[%dma_start3A_2217, %dma_start3A_2218, %dma_start3A_2225, %dma_start3A_2226] : memref<3x4x32x128xf32, #tpu.memory_space<vmem>> -> memref<1x1x32x128xf32, #tpu.memory_space<vmem>>
        %dma_start3A_2228 = tpu.memref_squeeze %dma_start3A_2227 : memref<1x1x32x128xf32, #tpu.memory_space<vmem>> -> memref<32x128xf32, #tpu.memory_space<vmem>>
        %dma_start3A_2229 = arith.constant 0 : i32
        %dma_start3A_2230 = tpu.memref_slice %arg5[%dma_start3A_2229, %multiple_of3A_2202] : memref<32x1000000xf32, #tpu.memory_space<hbm>> -> memref<32x128xf32, #tpu.memory_space<hbm>>
        tpu.enqueue_dma source(%dma_start3A_2230 : memref<32x128xf32, #tpu.memory_space<hbm>>) target(%dma_start3A_2228 : memref<32x128xf32, #tpu.memory_space<vmem>>) target_semaphore(%arg19 : memref<!tpu.dma_semaphore, #tpu.memory_space<semaphore_mem>>)
      } else {
      }
      %lt3A_723 = arith.constant 128 : i32
      %lt3A_724 = arith.cmpi slt, %add3A_718, %lt3A_723 : i32
      %convert_element_type3A_725 = arith.extui %lt3A_724 : i1 to i32
      %cond3A_726 = arith.constant 0 : i32
      %cond3A_727 = arith.cmpi ne, %convert_element_type3A_725, %cond3A_726 : i32
      scf.if %cond3A_727 {
        %dma_wait3A = arith.constant 0 : i32
        %dma_wait3A_1879 = arith.constant 0 : i32
        %dma_wait3A_1880 = arith.constant 0 : i32
        %dma_wait3A_1881 = arith.constant 0 : i32
        %dma_wait3A_1882 = tpu.memref_slice %arg10[%dma_wait3A, %dma_wait3A_1879, %dma_wait3A_1880, %dma_wait3A_1881] : memref<3x4x32x128xf32, #tpu.memory_space<vmem>> -> memref<1x4x32x128xf32, #tpu.memory_space<vmem>>
        %dma_wait3A_1883 = tpu.memref_squeeze %dma_wait3A_1882 : memref<1x4x32x128xf32, #tpu.memory_space<vmem>> -> memref<4x32x128xf32, #tpu.memory_space<vmem>>
        %dma_wait3A_1884 = arith.constant 0 : i32
        %dma_wait3A_1885 = arith.constant 0 : i32
        %dma_wait3A_1886 = tpu.memref_slice %arg4[%dma_wait3A_1884, %dma_wait3A_1885] : memref<32x1000000xf32, #tpu.memory_space<hbm>> -> memref<32x512xf32, #tpu.memory_space<hbm>>
        %dma_wait3A_1887 = arith.constant 0 : i32
        %dma_wait3A_1888 = arith.constant 0 : i32
        %dma_wait3A_1889 = arith.constant 0 : i32
        %dma_wait3A_1890 = tpu.memref_slice %arg10[%dma_wait3A, %dma_wait3A_1887, %dma_wait3A_1888, %dma_wait3A_1889] : memref<3x4x32x128xf32, #tpu.memory_space<vmem>> -> memref<1x4x32x128xf32, #tpu.memory_space<vmem>>
        %dma_wait3A_1891 = tpu.memref_squeeze %dma_wait3A_1890 : memref<1x4x32x128xf32, #tpu.memory_space<vmem>> -> memref<4x32x128xf32, #tpu.memory_space<vmem>>
        %dma_wait3A_1892 = arith.constant 0 : i32
        %dma_wait3A_1893 = arith.constant 0 : i32
        %dma_wait3A_1894 = tpu.memref_slice %arg4[%dma_wait3A_1892, %dma_wait3A_1893] : memref<32x1000000xf32, #tpu.memory_space<hbm>> -> memref<32x512xf32, #tpu.memory_space<hbm>>
        tpu.wait_dma2 semaphore(%arg14 : memref<!tpu.dma_semaphore, #tpu.memory_space<semaphore_mem>>) src(%dma_wait3A_1894 : memref<32x512xf32, #tpu.memory_space<hbm>>) dst(%dma_wait3A_1891 : memref<4x32x128xf32, #tpu.memory_space<vmem>>)
        %dma_wait3A_1895 = arith.constant 0 : i32
        %dma_wait3A_1896 = arith.constant 0 : i32
        %dma_wait3A_1897 = arith.constant 0 : i32
        %dma_wait3A_1898 = arith.constant 0 : i32
        %dma_wait3A_1899 = tpu.memref_slice %arg11[%dma_wait3A_1895, %dma_wait3A_1896, %dma_wait3A_1897, %dma_wait3A_1898] : memref<3x4x32x128xf32, #tpu.memory_space<vmem>> -> memref<1x4x32x128xf32, #tpu.memory_space<vmem>>
        %dma_wait3A_1900 = tpu.memref_squeeze %dma_wait3A_1899 : memref<1x4x32x128xf32, #tpu.memory_space<vmem>> -> memref<4x32x128xf32, #tpu.memory_space<vmem>>
        %dma_wait3A_1901 = arith.constant 0 : i32
        %dma_wait3A_1902 = arith.constant 0 : i32
        %dma_wait3A_1903 = tpu.memref_slice %arg5[%dma_wait3A_1901, %dma_wait3A_1902] : memref<32x1000000xf32, #tpu.memory_space<hbm>> -> memref<32x512xf32, #tpu.memory_space<hbm>>
        %dma_wait3A_1904 = arith.constant 0 : i32
        %dma_wait3A_1905 = arith.constant 0 : i32
        %dma_wait3A_1906 = arith.constant 0 : i32
        %dma_wait3A_1907 = tpu.memref_slice %arg11[%dma_wait3A_1895, %dma_wait3A_1904, %dma_wait3A_1905, %dma_wait3A_1906] : memref<3x4x32x128xf32, #tpu.memory_space<vmem>> -> memref<1x4x32x128xf32, #tpu.memory_space<vmem>>
        %dma_wait3A_1908 = tpu.memref_squeeze %dma_wait3A_1907 : memref<1x4x32x128xf32, #tpu.memory_space<vmem>> -> memref<4x32x128xf32, #tpu.memory_space<vmem>>
        %dma_wait3A_1909 = arith.constant 0 : i32
        %dma_wait3A_1910 = arith.constant 0 : i32
        %dma_wait3A_1911 = tpu.memref_slice %arg5[%dma_wait3A_1909, %dma_wait3A_1910] : memref<32x1000000xf32, #tpu.memory_space<hbm>> -> memref<32x512xf32, #tpu.memory_space<hbm>>
        tpu.wait_dma2 semaphore(%arg17 : memref<!tpu.dma_semaphore, #tpu.memory_space<semaphore_mem>>) src(%dma_wait3A_1911 : memref<32x512xf32, #tpu.memory_space<hbm>>) dst(%dma_wait3A_1908 : memref<4x32x128xf32, #tpu.memory_space<vmem>>)
      } else {
      }
      %jit3A_728 = arith.constant 4 : i32
      %eq3A = arith.constant 0 : i32
      %eq3A_729 = arith.cmpi eq, %jit3A_728, %eq3A : i32
      %jit3A_730 = arith.constant 1 : i32
      %select_n3A_731 = arith.select %eq3A_729, %jit3A_730, %jit3A_728 : i32
      %rem3A_732 = arith.remsi %add3A_718, %select_n3A_731 : i32
      %ne3A_733 = arith.constant 0 : i32
      %ne3A_734 = arith.cmpi ne, %rem3A_732, %ne3A_733 : i32
      %lt3A_735 = arith.constant 0 : i32
      %lt3A_736 = arith.cmpi slt, %rem3A_732, %lt3A_735 : i32
      %lt3A_737 = arith.constant 0 : i32
      %lt3A_738 = arith.cmpi slt, %select_n3A_731, %lt3A_737 : i32
      %ne3A_739 = arith.xori %lt3A_736, %lt3A_738 : i1
      %and3A_740 = arith.andi %ne3A_739, %ne3A_734 : i1
      %add3A_741 = arith.addi %rem3A_732, %select_n3A_731 : i32
      %select_n3A_742 = arith.select %and3A_740, %add3A_741, %rem3A_732 : i32
      %eq3A_743 = arith.constant 0 : i32
      %eq3A_744 = arith.cmpi eq, %select_n3A_742, %eq3A_743 : i32
      %select_n3A_745 = arith.select %eq3A_744, %get3A_19, %scan3A_714 : vector<16xf32>
      %mul3A_746 = arith.constant 4 : i32
      %mul3A_747 = arith.muli %add3A_718, %mul3A_746 : i32
      %get3A_748 = arith.index_cast %mul3A_747 : i32 to index
      %get3A_749 = tpu.vector_load %arg8[%get3A_748] {strides = array<i32>} : memref<544xi32, #tpu.memory_space<vmem>>, vector<16xi32>,
      %mul3A_750 = arith.constant 4 : i32
      %mul3A_751 = arith.muli %add3A_718, %mul3A_750 : i32
      %get3A_752 = arith.index_cast %mul3A_751 : i32 to index
      %get3A_753 = tpu.vector_load %arg9[%get3A_752] {strides = array<i32>} : memref<544xi32, #tpu.memory_space<vmem>>, vector<16xi32>,
      %slice3A_754 = vector.extract_strided_slice %get3A_749 {offsets = [0], sizes = [1], strides = [1]} : vector<16xi32> to vector<1xi32>
      %squeeze3A_755 = vector.extract %slice3A_754[0] : i32 from vector<1xi32>
      %and3A_756 = arith.constant 127 : i32
      %and3A_757 = arith.andi %squeeze3A_755, %and3A_756 : i32
      %broadcast_in_dim3A_758 = vector.broadcast %and3A_757 : i32 to vector<16xi32>
      %slice3A_759 = vector.extract_strided_slice %get3A_753 {offsets = [0], sizes = [1], strides = [1]} : vector<16xi32> to vector<1xi32>
      %squeeze3A_760 = vector.extract %slice3A_759[0] : i32 from vector<1xi32>
      %and3A_761 = arith.constant 127 : i32
      %and3A_762 = arith.andi %squeeze3A_760, %and3A_761 : i32
      %broadcast_in_dim3A_763 = vector.broadcast %and3A_762 : i32 to vector<16xi32>
      %gather3A = arith.constant 0 : i32
      %gather3A_764 = arith.constant 0 : i32
      %gather3A_765 = arith.constant 0 : i32
      %gather3A_766 = arith.constant 0 : i32
      %gather3A_767 = tpu.memref_slice %arg10[%gather3A, %gather3A_764, %gather3A_765, %gather3A_766] : memref<3x4x32x128xf32, #tpu.memory_space<vmem>> -> memref<1x1x32x128xf32, #tpu.memory_space<vmem>>
      %gather3A_768 = tpu.memref_squeeze %gather3A_767 : memref<1x1x32x128xf32, #tpu.memory_space<vmem>> -> memref<32x128xf32, #tpu.memory_space<vmem>>
      %gather3A_769 = tpu.vector_load_idx %gather3A_768[%iota3A_20, %broadcast_in_dim3A_758] : memref<32x128xf32, #tpu.memory_space<vmem>>[vector<16xi32>, vector<16xi32>], vector<16xf32>,
      %add3A_770 = arith.constant 16 : i32
      %add3A_771 = vector.broadcast %add3A_770 : i32 to vector<16xi32>
      %add3A_772 = arith.addi %iota3A_20, %add3A_771 : vector<16xi32>
      %gather3A_773 = arith.constant 0 : i32
      %gather3A_774 = arith.constant 0 : i32
      %gather3A_775 = arith.constant 0 : i32
      %gather3A_776 = arith.constant 0 : i32
      %gather3A_777 = tpu.memref_slice %arg10[%gather3A_773, %gather3A_774, %gather3A_775, %gather3A_776] : memref<3x4x32x128xf32, #tpu.memory_space<vmem>> -> memref<1x1x32x128xf32, #tpu.memory_space<vmem>>
      %gather3A_778 = tpu.memref_squeeze %gather3A_777 : memref<1x1x32x128xf32, #tpu.memory_space<vmem>> -> memref<32x128xf32, #tpu.memory_space<vmem>>
      %gather3A_779 = tpu.vector_load_idx %gather3A_778[%add3A_772, %broadcast_in_dim3A_758] : memref<32x128xf32, #tpu.memory_space<vmem>>[vector<16xi32>, vector<16xi32>], vector<16xf32>,
      %gather3A_780 = arith.constant 0 : i32
      %gather3A_781 = arith.constant 0 : i32
      %gather3A_782 = arith.constant 0 : i32
      %gather3A_783 = arith.constant 0 : i32
      %gather3A_784 = tpu.memref_slice %arg11[%gather3A_780, %gather3A_781, %gather3A_782, %gather3A_783] : memref<3x4x32x128xf32, #tpu.memory_space<vmem>> -> memref<1x1x32x128xf32, #tpu.memory_space<vmem>>
      %gather3A_785 = tpu.memref_squeeze %gather3A_784 : memref<1x1x32x128xf32, #tpu.memory_space<vmem>> -> memref<32x128xf32, #tpu.memory_space<vmem>>
      %gather3A_786 = tpu.vector_load_idx %gather3A_785[%iota3A_20, %broadcast_in_dim3A_763] : memref<32x128xf32, #tpu.memory_space<vmem>>[vector<16xi32>, vector<16xi32>], vector<16xf32>,
      %add3A_787 = arith.constant 16 : i32
      %add3A_788 = vector.broadcast %add3A_787 : i32 to vector<16xi32>
      %add3A_789 = arith.addi %iota3A_20, %add3A_788 : vector<16xi32>
      %gather3A_790 = arith.constant 0 : i32
      %gather3A_791 = arith.constant 0 : i32
      %gather3A_792 = arith.constant 0 : i32
      %gather3A_793 = arith.constant 0 : i32
      %gather3A_794 = tpu.memref_slice %arg11[%gather3A_790, %gather3A_791, %gather3A_792, %gather3A_793] : memref<3x4x32x128xf32, #tpu.memory_space<vmem>> -> memref<1x1x32x128xf32, #tpu.memory_space<vmem>>
      %gather3A_795 = tpu.memref_squeeze %gather3A_794 : memref<1x1x32x128xf32, #tpu.memory_space<vmem>> -> memref<32x128xf32, #tpu.memory_space<vmem>>
      %gather3A_796 = tpu.vector_load_idx %gather3A_795[%add3A_789, %broadcast_in_dim3A_763] : memref<32x128xf32, #tpu.memory_space<vmem>>[vector<16xi32>, vector<16xi32>], vector<16xf32>,
      %mul3A_797 = arith.mulf %gather3A_769, %get3A_3 : vector<16xf32>
      %mul3A_798 = arith.mulf %gather3A_779, %get3A_7 : vector<16xf32>
      %add3A_799 = arith.addf %mul3A_797, %mul3A_798 : vector<16xf32>
      %mul3A_800 = arith.mulf %gather3A_786, %get3A_11 : vector<16xf32>
      %add3A_801 = arith.addf %add3A_799, %mul3A_800 : vector<16xf32>
      %mul3A_802 = arith.mulf %gather3A_796, %get3A_15 : vector<16xf32>
      %add3A_803 = arith.addf %add3A_801, %mul3A_802 : vector<16xf32>
      %jit3A_804 = arith.constant 4 : i32
      %eq3A_805 = arith.constant 0 : i32
      %eq3A_806 = arith.cmpi eq, %jit3A_804, %eq3A_805 : i32
      %jit3A_807 = arith.constant 1 : i32
      %select_n3A_808 = arith.select %eq3A_806, %jit3A_807, %jit3A_804 : i32
      %rem3A_809 = arith.remsi %add3A_718, %select_n3A_808 : i32
      %ne3A_810 = arith.constant 0 : i32
      %ne3A_811 = arith.cmpi ne, %rem3A_809, %ne3A_810 : i32
      %lt3A_812 = arith.constant 0 : i32
      %lt3A_813 = arith.cmpi slt, %rem3A_809, %lt3A_812 : i32
      %lt3A_814 = arith.constant 0 : i32
      %lt3A_815 = arith.cmpi slt, %select_n3A_808, %lt3A_814 : i32
      %ne3A_816 = arith.xori %lt3A_813, %lt3A_815 : i1
      %and3A_817 = arith.andi %ne3A_816, %ne3A_811 : i1
      %add3A_818 = arith.addi %rem3A_809, %select_n3A_808 : i32
      %select_n3A_819 = arith.select %and3A_817, %add3A_818, %rem3A_809 : i32
      %mul3A_820 = arith.constant 4 : i32
      %mul3A_821 = arith.muli %select_n3A_819, %mul3A_820 : i32
      %add3A_822 = arith.constant 0 : i32
      %add3A_823 = arith.addi %mul3A_821, %add3A_822 : i32
      %eq3A_824 = vector.broadcast %add3A_823 : i32 to vector<16xi32>
      %eq3A_825 = arith.cmpi eq, %iota3A, %eq3A_824 : vector<16xi32>
      %reduce_sum3A = arith.constant true
      %reduce_sum3A_826 = vector.broadcast %reduce_sum3A : i1 to vector<16xi1>
      %reduce_sum3A_827 = tpu.scan <sum>, %add3A_803 masked %reduce_sum3A_826 : vector<16xf32>, vector<16xi1> -> vector<16xf32>
      %reduce_sum3A_828 = vector.extract %reduce_sum3A_827[15] : f32 from vector<16xf32>
      %add3A_829 = vector.broadcast %reduce_sum3A_828 : f32 to vector<16xf32>
      %add3A_830 = arith.addf %select_n3A_745, %add3A_829 : vector<16xf32>
      %select_n3A_831 = arith.select %eq3A_825, %add3A_830, %select_n3A_745 : vector<16xi1>, vector<16xf32>
      %slice3A_832 = vector.extract_strided_slice %get3A_749 {offsets = [1], sizes = [1], strides = [1]} : vector<16xi32> to vector<1xi32>
      %squeeze3A_833 = vector.extract %slice3A_832[0] : i32 from vector<1xi32>
      %and3A_834 = arith.constant 127 : i32
      %and3A_835 = arith.andi %squeeze3A_833, %and3A_834 : i32
      %broadcast_in_dim3A_836 = vector.broadcast %and3A_835 : i32 to vector<16xi32>
      %slice3A_837 = vector.extract_strided_slice %get3A_753 {offsets = [1], sizes = [1], strides = [1]} : vector<16xi32> to vector<1xi32>
      %squeeze3A_838 = vector.extract %slice3A_837[0] : i32 from vector<1xi32>
      %and3A_839 = arith.constant 127 : i32
      %and3A_840 = arith.andi %squeeze3A_838, %and3A_839 : i32
      %broadcast_in_dim3A_841 = vector.broadcast %and3A_840 : i32 to vector<16xi32>
      %gather3A_842 = arith.constant 0 : i32
      %gather3A_843 = arith.constant 1 : i32
      %gather3A_844 = arith.constant 0 : i32
      %gather3A_845 = arith.constant 0 : i32
      %gather3A_846 = tpu.memref_slice %arg10[%gather3A_842, %gather3A_843, %gather3A_844, %gather3A_845] : memref<3x4x32x128xf32, #tpu.memory_space<vmem>> -> memref<1x1x32x128xf32, #tpu.memory_space<vmem>>
      %gather3A_847 = tpu.memref_squeeze %gather3A_846 : memref<1x1x32x128xf32, #tpu.memory_space<vmem>> -> memref<32x128xf32, #tpu.memory_space<vmem>>
      %gather3A_848 = tpu.vector_load_idx %gather3A_847[%iota3A_20, %broadcast_in_dim3A_836] : memref<32x128xf32, #tpu.memory_space<vmem>>[vector<16xi32>, vector<16xi32>], vector<16xf32>,
      %add3A_849 = arith.constant 16 : i32
      %add3A_850 = vector.broadcast %add3A_849 : i32 to vector<16xi32>
      %add3A_851 = arith.addi %iota3A_20, %add3A_850 : vector<16xi32>
      %gather3A_852 = arith.constant 0 : i32
      %gather3A_853 = arith.constant 1 : i32
      %gather3A_854 = arith.constant 0 : i32
      %gather3A_855 = arith.constant 0 : i32
      %gather3A_856 = tpu.memref_slice %arg10[%gather3A_852, %gather3A_853, %gather3A_854, %gather3A_855] : memref<3x4x32x128xf32, #tpu.memory_space<vmem>> -> memref<1x1x32x128xf32, #tpu.memory_space<vmem>>
      %gather3A_857 = tpu.memref_squeeze %gather3A_856 : memref<1x1x32x128xf32, #tpu.memory_space<vmem>> -> memref<32x128xf32, #tpu.memory_space<vmem>>
      %gather3A_858 = tpu.vector_load_idx %gather3A_857[%add3A_851, %broadcast_in_dim3A_836] : memref<32x128xf32, #tpu.memory_space<vmem>>[vector<16xi32>, vector<16xi32>], vector<16xf32>,
      %gather3A_859 = arith.constant 0 : i32
      %gather3A_860 = arith.constant 1 : i32
      %gather3A_861 = arith.constant 0 : i32
      %gather3A_862 = arith.constant 0 : i32
      %gather3A_863 = tpu.memref_slice %arg11[%gather3A_859, %gather3A_860, %gather3A_861, %gather3A_862] : memref<3x4x32x128xf32, #tpu.memory_space<vmem>> -> memref<1x1x32x128xf32, #tpu.memory_space<vmem>>
      %gather3A_864 = tpu.memref_squeeze %gather3A_863 : memref<1x1x32x128xf32, #tpu.memory_space<vmem>> -> memref<32x128xf32, #tpu.memory_space<vmem>>
      %gather3A_865 = tpu.vector_load_idx %gather3A_864[%iota3A_20, %broadcast_in_dim3A_841] : memref<32x128xf32, #tpu.memory_space<vmem>>[vector<16xi32>, vector<16xi32>], vector<16xf32>,
      %add3A_866 = arith.constant 16 : i32
      %add3A_867 = vector.broadcast %add3A_866 : i32 to vector<16xi32>
      %add3A_868 = arith.addi %iota3A_20, %add3A_867 : vector<16xi32>
      %gather3A_869 = arith.constant 0 : i32
      %gather3A_870 = arith.constant 1 : i32
      %gather3A_871 = arith.constant 0 : i32
      %gather3A_872 = arith.constant 0 : i32
      %gather3A_873 = tpu.memref_slice %arg11[%gather3A_869, %gather3A_870, %gather3A_871, %gather3A_872] : memref<3x4x32x128xf32, #tpu.memory_space<vmem>> -> memref<1x1x32x128xf32, #tpu.memory_space<vmem>>
      %gather3A_874 = tpu.memref_squeeze %gather3A_873 : memref<1x1x32x128xf32, #tpu.memory_space<vmem>> -> memref<32x128xf32, #tpu.memory_space<vmem>>
      %gather3A_875 = tpu.vector_load_idx %gather3A_874[%add3A_868, %broadcast_in_dim3A_841] : memref<32x128xf32, #tpu.memory_space<vmem>>[vector<16xi32>, vector<16xi32>], vector<16xf32>,
      %mul3A_876 = arith.mulf %gather3A_848, %get3A_3 : vector<16xf32>
      %mul3A_877 = arith.mulf %gather3A_858, %get3A_7 : vector<16xf32>
      %add3A_878 = arith.addf %mul3A_876, %mul3A_877 : vector<16xf32>
      %mul3A_879 = arith.mulf %gather3A_865, %get3A_11 : vector<16xf32>
      %add3A_880 = arith.addf %add3A_878, %mul3A_879 : vector<16xf32>
      %mul3A_881 = arith.mulf %gather3A_875, %get3A_15 : vector<16xf32>
      %add3A_882 = arith.addf %add3A_880, %mul3A_881 : vector<16xf32>
      %jit3A_883 = arith.constant 4 : i32
      %eq3A_884 = arith.constant 0 : i32
      %eq3A_885 = arith.cmpi eq, %jit3A_883, %eq3A_884 : i32
      %jit3A_886 = arith.constant 1 : i32
      %select_n3A_887 = arith.select %eq3A_885, %jit3A_886, %jit3A_883 : i32
      %rem3A_888 = arith.remsi %add3A_718, %select_n3A_887 : i32
      %ne3A_889 = arith.constant 0 : i32
      %ne3A_890 = arith.cmpi ne, %rem3A_888, %ne3A_889 : i32
      %lt3A_891 = arith.constant 0 : i32
      %lt3A_892 = arith.cmpi slt, %rem3A_888, %lt3A_891 : i32
      %lt3A_893 = arith.constant 0 : i32
      %lt3A_894 = arith.cmpi slt, %select_n3A_887, %lt3A_893 : i32
      %ne3A_895 = arith.xori %lt3A_892, %lt3A_894 : i1
      %and3A_896 = arith.andi %ne3A_895, %ne3A_890 : i1
      %add3A_897 = arith.addi %rem3A_888, %select_n3A_887 : i32
      %select_n3A_898 = arith.select %and3A_896, %add3A_897, %rem3A_888 : i32
      %mul3A_899 = arith.constant 4 : i32
      %mul3A_900 = arith.muli %select_n3A_898, %mul3A_899 : i32
      %add3A_901 = arith.constant 1 : i32
      %add3A_902 = arith.addi %mul3A_900, %add3A_901 : i32
      %eq3A_903 = vector.broadcast %add3A_902 : i32 to vector<16xi32>
      %eq3A_904 = arith.cmpi eq, %iota3A, %eq3A_903 : vector<16xi32>
      %reduce_sum3A_905 = arith.constant true
      %reduce_sum3A_906 = vector.broadcast %reduce_sum3A_905 : i1 to vector<16xi1>
      %reduce_sum3A_907 = tpu.scan <sum>, %add3A_882 masked %reduce_sum3A_906 : vector<16xf32>, vector<16xi1> -> vector<16xf32>
      %reduce_sum3A_908 = vector.extract %reduce_sum3A_907[15] : f32 from vector<16xf32>
      %add3A_909 = vector.broadcast %reduce_sum3A_908 : f32 to vector<16xf32>
      %add3A_910 = arith.addf %select_n3A_831, %add3A_909 : vector<16xf32>
      %select_n3A_911 = arith.select %eq3A_904, %add3A_910, %select_n3A_831 : vector<16xi1>, vector<16xf32>
      %slice3A_912 = vector.extract_strided_slice %get3A_749 {offsets = [2], sizes = [1], strides = [1]} : vector<16xi32> to vector<1xi32>
      %squeeze3A_913 = vector.extract %slice3A_912[0] : i32 from vector<1xi32>
      %and3A_914 = arith.constant 127 : i32
      %and3A_915 = arith.andi %squeeze3A_913, %and3A_914 : i32
      %broadcast_in_dim3A_916 = vector.broadcast %and3A_915 : i32 to vector<16xi32>
      %slice3A_917 = vector.extract_strided_slice %get3A_753 {offsets = [2], sizes = [1], strides = [1]} : vector<16xi32> to vector<1xi32>
      %squeeze3A_918 = vector.extract %slice3A_917[0] : i32 from vector<1xi32>
      %and3A_919 = arith.constant 127 : i32
      %and3A_920 = arith.andi %squeeze3A_918, %and3A_919 : i32
      %broadcast_in_dim3A_921 = vector.broadcast %and3A_920 : i32 to vector<16xi32>
      %gather3A_922 = arith.constant 0 : i32
      %gather3A_923 = arith.constant 2 : i32
      %gather3A_924 = arith.constant 0 : i32
      %gather3A_925 = arith.constant 0 : i32
      %gather3A_926 = tpu.memref_slice %arg10[%gather3A_922, %gather3A_923, %gather3A_924, %gather3A_925] : memref<3x4x32x128xf32, #tpu.memory_space<vmem>> -> memref<1x1x32x128xf32, #tpu.memory_space<vmem>>
      %gather3A_927 = tpu.memref_squeeze %gather3A_926 : memref<1x1x32x128xf32, #tpu.memory_space<vmem>> -> memref<32x128xf32, #tpu.memory_space<vmem>>
      %gather3A_928 = tpu.vector_load_idx %gather3A_927[%iota3A_20, %broadcast_in_dim3A_916] : memref<32x128xf32, #tpu.memory_space<vmem>>[vector<16xi32>, vector<16xi32>], vector<16xf32>,
      %add3A_929 = arith.constant 16 : i32
      %add3A_930 = vector.broadcast %add3A_929 : i32 to vector<16xi32>
      %add3A_931 = arith.addi %iota3A_20, %add3A_930 : vector<16xi32>
      %gather3A_932 = arith.constant 0 : i32
      %gather3A_933 = arith.constant 2 : i32
      %gather3A_934 = arith.constant 0 : i32
      %gather3A_935 = arith.constant 0 : i32
      %gather3A_936 = tpu.memref_slice %arg10[%gather3A_932, %gather3A_933, %gather3A_934, %gather3A_935] : memref<3x4x32x128xf32, #tpu.memory_space<vmem>> -> memref<1x1x32x128xf32, #tpu.memory_space<vmem>>
      %gather3A_937 = tpu.memref_squeeze %gather3A_936 : memref<1x1x32x128xf32, #tpu.memory_space<vmem>> -> memref<32x128xf32, #tpu.memory_space<vmem>>
      %gather3A_938 = tpu.vector_load_idx %gather3A_937[%add3A_931, %broadcast_in_dim3A_916] : memref<32x128xf32, #tpu.memory_space<vmem>>[vector<16xi32>, vector<16xi32>], vector<16xf32>,
      %gather3A_939 = arith.constant 0 : i32
      %gather3A_940 = arith.constant 2 : i32
      %gather3A_941 = arith.constant 0 : i32
      %gather3A_942 = arith.constant 0 : i32
      %gather3A_943 = tpu.memref_slice %arg11[%gather3A_939, %gather3A_940, %gather3A_941, %gather3A_942] : memref<3x4x32x128xf32, #tpu.memory_space<vmem>> -> memref<1x1x32x128xf32, #tpu.memory_space<vmem>>
      %gather3A_944 = tpu.memref_squeeze %gather3A_943 : memref<1x1x32x128xf32, #tpu.memory_space<vmem>> -> memref<32x128xf32, #tpu.memory_space<vmem>>
      %gather3A_945 = tpu.vector_load_idx %gather3A_944[%iota3A_20, %broadcast_in_dim3A_921] : memref<32x128xf32, #tpu.memory_space<vmem>>[vector<16xi32>, vector<16xi32>], vector<16xf32>,
      %add3A_946 = arith.constant 16 : i32
      %add3A_947 = vector.broadcast %add3A_946 : i32 to vector<16xi32>
      %add3A_948 = arith.addi %iota3A_20, %add3A_947 : vector<16xi32>
      %gather3A_949 = arith.constant 0 : i32
      %gather3A_950 = arith.constant 2 : i32
      %gather3A_951 = arith.constant 0 : i32
      %gather3A_952 = arith.constant 0 : i32
      %gather3A_953 = tpu.memref_slice %arg11[%gather3A_949, %gather3A_950, %gather3A_951, %gather3A_952] : memref<3x4x32x128xf32, #tpu.memory_space<vmem>> -> memref<1x1x32x128xf32, #tpu.memory_space<vmem>>
      %gather3A_954 = tpu.memref_squeeze %gather3A_953 : memref<1x1x32x128xf32, #tpu.memory_space<vmem>> -> memref<32x128xf32, #tpu.memory_space<vmem>>
      %gather3A_955 = tpu.vector_load_idx %gather3A_954[%add3A_948, %broadcast_in_dim3A_921] : memref<32x128xf32, #tpu.memory_space<vmem>>[vector<16xi32>, vector<16xi32>], vector<16xf32>,
      %mul3A_956 = arith.mulf %gather3A_928, %get3A_3 : vector<16xf32>
      %mul3A_957 = arith.mulf %gather3A_938, %get3A_7 : vector<16xf32>
      %add3A_958 = arith.addf %mul3A_956, %mul3A_957 : vector<16xf32>
      %mul3A_959 = arith.mulf %gather3A_945, %get3A_11 : vector<16xf32>
      %add3A_960 = arith.addf %add3A_958, %mul3A_959 : vector<16xf32>
      %mul3A_961 = arith.mulf %gather3A_955, %get3A_15 : vector<16xf32>
      %add3A_962 = arith.addf %add3A_960, %mul3A_961 : vector<16xf32>
      %jit3A_963 = arith.constant 4 : i32
      %eq3A_964 = arith.constant 0 : i32
      %eq3A_965 = arith.cmpi eq, %jit3A_963, %eq3A_964 : i32
      %jit3A_966 = arith.constant 1 : i32
      %select_n3A_967 = arith.select %eq3A_965, %jit3A_966, %jit3A_963 : i32
      %rem3A_968 = arith.remsi %add3A_718, %select_n3A_967 : i32
      %ne3A_969 = arith.constant 0 : i32
      %ne3A_970 = arith.cmpi ne, %rem3A_968, %ne3A_969 : i32
      %lt3A_971 = arith.constant 0 : i32
      %lt3A_972 = arith.cmpi slt, %rem3A_968, %lt3A_971 : i32
      %lt3A_973 = arith.constant 0 : i32
      %lt3A_974 = arith.cmpi slt, %select_n3A_967, %lt3A_973 : i32
      %ne3A_975 = arith.xori %lt3A_972, %lt3A_974 : i1
      %and3A_976 = arith.andi %ne3A_975, %ne3A_970 : i1
      %add3A_977 = arith.addi %rem3A_968, %select_n3A_967 : i32
      %select_n3A_978 = arith.select %and3A_976, %add3A_977, %rem3A_968 : i32
      %mul3A_979 = arith.constant 4 : i32
      %mul3A_980 = arith.muli %select_n3A_978, %mul3A_979 : i32
      %add3A_981 = arith.constant 2 : i32
      %add3A_982 = arith.addi %mul3A_980, %add3A_981 : i32
      %eq3A_983 = vector.broadcast %add3A_982 : i32 to vector<16xi32>
      %eq3A_984 = arith.cmpi eq, %iota3A, %eq3A_983 : vector<16xi32>
      %reduce_sum3A_985 = arith.constant true
      %reduce_sum3A_986 = vector.broadcast %reduce_sum3A_985 : i1 to vector<16xi1>
      %reduce_sum3A_987 = tpu.scan <sum>, %add3A_962 masked %reduce_sum3A_986 : vector<16xf32>, vector<16xi1> -> vector<16xf32>
      %reduce_sum3A_988 = vector.extract %reduce_sum3A_987[15] : f32 from vector<16xf32>
      %add3A_989 = vector.broadcast %reduce_sum3A_988 : f32 to vector<16xf32>
      %add3A_990 = arith.addf %select_n3A_911, %add3A_989 : vector<16xf32>
      %select_n3A_991 = arith.select %eq3A_984, %add3A_990, %select_n3A_911 : vector<16xi1>, vector<16xf32>
      %slice3A_992 = vector.extract_strided_slice %get3A_749 {offsets = [3], sizes = [1], strides = [1]} : vector<16xi32> to vector<1xi32>
      %squeeze3A_993 = vector.extract %slice3A_992[0] : i32 from vector<1xi32>
      %and3A_994 = arith.constant 127 : i32
      %and3A_995 = arith.andi %squeeze3A_993, %and3A_994 : i32
      %broadcast_in_dim3A_996 = vector.broadcast %and3A_995 : i32 to vector<16xi32>
      %slice3A_997 = vector.extract_strided_slice %get3A_753 {offsets = [3], sizes = [1], strides = [1]} : vector<16xi32> to vector<1xi32>
      %squeeze3A_998 = vector.extract %slice3A_997[0] : i32 from vector<1xi32>
      %and3A_999 = arith.constant 127 : i32
      %and3A_1000 = arith.andi %squeeze3A_998, %and3A_999 : i32
      %broadcast_in_dim3A_1001 = vector.broadcast %and3A_1000 : i32 to vector<16xi32>
      %gather3A_1002 = arith.constant 0 : i32
      %gather3A_1003 = arith.constant 3 : i32
      %gather3A_1004 = arith.constant 0 : i32
      %gather3A_1005 = arith.constant 0 : i32
      %gather3A_1006 = tpu.memref_slice %arg10[%gather3A_1002, %gather3A_1003, %gather3A_1004, %gather3A_1005] : memref<3x4x32x128xf32, #tpu.memory_space<vmem>> -> memref<1x1x32x128xf32, #tpu.memory_space<vmem>>
      %gather3A_1007 = tpu.memref_squeeze %gather3A_1006 : memref<1x1x32x128xf32, #tpu.memory_space<vmem>> -> memref<32x128xf32, #tpu.memory_space<vmem>>
      %gather3A_1008 = tpu.vector_load_idx %gather3A_1007[%iota3A_20, %broadcast_in_dim3A_996] : memref<32x128xf32, #tpu.memory_space<vmem>>[vector<16xi32>, vector<16xi32>], vector<16xf32>,
      %add3A_1009 = arith.constant 16 : i32
      %add3A_1010 = vector.broadcast %add3A_1009 : i32 to vector<16xi32>
      %add3A_1011 = arith.addi %iota3A_20, %add3A_1010 : vector<16xi32>
      %gather3A_1012 = arith.constant 0 : i32
      %gather3A_1013 = arith.constant 3 : i32
      %gather3A_1014 = arith.constant 0 : i32
      %gather3A_1015 = arith.constant 0 : i32
      %gather3A_1016 = tpu.memref_slice %arg10[%gather3A_1012, %gather3A_1013, %gather3A_1014, %gather3A_1015] : memref<3x4x32x128xf32, #tpu.memory_space<vmem>> -> memref<1x1x32x128xf32, #tpu.memory_space<vmem>>
      %gather3A_1017 = tpu.memref_squeeze %gather3A_1016 : memref<1x1x32x128xf32, #tpu.memory_space<vmem>> -> memref<32x128xf32, #tpu.memory_space<vmem>>
      %gather3A_1018 = tpu.vector_load_idx %gather3A_1017[%add3A_1011, %broadcast_in_dim3A_996] : memref<32x128xf32, #tpu.memory_space<vmem>>[vector<16xi32>, vector<16xi32>], vector<16xf32>,
      %gather3A_1019 = arith.constant 0 : i32
      %gather3A_1020 = arith.constant 3 : i32
      %gather3A_1021 = arith.constant 0 : i32
      %gather3A_1022 = arith.constant 0 : i32
      %gather3A_1023 = tpu.memref_slice %arg11[%gather3A_1019, %gather3A_1020, %gather3A_1021, %gather3A_1022] : memref<3x4x32x128xf32, #tpu.memory_space<vmem>> -> memref<1x1x32x128xf32, #tpu.memory_space<vmem>>
      %gather3A_1024 = tpu.memref_squeeze %gather3A_1023 : memref<1x1x32x128xf32, #tpu.memory_space<vmem>> -> memref<32x128xf32, #tpu.memory_space<vmem>>
      %gather3A_1025 = tpu.vector_load_idx %gather3A_1024[%iota3A_20, %broadcast_in_dim3A_1001] : memref<32x128xf32, #tpu.memory_space<vmem>>[vector<16xi32>, vector<16xi32>], vector<16xf32>,
      %add3A_1026 = arith.constant 16 : i32
      %add3A_1027 = vector.broadcast %add3A_1026 : i32 to vector<16xi32>
      %add3A_1028 = arith.addi %iota3A_20, %add3A_1027 : vector<16xi32>
      %gather3A_1029 = arith.constant 0 : i32
      %gather3A_1030 = arith.constant 3 : i32
      %gather3A_1031 = arith.constant 0 : i32
      %gather3A_1032 = arith.constant 0 : i32
      %gather3A_1033 = tpu.memref_slice %arg11[%gather3A_1029, %gather3A_1030, %gather3A_1031, %gather3A_1032] : memref<3x4x32x128xf32, #tpu.memory_space<vmem>> -> memref<1x1x32x128xf32, #tpu.memory_space<vmem>>
      %gather3A_1034 = tpu.memref_squeeze %gather3A_1033 : memref<1x1x32x128xf32, #tpu.memory_space<vmem>> -> memref<32x128xf32, #tpu.memory_space<vmem>>
      %gather3A_1035 = tpu.vector_load_idx %gather3A_1034[%add3A_1028, %broadcast_in_dim3A_1001] : memref<32x128xf32, #tpu.memory_space<vmem>>[vector<16xi32>, vector<16xi32>], vector<16xf32>,
      %mul3A_1036 = arith.mulf %gather3A_1008, %get3A_3 : vector<16xf32>
      %mul3A_1037 = arith.mulf %gather3A_1018, %get3A_7 : vector<16xf32>
      %add3A_1038 = arith.addf %mul3A_1036, %mul3A_1037 : vector<16xf32>
      %mul3A_1039 = arith.mulf %gather3A_1025, %get3A_11 : vector<16xf32>
      %add3A_1040 = arith.addf %add3A_1038, %mul3A_1039 : vector<16xf32>
      %mul3A_1041 = arith.mulf %gather3A_1035, %get3A_15 : vector<16xf32>
      %add3A_1042 = arith.addf %add3A_1040, %mul3A_1041 : vector<16xf32>
      %jit3A_1043 = arith.constant 4 : i32
      %eq3A_1044 = arith.constant 0 : i32
      %eq3A_1045 = arith.cmpi eq, %jit3A_1043, %eq3A_1044 : i32
      %jit3A_1046 = arith.constant 1 : i32
      %select_n3A_1047 = arith.select %eq3A_1045, %jit3A_1046, %jit3A_1043 : i32
      %rem3A_1048 = arith.remsi %add3A_718, %select_n3A_1047 : i32
      %ne3A_1049 = arith.constant 0 : i32
      %ne3A_1050 = arith.cmpi ne, %rem3A_1048, %ne3A_1049 : i32
      %lt3A_1051 = arith.constant 0 : i32
      %lt3A_1052 = arith.cmpi slt, %rem3A_1048, %lt3A_1051 : i32
      %lt3A_1053 = arith.constant 0 : i32
      %lt3A_1054 = arith.cmpi slt, %select_n3A_1047, %lt3A_1053 : i32
      %ne3A_1055 = arith.xori %lt3A_1052, %lt3A_1054 : i1
      %and3A_1056 = arith.andi %ne3A_1055, %ne3A_1050 : i1
      %add3A_1057 = arith.addi %rem3A_1048, %select_n3A_1047 : i32
      %select_n3A_1058 = arith.select %and3A_1056, %add3A_1057, %rem3A_1048 : i32
      %mul3A_1059 = arith.constant 4 : i32
      %mul3A_1060 = arith.muli %select_n3A_1058, %mul3A_1059 : i32
      %add3A_1061 = arith.constant 3 : i32
      %add3A_1062 = arith.addi %mul3A_1060, %add3A_1061 : i32
      %eq3A_1063 = vector.broadcast %add3A_1062 : i32 to vector<16xi32>
      %eq3A_1064 = arith.cmpi eq, %iota3A, %eq3A_1063 : vector<16xi32>
      %reduce_sum3A_1065 = arith.constant true
      %reduce_sum3A_1066 = vector.broadcast %reduce_sum3A_1065 : i1 to vector<16xi1>
      %reduce_sum3A_1067 = tpu.scan <sum>, %add3A_1042 masked %reduce_sum3A_1066 : vector<16xf32>, vector<16xi1> -> vector<16xf32>
      %reduce_sum3A_1068 = vector.extract %reduce_sum3A_1067[15] : f32 from vector<16xf32>
      %add3A_1069 = vector.broadcast %reduce_sum3A_1068 : f32 to vector<16xf32>
      %add3A_1070 = arith.addf %select_n3A_991, %add3A_1069 : vector<16xf32>
      %select_n3A_1071 = arith.select %eq3A_1064, %add3A_1070, %select_n3A_991 : vector<16xi1>, vector<16xf32>
      %jit3A_1072 = arith.constant 4 : i32
      %eq3A_1073 = arith.constant 0 : i32
      %eq3A_1074 = arith.cmpi eq, %jit3A_1072, %eq3A_1073 : i32
      %jit3A_1075 = arith.constant 1 : i32
      %select_n3A_1076 = arith.select %eq3A_1074, %jit3A_1075, %jit3A_1072 : i32
      %rem3A_1077 = arith.remsi %add3A_718, %select_n3A_1076 : i32
      %ne3A_1078 = arith.constant 0 : i32
      %ne3A_1079 = arith.cmpi ne, %rem3A_1077, %ne3A_1078 : i32
      %lt3A_1080 = arith.constant 0 : i32
      %lt3A_1081 = arith.cmpi slt, %rem3A_1077, %lt3A_1080 : i32
      %lt3A_1082 = arith.constant 0 : i32
      %lt3A_1083 = arith.cmpi slt, %select_n3A_1076, %lt3A_1082 : i32
      %ne3A_1084 = arith.xori %lt3A_1081, %lt3A_1083 : i1
      %and3A_1085 = arith.andi %ne3A_1084, %ne3A_1079 : i1
      %add3A_1086 = arith.addi %rem3A_1077, %select_n3A_1076 : i32
      %select_n3A_1087 = arith.select %and3A_1085, %add3A_1086, %rem3A_1077 : i32
      %eq3A_1088 = arith.constant 3 : i32
      %eq3A_1089 = arith.cmpi eq, %select_n3A_1087, %eq3A_1088 : i32
      %lt3A_1090 = arith.constant 128 : i32
      %lt3A_1091 = arith.cmpi slt, %add3A_718, %lt3A_1090 : i32
      %and3A_1092 = arith.andi %eq3A_1089, %lt3A_1091 : i1
      %convert_element_type3A_1093 = arith.extui %and3A_1092 : i1 to i32
      %cond3A_1094 = arith.constant 0 : i32
      %cond3A_1095 = arith.cmpi ne, %convert_element_type3A_1093, %cond3A_1094 : i32
      scf.if %cond3A_1095 {
        %neg3A = arith.constant 0.000000e+00 : f32
        %neg3A_1879 = vector.broadcast %neg3A : f32 to vector<16xf32>
        %neg3A_1880 = arith.subf %neg3A_1879, %select_n3A_1071 : vector<16xf32>
        %exp3A = math.exp %neg3A_1880 : vector<16xf32>
        %add3A_1881 = arith.constant 1.000000e+00 : f32
        %add3A_1882 = vector.broadcast %add3A_1881 : f32 to vector<16xf32>
        %add3A_1883 = arith.addf %add3A_1882, %exp3A : vector<16xf32>
        %div3A_1884 = arith.constant 1.000000e+00 : f32
        %div3A_1885 = vector.broadcast %div3A_1884 : f32 to vector<16xf32>
        %div3A_1886 = arith.divf %div3A_1885, %add3A_1883 : vector<16xf32>
        %jit3A_1887 = arith.constant 4 : i32
        %div3A_1888 = arith.divsi %add3A_718, %jit3A_1887 : i32
        %sign3A_1889 = arith.constant 0 : i32
        %sign3A_1890 = arith.cmpi sgt, %add3A_718, %sign3A_1889 : i32
        %sign3A_1891 = arith.extui %sign3A_1890 : i1 to i32
        %sign3A_1892 = arith.constant 0 : i32
        %sign3A_1893 = arith.cmpi slt, %add3A_718, %sign3A_1892 : i32
        %sign3A_1894 = arith.extui %sign3A_1893 : i1 to i32
        %sign3A_1895 = arith.subi %sign3A_1891, %sign3A_1894 : i32
        %sign3A_1896 = arith.constant 0 : i32
        %sign3A_1897 = arith.cmpi sgt, %jit3A_1887, %sign3A_1896 : i32
        %sign3A_1898 = arith.extui %sign3A_1897 : i1 to i32
        %sign3A_1899 = arith.constant 0 : i32
        %sign3A_1900 = arith.cmpi slt, %jit3A_1887, %sign3A_1899 : i32
        %sign3A_1901 = arith.extui %sign3A_1900 : i1 to i32
        %sign3A_1902 = arith.subi %sign3A_1898, %sign3A_1901 : i32
        %ne3A_1903 = arith.cmpi ne, %sign3A_1895, %sign3A_1902 : i32
        %rem3A_1904 = arith.remsi %add3A_718, %jit3A_1887 : i32
        %ne3A_1905 = arith.constant 0 : i32
        %ne3A_1906 = arith.cmpi ne, %rem3A_1904, %ne3A_1905 : i32
        %and3A_1907 = arith.andi %ne3A_1903, %ne3A_1906 : i1
        %sub3A_1908 = arith.constant 1 : i32
        %sub3A_1909 = arith.subi %div3A_1888, %sub3A_1908 : i32
        %select_n3A_1910 = arith.select %and3A_1907, %sub3A_1909, %div3A_1888 : i32
        %mul3A_1911 = arith.constant 16 : i32
        %mul3A_1912 = arith.muli %select_n3A_1910, %mul3A_1911 : i32
        %swap3A = arith.index_cast %mul3A_1912 : i32 to index
        %swap3A_1913 = tpu.vector_load %arg12[%swap3A] {strides = array<i32>} : memref<512xf32, #tpu.memory_space<vmem>>, vector<16xf32>,
        tpu.vector_store %arg12[%swap3A], %div3A_1886 {strides = array<i32>} : memref<512xf32, #tpu.memory_space<vmem>>, vector<16xf32>,
      } else {
      }
      %lt3A_1096 = arith.constant 128 : i32
      %lt3A_1097 = arith.cmpi slt, %add3A_718, %lt3A_1096 : i32
      %select_n3A_1098 = arith.select %lt3A_1097, %select_n3A_1071, %scan3A_714 : vector<16xf32>
      %mul3A_1099 = arith.constant 3 : i32
      %mul3A_1100 = arith.muli %mul3A_1099, %scan3A_713 : i32
      %add3A_1101 = arith.constant 1 : i32
      %add3A_1102 = arith.addi %mul3A_1100, %add3A_1101 : i32
      %add3A_1103 = arith.constant 2 : i32
      %add3A_1104 = arith.addi %add3A_1102, %add3A_1103 : i32
      %lt3A_1105 = arith.constant 128 : i32
      %lt3A_1106 = arith.cmpi slt, %add3A_1104, %lt3A_1105 : i32
      %convert_element_type3A_1107 = arith.extui %lt3A_1106 : i1 to i32
      %cond3A_1108 = arith.constant 0 : i32
      %cond3A_1109 = arith.cmpi ne, %convert_element_type3A_1107, %cond3A_1108 : i32
      scf.if %cond3A_1109 {
        %mul3A_1879 = arith.constant 4 : i32
        %mul3A_1880 = arith.muli %add3A_1104, %mul3A_1879 : i32
        %get3A_1881 = arith.index_cast %mul3A_1880 : i32 to index
        %get3A_1882 = tpu.vector_load %arg8[%get3A_1881] {strides = array<i32>} : memref<544xi32, #tpu.memory_space<vmem>>, vector<16xi32>,
        %mul3A_1883 = arith.constant 4 : i32
        %mul3A_1884 = arith.muli %add3A_1104, %mul3A_1883 : i32
        %get3A_1885 = arith.index_cast %mul3A_1884 : i32 to index
        %get3A_1886 = tpu.vector_load %arg9[%get3A_1885] {strides = array<i32>} : memref<544xi32, #tpu.memory_space<vmem>>, vector<16xi32>,
        %slice3A_1887 = vector.extract_strided_slice %get3A_1882 {offsets = [0], sizes = [1], strides = [1]} : vector<16xi32> to vector<1xi32>
        %squeeze3A_1888 = vector.extract %slice3A_1887[0] : i32 from vector<1xi32>
        %jit3A_1889 = arith.constant 128 : i32
        %div3A_1890 = arith.divsi %squeeze3A_1888, %jit3A_1889 : i32
        %sign3A_1891 = arith.constant 0 : i32
        %sign3A_1892 = arith.cmpi sgt, %squeeze3A_1888, %sign3A_1891 : i32
        %sign3A_1893 = arith.extui %sign3A_1892 : i1 to i32
        %sign3A_1894 = arith.constant 0 : i32
        %sign3A_1895 = arith.cmpi slt, %squeeze3A_1888, %sign3A_1894 : i32
        %sign3A_1896 = arith.extui %sign3A_1895 : i1 to i32
        %sign3A_1897 = arith.subi %sign3A_1893, %sign3A_1896 : i32
        %sign3A_1898 = arith.constant 0 : i32
        %sign3A_1899 = arith.cmpi sgt, %jit3A_1889, %sign3A_1898 : i32
        %sign3A_1900 = arith.extui %sign3A_1899 : i1 to i32
        %sign3A_1901 = arith.constant 0 : i32
        %sign3A_1902 = arith.cmpi slt, %jit3A_1889, %sign3A_1901 : i32
        %sign3A_1903 = arith.extui %sign3A_1902 : i1 to i32
        %sign3A_1904 = arith.subi %sign3A_1900, %sign3A_1903 : i32
        %ne3A_1905 = arith.cmpi ne, %sign3A_1897, %sign3A_1904 : i32
        %rem3A_1906 = arith.remsi %squeeze3A_1888, %jit3A_1889 : i32
        %ne3A_1907 = arith.constant 0 : i32
        %ne3A_1908 = arith.cmpi ne, %rem3A_1906, %ne3A_1907 : i32
        %and3A_1909 = arith.andi %ne3A_1905, %ne3A_1908 : i1
        %sub3A_1910 = arith.constant 1 : i32
        %sub3A_1911 = arith.subi %div3A_1890, %sub3A_1910 : i32
        %select_n3A_1912 = arith.select %and3A_1909, %sub3A_1911, %div3A_1890 : i32
        %mul3A_1913 = arith.constant 128 : i32
        %mul3A_1914 = arith.muli %select_n3A_1912, %mul3A_1913 : i32
        %multiple_of3A_1915 = tpu.assume_multiple %mul3A_1914, 128 : i32
        %slice3A_1916 = vector.extract_strided_slice %get3A_1886 {offsets = [0], sizes = [1], strides = [1]} : vector<16xi32> to vector<1xi32>
        %squeeze3A_1917 = vector.extract %slice3A_1916[0] : i32 from vector<1xi32>
        %jit3A_1918 = arith.constant 128 : i32
        %div3A_1919 = arith.divsi %squeeze3A_1917, %jit3A_1918 : i32
        %sign3A_1920 = arith.constant 0 : i32
        %sign3A_1921 = arith.cmpi sgt, %squeeze3A_1917, %sign3A_1920 : i32
        %sign3A_1922 = arith.extui %sign3A_1921 : i1 to i32
        %sign3A_1923 = arith.constant 0 : i32
        %sign3A_1924 = arith.cmpi slt, %squeeze3A_1917, %sign3A_1923 : i32
        %sign3A_1925 = arith.extui %sign3A_1924 : i1 to i32
        %sign3A_1926 = arith.subi %sign3A_1922, %sign3A_1925 : i32
        %sign3A_1927 = arith.constant 0 : i32
        %sign3A_1928 = arith.cmpi sgt, %jit3A_1918, %sign3A_1927 : i32
        %sign3A_1929 = arith.extui %sign3A_1928 : i1 to i32
        %sign3A_1930 = arith.constant 0 : i32
        %sign3A_1931 = arith.cmpi slt, %jit3A_1918, %sign3A_1930 : i32
        %sign3A_1932 = arith.extui %sign3A_1931 : i1 to i32
        %sign3A_1933 = arith.subi %sign3A_1929, %sign3A_1932 : i32
        %ne3A_1934 = arith.cmpi ne, %sign3A_1926, %sign3A_1933 : i32
        %rem3A_1935 = arith.remsi %squeeze3A_1917, %jit3A_1918 : i32
        %ne3A_1936 = arith.constant 0 : i32
        %ne3A_1937 = arith.cmpi ne, %rem3A_1935, %ne3A_1936 : i32
        %and3A_1938 = arith.andi %ne3A_1934, %ne3A_1937 : i1
        %sub3A_1939 = arith.constant 1 : i32
        %sub3A_1940 = arith.subi %div3A_1919, %sub3A_1939 : i32
        %select_n3A_1941 = arith.select %and3A_1938, %sub3A_1940, %div3A_1919 : i32
        %mul3A_1942 = arith.constant 128 : i32
        %mul3A_1943 = arith.muli %select_n3A_1941, %mul3A_1942 : i32
        %multiple_of3A_1944 = tpu.assume_multiple %mul3A_1943, 128 : i32
        %dma_start3A_1945 = arith.constant 0 : i32
        %dma_start3A_1946 = arith.constant 0 : i32
        %dma_start3A_1947 = arith.constant 0 : i32
        %dma_start3A_1948 = arith.constant 0 : i32
        %dma_start3A_1949 = tpu.memref_slice %arg10[%dma_start3A_1945, %dma_start3A_1946, %dma_start3A_1947, %dma_start3A_1948] : memref<3x4x32x128xf32, #tpu.memory_space<vmem>> -> memref<1x1x32x128xf32, #tpu.memory_space<vmem>>
        %dma_start3A_1950 = tpu.memref_squeeze %dma_start3A_1949 : memref<1x1x32x128xf32, #tpu.memory_space<vmem>> -> memref<32x128xf32, #tpu.memory_space<vmem>>
        %dma_start3A_1951 = arith.constant 0 : i32
        %dma_start3A_1952 = tpu.memref_slice %arg4[%dma_start3A_1951, %multiple_of3A_1915] : memref<32x1000000xf32, #tpu.memory_space<hbm>> -> memref<32x128xf32, #tpu.memory_space<hbm>>
        %dma_start3A_1953 = arith.constant 0 : i32
        %dma_start3A_1954 = arith.constant 0 : i32
        %dma_start3A_1955 = tpu.memref_slice %arg10[%dma_start3A_1945, %dma_start3A_1946, %dma_start3A_1953, %dma_start3A_1954] : memref<3x4x32x128xf32, #tpu.memory_space<vmem>> -> memref<1x1x32x128xf32, #tpu.memory_space<vmem>>
        %dma_start3A_1956 = tpu.memref_squeeze %dma_start3A_1955 : memref<1x1x32x128xf32, #tpu.memory_space<vmem>> -> memref<32x128xf32, #tpu.memory_space<vmem>>
        %dma_start3A_1957 = arith.constant 0 : i32
        %dma_start3A_1958 = tpu.memref_slice %arg4[%dma_start3A_1957, %multiple_of3A_1915] : memref<32x1000000xf32, #tpu.memory_space<hbm>> -> memref<32x128xf32, #tpu.memory_space<hbm>>
        tpu.enqueue_dma source(%dma_start3A_1958 : memref<32x128xf32, #tpu.memory_space<hbm>>) target(%dma_start3A_1956 : memref<32x128xf32, #tpu.memory_space<vmem>>) target_semaphore(%arg14 : memref<!tpu.dma_semaphore, #tpu.memory_space<semaphore_mem>>)
        %dma_start3A_1959 = arith.constant 0 : i32
        %dma_start3A_1960 = arith.constant 0 : i32
        %dma_start3A_1961 = arith.constant 0 : i32
        %dma_start3A_1962 = arith.constant 0 : i32
        %dma_start3A_1963 = tpu.memref_slice %arg11[%dma_start3A_1959, %dma_start3A_1960, %dma_start3A_1961, %dma_start3A_1962] : memref<3x4x32x128xf32, #tpu.memory_space<vmem>> -> memref<1x1x32x128xf32, #tpu.memory_space<vmem>>
        %dma_start3A_1964 = tpu.memref_squeeze %dma_start3A_1963 : memref<1x1x32x128xf32, #tpu.memory_space<vmem>> -> memref<32x128xf32, #tpu.memory_space<vmem>>
        %dma_start3A_1965 = arith.constant 0 : i32
        %dma_start3A_1966 = tpu.memref_slice %arg5[%dma_start3A_1965, %multiple_of3A_1944] : memref<32x1000000xf32, #tpu.memory_space<hbm>> -> memref<32x128xf32, #tpu.memory_space<hbm>>
        %dma_start3A_1967 = arith.constant 0 : i32
        %dma_start3A_1968 = arith.constant 0 : i32
        %dma_start3A_1969 = tpu.memref_slice %arg11[%dma_start3A_1959, %dma_start3A_1960, %dma_start3A_1967, %dma_start3A_1968] : memref<3x4x32x128xf32, #tpu.memory_space<vmem>> -> memref<1x1x32x128xf32, #tpu.memory_space<vmem>>
        %dma_start3A_1970 = tpu.memref_squeeze %dma_start3A_1969 : memref<1x1x32x128xf32, #tpu.memory_space<vmem>> -> memref<32x128xf32, #tpu.memory_space<vmem>>
        %dma_start3A_1971 = arith.constant 0 : i32
        %dma_start3A_1972 = tpu.memref_slice %arg5[%dma_start3A_1971, %multiple_of3A_1944] : memref<32x1000000xf32, #tpu.memory_space<hbm>> -> memref<32x128xf32, #tpu.memory_space<hbm>>
        tpu.enqueue_dma source(%dma_start3A_1972 : memref<32x128xf32, #tpu.memory_space<hbm>>) target(%dma_start3A_1970 : memref<32x128xf32, #tpu.memory_space<vmem>>) target_semaphore(%arg17 : memref<!tpu.dma_semaphore, #tpu.memory_space<semaphore_mem>>)
        %slice3A_1973 = vector.extract_strided_slice %get3A_1882 {offsets = [1], sizes = [1], strides = [1]} : vector<16xi32> to vector<1xi32>
        %squeeze3A_1974 = vector.extract %slice3A_1973[0] : i32 from vector<1xi32>
        %jit3A_1975 = arith.constant 128 : i32
        %div3A_1976 = arith.divsi %squeeze3A_1974, %jit3A_1975 : i32
        %sign3A_1977 = arith.constant 0 : i32
        %sign3A_1978 = arith.cmpi sgt, %squeeze3A_1974, %sign3A_1977 : i32
        %sign3A_1979 = arith.extui %sign3A_1978 : i1 to i32
        %sign3A_1980 = arith.constant 0 : i32
        %sign3A_1981 = arith.cmpi slt, %squeeze3A_1974, %sign3A_1980 : i32
        %sign3A_1982 = arith.extui %sign3A_1981 : i1 to i32
        %sign3A_1983 = arith.subi %sign3A_1979, %sign3A_1982 : i32
        %sign3A_1984 = arith.constant 0 : i32
        %sign3A_1985 = arith.cmpi sgt, %jit3A_1975, %sign3A_1984 : i32
        %sign3A_1986 = arith.extui %sign3A_1985 : i1 to i32
        %sign3A_1987 = arith.constant 0 : i32
        %sign3A_1988 = arith.cmpi slt, %jit3A_1975, %sign3A_1987 : i32
        %sign3A_1989 = arith.extui %sign3A_1988 : i1 to i32
        %sign3A_1990 = arith.subi %sign3A_1986, %sign3A_1989 : i32
        %ne3A_1991 = arith.cmpi ne, %sign3A_1983, %sign3A_1990 : i32
        %rem3A_1992 = arith.remsi %squeeze3A_1974, %jit3A_1975 : i32
        %ne3A_1993 = arith.constant 0 : i32
        %ne3A_1994 = arith.cmpi ne, %rem3A_1992, %ne3A_1993 : i32
        %and3A_1995 = arith.andi %ne3A_1991, %ne3A_1994 : i1
        %sub3A_1996 = arith.constant 1 : i32
        %sub3A_1997 = arith.subi %div3A_1976, %sub3A_1996 : i32
        %select_n3A_1998 = arith.select %and3A_1995, %sub3A_1997, %div3A_1976 : i32
        %mul3A_1999 = arith.constant 128 : i32
        %mul3A_2000 = arith.muli %select_n3A_1998, %mul3A_1999 : i32
        %multiple_of3A_2001 = tpu.assume_multiple %mul3A_2000, 128 : i32
        %slice3A_2002 = vector.extract_strided_slice %get3A_1886 {offsets = [1], sizes = [1], strides = [1]} : vector<16xi32> to vector<1xi32>
        %squeeze3A_2003 = vector.extract %slice3A_2002[0] : i32 from vector<1xi32>
        %jit3A_2004 = arith.constant 128 : i32
        %div3A_2005 = arith.divsi %squeeze3A_2003, %jit3A_2004 : i32
        %sign3A_2006 = arith.constant 0 : i32
        %sign3A_2007 = arith.cmpi sgt, %squeeze3A_2003, %sign3A_2006 : i32
        %sign3A_2008 = arith.extui %sign3A_2007 : i1 to i32
        %sign3A_2009 = arith.constant 0 : i32
        %sign3A_2010 = arith.cmpi slt, %squeeze3A_2003, %sign3A_2009 : i32
        %sign3A_2011 = arith.extui %sign3A_2010 : i1 to i32
        %sign3A_2012 = arith.subi %sign3A_2008, %sign3A_2011 : i32
        %sign3A_2013 = arith.constant 0 : i32
        %sign3A_2014 = arith.cmpi sgt, %jit3A_2004, %sign3A_2013 : i32
        %sign3A_2015 = arith.extui %sign3A_2014 : i1 to i32
        %sign3A_2016 = arith.constant 0 : i32
        %sign3A_2017 = arith.cmpi slt, %jit3A_2004, %sign3A_2016 : i32
        %sign3A_2018 = arith.extui %sign3A_2017 : i1 to i32
        %sign3A_2019 = arith.subi %sign3A_2015, %sign3A_2018 : i32
        %ne3A_2020 = arith.cmpi ne, %sign3A_2012, %sign3A_2019 : i32
        %rem3A_2021 = arith.remsi %squeeze3A_2003, %jit3A_2004 : i32
        %ne3A_2022 = arith.constant 0 : i32
        %ne3A_2023 = arith.cmpi ne, %rem3A_2021, %ne3A_2022 : i32
        %and3A_2024 = arith.andi %ne3A_2020, %ne3A_2023 : i1
        %sub3A_2025 = arith.constant 1 : i32
        %sub3A_2026 = arith.subi %div3A_2005, %sub3A_2025 : i32
        %select_n3A_2027 = arith.select %and3A_2024, %sub3A_2026, %div3A_2005 : i32
        %mul3A_2028 = arith.constant 128 : i32
        %mul3A_2029 = arith.muli %select_n3A_2027, %mul3A_2028 : i32
        %multiple_of3A_2030 = tpu.assume_multiple %mul3A_2029, 128 : i32
        %dma_start3A_2031 = arith.constant 0 : i32
        %dma_start3A_2032 = arith.constant 1 : i32
        %dma_start3A_2033 = arith.constant 0 : i32
        %dma_start3A_2034 = arith.constant 0 : i32
        %dma_start3A_2035 = tpu.memref_slice %arg10[%dma_start3A_2031, %dma_start3A_2032, %dma_start3A_2033, %dma_start3A_2034] : memref<3x4x32x128xf32, #tpu.memory_space<vmem>> -> memref<1x1x32x128xf32, #tpu.memory_space<vmem>>
        %dma_start3A_2036 = tpu.memref_squeeze %dma_start3A_2035 : memref<1x1x32x128xf32, #tpu.memory_space<vmem>> -> memref<32x128xf32, #tpu.memory_space<vmem>>
        %dma_start3A_2037 = arith.constant 0 : i32
        %dma_start3A_2038 = tpu.memref_slice %arg4[%dma_start3A_2037, %multiple_of3A_2001] : memref<32x1000000xf32, #tpu.memory_space<hbm>> -> memref<32x128xf32, #tpu.memory_space<hbm>>
        %dma_start3A_2039 = arith.constant 0 : i32
        %dma_start3A_2040 = arith.constant 0 : i32
        %dma_start3A_2041 = tpu.memref_slice %arg10[%dma_start3A_2031, %dma_start3A_2032, %dma_start3A_2039, %dma_start3A_2040] : memref<3x4x32x128xf32, #tpu.memory_space<vmem>> -> memref<1x1x32x128xf32, #tpu.memory_space<vmem>>
        %dma_start3A_2042 = tpu.memref_squeeze %dma_start3A_2041 : memref<1x1x32x128xf32, #tpu.memory_space<vmem>> -> memref<32x128xf32, #tpu.memory_space<vmem>>
        %dma_start3A_2043 = arith.constant 0 : i32
        %dma_start3A_2044 = tpu.memref_slice %arg4[%dma_start3A_2043, %multiple_of3A_2001] : memref<32x1000000xf32, #tpu.memory_space<hbm>> -> memref<32x128xf32, #tpu.memory_space<hbm>>
        tpu.enqueue_dma source(%dma_start3A_2044 : memref<32x128xf32, #tpu.memory_space<hbm>>) target(%dma_start3A_2042 : memref<32x128xf32, #tpu.memory_space<vmem>>) target_semaphore(%arg14 : memref<!tpu.dma_semaphore, #tpu.memory_space<semaphore_mem>>)
        %dma_start3A_2045 = arith.constant 0 : i32
        %dma_start3A_2046 = arith.constant 1 : i32
        %dma_start3A_2047 = arith.constant 0 : i32
        %dma_start3A_2048 = arith.constant 0 : i32
        %dma_start3A_2049 = tpu.memref_slice %arg11[%dma_start3A_2045, %dma_start3A_2046, %dma_start3A_2047, %dma_start3A_2048] : memref<3x4x32x128xf32, #tpu.memory_space<vmem>> -> memref<1x1x32x128xf32, #tpu.memory_space<vmem>>
        %dma_start3A_2050 = tpu.memref_squeeze %dma_start3A_2049 : memref<1x1x32x128xf32, #tpu.memory_space<vmem>> -> memref<32x128xf32, #tpu.memory_space<vmem>>
        %dma_start3A_2051 = arith.constant 0 : i32
        %dma_start3A_2052 = tpu.memref_slice %arg5[%dma_start3A_2051, %multiple_of3A_2030] : memref<32x1000000xf32, #tpu.memory_space<hbm>> -> memref<32x128xf32, #tpu.memory_space<hbm>>
        %dma_start3A_2053 = arith.constant 0 : i32
        %dma_start3A_2054 = arith.constant 0 : i32
        %dma_start3A_2055 = tpu.memref_slice %arg11[%dma_start3A_2045, %dma_start3A_2046, %dma_start3A_2053, %dma_start3A_2054] : memref<3x4x32x128xf32, #tpu.memory_space<vmem>> -> memref<1x1x32x128xf32, #tpu.memory_space<vmem>>
        %dma_start3A_2056 = tpu.memref_squeeze %dma_start3A_2055 : memref<1x1x32x128xf32, #tpu.memory_space<vmem>> -> memref<32x128xf32, #tpu.memory_space<vmem>>
        %dma_start3A_2057 = arith.constant 0 : i32
        %dma_start3A_2058 = tpu.memref_slice %arg5[%dma_start3A_2057, %multiple_of3A_2030] : memref<32x1000000xf32, #tpu.memory_space<hbm>> -> memref<32x128xf32, #tpu.memory_space<hbm>>
        tpu.enqueue_dma source(%dma_start3A_2058 : memref<32x128xf32, #tpu.memory_space<hbm>>) target(%dma_start3A_2056 : memref<32x128xf32, #tpu.memory_space<vmem>>) target_semaphore(%arg17 : memref<!tpu.dma_semaphore, #tpu.memory_space<semaphore_mem>>)
        %slice3A_2059 = vector.extract_strided_slice %get3A_1882 {offsets = [2], sizes = [1], strides = [1]} : vector<16xi32> to vector<1xi32>
        %squeeze3A_2060 = vector.extract %slice3A_2059[0] : i32 from vector<1xi32>
        %jit3A_2061 = arith.constant 128 : i32
        %div3A_2062 = arith.divsi %squeeze3A_2060, %jit3A_2061 : i32
        %sign3A_2063 = arith.constant 0 : i32
        %sign3A_2064 = arith.cmpi sgt, %squeeze3A_2060, %sign3A_2063 : i32
        %sign3A_2065 = arith.extui %sign3A_2064 : i1 to i32
        %sign3A_2066 = arith.constant 0 : i32
        %sign3A_2067 = arith.cmpi slt, %squeeze3A_2060, %sign3A_2066 : i32
        %sign3A_2068 = arith.extui %sign3A_2067 : i1 to i32
        %sign3A_2069 = arith.subi %sign3A_2065, %sign3A_2068 : i32
        %sign3A_2070 = arith.constant 0 : i32
        %sign3A_2071 = arith.cmpi sgt, %jit3A_2061, %sign3A_2070 : i32
        %sign3A_2072 = arith.extui %sign3A_2071 : i1 to i32
        %sign3A_2073 = arith.constant 0 : i32
        %sign3A_2074 = arith.cmpi slt, %jit3A_2061, %sign3A_2073 : i32
        %sign3A_2075 = arith.extui %sign3A_2074 : i1 to i32
        %sign3A_2076 = arith.subi %sign3A_2072, %sign3A_2075 : i32
        %ne3A_2077 = arith.cmpi ne, %sign3A_2069, %sign3A_2076 : i32
        %rem3A_2078 = arith.remsi %squeeze3A_2060, %jit3A_2061 : i32
        %ne3A_2079 = arith.constant 0 : i32
        %ne3A_2080 = arith.cmpi ne, %rem3A_2078, %ne3A_2079 : i32
        %and3A_2081 = arith.andi %ne3A_2077, %ne3A_2080 : i1
        %sub3A_2082 = arith.constant 1 : i32
        %sub3A_2083 = arith.subi %div3A_2062, %sub3A_2082 : i32
        %select_n3A_2084 = arith.select %and3A_2081, %sub3A_2083, %div3A_2062 : i32
        %mul3A_2085 = arith.constant 128 : i32
        %mul3A_2086 = arith.muli %select_n3A_2084, %mul3A_2085 : i32
        %multiple_of3A_2087 = tpu.assume_multiple %mul3A_2086, 128 : i32
        %slice3A_2088 = vector.extract_strided_slice %get3A_1886 {offsets = [2], sizes = [1], strides = [1]} : vector<16xi32> to vector<1xi32>
        %squeeze3A_2089 = vector.extract %slice3A_2088[0] : i32 from vector<1xi32>
        %jit3A_2090 = arith.constant 128 : i32
        %div3A_2091 = arith.divsi %squeeze3A_2089, %jit3A_2090 : i32
        %sign3A_2092 = arith.constant 0 : i32
        %sign3A_2093 = arith.cmpi sgt, %squeeze3A_2089, %sign3A_2092 : i32
        %sign3A_2094 = arith.extui %sign3A_2093 : i1 to i32
        %sign3A_2095 = arith.constant 0 : i32
        %sign3A_2096 = arith.cmpi slt, %squeeze3A_2089, %sign3A_2095 : i32
        %sign3A_2097 = arith.extui %sign3A_2096 : i1 to i32
        %sign3A_2098 = arith.subi %sign3A_2094, %sign3A_2097 : i32
        %sign3A_2099 = arith.constant 0 : i32
        %sign3A_2100 = arith.cmpi sgt, %jit3A_2090, %sign3A_2099 : i32
        %sign3A_2101 = arith.extui %sign3A_2100 : i1 to i32
        %sign3A_2102 = arith.constant 0 : i32
        %sign3A_2103 = arith.cmpi slt, %jit3A_2090, %sign3A_2102 : i32
        %sign3A_2104 = arith.extui %sign3A_2103 : i1 to i32
        %sign3A_2105 = arith.subi %sign3A_2101, %sign3A_2104 : i32
        %ne3A_2106 = arith.cmpi ne, %sign3A_2098, %sign3A_2105 : i32
        %rem3A_2107 = arith.remsi %squeeze3A_2089, %jit3A_2090 : i32
        %ne3A_2108 = arith.constant 0 : i32
        %ne3A_2109 = arith.cmpi ne, %rem3A_2107, %ne3A_2108 : i32
        %and3A_2110 = arith.andi %ne3A_2106, %ne3A_2109 : i1
        %sub3A_2111 = arith.constant 1 : i32
        %sub3A_2112 = arith.subi %div3A_2091, %sub3A_2111 : i32
        %select_n3A_2113 = arith.select %and3A_2110, %sub3A_2112, %div3A_2091 : i32
        %mul3A_2114 = arith.constant 128 : i32
        %mul3A_2115 = arith.muli %select_n3A_2113, %mul3A_2114 : i32
        %multiple_of3A_2116 = tpu.assume_multiple %mul3A_2115, 128 : i32
        %dma_start3A_2117 = arith.constant 0 : i32
        %dma_start3A_2118 = arith.constant 2 : i32
        %dma_start3A_2119 = arith.constant 0 : i32
        %dma_start3A_2120 = arith.constant 0 : i32
        %dma_start3A_2121 = tpu.memref_slice %arg10[%dma_start3A_2117, %dma_start3A_2118, %dma_start3A_2119, %dma_start3A_2120] : memref<3x4x32x128xf32, #tpu.memory_space<vmem>> -> memref<1x1x32x128xf32, #tpu.memory_space<vmem>>
        %dma_start3A_2122 = tpu.memref_squeeze %dma_start3A_2121 : memref<1x1x32x128xf32, #tpu.memory_space<vmem>> -> memref<32x128xf32, #tpu.memory_space<vmem>>
        %dma_start3A_2123 = arith.constant 0 : i32
        %dma_start3A_2124 = tpu.memref_slice %arg4[%dma_start3A_2123, %multiple_of3A_2087] : memref<32x1000000xf32, #tpu.memory_space<hbm>> -> memref<32x128xf32, #tpu.memory_space<hbm>>
        %dma_start3A_2125 = arith.constant 0 : i32
        %dma_start3A_2126 = arith.constant 0 : i32
        %dma_start3A_2127 = tpu.memref_slice %arg10[%dma_start3A_2117, %dma_start3A_2118, %dma_start3A_2125, %dma_start3A_2126] : memref<3x4x32x128xf32, #tpu.memory_space<vmem>> -> memref<1x1x32x128xf32, #tpu.memory_space<vmem>>
        %dma_start3A_2128 = tpu.memref_squeeze %dma_start3A_2127 : memref<1x1x32x128xf32, #tpu.memory_space<vmem>> -> memref<32x128xf32, #tpu.memory_space<vmem>>
        %dma_start3A_2129 = arith.constant 0 : i32
        %dma_start3A_2130 = tpu.memref_slice %arg4[%dma_start3A_2129, %multiple_of3A_2087] : memref<32x1000000xf32, #tpu.memory_space<hbm>> -> memref<32x128xf32, #tpu.memory_space<hbm>>
        tpu.enqueue_dma source(%dma_start3A_2130 : memref<32x128xf32, #tpu.memory_space<hbm>>) target(%dma_start3A_2128 : memref<32x128xf32, #tpu.memory_space<vmem>>) target_semaphore(%arg14 : memref<!tpu.dma_semaphore, #tpu.memory_space<semaphore_mem>>)
        %dma_start3A_2131 = arith.constant 0 : i32
        %dma_start3A_2132 = arith.constant 2 : i32
        %dma_start3A_2133 = arith.constant 0 : i32
        %dma_start3A_2134 = arith.constant 0 : i32
        %dma_start3A_2135 = tpu.memref_slice %arg11[%dma_start3A_2131, %dma_start3A_2132, %dma_start3A_2133, %dma_start3A_2134] : memref<3x4x32x128xf32, #tpu.memory_space<vmem>> -> memref<1x1x32x128xf32, #tpu.memory_space<vmem>>
        %dma_start3A_2136 = tpu.memref_squeeze %dma_start3A_2135 : memref<1x1x32x128xf32, #tpu.memory_space<vmem>> -> memref<32x128xf32, #tpu.memory_space<vmem>>
        %dma_start3A_2137 = arith.constant 0 : i32
        %dma_start3A_2138 = tpu.memref_slice %arg5[%dma_start3A_2137, %multiple_of3A_2116] : memref<32x1000000xf32, #tpu.memory_space<hbm>> -> memref<32x128xf32, #tpu.memory_space<hbm>>
        %dma_start3A_2139 = arith.constant 0 : i32
        %dma_start3A_2140 = arith.constant 0 : i32
        %dma_start3A_2141 = tpu.memref_slice %arg11[%dma_start3A_2131, %dma_start3A_2132, %dma_start3A_2139, %dma_start3A_2140] : memref<3x4x32x128xf32, #tpu.memory_space<vmem>> -> memref<1x1x32x128xf32, #tpu.memory_space<vmem>>
        %dma_start3A_2142 = tpu.memref_squeeze %dma_start3A_2141 : memref<1x1x32x128xf32, #tpu.memory_space<vmem>> -> memref<32x128xf32, #tpu.memory_space<vmem>>
        %dma_start3A_2143 = arith.constant 0 : i32
        %dma_start3A_2144 = tpu.memref_slice %arg5[%dma_start3A_2143, %multiple_of3A_2116] : memref<32x1000000xf32, #tpu.memory_space<hbm>> -> memref<32x128xf32, #tpu.memory_space<hbm>>
        tpu.enqueue_dma source(%dma_start3A_2144 : memref<32x128xf32, #tpu.memory_space<hbm>>) target(%dma_start3A_2142 : memref<32x128xf32, #tpu.memory_space<vmem>>) target_semaphore(%arg17 : memref<!tpu.dma_semaphore, #tpu.memory_space<semaphore_mem>>)
        %slice3A_2145 = vector.extract_strided_slice %get3A_1882 {offsets = [3], sizes = [1], strides = [1]} : vector<16xi32> to vector<1xi32>
        %squeeze3A_2146 = vector.extract %slice3A_2145[0] : i32 from vector<1xi32>
        %jit3A_2147 = arith.constant 128 : i32
        %div3A_2148 = arith.divsi %squeeze3A_2146, %jit3A_2147 : i32
        %sign3A_2149 = arith.constant 0 : i32
        %sign3A_2150 = arith.cmpi sgt, %squeeze3A_2146, %sign3A_2149 : i32
        %sign3A_2151 = arith.extui %sign3A_2150 : i1 to i32
        %sign3A_2152 = arith.constant 0 : i32
        %sign3A_2153 = arith.cmpi slt, %squeeze3A_2146, %sign3A_2152 : i32
        %sign3A_2154 = arith.extui %sign3A_2153 : i1 to i32
        %sign3A_2155 = arith.subi %sign3A_2151, %sign3A_2154 : i32
        %sign3A_2156 = arith.constant 0 : i32
        %sign3A_2157 = arith.cmpi sgt, %jit3A_2147, %sign3A_2156 : i32
        %sign3A_2158 = arith.extui %sign3A_2157 : i1 to i32
        %sign3A_2159 = arith.constant 0 : i32
        %sign3A_2160 = arith.cmpi slt, %jit3A_2147, %sign3A_2159 : i32
        %sign3A_2161 = arith.extui %sign3A_2160 : i1 to i32
        %sign3A_2162 = arith.subi %sign3A_2158, %sign3A_2161 : i32
        %ne3A_2163 = arith.cmpi ne, %sign3A_2155, %sign3A_2162 : i32
        %rem3A_2164 = arith.remsi %squeeze3A_2146, %jit3A_2147 : i32
        %ne3A_2165 = arith.constant 0 : i32
        %ne3A_2166 = arith.cmpi ne, %rem3A_2164, %ne3A_2165 : i32
        %and3A_2167 = arith.andi %ne3A_2163, %ne3A_2166 : i1
        %sub3A_2168 = arith.constant 1 : i32
        %sub3A_2169 = arith.subi %div3A_2148, %sub3A_2168 : i32
        %select_n3A_2170 = arith.select %and3A_2167, %sub3A_2169, %div3A_2148 : i32
        %mul3A_2171 = arith.constant 128 : i32
        %mul3A_2172 = arith.muli %select_n3A_2170, %mul3A_2171 : i32
        %multiple_of3A_2173 = tpu.assume_multiple %mul3A_2172, 128 : i32
        %slice3A_2174 = vector.extract_strided_slice %get3A_1886 {offsets = [3], sizes = [1], strides = [1]} : vector<16xi32> to vector<1xi32>
        %squeeze3A_2175 = vector.extract %slice3A_2174[0] : i32 from vector<1xi32>
        %jit3A_2176 = arith.constant 128 : i32
        %div3A_2177 = arith.divsi %squeeze3A_2175, %jit3A_2176 : i32
        %sign3A_2178 = arith.constant 0 : i32
        %sign3A_2179 = arith.cmpi sgt, %squeeze3A_2175, %sign3A_2178 : i32
        %sign3A_2180 = arith.extui %sign3A_2179 : i1 to i32
        %sign3A_2181 = arith.constant 0 : i32
        %sign3A_2182 = arith.cmpi slt, %squeeze3A_2175, %sign3A_2181 : i32
        %sign3A_2183 = arith.extui %sign3A_2182 : i1 to i32
        %sign3A_2184 = arith.subi %sign3A_2180, %sign3A_2183 : i32
        %sign3A_2185 = arith.constant 0 : i32
        %sign3A_2186 = arith.cmpi sgt, %jit3A_2176, %sign3A_2185 : i32
        %sign3A_2187 = arith.extui %sign3A_2186 : i1 to i32
        %sign3A_2188 = arith.constant 0 : i32
        %sign3A_2189 = arith.cmpi slt, %jit3A_2176, %sign3A_2188 : i32
        %sign3A_2190 = arith.extui %sign3A_2189 : i1 to i32
        %sign3A_2191 = arith.subi %sign3A_2187, %sign3A_2190 : i32
        %ne3A_2192 = arith.cmpi ne, %sign3A_2184, %sign3A_2191 : i32
        %rem3A_2193 = arith.remsi %squeeze3A_2175, %jit3A_2176 : i32
        %ne3A_2194 = arith.constant 0 : i32
        %ne3A_2195 = arith.cmpi ne, %rem3A_2193, %ne3A_2194 : i32
        %and3A_2196 = arith.andi %ne3A_2192, %ne3A_2195 : i1
        %sub3A_2197 = arith.constant 1 : i32
        %sub3A_2198 = arith.subi %div3A_2177, %sub3A_2197 : i32
        %select_n3A_2199 = arith.select %and3A_2196, %sub3A_2198, %div3A_2177 : i32
        %mul3A_2200 = arith.constant 128 : i32
        %mul3A_2201 = arith.muli %select_n3A_2199, %mul3A_2200 : i32
        %multiple_of3A_2202 = tpu.assume_multiple %mul3A_2201, 128 : i32
        %dma_start3A_2203 = arith.constant 0 : i32
        %dma_start3A_2204 = arith.constant 3 : i32
        %dma_start3A_2205 = arith.constant 0 : i32
        %dma_start3A_2206 = arith.constant 0 : i32
        %dma_start3A_2207 = tpu.memref_slice %arg10[%dma_start3A_2203, %dma_start3A_2204, %dma_start3A_2205, %dma_start3A_2206] : memref<3x4x32x128xf32, #tpu.memory_space<vmem>> -> memref<1x1x32x128xf32, #tpu.memory_space<vmem>>
        %dma_start3A_2208 = tpu.memref_squeeze %dma_start3A_2207 : memref<1x1x32x128xf32, #tpu.memory_space<vmem>> -> memref<32x128xf32, #tpu.memory_space<vmem>>
        %dma_start3A_2209 = arith.constant 0 : i32
        %dma_start3A_2210 = tpu.memref_slice %arg4[%dma_start3A_2209, %multiple_of3A_2173] : memref<32x1000000xf32, #tpu.memory_space<hbm>> -> memref<32x128xf32, #tpu.memory_space<hbm>>
        %dma_start3A_2211 = arith.constant 0 : i32
        %dma_start3A_2212 = arith.constant 0 : i32
        %dma_start3A_2213 = tpu.memref_slice %arg10[%dma_start3A_2203, %dma_start3A_2204, %dma_start3A_2211, %dma_start3A_2212] : memref<3x4x32x128xf32, #tpu.memory_space<vmem>> -> memref<1x1x32x128xf32, #tpu.memory_space<vmem>>
        %dma_start3A_2214 = tpu.memref_squeeze %dma_start3A_2213 : memref<1x1x32x128xf32, #tpu.memory_space<vmem>> -> memref<32x128xf32, #tpu.memory_space<vmem>>
        %dma_start3A_2215 = arith.constant 0 : i32
        %dma_start3A_2216 = tpu.memref_slice %arg4[%dma_start3A_2215, %multiple_of3A_2173] : memref<32x1000000xf32, #tpu.memory_space<hbm>> -> memref<32x128xf32, #tpu.memory_space<hbm>>
        tpu.enqueue_dma source(%dma_start3A_2216 : memref<32x128xf32, #tpu.memory_space<hbm>>) target(%dma_start3A_2214 : memref<32x128xf32, #tpu.memory_space<vmem>>) target_semaphore(%arg14 : memref<!tpu.dma_semaphore, #tpu.memory_space<semaphore_mem>>)
        %dma_start3A_2217 = arith.constant 0 : i32
        %dma_start3A_2218 = arith.constant 3 : i32
        %dma_start3A_2219 = arith.constant 0 : i32
        %dma_start3A_2220 = arith.constant 0 : i32
        %dma_start3A_2221 = tpu.memref_slice %arg11[%dma_start3A_2217, %dma_start3A_2218, %dma_start3A_2219, %dma_start3A_2220] : memref<3x4x32x128xf32, #tpu.memory_space<vmem>> -> memref<1x1x32x128xf32, #tpu.memory_space<vmem>>
        %dma_start3A_2222 = tpu.memref_squeeze %dma_start3A_2221 : memref<1x1x32x128xf32, #tpu.memory_space<vmem>> -> memref<32x128xf32, #tpu.memory_space<vmem>>
        %dma_start3A_2223 = arith.constant 0 : i32
        %dma_start3A_2224 = tpu.memref_slice %arg5[%dma_start3A_2223, %multiple_of3A_2202] : memref<32x1000000xf32, #tpu.memory_space<hbm>> -> memref<32x128xf32, #tpu.memory_space<hbm>>
        %dma_start3A_2225 = arith.constant 0 : i32
        %dma_start3A_2226 = arith.constant 0 : i32
        %dma_start3A_2227 = tpu.memref_slice %arg11[%dma_start3A_2217, %dma_start3A_2218, %dma_start3A_2225, %dma_start3A_2226] : memref<3x4x32x128xf32, #tpu.memory_space<vmem>> -> memref<1x1x32x128xf32, #tpu.memory_space<vmem>>
        %dma_start3A_2228 = tpu.memref_squeeze %dma_start3A_2227 : memref<1x1x32x128xf32, #tpu.memory_space<vmem>> -> memref<32x128xf32, #tpu.memory_space<vmem>>
        %dma_start3A_2229 = arith.constant 0 : i32
        %dma_start3A_2230 = tpu.memref_slice %arg5[%dma_start3A_2229, %multiple_of3A_2202] : memref<32x1000000xf32, #tpu.memory_space<hbm>> -> memref<32x128xf32, #tpu.memory_space<hbm>>
        tpu.enqueue_dma source(%dma_start3A_2230 : memref<32x128xf32, #tpu.memory_space<hbm>>) target(%dma_start3A_2228 : memref<32x128xf32, #tpu.memory_space<vmem>>) target_semaphore(%arg17 : memref<!tpu.dma_semaphore, #tpu.memory_space<semaphore_mem>>)
      } else {
      }
      %lt3A_1110 = arith.constant 128 : i32
      %lt3A_1111 = arith.cmpi slt, %add3A_1102, %lt3A_1110 : i32
      %convert_element_type3A_1112 = arith.extui %lt3A_1111 : i1 to i32
      %cond3A_1113 = arith.constant 0 : i32
      %cond3A_1114 = arith.cmpi ne, %convert_element_type3A_1112, %cond3A_1113 : i32
      scf.if %cond3A_1114 {
        %dma_wait3A = arith.constant 1 : i32
        %dma_wait3A_1879 = arith.constant 0 : i32
        %dma_wait3A_1880 = arith.constant 0 : i32
        %dma_wait3A_1881 = arith.constant 0 : i32
        %dma_wait3A_1882 = tpu.memref_slice %arg10[%dma_wait3A, %dma_wait3A_1879, %dma_wait3A_1880, %dma_wait3A_1881] : memref<3x4x32x128xf32, #tpu.memory_space<vmem>> -> memref<1x4x32x128xf32, #tpu.memory_space<vmem>>
        %dma_wait3A_1883 = tpu.memref_squeeze %dma_wait3A_1882 : memref<1x4x32x128xf32, #tpu.memory_space<vmem>> -> memref<4x32x128xf32, #tpu.memory_space<vmem>>
        %dma_wait3A_1884 = arith.constant 0 : i32
        %dma_wait3A_1885 = arith.constant 0 : i32
        %dma_wait3A_1886 = tpu.memref_slice %arg4[%dma_wait3A_1884, %dma_wait3A_1885] : memref<32x1000000xf32, #tpu.memory_space<hbm>> -> memref<32x512xf32, #tpu.memory_space<hbm>>
        %dma_wait3A_1887 = arith.constant 0 : i32
        %dma_wait3A_1888 = arith.constant 0 : i32
        %dma_wait3A_1889 = arith.constant 0 : i32
        %dma_wait3A_1890 = tpu.memref_slice %arg10[%dma_wait3A, %dma_wait3A_1887, %dma_wait3A_1888, %dma_wait3A_1889] : memref<3x4x32x128xf32, #tpu.memory_space<vmem>> -> memref<1x4x32x128xf32, #tpu.memory_space<vmem>>
        %dma_wait3A_1891 = tpu.memref_squeeze %dma_wait3A_1890 : memref<1x4x32x128xf32, #tpu.memory_space<vmem>> -> memref<4x32x128xf32, #tpu.memory_space<vmem>>
        %dma_wait3A_1892 = arith.constant 0 : i32
        %dma_wait3A_1893 = arith.constant 0 : i32
        %dma_wait3A_1894 = tpu.memref_slice %arg4[%dma_wait3A_1892, %dma_wait3A_1893] : memref<32x1000000xf32, #tpu.memory_space<hbm>> -> memref<32x512xf32, #tpu.memory_space<hbm>>
        tpu.wait_dma2 semaphore(%arg15 : memref<!tpu.dma_semaphore, #tpu.memory_space<semaphore_mem>>) src(%dma_wait3A_1894 : memref<32x512xf32, #tpu.memory_space<hbm>>) dst(%dma_wait3A_1891 : memref<4x32x128xf32, #tpu.memory_space<vmem>>)
        %dma_wait3A_1895 = arith.constant 1 : i32
        %dma_wait3A_1896 = arith.constant 0 : i32
        %dma_wait3A_1897 = arith.constant 0 : i32
        %dma_wait3A_1898 = arith.constant 0 : i32
        %dma_wait3A_1899 = tpu.memref_slice %arg11[%dma_wait3A_1895, %dma_wait3A_1896, %dma_wait3A_1897, %dma_wait3A_1898] : memref<3x4x32x128xf32, #tpu.memory_space<vmem>> -> memref<1x4x32x128xf32, #tpu.memory_space<vmem>>
        %dma_wait3A_1900 = tpu.memref_squeeze %dma_wait3A_1899 : memref<1x4x32x128xf32, #tpu.memory_space<vmem>> -> memref<4x32x128xf32, #tpu.memory_space<vmem>>
        %dma_wait3A_1901 = arith.constant 0 : i32
        %dma_wait3A_1902 = arith.constant 0 : i32
        %dma_wait3A_1903 = tpu.memref_slice %arg5[%dma_wait3A_1901, %dma_wait3A_1902] : memref<32x1000000xf32, #tpu.memory_space<hbm>> -> memref<32x512xf32, #tpu.memory_space<hbm>>
        %dma_wait3A_1904 = arith.constant 0 : i32
        %dma_wait3A_1905 = arith.constant 0 : i32
        %dma_wait3A_1906 = arith.constant 0 : i32
        %dma_wait3A_1907 = tpu.memref_slice %arg11[%dma_wait3A_1895, %dma_wait3A_1904, %dma_wait3A_1905, %dma_wait3A_1906] : memref<3x4x32x128xf32, #tpu.memory_space<vmem>> -> memref<1x4x32x128xf32, #tpu.memory_space<vmem>>
        %dma_wait3A_1908 = tpu.memref_squeeze %dma_wait3A_1907 : memref<1x4x32x128xf32, #tpu.memory_space<vmem>> -> memref<4x32x128xf32, #tpu.memory_space<vmem>>
        %dma_wait3A_1909 = arith.constant 0 : i32
        %dma_wait3A_1910 = arith.constant 0 : i32
        %dma_wait3A_1911 = tpu.memref_slice %arg5[%dma_wait3A_1909, %dma_wait3A_1910] : memref<32x1000000xf32, #tpu.memory_space<hbm>> -> memref<32x512xf32, #tpu.memory_space<hbm>>
        tpu.wait_dma2 semaphore(%arg18 : memref<!tpu.dma_semaphore, #tpu.memory_space<semaphore_mem>>) src(%dma_wait3A_1911 : memref<32x512xf32, #tpu.memory_space<hbm>>) dst(%dma_wait3A_1908 : memref<4x32x128xf32, #tpu.memory_space<vmem>>)
      } else {
      }
      %jit3A_1115 = arith.constant 4 : i32
      %eq3A_1116 = arith.constant 0 : i32
      %eq3A_1117 = arith.cmpi eq, %jit3A_1115, %eq3A_1116 : i32
      %jit3A_1118 = arith.constant 1 : i32
      %select_n3A_1119 = arith.select %eq3A_1117, %jit3A_1118, %jit3A_1115 : i32
      %rem3A_1120 = arith.remsi %add3A_1102, %select_n3A_1119 : i32
      %ne3A_1121 = arith.constant 0 : i32
      %ne3A_1122 = arith.cmpi ne, %rem3A_1120, %ne3A_1121 : i32
      %lt3A_1123 = arith.constant 0 : i32
      %lt3A_1124 = arith.cmpi slt, %rem3A_1120, %lt3A_1123 : i32
      %lt3A_1125 = arith.constant 0 : i32
      %lt3A_1126 = arith.cmpi slt, %select_n3A_1119, %lt3A_1125 : i32
      %ne3A_1127 = arith.xori %lt3A_1124, %lt3A_1126 : i1
      %and3A_1128 = arith.andi %ne3A_1127, %ne3A_1122 : i1
      %add3A_1129 = arith.addi %rem3A_1120, %select_n3A_1119 : i32
      %select_n3A_1130 = arith.select %and3A_1128, %add3A_1129, %rem3A_1120 : i32
      %eq3A_1131 = arith.constant 0 : i32
      %eq3A_1132 = arith.cmpi eq, %select_n3A_1130, %eq3A_1131 : i32
      %select_n3A_1133 = arith.select %eq3A_1132, %get3A_19, %select_n3A_1098 : vector<16xf32>
      %mul3A_1134 = arith.constant 4 : i32
      %mul3A_1135 = arith.muli %add3A_1102, %mul3A_1134 : i32
      %get3A_1136 = arith.index_cast %mul3A_1135 : i32 to index
      %get3A_1137 = tpu.vector_load %arg8[%get3A_1136] {strides = array<i32>} : memref<544xi32, #tpu.memory_space<vmem>>, vector<16xi32>,
      %mul3A_1138 = arith.constant 4 : i32
      %mul3A_1139 = arith.muli %add3A_1102, %mul3A_1138 : i32
      %get3A_1140 = arith.index_cast %mul3A_1139 : i32 to index
      %get3A_1141 = tpu.vector_load %arg9[%get3A_1140] {strides = array<i32>} : memref<544xi32, #tpu.memory_space<vmem>>, vector<16xi32>,
      %slice3A_1142 = vector.extract_strided_slice %get3A_1137 {offsets = [0], sizes = [1], strides = [1]} : vector<16xi32> to vector<1xi32>
      %squeeze3A_1143 = vector.extract %slice3A_1142[0] : i32 from vector<1xi32>
      %and3A_1144 = arith.constant 127 : i32
      %and3A_1145 = arith.andi %squeeze3A_1143, %and3A_1144 : i32
      %broadcast_in_dim3A_1146 = vector.broadcast %and3A_1145 : i32 to vector<16xi32>
      %slice3A_1147 = vector.extract_strided_slice %get3A_1141 {offsets = [0], sizes = [1], strides = [1]} : vector<16xi32> to vector<1xi32>
      %squeeze3A_1148 = vector.extract %slice3A_1147[0] : i32 from vector<1xi32>
      %and3A_1149 = arith.constant 127 : i32
      %and3A_1150 = arith.andi %squeeze3A_1148, %and3A_1149 : i32
      %broadcast_in_dim3A_1151 = vector.broadcast %and3A_1150 : i32 to vector<16xi32>
      %gather3A_1152 = arith.constant 1 : i32
      %gather3A_1153 = arith.constant 0 : i32
      %gather3A_1154 = arith.constant 0 : i32
      %gather3A_1155 = arith.constant 0 : i32
      %gather3A_1156 = tpu.memref_slice %arg10[%gather3A_1152, %gather3A_1153, %gather3A_1154, %gather3A_1155] : memref<3x4x32x128xf32, #tpu.memory_space<vmem>> -> memref<1x1x32x128xf32, #tpu.memory_space<vmem>>
      %gather3A_1157 = tpu.memref_squeeze %gather3A_1156 : memref<1x1x32x128xf32, #tpu.memory_space<vmem>> -> memref<32x128xf32, #tpu.memory_space<vmem>>
      %gather3A_1158 = tpu.vector_load_idx %gather3A_1157[%iota3A_20, %broadcast_in_dim3A_1146] : memref<32x128xf32, #tpu.memory_space<vmem>>[vector<16xi32>, vector<16xi32>], vector<16xf32>,
      %add3A_1159 = arith.constant 16 : i32
      %add3A_1160 = vector.broadcast %add3A_1159 : i32 to vector<16xi32>
      %add3A_1161 = arith.addi %iota3A_20, %add3A_1160 : vector<16xi32>
      %gather3A_1162 = arith.constant 1 : i32
      %gather3A_1163 = arith.constant 0 : i32
      %gather3A_1164 = arith.constant 0 : i32
      %gather3A_1165 = arith.constant 0 : i32
      %gather3A_1166 = tpu.memref_slice %arg10[%gather3A_1162, %gather3A_1163, %gather3A_1164, %gather3A_1165] : memref<3x4x32x128xf32, #tpu.memory_space<vmem>> -> memref<1x1x32x128xf32, #tpu.memory_space<vmem>>
      %gather3A_1167 = tpu.memref_squeeze %gather3A_1166 : memref<1x1x32x128xf32, #tpu.memory_space<vmem>> -> memref<32x128xf32, #tpu.memory_space<vmem>>
      %gather3A_1168 = tpu.vector_load_idx %gather3A_1167[%add3A_1161, %broadcast_in_dim3A_1146] : memref<32x128xf32, #tpu.memory_space<vmem>>[vector<16xi32>, vector<16xi32>], vector<16xf32>,
      %gather3A_1169 = arith.constant 1 : i32
      %gather3A_1170 = arith.constant 0 : i32
      %gather3A_1171 = arith.constant 0 : i32
      %gather3A_1172 = arith.constant 0 : i32
      %gather3A_1173 = tpu.memref_slice %arg11[%gather3A_1169, %gather3A_1170, %gather3A_1171, %gather3A_1172] : memref<3x4x32x128xf32, #tpu.memory_space<vmem>> -> memref<1x1x32x128xf32, #tpu.memory_space<vmem>>
      %gather3A_1174 = tpu.memref_squeeze %gather3A_1173 : memref<1x1x32x128xf32, #tpu.memory_space<vmem>> -> memref<32x128xf32, #tpu.memory_space<vmem>>
      %gather3A_1175 = tpu.vector_load_idx %gather3A_1174[%iota3A_20, %broadcast_in_dim3A_1151] : memref<32x128xf32, #tpu.memory_space<vmem>>[vector<16xi32>, vector<16xi32>], vector<16xf32>,
      %add3A_1176 = arith.constant 16 : i32
      %add3A_1177 = vector.broadcast %add3A_1176 : i32 to vector<16xi32>
      %add3A_1178 = arith.addi %iota3A_20, %add3A_1177 : vector<16xi32>
      %gather3A_1179 = arith.constant 1 : i32
      %gather3A_1180 = arith.constant 0 : i32
      %gather3A_1181 = arith.constant 0 : i32
      %gather3A_1182 = arith.constant 0 : i32
      %gather3A_1183 = tpu.memref_slice %arg11[%gather3A_1179, %gather3A_1180, %gather3A_1181, %gather3A_1182] : memref<3x4x32x128xf32, #tpu.memory_space<vmem>> -> memref<1x1x32x128xf32, #tpu.memory_space<vmem>>
      %gather3A_1184 = tpu.memref_squeeze %gather3A_1183 : memref<1x1x32x128xf32, #tpu.memory_space<vmem>> -> memref<32x128xf32, #tpu.memory_space<vmem>>
      %gather3A_1185 = tpu.vector_load_idx %gather3A_1184[%add3A_1178, %broadcast_in_dim3A_1151] : memref<32x128xf32, #tpu.memory_space<vmem>>[vector<16xi32>, vector<16xi32>], vector<16xf32>,
      %mul3A_1186 = arith.mulf %gather3A_1158, %get3A_3 : vector<16xf32>
      %mul3A_1187 = arith.mulf %gather3A_1168, %get3A_7 : vector<16xf32>
      %add3A_1188 = arith.addf %mul3A_1186, %mul3A_1187 : vector<16xf32>
      %mul3A_1189 = arith.mulf %gather3A_1175, %get3A_11 : vector<16xf32>
      %add3A_1190 = arith.addf %add3A_1188, %mul3A_1189 : vector<16xf32>
      %mul3A_1191 = arith.mulf %gather3A_1185, %get3A_15 : vector<16xf32>
      %add3A_1192 = arith.addf %add3A_1190, %mul3A_1191 : vector<16xf32>
      %jit3A_1193 = arith.constant 4 : i32
      %eq3A_1194 = arith.constant 0 : i32
      %eq3A_1195 = arith.cmpi eq, %jit3A_1193, %eq3A_1194 : i32
      %jit3A_1196 = arith.constant 1 : i32
      %select_n3A_1197 = arith.select %eq3A_1195, %jit3A_1196, %jit3A_1193 : i32
      %rem3A_1198 = arith.remsi %add3A_1102, %select_n3A_1197 : i32
      %ne3A_1199 = arith.constant 0 : i32
      %ne3A_1200 = arith.cmpi ne, %rem3A_1198, %ne3A_1199 : i32
      %lt3A_1201 = arith.constant 0 : i32
      %lt3A_1202 = arith.cmpi slt, %rem3A_1198, %lt3A_1201 : i32
      %lt3A_1203 = arith.constant 0 : i32
      %lt3A_1204 = arith.cmpi slt, %select_n3A_1197, %lt3A_1203 : i32
      %ne3A_1205 = arith.xori %lt3A_1202, %lt3A_1204 : i1
      %and3A_1206 = arith.andi %ne3A_1205, %ne3A_1200 : i1
      %add3A_1207 = arith.addi %rem3A_1198, %select_n3A_1197 : i32
      %select_n3A_1208 = arith.select %and3A_1206, %add3A_1207, %rem3A_1198 : i32
      %mul3A_1209 = arith.constant 4 : i32
      %mul3A_1210 = arith.muli %select_n3A_1208, %mul3A_1209 : i32
      %add3A_1211 = arith.constant 0 : i32
      %add3A_1212 = arith.addi %mul3A_1210, %add3A_1211 : i32
      %eq3A_1213 = vector.broadcast %add3A_1212 : i32 to vector<16xi32>
      %eq3A_1214 = arith.cmpi eq, %iota3A, %eq3A_1213 : vector<16xi32>
      %reduce_sum3A_1215 = arith.constant true
      %reduce_sum3A_1216 = vector.broadcast %reduce_sum3A_1215 : i1 to vector<16xi1>
      %reduce_sum3A_1217 = tpu.scan <sum>, %add3A_1192 masked %reduce_sum3A_1216 : vector<16xf32>, vector<16xi1> -> vector<16xf32>
      %reduce_sum3A_1218 = vector.extract %reduce_sum3A_1217[15] : f32 from vector<16xf32>
      %add3A_1219 = vector.broadcast %reduce_sum3A_1218 : f32 to vector<16xf32>
      %add3A_1220 = arith.addf %select_n3A_1133, %add3A_1219 : vector<16xf32>
      %select_n3A_1221 = arith.select %eq3A_1214, %add3A_1220, %select_n3A_1133 : vector<16xi1>, vector<16xf32>
      %slice3A_1222 = vector.extract_strided_slice %get3A_1137 {offsets = [1], sizes = [1], strides = [1]} : vector<16xi32> to vector<1xi32>
      %squeeze3A_1223 = vector.extract %slice3A_1222[0] : i32 from vector<1xi32>
      %and3A_1224 = arith.constant 127 : i32
      %and3A_1225 = arith.andi %squeeze3A_1223, %and3A_1224 : i32
      %broadcast_in_dim3A_1226 = vector.broadcast %and3A_1225 : i32 to vector<16xi32>
      %slice3A_1227 = vector.extract_strided_slice %get3A_1141 {offsets = [1], sizes = [1], strides = [1]} : vector<16xi32> to vector<1xi32>
      %squeeze3A_1228 = vector.extract %slice3A_1227[0] : i32 from vector<1xi32>
      %and3A_1229 = arith.constant 127 : i32
      %and3A_1230 = arith.andi %squeeze3A_1228, %and3A_1229 : i32
      %broadcast_in_dim3A_1231 = vector.broadcast %and3A_1230 : i32 to vector<16xi32>
      %gather3A_1232 = arith.constant 1 : i32
      %gather3A_1233 = arith.constant 1 : i32
      %gather3A_1234 = arith.constant 0 : i32
      %gather3A_1235 = arith.constant 0 : i32
      %gather3A_1236 = tpu.memref_slice %arg10[%gather3A_1232, %gather3A_1233, %gather3A_1234, %gather3A_1235] : memref<3x4x32x128xf32, #tpu.memory_space<vmem>> -> memref<1x1x32x128xf32, #tpu.memory_space<vmem>>
      %gather3A_1237 = tpu.memref_squeeze %gather3A_1236 : memref<1x1x32x128xf32, #tpu.memory_space<vmem>> -> memref<32x128xf32, #tpu.memory_space<vmem>>
      %gather3A_1238 = tpu.vector_load_idx %gather3A_1237[%iota3A_20, %broadcast_in_dim3A_1226] : memref<32x128xf32, #tpu.memory_space<vmem>>[vector<16xi32>, vector<16xi32>], vector<16xf32>,
      %add3A_1239 = arith.constant 16 : i32
      %add3A_1240 = vector.broadcast %add3A_1239 : i32 to vector<16xi32>
      %add3A_1241 = arith.addi %iota3A_20, %add3A_1240 : vector<16xi32>
      %gather3A_1242 = arith.constant 1 : i32
      %gather3A_1243 = arith.constant 1 : i32
      %gather3A_1244 = arith.constant 0 : i32
      %gather3A_1245 = arith.constant 0 : i32
      %gather3A_1246 = tpu.memref_slice %arg10[%gather3A_1242, %gather3A_1243, %gather3A_1244, %gather3A_1245] : memref<3x4x32x128xf32, #tpu.memory_space<vmem>> -> memref<1x1x32x128xf32, #tpu.memory_space<vmem>>
      %gather3A_1247 = tpu.memref_squeeze %gather3A_1246 : memref<1x1x32x128xf32, #tpu.memory_space<vmem>> -> memref<32x128xf32, #tpu.memory_space<vmem>>
      %gather3A_1248 = tpu.vector_load_idx %gather3A_1247[%add3A_1241, %broadcast_in_dim3A_1226] : memref<32x128xf32, #tpu.memory_space<vmem>>[vector<16xi32>, vector<16xi32>], vector<16xf32>,
      %gather3A_1249 = arith.constant 1 : i32
      %gather3A_1250 = arith.constant 1 : i32
      %gather3A_1251 = arith.constant 0 : i32
      %gather3A_1252 = arith.constant 0 : i32
      %gather3A_1253 = tpu.memref_slice %arg11[%gather3A_1249, %gather3A_1250, %gather3A_1251, %gather3A_1252] : memref<3x4x32x128xf32, #tpu.memory_space<vmem>> -> memref<1x1x32x128xf32, #tpu.memory_space<vmem>>
      %gather3A_1254 = tpu.memref_squeeze %gather3A_1253 : memref<1x1x32x128xf32, #tpu.memory_space<vmem>> -> memref<32x128xf32, #tpu.memory_space<vmem>>
      %gather3A_1255 = tpu.vector_load_idx %gather3A_1254[%iota3A_20, %broadcast_in_dim3A_1231] : memref<32x128xf32, #tpu.memory_space<vmem>>[vector<16xi32>, vector<16xi32>], vector<16xf32>,
      %add3A_1256 = arith.constant 16 : i32
      %add3A_1257 = vector.broadcast %add3A_1256 : i32 to vector<16xi32>
      %add3A_1258 = arith.addi %iota3A_20, %add3A_1257 : vector<16xi32>
      %gather3A_1259 = arith.constant 1 : i32
      %gather3A_1260 = arith.constant 1 : i32
      %gather3A_1261 = arith.constant 0 : i32
      %gather3A_1262 = arith.constant 0 : i32
      %gather3A_1263 = tpu.memref_slice %arg11[%gather3A_1259, %gather3A_1260, %gather3A_1261, %gather3A_1262] : memref<3x4x32x128xf32, #tpu.memory_space<vmem>> -> memref<1x1x32x128xf32, #tpu.memory_space<vmem>>
      %gather3A_1264 = tpu.memref_squeeze %gather3A_1263 : memref<1x1x32x128xf32, #tpu.memory_space<vmem>> -> memref<32x128xf32, #tpu.memory_space<vmem>>
      %gather3A_1265 = tpu.vector_load_idx %gather3A_1264[%add3A_1258, %broadcast_in_dim3A_1231] : memref<32x128xf32, #tpu.memory_space<vmem>>[vector<16xi32>, vector<16xi32>], vector<16xf32>,
      %mul3A_1266 = arith.mulf %gather3A_1238, %get3A_3 : vector<16xf32>
      %mul3A_1267 = arith.mulf %gather3A_1248, %get3A_7 : vector<16xf32>
      %add3A_1268 = arith.addf %mul3A_1266, %mul3A_1267 : vector<16xf32>
      %mul3A_1269 = arith.mulf %gather3A_1255, %get3A_11 : vector<16xf32>
      %add3A_1270 = arith.addf %add3A_1268, %mul3A_1269 : vector<16xf32>
      %mul3A_1271 = arith.mulf %gather3A_1265, %get3A_15 : vector<16xf32>
      %add3A_1272 = arith.addf %add3A_1270, %mul3A_1271 : vector<16xf32>
      %jit3A_1273 = arith.constant 4 : i32
      %eq3A_1274 = arith.constant 0 : i32
      %eq3A_1275 = arith.cmpi eq, %jit3A_1273, %eq3A_1274 : i32
      %jit3A_1276 = arith.constant 1 : i32
      %select_n3A_1277 = arith.select %eq3A_1275, %jit3A_1276, %jit3A_1273 : i32
      %rem3A_1278 = arith.remsi %add3A_1102, %select_n3A_1277 : i32
      %ne3A_1279 = arith.constant 0 : i32
      %ne3A_1280 = arith.cmpi ne, %rem3A_1278, %ne3A_1279 : i32
      %lt3A_1281 = arith.constant 0 : i32
      %lt3A_1282 = arith.cmpi slt, %rem3A_1278, %lt3A_1281 : i32
      %lt3A_1283 = arith.constant 0 : i32
      %lt3A_1284 = arith.cmpi slt, %select_n3A_1277, %lt3A_1283 : i32
      %ne3A_1285 = arith.xori %lt3A_1282, %lt3A_1284 : i1
      %and3A_1286 = arith.andi %ne3A_1285, %ne3A_1280 : i1
      %add3A_1287 = arith.addi %rem3A_1278, %select_n3A_1277 : i32
      %select_n3A_1288 = arith.select %and3A_1286, %add3A_1287, %rem3A_1278 : i32
      %mul3A_1289 = arith.constant 4 : i32
      %mul3A_1290 = arith.muli %select_n3A_1288, %mul3A_1289 : i32
      %add3A_1291 = arith.constant 1 : i32
      %add3A_1292 = arith.addi %mul3A_1290, %add3A_1291 : i32
      %eq3A_1293 = vector.broadcast %add3A_1292 : i32 to vector<16xi32>
      %eq3A_1294 = arith.cmpi eq, %iota3A, %eq3A_1293 : vector<16xi32>
      %reduce_sum3A_1295 = arith.constant true
      %reduce_sum3A_1296 = vector.broadcast %reduce_sum3A_1295 : i1 to vector<16xi1>
      %reduce_sum3A_1297 = tpu.scan <sum>, %add3A_1272 masked %reduce_sum3A_1296 : vector<16xf32>, vector<16xi1> -> vector<16xf32>
      %reduce_sum3A_1298 = vector.extract %reduce_sum3A_1297[15] : f32 from vector<16xf32>
      %add3A_1299 = vector.broadcast %reduce_sum3A_1298 : f32 to vector<16xf32>
      %add3A_1300 = arith.addf %select_n3A_1221, %add3A_1299 : vector<16xf32>
      %select_n3A_1301 = arith.select %eq3A_1294, %add3A_1300, %select_n3A_1221 : vector<16xi1>, vector<16xf32>
      %slice3A_1302 = vector.extract_strided_slice %get3A_1137 {offsets = [2], sizes = [1], strides = [1]} : vector<16xi32> to vector<1xi32>
      %squeeze3A_1303 = vector.extract %slice3A_1302[0] : i32 from vector<1xi32>
      %and3A_1304 = arith.constant 127 : i32
      %and3A_1305 = arith.andi %squeeze3A_1303, %and3A_1304 : i32
      %broadcast_in_dim3A_1306 = vector.broadcast %and3A_1305 : i32 to vector<16xi32>
      %slice3A_1307 = vector.extract_strided_slice %get3A_1141 {offsets = [2], sizes = [1], strides = [1]} : vector<16xi32> to vector<1xi32>
      %squeeze3A_1308 = vector.extract %slice3A_1307[0] : i32 from vector<1xi32>
      %and3A_1309 = arith.constant 127 : i32
      %and3A_1310 = arith.andi %squeeze3A_1308, %and3A_1309 : i32
      %broadcast_in_dim3A_1311 = vector.broadcast %and3A_1310 : i32 to vector<16xi32>
      %gather3A_1312 = arith.constant 1 : i32
      %gather3A_1313 = arith.constant 2 : i32
      %gather3A_1314 = arith.constant 0 : i32
      %gather3A_1315 = arith.constant 0 : i32
      %gather3A_1316 = tpu.memref_slice %arg10[%gather3A_1312, %gather3A_1313, %gather3A_1314, %gather3A_1315] : memref<3x4x32x128xf32, #tpu.memory_space<vmem>> -> memref<1x1x32x128xf32, #tpu.memory_space<vmem>>
      %gather3A_1317 = tpu.memref_squeeze %gather3A_1316 : memref<1x1x32x128xf32, #tpu.memory_space<vmem>> -> memref<32x128xf32, #tpu.memory_space<vmem>>
      %gather3A_1318 = tpu.vector_load_idx %gather3A_1317[%iota3A_20, %broadcast_in_dim3A_1306] : memref<32x128xf32, #tpu.memory_space<vmem>>[vector<16xi32>, vector<16xi32>], vector<16xf32>,
      %add3A_1319 = arith.constant 16 : i32
      %add3A_1320 = vector.broadcast %add3A_1319 : i32 to vector<16xi32>
      %add3A_1321 = arith.addi %iota3A_20, %add3A_1320 : vector<16xi32>
      %gather3A_1322 = arith.constant 1 : i32
      %gather3A_1323 = arith.constant 2 : i32
      %gather3A_1324 = arith.constant 0 : i32
      %gather3A_1325 = arith.constant 0 : i32
      %gather3A_1326 = tpu.memref_slice %arg10[%gather3A_1322, %gather3A_1323, %gather3A_1324, %gather3A_1325] : memref<3x4x32x128xf32, #tpu.memory_space<vmem>> -> memref<1x1x32x128xf32, #tpu.memory_space<vmem>>
      %gather3A_1327 = tpu.memref_squeeze %gather3A_1326 : memref<1x1x32x128xf32, #tpu.memory_space<vmem>> -> memref<32x128xf32, #tpu.memory_space<vmem>>
      %gather3A_1328 = tpu.vector_load_idx %gather3A_1327[%add3A_1321, %broadcast_in_dim3A_1306] : memref<32x128xf32, #tpu.memory_space<vmem>>[vector<16xi32>, vector<16xi32>], vector<16xf32>,
      %gather3A_1329 = arith.constant 1 : i32
      %gather3A_1330 = arith.constant 2 : i32
      %gather3A_1331 = arith.constant 0 : i32
      %gather3A_1332 = arith.constant 0 : i32
      %gather3A_1333 = tpu.memref_slice %arg11[%gather3A_1329, %gather3A_1330, %gather3A_1331, %gather3A_1332] : memref<3x4x32x128xf32, #tpu.memory_space<vmem>> -> memref<1x1x32x128xf32, #tpu.memory_space<vmem>>
      %gather3A_1334 = tpu.memref_squeeze %gather3A_1333 : memref<1x1x32x128xf32, #tpu.memory_space<vmem>> -> memref<32x128xf32, #tpu.memory_space<vmem>>
      %gather3A_1335 = tpu.vector_load_idx %gather3A_1334[%iota3A_20, %broadcast_in_dim3A_1311] : memref<32x128xf32, #tpu.memory_space<vmem>>[vector<16xi32>, vector<16xi32>], vector<16xf32>,
      %add3A_1336 = arith.constant 16 : i32
      %add3A_1337 = vector.broadcast %add3A_1336 : i32 to vector<16xi32>
      %add3A_1338 = arith.addi %iota3A_20, %add3A_1337 : vector<16xi32>
      %gather3A_1339 = arith.constant 1 : i32
      %gather3A_1340 = arith.constant 2 : i32
      %gather3A_1341 = arith.constant 0 : i32
      %gather3A_1342 = arith.constant 0 : i32
      %gather3A_1343 = tpu.memref_slice %arg11[%gather3A_1339, %gather3A_1340, %gather3A_1341, %gather3A_1342] : memref<3x4x32x128xf32, #tpu.memory_space<vmem>> -> memref<1x1x32x128xf32, #tpu.memory_space<vmem>>
      %gather3A_1344 = tpu.memref_squeeze %gather3A_1343 : memref<1x1x32x128xf32, #tpu.memory_space<vmem>> -> memref<32x128xf32, #tpu.memory_space<vmem>>
      %gather3A_1345 = tpu.vector_load_idx %gather3A_1344[%add3A_1338, %broadcast_in_dim3A_1311] : memref<32x128xf32, #tpu.memory_space<vmem>>[vector<16xi32>, vector<16xi32>], vector<16xf32>,
      %mul3A_1346 = arith.mulf %gather3A_1318, %get3A_3 : vector<16xf32>
      %mul3A_1347 = arith.mulf %gather3A_1328, %get3A_7 : vector<16xf32>
      %add3A_1348 = arith.addf %mul3A_1346, %mul3A_1347 : vector<16xf32>
      %mul3A_1349 = arith.mulf %gather3A_1335, %get3A_11 : vector<16xf32>
      %add3A_1350 = arith.addf %add3A_1348, %mul3A_1349 : vector<16xf32>
      %mul3A_1351 = arith.mulf %gather3A_1345, %get3A_15 : vector<16xf32>
      %add3A_1352 = arith.addf %add3A_1350, %mul3A_1351 : vector<16xf32>
      %jit3A_1353 = arith.constant 4 : i32
      %eq3A_1354 = arith.constant 0 : i32
      %eq3A_1355 = arith.cmpi eq, %jit3A_1353, %eq3A_1354 : i32
      %jit3A_1356 = arith.constant 1 : i32
      %select_n3A_1357 = arith.select %eq3A_1355, %jit3A_1356, %jit3A_1353 : i32
      %rem3A_1358 = arith.remsi %add3A_1102, %select_n3A_1357 : i32
      %ne3A_1359 = arith.constant 0 : i32
      %ne3A_1360 = arith.cmpi ne, %rem3A_1358, %ne3A_1359 : i32
      %lt3A_1361 = arith.constant 0 : i32
      %lt3A_1362 = arith.cmpi slt, %rem3A_1358, %lt3A_1361 : i32
      %lt3A_1363 = arith.constant 0 : i32
      %lt3A_1364 = arith.cmpi slt, %select_n3A_1357, %lt3A_1363 : i32
      %ne3A_1365 = arith.xori %lt3A_1362, %lt3A_1364 : i1
      %and3A_1366 = arith.andi %ne3A_1365, %ne3A_1360 : i1
      %add3A_1367 = arith.addi %rem3A_1358, %select_n3A_1357 : i32
      %select_n3A_1368 = arith.select %and3A_1366, %add3A_1367, %rem3A_1358 : i32
      %mul3A_1369 = arith.constant 4 : i32
      %mul3A_1370 = arith.muli %select_n3A_1368, %mul3A_1369 : i32
      %add3A_1371 = arith.constant 2 : i32
      %add3A_1372 = arith.addi %mul3A_1370, %add3A_1371 : i32
      %eq3A_1373 = vector.broadcast %add3A_1372 : i32 to vector<16xi32>
      %eq3A_1374 = arith.cmpi eq, %iota3A, %eq3A_1373 : vector<16xi32>
      %reduce_sum3A_1375 = arith.constant true
      %reduce_sum3A_1376 = vector.broadcast %reduce_sum3A_1375 : i1 to vector<16xi1>
      %reduce_sum3A_1377 = tpu.scan <sum>, %add3A_1352 masked %reduce_sum3A_1376 : vector<16xf32>, vector<16xi1> -> vector<16xf32>
      %reduce_sum3A_1378 = vector.extract %reduce_sum3A_1377[15] : f32 from vector<16xf32>
      %add3A_1379 = vector.broadcast %reduce_sum3A_1378 : f32 to vector<16xf32>
      %add3A_1380 = arith.addf %select_n3A_1301, %add3A_1379 : vector<16xf32>
      %select_n3A_1381 = arith.select %eq3A_1374, %add3A_1380, %select_n3A_1301 : vector<16xi1>, vector<16xf32>
      %slice3A_1382 = vector.extract_strided_slice %get3A_1137 {offsets = [3], sizes = [1], strides = [1]} : vector<16xi32> to vector<1xi32>
      %squeeze3A_1383 = vector.extract %slice3A_1382[0] : i32 from vector<1xi32>
      %and3A_1384 = arith.constant 127 : i32
      %and3A_1385 = arith.andi %squeeze3A_1383, %and3A_1384 : i32
      %broadcast_in_dim3A_1386 = vector.broadcast %and3A_1385 : i32 to vector<16xi32>
      %slice3A_1387 = vector.extract_strided_slice %get3A_1141 {offsets = [3], sizes = [1], strides = [1]} : vector<16xi32> to vector<1xi32>
      %squeeze3A_1388 = vector.extract %slice3A_1387[0] : i32 from vector<1xi32>
      %and3A_1389 = arith.constant 127 : i32
      %and3A_1390 = arith.andi %squeeze3A_1388, %and3A_1389 : i32
      %broadcast_in_dim3A_1391 = vector.broadcast %and3A_1390 : i32 to vector<16xi32>
      %gather3A_1392 = arith.constant 1 : i32
      %gather3A_1393 = arith.constant 3 : i32
      %gather3A_1394 = arith.constant 0 : i32
      %gather3A_1395 = arith.constant 0 : i32
      %gather3A_1396 = tpu.memref_slice %arg10[%gather3A_1392, %gather3A_1393, %gather3A_1394, %gather3A_1395] : memref<3x4x32x128xf32, #tpu.memory_space<vmem>> -> memref<1x1x32x128xf32, #tpu.memory_space<vmem>>
      %gather3A_1397 = tpu.memref_squeeze %gather3A_1396 : memref<1x1x32x128xf32, #tpu.memory_space<vmem>> -> memref<32x128xf32, #tpu.memory_space<vmem>>
      %gather3A_1398 = tpu.vector_load_idx %gather3A_1397[%iota3A_20, %broadcast_in_dim3A_1386] : memref<32x128xf32, #tpu.memory_space<vmem>>[vector<16xi32>, vector<16xi32>], vector<16xf32>,
      %add3A_1399 = arith.constant 16 : i32
      %add3A_1400 = vector.broadcast %add3A_1399 : i32 to vector<16xi32>
      %add3A_1401 = arith.addi %iota3A_20, %add3A_1400 : vector<16xi32>
      %gather3A_1402 = arith.constant 1 : i32
      %gather3A_1403 = arith.constant 3 : i32
      %gather3A_1404 = arith.constant 0 : i32
      %gather3A_1405 = arith.constant 0 : i32
      %gather3A_1406 = tpu.memref_slice %arg10[%gather3A_1402, %gather3A_1403, %gather3A_1404, %gather3A_1405] : memref<3x4x32x128xf32, #tpu.memory_space<vmem>> -> memref<1x1x32x128xf32, #tpu.memory_space<vmem>>
      %gather3A_1407 = tpu.memref_squeeze %gather3A_1406 : memref<1x1x32x128xf32, #tpu.memory_space<vmem>> -> memref<32x128xf32, #tpu.memory_space<vmem>>
      %gather3A_1408 = tpu.vector_load_idx %gather3A_1407[%add3A_1401, %broadcast_in_dim3A_1386] : memref<32x128xf32, #tpu.memory_space<vmem>>[vector<16xi32>, vector<16xi32>], vector<16xf32>,
      %gather3A_1409 = arith.constant 1 : i32
      %gather3A_1410 = arith.constant 3 : i32
      %gather3A_1411 = arith.constant 0 : i32
      %gather3A_1412 = arith.constant 0 : i32
      %gather3A_1413 = tpu.memref_slice %arg11[%gather3A_1409, %gather3A_1410, %gather3A_1411, %gather3A_1412] : memref<3x4x32x128xf32, #tpu.memory_space<vmem>> -> memref<1x1x32x128xf32, #tpu.memory_space<vmem>>
      %gather3A_1414 = tpu.memref_squeeze %gather3A_1413 : memref<1x1x32x128xf32, #tpu.memory_space<vmem>> -> memref<32x128xf32, #tpu.memory_space<vmem>>
      %gather3A_1415 = tpu.vector_load_idx %gather3A_1414[%iota3A_20, %broadcast_in_dim3A_1391] : memref<32x128xf32, #tpu.memory_space<vmem>>[vector<16xi32>, vector<16xi32>], vector<16xf32>,
      %add3A_1416 = arith.constant 16 : i32
      %add3A_1417 = vector.broadcast %add3A_1416 : i32 to vector<16xi32>
      %add3A_1418 = arith.addi %iota3A_20, %add3A_1417 : vector<16xi32>
      %gather3A_1419 = arith.constant 1 : i32
      %gather3A_1420 = arith.constant 3 : i32
      %gather3A_1421 = arith.constant 0 : i32
      %gather3A_1422 = arith.constant 0 : i32
      %gather3A_1423 = tpu.memref_slice %arg11[%gather3A_1419, %gather3A_1420, %gather3A_1421, %gather3A_1422] : memref<3x4x32x128xf32, #tpu.memory_space<vmem>> -> memref<1x1x32x128xf32, #tpu.memory_space<vmem>>
      %gather3A_1424 = tpu.memref_squeeze %gather3A_1423 : memref<1x1x32x128xf32, #tpu.memory_space<vmem>> -> memref<32x128xf32, #tpu.memory_space<vmem>>
      %gather3A_1425 = tpu.vector_load_idx %gather3A_1424[%add3A_1418, %broadcast_in_dim3A_1391] : memref<32x128xf32, #tpu.memory_space<vmem>>[vector<16xi32>, vector<16xi32>], vector<16xf32>,
      %mul3A_1426 = arith.mulf %gather3A_1398, %get3A_3 : vector<16xf32>
      %mul3A_1427 = arith.mulf %gather3A_1408, %get3A_7 : vector<16xf32>
      %add3A_1428 = arith.addf %mul3A_1426, %mul3A_1427 : vector<16xf32>
      %mul3A_1429 = arith.mulf %gather3A_1415, %get3A_11 : vector<16xf32>
      %add3A_1430 = arith.addf %add3A_1428, %mul3A_1429 : vector<16xf32>
      %mul3A_1431 = arith.mulf %gather3A_1425, %get3A_15 : vector<16xf32>
      %add3A_1432 = arith.addf %add3A_1430, %mul3A_1431 : vector<16xf32>
      %jit3A_1433 = arith.constant 4 : i32
      %eq3A_1434 = arith.constant 0 : i32
      %eq3A_1435 = arith.cmpi eq, %jit3A_1433, %eq3A_1434 : i32
      %jit3A_1436 = arith.constant 1 : i32
      %select_n3A_1437 = arith.select %eq3A_1435, %jit3A_1436, %jit3A_1433 : i32
      %rem3A_1438 = arith.remsi %add3A_1102, %select_n3A_1437 : i32
      %ne3A_1439 = arith.constant 0 : i32
      %ne3A_1440 = arith.cmpi ne, %rem3A_1438, %ne3A_1439 : i32
      %lt3A_1441 = arith.constant 0 : i32
      %lt3A_1442 = arith.cmpi slt, %rem3A_1438, %lt3A_1441 : i32
      %lt3A_1443 = arith.constant 0 : i32
      %lt3A_1444 = arith.cmpi slt, %select_n3A_1437, %lt3A_1443 : i32
      %ne3A_1445 = arith.xori %lt3A_1442, %lt3A_1444 : i1
      %and3A_1446 = arith.andi %ne3A_1445, %ne3A_1440 : i1
      %add3A_1447 = arith.addi %rem3A_1438, %select_n3A_1437 : i32
      %select_n3A_1448 = arith.select %and3A_1446, %add3A_1447, %rem3A_1438 : i32
      %mul3A_1449 = arith.constant 4 : i32
      %mul3A_1450 = arith.muli %select_n3A_1448, %mul3A_1449 : i32
      %add3A_1451 = arith.constant 3 : i32
      %add3A_1452 = arith.addi %mul3A_1450, %add3A_1451 : i32
      %eq3A_1453 = vector.broadcast %add3A_1452 : i32 to vector<16xi32>
      %eq3A_1454 = arith.cmpi eq, %iota3A, %eq3A_1453 : vector<16xi32>
      %reduce_sum3A_1455 = arith.constant true
      %reduce_sum3A_1456 = vector.broadcast %reduce_sum3A_1455 : i1 to vector<16xi1>
      %reduce_sum3A_1457 = tpu.scan <sum>, %add3A_1432 masked %reduce_sum3A_1456 : vector<16xf32>, vector<16xi1> -> vector<16xf32>
      %reduce_sum3A_1458 = vector.extract %reduce_sum3A_1457[15] : f32 from vector<16xf32>
      %add3A_1459 = vector.broadcast %reduce_sum3A_1458 : f32 to vector<16xf32>
      %add3A_1460 = arith.addf %select_n3A_1381, %add3A_1459 : vector<16xf32>
      %select_n3A_1461 = arith.select %eq3A_1454, %add3A_1460, %select_n3A_1381 : vector<16xi1>, vector<16xf32>
      %jit3A_1462 = arith.constant 4 : i32
      %eq3A_1463 = arith.constant 0 : i32
      %eq3A_1464 = arith.cmpi eq, %jit3A_1462, %eq3A_1463 : i32
      %jit3A_1465 = arith.constant 1 : i32
      %select_n3A_1466 = arith.select %eq3A_1464, %jit3A_1465, %jit3A_1462 : i32
      %rem3A_1467 = arith.remsi %add3A_1102, %select_n3A_1466 : i32
      %ne3A_1468 = arith.constant 0 : i32
      %ne3A_1469 = arith.cmpi ne, %rem3A_1467, %ne3A_1468 : i32
      %lt3A_1470 = arith.constant 0 : i32
      %lt3A_1471 = arith.cmpi slt, %rem3A_1467, %lt3A_1470 : i32
      %lt3A_1472 = arith.constant 0 : i32
      %lt3A_1473 = arith.cmpi slt, %select_n3A_1466, %lt3A_1472 : i32
      %ne3A_1474 = arith.xori %lt3A_1471, %lt3A_1473 : i1
      %and3A_1475 = arith.andi %ne3A_1474, %ne3A_1469 : i1
      %add3A_1476 = arith.addi %rem3A_1467, %select_n3A_1466 : i32
      %select_n3A_1477 = arith.select %and3A_1475, %add3A_1476, %rem3A_1467 : i32
      %eq3A_1478 = arith.constant 3 : i32
      %eq3A_1479 = arith.cmpi eq, %select_n3A_1477, %eq3A_1478 : i32
      %lt3A_1480 = arith.constant 128 : i32
      %lt3A_1481 = arith.cmpi slt, %add3A_1102, %lt3A_1480 : i32
      %and3A_1482 = arith.andi %eq3A_1479, %lt3A_1481 : i1
      %convert_element_type3A_1483 = arith.extui %and3A_1482 : i1 to i32
      %cond3A_1484 = arith.constant 0 : i32
      %cond3A_1485 = arith.cmpi ne, %convert_element_type3A_1483, %cond3A_1484 : i32
      scf.if %cond3A_1485 {
        %neg3A = arith.constant 0.000000e+00 : f32
        %neg3A_1879 = vector.broadcast %neg3A : f32 to vector<16xf32>
        %neg3A_1880 = arith.subf %neg3A_1879, %select_n3A_1461 : vector<16xf32>
        %exp3A = math.exp %neg3A_1880 : vector<16xf32>
        %add3A_1881 = arith.constant 1.000000e+00 : f32
        %add3A_1882 = vector.broadcast %add3A_1881 : f32 to vector<16xf32>
        %add3A_1883 = arith.addf %add3A_1882, %exp3A : vector<16xf32>
        %div3A_1884 = arith.constant 1.000000e+00 : f32
        %div3A_1885 = vector.broadcast %div3A_1884 : f32 to vector<16xf32>
        %div3A_1886 = arith.divf %div3A_1885, %add3A_1883 : vector<16xf32>
        %jit3A_1887 = arith.constant 4 : i32
        %div3A_1888 = arith.divsi %add3A_1102, %jit3A_1887 : i32
        %sign3A_1889 = arith.constant 0 : i32
        %sign3A_1890 = arith.cmpi sgt, %add3A_1102, %sign3A_1889 : i32
        %sign3A_1891 = arith.extui %sign3A_1890 : i1 to i32
        %sign3A_1892 = arith.constant 0 : i32
        %sign3A_1893 = arith.cmpi slt, %add3A_1102, %sign3A_1892 : i32
        %sign3A_1894 = arith.extui %sign3A_1893 : i1 to i32
        %sign3A_1895 = arith.subi %sign3A_1891, %sign3A_1894 : i32
        %sign3A_1896 = arith.constant 0 : i32
        %sign3A_1897 = arith.cmpi sgt, %jit3A_1887, %sign3A_1896 : i32
        %sign3A_1898 = arith.extui %sign3A_1897 : i1 to i32
        %sign3A_1899 = arith.constant 0 : i32
        %sign3A_1900 = arith.cmpi slt, %jit3A_1887, %sign3A_1899 : i32
        %sign3A_1901 = arith.extui %sign3A_1900 : i1 to i32
        %sign3A_1902 = arith.subi %sign3A_1898, %sign3A_1901 : i32
        %ne3A_1903 = arith.cmpi ne, %sign3A_1895, %sign3A_1902 : i32
        %rem3A_1904 = arith.remsi %add3A_1102, %jit3A_1887 : i32
        %ne3A_1905 = arith.constant 0 : i32
        %ne3A_1906 = arith.cmpi ne, %rem3A_1904, %ne3A_1905 : i32
        %and3A_1907 = arith.andi %ne3A_1903, %ne3A_1906 : i1
        %sub3A_1908 = arith.constant 1 : i32
        %sub3A_1909 = arith.subi %div3A_1888, %sub3A_1908 : i32
        %select_n3A_1910 = arith.select %and3A_1907, %sub3A_1909, %div3A_1888 : i32
        %mul3A_1911 = arith.constant 16 : i32
        %mul3A_1912 = arith.muli %select_n3A_1910, %mul3A_1911 : i32
        %swap3A = arith.index_cast %mul3A_1912 : i32 to index
        %swap3A_1913 = tpu.vector_load %arg12[%swap3A] {strides = array<i32>} : memref<512xf32, #tpu.memory_space<vmem>>, vector<16xf32>,
        tpu.vector_store %arg12[%swap3A], %div3A_1886 {strides = array<i32>} : memref<512xf32, #tpu.memory_space<vmem>>, vector<16xf32>,
      } else {
      }
      %lt3A_1486 = arith.constant 128 : i32
      %lt3A_1487 = arith.cmpi slt, %add3A_1102, %lt3A_1486 : i32
      %select_n3A_1488 = arith.select %lt3A_1487, %select_n3A_1461, %select_n3A_1098 : vector<16xf32>
      %mul3A_1489 = arith.constant 3 : i32
      %mul3A_1490 = arith.muli %mul3A_1489, %scan3A_713 : i32
      %add3A_1491 = arith.constant 2 : i32
      %add3A_1492 = arith.addi %mul3A_1490, %add3A_1491 : i32
      %add3A_1493 = arith.constant 2 : i32
      %add3A_1494 = arith.addi %add3A_1492, %add3A_1493 : i32
      %lt3A_1495 = arith.constant 128 : i32
      %lt3A_1496 = arith.cmpi slt, %add3A_1494, %lt3A_1495 : i32
      %convert_element_type3A_1497 = arith.extui %lt3A_1496 : i1 to i32
      %cond3A_1498 = arith.constant 0 : i32
      %cond3A_1499 = arith.cmpi ne, %convert_element_type3A_1497, %cond3A_1498 : i32
      scf.if %cond3A_1499 {
        %mul3A_1879 = arith.constant 4 : i32
        %mul3A_1880 = arith.muli %add3A_1494, %mul3A_1879 : i32
        %get3A_1881 = arith.index_cast %mul3A_1880 : i32 to index
        %get3A_1882 = tpu.vector_load %arg8[%get3A_1881] {strides = array<i32>} : memref<544xi32, #tpu.memory_space<vmem>>, vector<16xi32>,
        %mul3A_1883 = arith.constant 4 : i32
        %mul3A_1884 = arith.muli %add3A_1494, %mul3A_1883 : i32
        %get3A_1885 = arith.index_cast %mul3A_1884 : i32 to index
        %get3A_1886 = tpu.vector_load %arg9[%get3A_1885] {strides = array<i32>} : memref<544xi32, #tpu.memory_space<vmem>>, vector<16xi32>,
        %slice3A_1887 = vector.extract_strided_slice %get3A_1882 {offsets = [0], sizes = [1], strides = [1]} : vector<16xi32> to vector<1xi32>
        %squeeze3A_1888 = vector.extract %slice3A_1887[0] : i32 from vector<1xi32>
        %jit3A_1889 = arith.constant 128 : i32
        %div3A_1890 = arith.divsi %squeeze3A_1888, %jit3A_1889 : i32
        %sign3A_1891 = arith.constant 0 : i32
        %sign3A_1892 = arith.cmpi sgt, %squeeze3A_1888, %sign3A_1891 : i32
        %sign3A_1893 = arith.extui %sign3A_1892 : i1 to i32
        %sign3A_1894 = arith.constant 0 : i32
        %sign3A_1895 = arith.cmpi slt, %squeeze3A_1888, %sign3A_1894 : i32
        %sign3A_1896 = arith.extui %sign3A_1895 : i1 to i32
        %sign3A_1897 = arith.subi %sign3A_1893, %sign3A_1896 : i32
        %sign3A_1898 = arith.constant 0 : i32
        %sign3A_1899 = arith.cmpi sgt, %jit3A_1889, %sign3A_1898 : i32
        %sign3A_1900 = arith.extui %sign3A_1899 : i1 to i32
        %sign3A_1901 = arith.constant 0 : i32
        %sign3A_1902 = arith.cmpi slt, %jit3A_1889, %sign3A_1901 : i32
        %sign3A_1903 = arith.extui %sign3A_1902 : i1 to i32
        %sign3A_1904 = arith.subi %sign3A_1900, %sign3A_1903 : i32
        %ne3A_1905 = arith.cmpi ne, %sign3A_1897, %sign3A_1904 : i32
        %rem3A_1906 = arith.remsi %squeeze3A_1888, %jit3A_1889 : i32
        %ne3A_1907 = arith.constant 0 : i32
        %ne3A_1908 = arith.cmpi ne, %rem3A_1906, %ne3A_1907 : i32
        %and3A_1909 = arith.andi %ne3A_1905, %ne3A_1908 : i1
        %sub3A_1910 = arith.constant 1 : i32
        %sub3A_1911 = arith.subi %div3A_1890, %sub3A_1910 : i32
        %select_n3A_1912 = arith.select %and3A_1909, %sub3A_1911, %div3A_1890 : i32
        %mul3A_1913 = arith.constant 128 : i32
        %mul3A_1914 = arith.muli %select_n3A_1912, %mul3A_1913 : i32
        %multiple_of3A_1915 = tpu.assume_multiple %mul3A_1914, 128 : i32
        %slice3A_1916 = vector.extract_strided_slice %get3A_1886 {offsets = [0], sizes = [1], strides = [1]} : vector<16xi32> to vector<1xi32>
        %squeeze3A_1917 = vector.extract %slice3A_1916[0] : i32 from vector<1xi32>
        %jit3A_1918 = arith.constant 128 : i32
        %div3A_1919 = arith.divsi %squeeze3A_1917, %jit3A_1918 : i32
        %sign3A_1920 = arith.constant 0 : i32
        %sign3A_1921 = arith.cmpi sgt, %squeeze3A_1917, %sign3A_1920 : i32
        %sign3A_1922 = arith.extui %sign3A_1921 : i1 to i32
        %sign3A_1923 = arith.constant 0 : i32
        %sign3A_1924 = arith.cmpi slt, %squeeze3A_1917, %sign3A_1923 : i32
        %sign3A_1925 = arith.extui %sign3A_1924 : i1 to i32
        %sign3A_1926 = arith.subi %sign3A_1922, %sign3A_1925 : i32
        %sign3A_1927 = arith.constant 0 : i32
        %sign3A_1928 = arith.cmpi sgt, %jit3A_1918, %sign3A_1927 : i32
        %sign3A_1929 = arith.extui %sign3A_1928 : i1 to i32
        %sign3A_1930 = arith.constant 0 : i32
        %sign3A_1931 = arith.cmpi slt, %jit3A_1918, %sign3A_1930 : i32
        %sign3A_1932 = arith.extui %sign3A_1931 : i1 to i32
        %sign3A_1933 = arith.subi %sign3A_1929, %sign3A_1932 : i32
        %ne3A_1934 = arith.cmpi ne, %sign3A_1926, %sign3A_1933 : i32
        %rem3A_1935 = arith.remsi %squeeze3A_1917, %jit3A_1918 : i32
        %ne3A_1936 = arith.constant 0 : i32
        %ne3A_1937 = arith.cmpi ne, %rem3A_1935, %ne3A_1936 : i32
        %and3A_1938 = arith.andi %ne3A_1934, %ne3A_1937 : i1
        %sub3A_1939 = arith.constant 1 : i32
        %sub3A_1940 = arith.subi %div3A_1919, %sub3A_1939 : i32
        %select_n3A_1941 = arith.select %and3A_1938, %sub3A_1940, %div3A_1919 : i32
        %mul3A_1942 = arith.constant 128 : i32
        %mul3A_1943 = arith.muli %select_n3A_1941, %mul3A_1942 : i32
        %multiple_of3A_1944 = tpu.assume_multiple %mul3A_1943, 128 : i32
        %dma_start3A_1945 = arith.constant 1 : i32
        %dma_start3A_1946 = arith.constant 0 : i32
        %dma_start3A_1947 = arith.constant 0 : i32
        %dma_start3A_1948 = arith.constant 0 : i32
        %dma_start3A_1949 = tpu.memref_slice %arg10[%dma_start3A_1945, %dma_start3A_1946, %dma_start3A_1947, %dma_start3A_1948] : memref<3x4x32x128xf32, #tpu.memory_space<vmem>> -> memref<1x1x32x128xf32, #tpu.memory_space<vmem>>
        %dma_start3A_1950 = tpu.memref_squeeze %dma_start3A_1949 : memref<1x1x32x128xf32, #tpu.memory_space<vmem>> -> memref<32x128xf32, #tpu.memory_space<vmem>>
        %dma_start3A_1951 = arith.constant 0 : i32
        %dma_start3A_1952 = tpu.memref_slice %arg4[%dma_start3A_1951, %multiple_of3A_1915] : memref<32x1000000xf32, #tpu.memory_space<hbm>> -> memref<32x128xf32, #tpu.memory_space<hbm>>
        %dma_start3A_1953 = arith.constant 0 : i32
        %dma_start3A_1954 = arith.constant 0 : i32
        %dma_start3A_1955 = tpu.memref_slice %arg10[%dma_start3A_1945, %dma_start3A_1946, %dma_start3A_1953, %dma_start3A_1954] : memref<3x4x32x128xf32, #tpu.memory_space<vmem>> -> memref<1x1x32x128xf32, #tpu.memory_space<vmem>>
        %dma_start3A_1956 = tpu.memref_squeeze %dma_start3A_1955 : memref<1x1x32x128xf32, #tpu.memory_space<vmem>> -> memref<32x128xf32, #tpu.memory_space<vmem>>
        %dma_start3A_1957 = arith.constant 0 : i32
        %dma_start3A_1958 = tpu.memref_slice %arg4[%dma_start3A_1957, %multiple_of3A_1915] : memref<32x1000000xf32, #tpu.memory_space<hbm>> -> memref<32x128xf32, #tpu.memory_space<hbm>>
        tpu.enqueue_dma source(%dma_start3A_1958 : memref<32x128xf32, #tpu.memory_space<hbm>>) target(%dma_start3A_1956 : memref<32x128xf32, #tpu.memory_space<vmem>>) target_semaphore(%arg15 : memref<!tpu.dma_semaphore, #tpu.memory_space<semaphore_mem>>)
        %dma_start3A_1959 = arith.constant 1 : i32
        %dma_start3A_1960 = arith.constant 0 : i32
        %dma_start3A_1961 = arith.constant 0 : i32
        %dma_start3A_1962 = arith.constant 0 : i32
        %dma_start3A_1963 = tpu.memref_slice %arg11[%dma_start3A_1959, %dma_start3A_1960, %dma_start3A_1961, %dma_start3A_1962] : memref<3x4x32x128xf32, #tpu.memory_space<vmem>> -> memref<1x1x32x128xf32, #tpu.memory_space<vmem>>
        %dma_start3A_1964 = tpu.memref_squeeze %dma_start3A_1963 : memref<1x1x32x128xf32, #tpu.memory_space<vmem>> -> memref<32x128xf32, #tpu.memory_space<vmem>>
        %dma_start3A_1965 = arith.constant 0 : i32
        %dma_start3A_1966 = tpu.memref_slice %arg5[%dma_start3A_1965, %multiple_of3A_1944] : memref<32x1000000xf32, #tpu.memory_space<hbm>> -> memref<32x128xf32, #tpu.memory_space<hbm>>
        %dma_start3A_1967 = arith.constant 0 : i32
        %dma_start3A_1968 = arith.constant 0 : i32
        %dma_start3A_1969 = tpu.memref_slice %arg11[%dma_start3A_1959, %dma_start3A_1960, %dma_start3A_1967, %dma_start3A_1968] : memref<3x4x32x128xf32, #tpu.memory_space<vmem>> -> memref<1x1x32x128xf32, #tpu.memory_space<vmem>>
        %dma_start3A_1970 = tpu.memref_squeeze %dma_start3A_1969 : memref<1x1x32x128xf32, #tpu.memory_space<vmem>> -> memref<32x128xf32, #tpu.memory_space<vmem>>
        %dma_start3A_1971 = arith.constant 0 : i32
        %dma_start3A_1972 = tpu.memref_slice %arg5[%dma_start3A_1971, %multiple_of3A_1944] : memref<32x1000000xf32, #tpu.memory_space<hbm>> -> memref<32x128xf32, #tpu.memory_space<hbm>>
        tpu.enqueue_dma source(%dma_start3A_1972 : memref<32x128xf32, #tpu.memory_space<hbm>>) target(%dma_start3A_1970 : memref<32x128xf32, #tpu.memory_space<vmem>>) target_semaphore(%arg18 : memref<!tpu.dma_semaphore, #tpu.memory_space<semaphore_mem>>)
        %slice3A_1973 = vector.extract_strided_slice %get3A_1882 {offsets = [1], sizes = [1], strides = [1]} : vector<16xi32> to vector<1xi32>
        %squeeze3A_1974 = vector.extract %slice3A_1973[0] : i32 from vector<1xi32>
        %jit3A_1975 = arith.constant 128 : i32
        %div3A_1976 = arith.divsi %squeeze3A_1974, %jit3A_1975 : i32
        %sign3A_1977 = arith.constant 0 : i32
        %sign3A_1978 = arith.cmpi sgt, %squeeze3A_1974, %sign3A_1977 : i32
        %sign3A_1979 = arith.extui %sign3A_1978 : i1 to i32
        %sign3A_1980 = arith.constant 0 : i32
        %sign3A_1981 = arith.cmpi slt, %squeeze3A_1974, %sign3A_1980 : i32
        %sign3A_1982 = arith.extui %sign3A_1981 : i1 to i32
        %sign3A_1983 = arith.subi %sign3A_1979, %sign3A_1982 : i32
        %sign3A_1984 = arith.constant 0 : i32
        %sign3A_1985 = arith.cmpi sgt, %jit3A_1975, %sign3A_1984 : i32
        %sign3A_1986 = arith.extui %sign3A_1985 : i1 to i32
        %sign3A_1987 = arith.constant 0 : i32
        %sign3A_1988 = arith.cmpi slt, %jit3A_1975, %sign3A_1987 : i32
        %sign3A_1989 = arith.extui %sign3A_1988 : i1 to i32
        %sign3A_1990 = arith.subi %sign3A_1986, %sign3A_1989 : i32
        %ne3A_1991 = arith.cmpi ne, %sign3A_1983, %sign3A_1990 : i32
        %rem3A_1992 = arith.remsi %squeeze3A_1974, %jit3A_1975 : i32
        %ne3A_1993 = arith.constant 0 : i32
        %ne3A_1994 = arith.cmpi ne, %rem3A_1992, %ne3A_1993 : i32
        %and3A_1995 = arith.andi %ne3A_1991, %ne3A_1994 : i1
        %sub3A_1996 = arith.constant 1 : i32
        %sub3A_1997 = arith.subi %div3A_1976, %sub3A_1996 : i32
        %select_n3A_1998 = arith.select %and3A_1995, %sub3A_1997, %div3A_1976 : i32
        %mul3A_1999 = arith.constant 128 : i32
        %mul3A_2000 = arith.muli %select_n3A_1998, %mul3A_1999 : i32
        %multiple_of3A_2001 = tpu.assume_multiple %mul3A_2000, 128 : i32
        %slice3A_2002 = vector.extract_strided_slice %get3A_1886 {offsets = [1], sizes = [1], strides = [1]} : vector<16xi32> to vector<1xi32>
        %squeeze3A_2003 = vector.extract %slice3A_2002[0] : i32 from vector<1xi32>
        %jit3A_2004 = arith.constant 128 : i32
        %div3A_2005 = arith.divsi %squeeze3A_2003, %jit3A_2004 : i32
        %sign3A_2006 = arith.constant 0 : i32
        %sign3A_2007 = arith.cmpi sgt, %squeeze3A_2003, %sign3A_2006 : i32
        %sign3A_2008 = arith.extui %sign3A_2007 : i1 to i32
        %sign3A_2009 = arith.constant 0 : i32
        %sign3A_2010 = arith.cmpi slt, %squeeze3A_2003, %sign3A_2009 : i32
        %sign3A_2011 = arith.extui %sign3A_2010 : i1 to i32
        %sign3A_2012 = arith.subi %sign3A_2008, %sign3A_2011 : i32
        %sign3A_2013 = arith.constant 0 : i32
        %sign3A_2014 = arith.cmpi sgt, %jit3A_2004, %sign3A_2013 : i32
        %sign3A_2015 = arith.extui %sign3A_2014 : i1 to i32
        %sign3A_2016 = arith.constant 0 : i32
        %sign3A_2017 = arith.cmpi slt, %jit3A_2004, %sign3A_2016 : i32
        %sign3A_2018 = arith.extui %sign3A_2017 : i1 to i32
        %sign3A_2019 = arith.subi %sign3A_2015, %sign3A_2018 : i32
        %ne3A_2020 = arith.cmpi ne, %sign3A_2012, %sign3A_2019 : i32
        %rem3A_2021 = arith.remsi %squeeze3A_2003, %jit3A_2004 : i32
        %ne3A_2022 = arith.constant 0 : i32
        %ne3A_2023 = arith.cmpi ne, %rem3A_2021, %ne3A_2022 : i32
        %and3A_2024 = arith.andi %ne3A_2020, %ne3A_2023 : i1
        %sub3A_2025 = arith.constant 1 : i32
        %sub3A_2026 = arith.subi %div3A_2005, %sub3A_2025 : i32
        %select_n3A_2027 = arith.select %and3A_2024, %sub3A_2026, %div3A_2005 : i32
        %mul3A_2028 = arith.constant 128 : i32
        %mul3A_2029 = arith.muli %select_n3A_2027, %mul3A_2028 : i32
        %multiple_of3A_2030 = tpu.assume_multiple %mul3A_2029, 128 : i32
        %dma_start3A_2031 = arith.constant 1 : i32
        %dma_start3A_2032 = arith.constant 1 : i32
        %dma_start3A_2033 = arith.constant 0 : i32
        %dma_start3A_2034 = arith.constant 0 : i32
        %dma_start3A_2035 = tpu.memref_slice %arg10[%dma_start3A_2031, %dma_start3A_2032, %dma_start3A_2033, %dma_start3A_2034] : memref<3x4x32x128xf32, #tpu.memory_space<vmem>> -> memref<1x1x32x128xf32, #tpu.memory_space<vmem>>
        %dma_start3A_2036 = tpu.memref_squeeze %dma_start3A_2035 : memref<1x1x32x128xf32, #tpu.memory_space<vmem>> -> memref<32x128xf32, #tpu.memory_space<vmem>>
        %dma_start3A_2037 = arith.constant 0 : i32
        %dma_start3A_2038 = tpu.memref_slice %arg4[%dma_start3A_2037, %multiple_of3A_2001] : memref<32x1000000xf32, #tpu.memory_space<hbm>> -> memref<32x128xf32, #tpu.memory_space<hbm>>
        %dma_start3A_2039 = arith.constant 0 : i32
        %dma_start3A_2040 = arith.constant 0 : i32
        %dma_start3A_2041 = tpu.memref_slice %arg10[%dma_start3A_2031, %dma_start3A_2032, %dma_start3A_2039, %dma_start3A_2040] : memref<3x4x32x128xf32, #tpu.memory_space<vmem>> -> memref<1x1x32x128xf32, #tpu.memory_space<vmem>>
        %dma_start3A_2042 = tpu.memref_squeeze %dma_start3A_2041 : memref<1x1x32x128xf32, #tpu.memory_space<vmem>> -> memref<32x128xf32, #tpu.memory_space<vmem>>
        %dma_start3A_2043 = arith.constant 0 : i32
        %dma_start3A_2044 = tpu.memref_slice %arg4[%dma_start3A_2043, %multiple_of3A_2001] : memref<32x1000000xf32, #tpu.memory_space<hbm>> -> memref<32x128xf32, #tpu.memory_space<hbm>>
        tpu.enqueue_dma source(%dma_start3A_2044 : memref<32x128xf32, #tpu.memory_space<hbm>>) target(%dma_start3A_2042 : memref<32x128xf32, #tpu.memory_space<vmem>>) target_semaphore(%arg15 : memref<!tpu.dma_semaphore, #tpu.memory_space<semaphore_mem>>)
        %dma_start3A_2045 = arith.constant 1 : i32
        %dma_start3A_2046 = arith.constant 1 : i32
        %dma_start3A_2047 = arith.constant 0 : i32
        %dma_start3A_2048 = arith.constant 0 : i32
        %dma_start3A_2049 = tpu.memref_slice %arg11[%dma_start3A_2045, %dma_start3A_2046, %dma_start3A_2047, %dma_start3A_2048] : memref<3x4x32x128xf32, #tpu.memory_space<vmem>> -> memref<1x1x32x128xf32, #tpu.memory_space<vmem>>
        %dma_start3A_2050 = tpu.memref_squeeze %dma_start3A_2049 : memref<1x1x32x128xf32, #tpu.memory_space<vmem>> -> memref<32x128xf32, #tpu.memory_space<vmem>>
        %dma_start3A_2051 = arith.constant 0 : i32
        %dma_start3A_2052 = tpu.memref_slice %arg5[%dma_start3A_2051, %multiple_of3A_2030] : memref<32x1000000xf32, #tpu.memory_space<hbm>> -> memref<32x128xf32, #tpu.memory_space<hbm>>
        %dma_start3A_2053 = arith.constant 0 : i32
        %dma_start3A_2054 = arith.constant 0 : i32
        %dma_start3A_2055 = tpu.memref_slice %arg11[%dma_start3A_2045, %dma_start3A_2046, %dma_start3A_2053, %dma_start3A_2054] : memref<3x4x32x128xf32, #tpu.memory_space<vmem>> -> memref<1x1x32x128xf32, #tpu.memory_space<vmem>>
        %dma_start3A_2056 = tpu.memref_squeeze %dma_start3A_2055 : memref<1x1x32x128xf32, #tpu.memory_space<vmem>> -> memref<32x128xf32, #tpu.memory_space<vmem>>
        %dma_start3A_2057 = arith.constant 0 : i32
        %dma_start3A_2058 = tpu.memref_slice %arg5[%dma_start3A_2057, %multiple_of3A_2030] : memref<32x1000000xf32, #tpu.memory_space<hbm>> -> memref<32x128xf32, #tpu.memory_space<hbm>>
        tpu.enqueue_dma source(%dma_start3A_2058 : memref<32x128xf32, #tpu.memory_space<hbm>>) target(%dma_start3A_2056 : memref<32x128xf32, #tpu.memory_space<vmem>>) target_semaphore(%arg18 : memref<!tpu.dma_semaphore, #tpu.memory_space<semaphore_mem>>)
        %slice3A_2059 = vector.extract_strided_slice %get3A_1882 {offsets = [2], sizes = [1], strides = [1]} : vector<16xi32> to vector<1xi32>
        %squeeze3A_2060 = vector.extract %slice3A_2059[0] : i32 from vector<1xi32>
        %jit3A_2061 = arith.constant 128 : i32
        %div3A_2062 = arith.divsi %squeeze3A_2060, %jit3A_2061 : i32
        %sign3A_2063 = arith.constant 0 : i32
        %sign3A_2064 = arith.cmpi sgt, %squeeze3A_2060, %sign3A_2063 : i32
        %sign3A_2065 = arith.extui %sign3A_2064 : i1 to i32
        %sign3A_2066 = arith.constant 0 : i32
        %sign3A_2067 = arith.cmpi slt, %squeeze3A_2060, %sign3A_2066 : i32
        %sign3A_2068 = arith.extui %sign3A_2067 : i1 to i32
        %sign3A_2069 = arith.subi %sign3A_2065, %sign3A_2068 : i32
        %sign3A_2070 = arith.constant 0 : i32
        %sign3A_2071 = arith.cmpi sgt, %jit3A_2061, %sign3A_2070 : i32
        %sign3A_2072 = arith.extui %sign3A_2071 : i1 to i32
        %sign3A_2073 = arith.constant 0 : i32
        %sign3A_2074 = arith.cmpi slt, %jit3A_2061, %sign3A_2073 : i32
        %sign3A_2075 = arith.extui %sign3A_2074 : i1 to i32
        %sign3A_2076 = arith.subi %sign3A_2072, %sign3A_2075 : i32
        %ne3A_2077 = arith.cmpi ne, %sign3A_2069, %sign3A_2076 : i32
        %rem3A_2078 = arith.remsi %squeeze3A_2060, %jit3A_2061 : i32
        %ne3A_2079 = arith.constant 0 : i32
        %ne3A_2080 = arith.cmpi ne, %rem3A_2078, %ne3A_2079 : i32
        %and3A_2081 = arith.andi %ne3A_2077, %ne3A_2080 : i1
        %sub3A_2082 = arith.constant 1 : i32
        %sub3A_2083 = arith.subi %div3A_2062, %sub3A_2082 : i32
        %select_n3A_2084 = arith.select %and3A_2081, %sub3A_2083, %div3A_2062 : i32
        %mul3A_2085 = arith.constant 128 : i32
        %mul3A_2086 = arith.muli %select_n3A_2084, %mul3A_2085 : i32
        %multiple_of3A_2087 = tpu.assume_multiple %mul3A_2086, 128 : i32
        %slice3A_2088 = vector.extract_strided_slice %get3A_1886 {offsets = [2], sizes = [1], strides = [1]} : vector<16xi32> to vector<1xi32>
        %squeeze3A_2089 = vector.extract %slice3A_2088[0] : i32 from vector<1xi32>
        %jit3A_2090 = arith.constant 128 : i32
        %div3A_2091 = arith.divsi %squeeze3A_2089, %jit3A_2090 : i32
        %sign3A_2092 = arith.constant 0 : i32
        %sign3A_2093 = arith.cmpi sgt, %squeeze3A_2089, %sign3A_2092 : i32
        %sign3A_2094 = arith.extui %sign3A_2093 : i1 to i32
        %sign3A_2095 = arith.constant 0 : i32
        %sign3A_2096 = arith.cmpi slt, %squeeze3A_2089, %sign3A_2095 : i32
        %sign3A_2097 = arith.extui %sign3A_2096 : i1 to i32
        %sign3A_2098 = arith.subi %sign3A_2094, %sign3A_2097 : i32
        %sign3A_2099 = arith.constant 0 : i32
        %sign3A_2100 = arith.cmpi sgt, %jit3A_2090, %sign3A_2099 : i32
        %sign3A_2101 = arith.extui %sign3A_2100 : i1 to i32
        %sign3A_2102 = arith.constant 0 : i32
        %sign3A_2103 = arith.cmpi slt, %jit3A_2090, %sign3A_2102 : i32
        %sign3A_2104 = arith.extui %sign3A_2103 : i1 to i32
        %sign3A_2105 = arith.subi %sign3A_2101, %sign3A_2104 : i32
        %ne3A_2106 = arith.cmpi ne, %sign3A_2098, %sign3A_2105 : i32
        %rem3A_2107 = arith.remsi %squeeze3A_2089, %jit3A_2090 : i32
        %ne3A_2108 = arith.constant 0 : i32
        %ne3A_2109 = arith.cmpi ne, %rem3A_2107, %ne3A_2108 : i32
        %and3A_2110 = arith.andi %ne3A_2106, %ne3A_2109 : i1
        %sub3A_2111 = arith.constant 1 : i32
        %sub3A_2112 = arith.subi %div3A_2091, %sub3A_2111 : i32
        %select_n3A_2113 = arith.select %and3A_2110, %sub3A_2112, %div3A_2091 : i32
        %mul3A_2114 = arith.constant 128 : i32
        %mul3A_2115 = arith.muli %select_n3A_2113, %mul3A_2114 : i32
        %multiple_of3A_2116 = tpu.assume_multiple %mul3A_2115, 128 : i32
        %dma_start3A_2117 = arith.constant 1 : i32
        %dma_start3A_2118 = arith.constant 2 : i32
        %dma_start3A_2119 = arith.constant 0 : i32
        %dma_start3A_2120 = arith.constant 0 : i32
        %dma_start3A_2121 = tpu.memref_slice %arg10[%dma_start3A_2117, %dma_start3A_2118, %dma_start3A_2119, %dma_start3A_2120] : memref<3x4x32x128xf32, #tpu.memory_space<vmem>> -> memref<1x1x32x128xf32, #tpu.memory_space<vmem>>
        %dma_start3A_2122 = tpu.memref_squeeze %dma_start3A_2121 : memref<1x1x32x128xf32, #tpu.memory_space<vmem>> -> memref<32x128xf32, #tpu.memory_space<vmem>>
        %dma_start3A_2123 = arith.constant 0 : i32
        %dma_start3A_2124 = tpu.memref_slice %arg4[%dma_start3A_2123, %multiple_of3A_2087] : memref<32x1000000xf32, #tpu.memory_space<hbm>> -> memref<32x128xf32, #tpu.memory_space<hbm>>
        %dma_start3A_2125 = arith.constant 0 : i32
        %dma_start3A_2126 = arith.constant 0 : i32
        %dma_start3A_2127 = tpu.memref_slice %arg10[%dma_start3A_2117, %dma_start3A_2118, %dma_start3A_2125, %dma_start3A_2126] : memref<3x4x32x128xf32, #tpu.memory_space<vmem>> -> memref<1x1x32x128xf32, #tpu.memory_space<vmem>>
        %dma_start3A_2128 = tpu.memref_squeeze %dma_start3A_2127 : memref<1x1x32x128xf32, #tpu.memory_space<vmem>> -> memref<32x128xf32, #tpu.memory_space<vmem>>
        %dma_start3A_2129 = arith.constant 0 : i32
        %dma_start3A_2130 = tpu.memref_slice %arg4[%dma_start3A_2129, %multiple_of3A_2087] : memref<32x1000000xf32, #tpu.memory_space<hbm>> -> memref<32x128xf32, #tpu.memory_space<hbm>>
        tpu.enqueue_dma source(%dma_start3A_2130 : memref<32x128xf32, #tpu.memory_space<hbm>>) target(%dma_start3A_2128 : memref<32x128xf32, #tpu.memory_space<vmem>>) target_semaphore(%arg15 : memref<!tpu.dma_semaphore, #tpu.memory_space<semaphore_mem>>)
        %dma_start3A_2131 = arith.constant 1 : i32
        %dma_start3A_2132 = arith.constant 2 : i32
        %dma_start3A_2133 = arith.constant 0 : i32
        %dma_start3A_2134 = arith.constant 0 : i32
        %dma_start3A_2135 = tpu.memref_slice %arg11[%dma_start3A_2131, %dma_start3A_2132, %dma_start3A_2133, %dma_start3A_2134] : memref<3x4x32x128xf32, #tpu.memory_space<vmem>> -> memref<1x1x32x128xf32, #tpu.memory_space<vmem>>
        %dma_start3A_2136 = tpu.memref_squeeze %dma_start3A_2135 : memref<1x1x32x128xf32, #tpu.memory_space<vmem>> -> memref<32x128xf32, #tpu.memory_space<vmem>>
        %dma_start3A_2137 = arith.constant 0 : i32
        %dma_start3A_2138 = tpu.memref_slice %arg5[%dma_start3A_2137, %multiple_of3A_2116] : memref<32x1000000xf32, #tpu.memory_space<hbm>> -> memref<32x128xf32, #tpu.memory_space<hbm>>
        %dma_start3A_2139 = arith.constant 0 : i32
        %dma_start3A_2140 = arith.constant 0 : i32
        %dma_start3A_2141 = tpu.memref_slice %arg11[%dma_start3A_2131, %dma_start3A_2132, %dma_start3A_2139, %dma_start3A_2140] : memref<3x4x32x128xf32, #tpu.memory_space<vmem>> -> memref<1x1x32x128xf32, #tpu.memory_space<vmem>>
        %dma_start3A_2142 = tpu.memref_squeeze %dma_start3A_2141 : memref<1x1x32x128xf32, #tpu.memory_space<vmem>> -> memref<32x128xf32, #tpu.memory_space<vmem>>
        %dma_start3A_2143 = arith.constant 0 : i32
        %dma_start3A_2144 = tpu.memref_slice %arg5[%dma_start3A_2143, %multiple_of3A_2116] : memref<32x1000000xf32, #tpu.memory_space<hbm>> -> memref<32x128xf32, #tpu.memory_space<hbm>>
        tpu.enqueue_dma source(%dma_start3A_2144 : memref<32x128xf32, #tpu.memory_space<hbm>>) target(%dma_start3A_2142 : memref<32x128xf32, #tpu.memory_space<vmem>>) target_semaphore(%arg18 : memref<!tpu.dma_semaphore, #tpu.memory_space<semaphore_mem>>)
        %slice3A_2145 = vector.extract_strided_slice %get3A_1882 {offsets = [3], sizes = [1], strides = [1]} : vector<16xi32> to vector<1xi32>
        %squeeze3A_2146 = vector.extract %slice3A_2145[0] : i32 from vector<1xi32>
        %jit3A_2147 = arith.constant 128 : i32
        %div3A_2148 = arith.divsi %squeeze3A_2146, %jit3A_2147 : i32
        %sign3A_2149 = arith.constant 0 : i32
        %sign3A_2150 = arith.cmpi sgt, %squeeze3A_2146, %sign3A_2149 : i32
        %sign3A_2151 = arith.extui %sign3A_2150 : i1 to i32
        %sign3A_2152 = arith.constant 0 : i32
        %sign3A_2153 = arith.cmpi slt, %squeeze3A_2146, %sign3A_2152 : i32
        %sign3A_2154 = arith.extui %sign3A_2153 : i1 to i32
        %sign3A_2155 = arith.subi %sign3A_2151, %sign3A_2154 : i32
        %sign3A_2156 = arith.constant 0 : i32
        %sign3A_2157 = arith.cmpi sgt, %jit3A_2147, %sign3A_2156 : i32
        %sign3A_2158 = arith.extui %sign3A_2157 : i1 to i32
        %sign3A_2159 = arith.constant 0 : i32
        %sign3A_2160 = arith.cmpi slt, %jit3A_2147, %sign3A_2159 : i32
        %sign3A_2161 = arith.extui %sign3A_2160 : i1 to i32
        %sign3A_2162 = arith.subi %sign3A_2158, %sign3A_2161 : i32
        %ne3A_2163 = arith.cmpi ne, %sign3A_2155, %sign3A_2162 : i32
        %rem3A_2164 = arith.remsi %squeeze3A_2146, %jit3A_2147 : i32
        %ne3A_2165 = arith.constant 0 : i32
        %ne3A_2166 = arith.cmpi ne, %rem3A_2164, %ne3A_2165 : i32
        %and3A_2167 = arith.andi %ne3A_2163, %ne3A_2166 : i1
        %sub3A_2168 = arith.constant 1 : i32
        %sub3A_2169 = arith.subi %div3A_2148, %sub3A_2168 : i32
        %select_n3A_2170 = arith.select %and3A_2167, %sub3A_2169, %div3A_2148 : i32
        %mul3A_2171 = arith.constant 128 : i32
        %mul3A_2172 = arith.muli %select_n3A_2170, %mul3A_2171 : i32
        %multiple_of3A_2173 = tpu.assume_multiple %mul3A_2172, 128 : i32
        %slice3A_2174 = vector.extract_strided_slice %get3A_1886 {offsets = [3], sizes = [1], strides = [1]} : vector<16xi32> to vector<1xi32>
        %squeeze3A_2175 = vector.extract %slice3A_2174[0] : i32 from vector<1xi32>
        %jit3A_2176 = arith.constant 128 : i32
        %div3A_2177 = arith.divsi %squeeze3A_2175, %jit3A_2176 : i32
        %sign3A_2178 = arith.constant 0 : i32
        %sign3A_2179 = arith.cmpi sgt, %squeeze3A_2175, %sign3A_2178 : i32
        %sign3A_2180 = arith.extui %sign3A_2179 : i1 to i32
        %sign3A_2181 = arith.constant 0 : i32
        %sign3A_2182 = arith.cmpi slt, %squeeze3A_2175, %sign3A_2181 : i32
        %sign3A_2183 = arith.extui %sign3A_2182 : i1 to i32
        %sign3A_2184 = arith.subi %sign3A_2180, %sign3A_2183 : i32
        %sign3A_2185 = arith.constant 0 : i32
        %sign3A_2186 = arith.cmpi sgt, %jit3A_2176, %sign3A_2185 : i32
        %sign3A_2187 = arith.extui %sign3A_2186 : i1 to i32
        %sign3A_2188 = arith.constant 0 : i32
        %sign3A_2189 = arith.cmpi slt, %jit3A_2176, %sign3A_2188 : i32
        %sign3A_2190 = arith.extui %sign3A_2189 : i1 to i32
        %sign3A_2191 = arith.subi %sign3A_2187, %sign3A_2190 : i32
        %ne3A_2192 = arith.cmpi ne, %sign3A_2184, %sign3A_2191 : i32
        %rem3A_2193 = arith.remsi %squeeze3A_2175, %jit3A_2176 : i32
        %ne3A_2194 = arith.constant 0 : i32
        %ne3A_2195 = arith.cmpi ne, %rem3A_2193, %ne3A_2194 : i32
        %and3A_2196 = arith.andi %ne3A_2192, %ne3A_2195 : i1
        %sub3A_2197 = arith.constant 1 : i32
        %sub3A_2198 = arith.subi %div3A_2177, %sub3A_2197 : i32
        %select_n3A_2199 = arith.select %and3A_2196, %sub3A_2198, %div3A_2177 : i32
        %mul3A_2200 = arith.constant 128 : i32
        %mul3A_2201 = arith.muli %select_n3A_2199, %mul3A_2200 : i32
        %multiple_of3A_2202 = tpu.assume_multiple %mul3A_2201, 128 : i32
        %dma_start3A_2203 = arith.constant 1 : i32
        %dma_start3A_2204 = arith.constant 3 : i32
        %dma_start3A_2205 = arith.constant 0 : i32
        %dma_start3A_2206 = arith.constant 0 : i32
        %dma_start3A_2207 = tpu.memref_slice %arg10[%dma_start3A_2203, %dma_start3A_2204, %dma_start3A_2205, %dma_start3A_2206] : memref<3x4x32x128xf32, #tpu.memory_space<vmem>> -> memref<1x1x32x128xf32, #tpu.memory_space<vmem>>
        %dma_start3A_2208 = tpu.memref_squeeze %dma_start3A_2207 : memref<1x1x32x128xf32, #tpu.memory_space<vmem>> -> memref<32x128xf32, #tpu.memory_space<vmem>>
        %dma_start3A_2209 = arith.constant 0 : i32
        %dma_start3A_2210 = tpu.memref_slice %arg4[%dma_start3A_2209, %multiple_of3A_2173] : memref<32x1000000xf32, #tpu.memory_space<hbm>> -> memref<32x128xf32, #tpu.memory_space<hbm>>
        %dma_start3A_2211 = arith.constant 0 : i32
        %dma_start3A_2212 = arith.constant 0 : i32
        %dma_start3A_2213 = tpu.memref_slice %arg10[%dma_start3A_2203, %dma_start3A_2204, %dma_start3A_2211, %dma_start3A_2212] : memref<3x4x32x128xf32, #tpu.memory_space<vmem>> -> memref<1x1x32x128xf32, #tpu.memory_space<vmem>>
        %dma_start3A_2214 = tpu.memref_squeeze %dma_start3A_2213 : memref<1x1x32x128xf32, #tpu.memory_space<vmem>> -> memref<32x128xf32, #tpu.memory_space<vmem>>
        %dma_start3A_2215 = arith.constant 0 : i32
        %dma_start3A_2216 = tpu.memref_slice %arg4[%dma_start3A_2215, %multiple_of3A_2173] : memref<32x1000000xf32, #tpu.memory_space<hbm>> -> memref<32x128xf32, #tpu.memory_space<hbm>>
        tpu.enqueue_dma source(%dma_start3A_2216 : memref<32x128xf32, #tpu.memory_space<hbm>>) target(%dma_start3A_2214 : memref<32x128xf32, #tpu.memory_space<vmem>>) target_semaphore(%arg15 : memref<!tpu.dma_semaphore, #tpu.memory_space<semaphore_mem>>)
        %dma_start3A_2217 = arith.constant 1 : i32
        %dma_start3A_2218 = arith.constant 3 : i32
        %dma_start3A_2219 = arith.constant 0 : i32
        %dma_start3A_2220 = arith.constant 0 : i32
        %dma_start3A_2221 = tpu.memref_slice %arg11[%dma_start3A_2217, %dma_start3A_2218, %dma_start3A_2219, %dma_start3A_2220] : memref<3x4x32x128xf32, #tpu.memory_space<vmem>> -> memref<1x1x32x128xf32, #tpu.memory_space<vmem>>
        %dma_start3A_2222 = tpu.memref_squeeze %dma_start3A_2221 : memref<1x1x32x128xf32, #tpu.memory_space<vmem>> -> memref<32x128xf32, #tpu.memory_space<vmem>>
        %dma_start3A_2223 = arith.constant 0 : i32
        %dma_start3A_2224 = tpu.memref_slice %arg5[%dma_start3A_2223, %multiple_of3A_2202] : memref<32x1000000xf32, #tpu.memory_space<hbm>> -> memref<32x128xf32, #tpu.memory_space<hbm>>
        %dma_start3A_2225 = arith.constant 0 : i32
        %dma_start3A_2226 = arith.constant 0 : i32
        %dma_start3A_2227 = tpu.memref_slice %arg11[%dma_start3A_2217, %dma_start3A_2218, %dma_start3A_2225, %dma_start3A_2226] : memref<3x4x32x128xf32, #tpu.memory_space<vmem>> -> memref<1x1x32x128xf32, #tpu.memory_space<vmem>>
        %dma_start3A_2228 = tpu.memref_squeeze %dma_start3A_2227 : memref<1x1x32x128xf32, #tpu.memory_space<vmem>> -> memref<32x128xf32, #tpu.memory_space<vmem>>
        %dma_start3A_2229 = arith.constant 0 : i32
        %dma_start3A_2230 = tpu.memref_slice %arg5[%dma_start3A_2229, %multiple_of3A_2202] : memref<32x1000000xf32, #tpu.memory_space<hbm>> -> memref<32x128xf32, #tpu.memory_space<hbm>>
        tpu.enqueue_dma source(%dma_start3A_2230 : memref<32x128xf32, #tpu.memory_space<hbm>>) target(%dma_start3A_2228 : memref<32x128xf32, #tpu.memory_space<vmem>>) target_semaphore(%arg18 : memref<!tpu.dma_semaphore, #tpu.memory_space<semaphore_mem>>)
      } else {
      }
      %lt3A_1500 = arith.constant 128 : i32
      %lt3A_1501 = arith.cmpi slt, %add3A_1492, %lt3A_1500 : i32
      %convert_element_type3A_1502 = arith.extui %lt3A_1501 : i1 to i32
      %cond3A_1503 = arith.constant 0 : i32
      %cond3A_1504 = arith.cmpi ne, %convert_element_type3A_1502, %cond3A_1503 : i32
      scf.if %cond3A_1504 {
        %dma_wait3A = arith.constant 2 : i32
        %dma_wait3A_1879 = arith.constant 0 : i32
        %dma_wait3A_1880 = arith.constant 0 : i32
        %dma_wait3A_1881 = arith.constant 0 : i32
        %dma_wait3A_1882 = tpu.memref_slice %arg10[%dma_wait3A, %dma_wait3A_1879, %dma_wait3A_1880, %dma_wait3A_1881] : memref<3x4x32x128xf32, #tpu.memory_space<vmem>> -> memref<1x4x32x128xf32, #tpu.memory_space<vmem>>
        %dma_wait3A_1883 = tpu.memref_squeeze %dma_wait3A_1882 : memref<1x4x32x128xf32, #tpu.memory_space<vmem>> -> memref<4x32x128xf32, #tpu.memory_space<vmem>>
        %dma_wait3A_1884 = arith.constant 0 : i32
        %dma_wait3A_1885 = arith.constant 0 : i32
        %dma_wait3A_1886 = tpu.memref_slice %arg4[%dma_wait3A_1884, %dma_wait3A_1885] : memref<32x1000000xf32, #tpu.memory_space<hbm>> -> memref<32x512xf32, #tpu.memory_space<hbm>>
        %dma_wait3A_1887 = arith.constant 0 : i32
        %dma_wait3A_1888 = arith.constant 0 : i32
        %dma_wait3A_1889 = arith.constant 0 : i32
        %dma_wait3A_1890 = tpu.memref_slice %arg10[%dma_wait3A, %dma_wait3A_1887, %dma_wait3A_1888, %dma_wait3A_1889] : memref<3x4x32x128xf32, #tpu.memory_space<vmem>> -> memref<1x4x32x128xf32, #tpu.memory_space<vmem>>
        %dma_wait3A_1891 = tpu.memref_squeeze %dma_wait3A_1890 : memref<1x4x32x128xf32, #tpu.memory_space<vmem>> -> memref<4x32x128xf32, #tpu.memory_space<vmem>>
        %dma_wait3A_1892 = arith.constant 0 : i32
        %dma_wait3A_1893 = arith.constant 0 : i32
        %dma_wait3A_1894 = tpu.memref_slice %arg4[%dma_wait3A_1892, %dma_wait3A_1893] : memref<32x1000000xf32, #tpu.memory_space<hbm>> -> memref<32x512xf32, #tpu.memory_space<hbm>>
        tpu.wait_dma2 semaphore(%arg16 : memref<!tpu.dma_semaphore, #tpu.memory_space<semaphore_mem>>) src(%dma_wait3A_1894 : memref<32x512xf32, #tpu.memory_space<hbm>>) dst(%dma_wait3A_1891 : memref<4x32x128xf32, #tpu.memory_space<vmem>>)
        %dma_wait3A_1895 = arith.constant 2 : i32
        %dma_wait3A_1896 = arith.constant 0 : i32
        %dma_wait3A_1897 = arith.constant 0 : i32
        %dma_wait3A_1898 = arith.constant 0 : i32
        %dma_wait3A_1899 = tpu.memref_slice %arg11[%dma_wait3A_1895, %dma_wait3A_1896, %dma_wait3A_1897, %dma_wait3A_1898] : memref<3x4x32x128xf32, #tpu.memory_space<vmem>> -> memref<1x4x32x128xf32, #tpu.memory_space<vmem>>
        %dma_wait3A_1900 = tpu.memref_squeeze %dma_wait3A_1899 : memref<1x4x32x128xf32, #tpu.memory_space<vmem>> -> memref<4x32x128xf32, #tpu.memory_space<vmem>>
        %dma_wait3A_1901 = arith.constant 0 : i32
        %dma_wait3A_1902 = arith.constant 0 : i32
        %dma_wait3A_1903 = tpu.memref_slice %arg5[%dma_wait3A_1901, %dma_wait3A_1902] : memref<32x1000000xf32, #tpu.memory_space<hbm>> -> memref<32x512xf32, #tpu.memory_space<hbm>>
        %dma_wait3A_1904 = arith.constant 0 : i32
        %dma_wait3A_1905 = arith.constant 0 : i32
        %dma_wait3A_1906 = arith.constant 0 : i32
        %dma_wait3A_1907 = tpu.memref_slice %arg11[%dma_wait3A_1895, %dma_wait3A_1904, %dma_wait3A_1905, %dma_wait3A_1906] : memref<3x4x32x128xf32, #tpu.memory_space<vmem>> -> memref<1x4x32x128xf32, #tpu.memory_space<vmem>>
        %dma_wait3A_1908 = tpu.memref_squeeze %dma_wait3A_1907 : memref<1x4x32x128xf32, #tpu.memory_space<vmem>> -> memref<4x32x128xf32, #tpu.memory_space<vmem>>
        %dma_wait3A_1909 = arith.constant 0 : i32
        %dma_wait3A_1910 = arith.constant 0 : i32
        %dma_wait3A_1911 = tpu.memref_slice %arg5[%dma_wait3A_1909, %dma_wait3A_1910] : memref<32x1000000xf32, #tpu.memory_space<hbm>> -> memref<32x512xf32, #tpu.memory_space<hbm>>
        tpu.wait_dma2 semaphore(%arg19 : memref<!tpu.dma_semaphore, #tpu.memory_space<semaphore_mem>>) src(%dma_wait3A_1911 : memref<32x512xf32, #tpu.memory_space<hbm>>) dst(%dma_wait3A_1908 : memref<4x32x128xf32, #tpu.memory_space<vmem>>)
      } else {
      }
      %jit3A_1505 = arith.constant 4 : i32
      %eq3A_1506 = arith.constant 0 : i32
      %eq3A_1507 = arith.cmpi eq, %jit3A_1505, %eq3A_1506 : i32
      %jit3A_1508 = arith.constant 1 : i32
      %select_n3A_1509 = arith.select %eq3A_1507, %jit3A_1508, %jit3A_1505 : i32
      %rem3A_1510 = arith.remsi %add3A_1492, %select_n3A_1509 : i32
      %ne3A_1511 = arith.constant 0 : i32
      %ne3A_1512 = arith.cmpi ne, %rem3A_1510, %ne3A_1511 : i32
      %lt3A_1513 = arith.constant 0 : i32
      %lt3A_1514 = arith.cmpi slt, %rem3A_1510, %lt3A_1513 : i32
      %lt3A_1515 = arith.constant 0 : i32
      %lt3A_1516 = arith.cmpi slt, %select_n3A_1509, %lt3A_1515 : i32
      %ne3A_1517 = arith.xori %lt3A_1514, %lt3A_1516 : i1
      %and3A_1518 = arith.andi %ne3A_1517, %ne3A_1512 : i1
      %add3A_1519 = arith.addi %rem3A_1510, %select_n3A_1509 : i32
      %select_n3A_1520 = arith.select %and3A_1518, %add3A_1519, %rem3A_1510 : i32
      %eq3A_1521 = arith.constant 0 : i32
      %eq3A_1522 = arith.cmpi eq, %select_n3A_1520, %eq3A_1521 : i32
      %select_n3A_1523 = arith.select %eq3A_1522, %get3A_19, %select_n3A_1488 : vector<16xf32>
      %mul3A_1524 = arith.constant 4 : i32
      %mul3A_1525 = arith.muli %add3A_1492, %mul3A_1524 : i32
      %get3A_1526 = arith.index_cast %mul3A_1525 : i32 to index
      %get3A_1527 = tpu.vector_load %arg8[%get3A_1526] {strides = array<i32>} : memref<544xi32, #tpu.memory_space<vmem>>, vector<16xi32>,
      %mul3A_1528 = arith.constant 4 : i32
      %mul3A_1529 = arith.muli %add3A_1492, %mul3A_1528 : i32
      %get3A_1530 = arith.index_cast %mul3A_1529 : i32 to index
      %get3A_1531 = tpu.vector_load %arg9[%get3A_1530] {strides = array<i32>} : memref<544xi32, #tpu.memory_space<vmem>>, vector<16xi32>,
      %slice3A_1532 = vector.extract_strided_slice %get3A_1527 {offsets = [0], sizes = [1], strides = [1]} : vector<16xi32> to vector<1xi32>
      %squeeze3A_1533 = vector.extract %slice3A_1532[0] : i32 from vector<1xi32>
      %and3A_1534 = arith.constant 127 : i32
      %and3A_1535 = arith.andi %squeeze3A_1533, %and3A_1534 : i32
      %broadcast_in_dim3A_1536 = vector.broadcast %and3A_1535 : i32 to vector<16xi32>
      %slice3A_1537 = vector.extract_strided_slice %get3A_1531 {offsets = [0], sizes = [1], strides = [1]} : vector<16xi32> to vector<1xi32>
      %squeeze3A_1538 = vector.extract %slice3A_1537[0] : i32 from vector<1xi32>
      %and3A_1539 = arith.constant 127 : i32
      %and3A_1540 = arith.andi %squeeze3A_1538, %and3A_1539 : i32
      %broadcast_in_dim3A_1541 = vector.broadcast %and3A_1540 : i32 to vector<16xi32>
      %gather3A_1542 = arith.constant 2 : i32
      %gather3A_1543 = arith.constant 0 : i32
      %gather3A_1544 = arith.constant 0 : i32
      %gather3A_1545 = arith.constant 0 : i32
      %gather3A_1546 = tpu.memref_slice %arg10[%gather3A_1542, %gather3A_1543, %gather3A_1544, %gather3A_1545] : memref<3x4x32x128xf32, #tpu.memory_space<vmem>> -> memref<1x1x32x128xf32, #tpu.memory_space<vmem>>
      %gather3A_1547 = tpu.memref_squeeze %gather3A_1546 : memref<1x1x32x128xf32, #tpu.memory_space<vmem>> -> memref<32x128xf32, #tpu.memory_space<vmem>>
      %gather3A_1548 = tpu.vector_load_idx %gather3A_1547[%iota3A_20, %broadcast_in_dim3A_1536] : memref<32x128xf32, #tpu.memory_space<vmem>>[vector<16xi32>, vector<16xi32>], vector<16xf32>,
      %add3A_1549 = arith.constant 16 : i32
      %add3A_1550 = vector.broadcast %add3A_1549 : i32 to vector<16xi32>
      %add3A_1551 = arith.addi %iota3A_20, %add3A_1550 : vector<16xi32>
      %gather3A_1552 = arith.constant 2 : i32
      %gather3A_1553 = arith.constant 0 : i32
      %gather3A_1554 = arith.constant 0 : i32
      %gather3A_1555 = arith.constant 0 : i32
      %gather3A_1556 = tpu.memref_slice %arg10[%gather3A_1552, %gather3A_1553, %gather3A_1554, %gather3A_1555] : memref<3x4x32x128xf32, #tpu.memory_space<vmem>> -> memref<1x1x32x128xf32, #tpu.memory_space<vmem>>
      %gather3A_1557 = tpu.memref_squeeze %gather3A_1556 : memref<1x1x32x128xf32, #tpu.memory_space<vmem>> -> memref<32x128xf32, #tpu.memory_space<vmem>>
      %gather3A_1558 = tpu.vector_load_idx %gather3A_1557[%add3A_1551, %broadcast_in_dim3A_1536] : memref<32x128xf32, #tpu.memory_space<vmem>>[vector<16xi32>, vector<16xi32>], vector<16xf32>,
      %gather3A_1559 = arith.constant 2 : i32
      %gather3A_1560 = arith.constant 0 : i32
      %gather3A_1561 = arith.constant 0 : i32
      %gather3A_1562 = arith.constant 0 : i32
      %gather3A_1563 = tpu.memref_slice %arg11[%gather3A_1559, %gather3A_1560, %gather3A_1561, %gather3A_1562] : memref<3x4x32x128xf32, #tpu.memory_space<vmem>> -> memref<1x1x32x128xf32, #tpu.memory_space<vmem>>
      %gather3A_1564 = tpu.memref_squeeze %gather3A_1563 : memref<1x1x32x128xf32, #tpu.memory_space<vmem>> -> memref<32x128xf32, #tpu.memory_space<vmem>>
      %gather3A_1565 = tpu.vector_load_idx %gather3A_1564[%iota3A_20, %broadcast_in_dim3A_1541] : memref<32x128xf32, #tpu.memory_space<vmem>>[vector<16xi32>, vector<16xi32>], vector<16xf32>,
      %add3A_1566 = arith.constant 16 : i32
      %add3A_1567 = vector.broadcast %add3A_1566 : i32 to vector<16xi32>
      %add3A_1568 = arith.addi %iota3A_20, %add3A_1567 : vector<16xi32>
      %gather3A_1569 = arith.constant 2 : i32
      %gather3A_1570 = arith.constant 0 : i32
      %gather3A_1571 = arith.constant 0 : i32
      %gather3A_1572 = arith.constant 0 : i32
      %gather3A_1573 = tpu.memref_slice %arg11[%gather3A_1569, %gather3A_1570, %gather3A_1571, %gather3A_1572] : memref<3x4x32x128xf32, #tpu.memory_space<vmem>> -> memref<1x1x32x128xf32, #tpu.memory_space<vmem>>
      %gather3A_1574 = tpu.memref_squeeze %gather3A_1573 : memref<1x1x32x128xf32, #tpu.memory_space<vmem>> -> memref<32x128xf32, #tpu.memory_space<vmem>>
      %gather3A_1575 = tpu.vector_load_idx %gather3A_1574[%add3A_1568, %broadcast_in_dim3A_1541] : memref<32x128xf32, #tpu.memory_space<vmem>>[vector<16xi32>, vector<16xi32>], vector<16xf32>,
      %mul3A_1576 = arith.mulf %gather3A_1548, %get3A_3 : vector<16xf32>
      %mul3A_1577 = arith.mulf %gather3A_1558, %get3A_7 : vector<16xf32>
      %add3A_1578 = arith.addf %mul3A_1576, %mul3A_1577 : vector<16xf32>
      %mul3A_1579 = arith.mulf %gather3A_1565, %get3A_11 : vector<16xf32>
      %add3A_1580 = arith.addf %add3A_1578, %mul3A_1579 : vector<16xf32>
      %mul3A_1581 = arith.mulf %gather3A_1575, %get3A_15 : vector<16xf32>
      %add3A_1582 = arith.addf %add3A_1580, %mul3A_1581 : vector<16xf32>
      %jit3A_1583 = arith.constant 4 : i32
      %eq3A_1584 = arith.constant 0 : i32
      %eq3A_1585 = arith.cmpi eq, %jit3A_1583, %eq3A_1584 : i32
      %jit3A_1586 = arith.constant 1 : i32
      %select_n3A_1587 = arith.select %eq3A_1585, %jit3A_1586, %jit3A_1583 : i32
      %rem3A_1588 = arith.remsi %add3A_1492, %select_n3A_1587 : i32
      %ne3A_1589 = arith.constant 0 : i32
      %ne3A_1590 = arith.cmpi ne, %rem3A_1588, %ne3A_1589 : i32
      %lt3A_1591 = arith.constant 0 : i32
      %lt3A_1592 = arith.cmpi slt, %rem3A_1588, %lt3A_1591 : i32
      %lt3A_1593 = arith.constant 0 : i32
      %lt3A_1594 = arith.cmpi slt, %select_n3A_1587, %lt3A_1593 : i32
      %ne3A_1595 = arith.xori %lt3A_1592, %lt3A_1594 : i1
      %and3A_1596 = arith.andi %ne3A_1595, %ne3A_1590 : i1
      %add3A_1597 = arith.addi %rem3A_1588, %select_n3A_1587 : i32
      %select_n3A_1598 = arith.select %and3A_1596, %add3A_1597, %rem3A_1588 : i32
      %mul3A_1599 = arith.constant 4 : i32
      %mul3A_1600 = arith.muli %select_n3A_1598, %mul3A_1599 : i32
      %add3A_1601 = arith.constant 0 : i32
      %add3A_1602 = arith.addi %mul3A_1600, %add3A_1601 : i32
      %eq3A_1603 = vector.broadcast %add3A_1602 : i32 to vector<16xi32>
      %eq3A_1604 = arith.cmpi eq, %iota3A, %eq3A_1603 : vector<16xi32>
      %reduce_sum3A_1605 = arith.constant true
      %reduce_sum3A_1606 = vector.broadcast %reduce_sum3A_1605 : i1 to vector<16xi1>
      %reduce_sum3A_1607 = tpu.scan <sum>, %add3A_1582 masked %reduce_sum3A_1606 : vector<16xf32>, vector<16xi1> -> vector<16xf32>
      %reduce_sum3A_1608 = vector.extract %reduce_sum3A_1607[15] : f32 from vector<16xf32>
      %add3A_1609 = vector.broadcast %reduce_sum3A_1608 : f32 to vector<16xf32>
      %add3A_1610 = arith.addf %select_n3A_1523, %add3A_1609 : vector<16xf32>
      %select_n3A_1611 = arith.select %eq3A_1604, %add3A_1610, %select_n3A_1523 : vector<16xi1>, vector<16xf32>
      %slice3A_1612 = vector.extract_strided_slice %get3A_1527 {offsets = [1], sizes = [1], strides = [1]} : vector<16xi32> to vector<1xi32>
      %squeeze3A_1613 = vector.extract %slice3A_1612[0] : i32 from vector<1xi32>
      %and3A_1614 = arith.constant 127 : i32
      %and3A_1615 = arith.andi %squeeze3A_1613, %and3A_1614 : i32
      %broadcast_in_dim3A_1616 = vector.broadcast %and3A_1615 : i32 to vector<16xi32>
      %slice3A_1617 = vector.extract_strided_slice %get3A_1531 {offsets = [1], sizes = [1], strides = [1]} : vector<16xi32> to vector<1xi32>
      %squeeze3A_1618 = vector.extract %slice3A_1617[0] : i32 from vector<1xi32>
      %and3A_1619 = arith.constant 127 : i32
      %and3A_1620 = arith.andi %squeeze3A_1618, %and3A_1619 : i32
      %broadcast_in_dim3A_1621 = vector.broadcast %and3A_1620 : i32 to vector<16xi32>
      %gather3A_1622 = arith.constant 2 : i32
      %gather3A_1623 = arith.constant 1 : i32
      %gather3A_1624 = arith.constant 0 : i32
      %gather3A_1625 = arith.constant 0 : i32
      %gather3A_1626 = tpu.memref_slice %arg10[%gather3A_1622, %gather3A_1623, %gather3A_1624, %gather3A_1625] : memref<3x4x32x128xf32, #tpu.memory_space<vmem>> -> memref<1x1x32x128xf32, #tpu.memory_space<vmem>>
      %gather3A_1627 = tpu.memref_squeeze %gather3A_1626 : memref<1x1x32x128xf32, #tpu.memory_space<vmem>> -> memref<32x128xf32, #tpu.memory_space<vmem>>
      %gather3A_1628 = tpu.vector_load_idx %gather3A_1627[%iota3A_20, %broadcast_in_dim3A_1616] : memref<32x128xf32, #tpu.memory_space<vmem>>[vector<16xi32>, vector<16xi32>], vector<16xf32>,
      %add3A_1629 = arith.constant 16 : i32
      %add3A_1630 = vector.broadcast %add3A_1629 : i32 to vector<16xi32>
      %add3A_1631 = arith.addi %iota3A_20, %add3A_1630 : vector<16xi32>
      %gather3A_1632 = arith.constant 2 : i32
      %gather3A_1633 = arith.constant 1 : i32
      %gather3A_1634 = arith.constant 0 : i32
      %gather3A_1635 = arith.constant 0 : i32
      %gather3A_1636 = tpu.memref_slice %arg10[%gather3A_1632, %gather3A_1633, %gather3A_1634, %gather3A_1635] : memref<3x4x32x128xf32, #tpu.memory_space<vmem>> -> memref<1x1x32x128xf32, #tpu.memory_space<vmem>>
      %gather3A_1637 = tpu.memref_squeeze %gather3A_1636 : memref<1x1x32x128xf32, #tpu.memory_space<vmem>> -> memref<32x128xf32, #tpu.memory_space<vmem>>
      %gather3A_1638 = tpu.vector_load_idx %gather3A_1637[%add3A_1631, %broadcast_in_dim3A_1616] : memref<32x128xf32, #tpu.memory_space<vmem>>[vector<16xi32>, vector<16xi32>], vector<16xf32>,
      %gather3A_1639 = arith.constant 2 : i32
      %gather3A_1640 = arith.constant 1 : i32
      %gather3A_1641 = arith.constant 0 : i32
      %gather3A_1642 = arith.constant 0 : i32
      %gather3A_1643 = tpu.memref_slice %arg11[%gather3A_1639, %gather3A_1640, %gather3A_1641, %gather3A_1642] : memref<3x4x32x128xf32, #tpu.memory_space<vmem>> -> memref<1x1x32x128xf32, #tpu.memory_space<vmem>>
      %gather3A_1644 = tpu.memref_squeeze %gather3A_1643 : memref<1x1x32x128xf32, #tpu.memory_space<vmem>> -> memref<32x128xf32, #tpu.memory_space<vmem>>
      %gather3A_1645 = tpu.vector_load_idx %gather3A_1644[%iota3A_20, %broadcast_in_dim3A_1621] : memref<32x128xf32, #tpu.memory_space<vmem>>[vector<16xi32>, vector<16xi32>], vector<16xf32>,
      %add3A_1646 = arith.constant 16 : i32
      %add3A_1647 = vector.broadcast %add3A_1646 : i32 to vector<16xi32>
      %add3A_1648 = arith.addi %iota3A_20, %add3A_1647 : vector<16xi32>
      %gather3A_1649 = arith.constant 2 : i32
      %gather3A_1650 = arith.constant 1 : i32
      %gather3A_1651 = arith.constant 0 : i32
      %gather3A_1652 = arith.constant 0 : i32
      %gather3A_1653 = tpu.memref_slice %arg11[%gather3A_1649, %gather3A_1650, %gather3A_1651, %gather3A_1652] : memref<3x4x32x128xf32, #tpu.memory_space<vmem>> -> memref<1x1x32x128xf32, #tpu.memory_space<vmem>>
      %gather3A_1654 = tpu.memref_squeeze %gather3A_1653 : memref<1x1x32x128xf32, #tpu.memory_space<vmem>> -> memref<32x128xf32, #tpu.memory_space<vmem>>
      %gather3A_1655 = tpu.vector_load_idx %gather3A_1654[%add3A_1648, %broadcast_in_dim3A_1621] : memref<32x128xf32, #tpu.memory_space<vmem>>[vector<16xi32>, vector<16xi32>], vector<16xf32>,
      %mul3A_1656 = arith.mulf %gather3A_1628, %get3A_3 : vector<16xf32>
      %mul3A_1657 = arith.mulf %gather3A_1638, %get3A_7 : vector<16xf32>
      %add3A_1658 = arith.addf %mul3A_1656, %mul3A_1657 : vector<16xf32>
      %mul3A_1659 = arith.mulf %gather3A_1645, %get3A_11 : vector<16xf32>
      %add3A_1660 = arith.addf %add3A_1658, %mul3A_1659 : vector<16xf32>
      %mul3A_1661 = arith.mulf %gather3A_1655, %get3A_15 : vector<16xf32>
      %add3A_1662 = arith.addf %add3A_1660, %mul3A_1661 : vector<16xf32>
      %jit3A_1663 = arith.constant 4 : i32
      %eq3A_1664 = arith.constant 0 : i32
      %eq3A_1665 = arith.cmpi eq, %jit3A_1663, %eq3A_1664 : i32
      %jit3A_1666 = arith.constant 1 : i32
      %select_n3A_1667 = arith.select %eq3A_1665, %jit3A_1666, %jit3A_1663 : i32
      %rem3A_1668 = arith.remsi %add3A_1492, %select_n3A_1667 : i32
      %ne3A_1669 = arith.constant 0 : i32
      %ne3A_1670 = arith.cmpi ne, %rem3A_1668, %ne3A_1669 : i32
      %lt3A_1671 = arith.constant 0 : i32
      %lt3A_1672 = arith.cmpi slt, %rem3A_1668, %lt3A_1671 : i32
      %lt3A_1673 = arith.constant 0 : i32
      %lt3A_1674 = arith.cmpi slt, %select_n3A_1667, %lt3A_1673 : i32
      %ne3A_1675 = arith.xori %lt3A_1672, %lt3A_1674 : i1
      %and3A_1676 = arith.andi %ne3A_1675, %ne3A_1670 : i1
      %add3A_1677 = arith.addi %rem3A_1668, %select_n3A_1667 : i32
      %select_n3A_1678 = arith.select %and3A_1676, %add3A_1677, %rem3A_1668 : i32
      %mul3A_1679 = arith.constant 4 : i32
      %mul3A_1680 = arith.muli %select_n3A_1678, %mul3A_1679 : i32
      %add3A_1681 = arith.constant 1 : i32
      %add3A_1682 = arith.addi %mul3A_1680, %add3A_1681 : i32
      %eq3A_1683 = vector.broadcast %add3A_1682 : i32 to vector<16xi32>
      %eq3A_1684 = arith.cmpi eq, %iota3A, %eq3A_1683 : vector<16xi32>
      %reduce_sum3A_1685 = arith.constant true
      %reduce_sum3A_1686 = vector.broadcast %reduce_sum3A_1685 : i1 to vector<16xi1>
      %reduce_sum3A_1687 = tpu.scan <sum>, %add3A_1662 masked %reduce_sum3A_1686 : vector<16xf32>, vector<16xi1> -> vector<16xf32>
      %reduce_sum3A_1688 = vector.extract %reduce_sum3A_1687[15] : f32 from vector<16xf32>
      %add3A_1689 = vector.broadcast %reduce_sum3A_1688 : f32 to vector<16xf32>
      %add3A_1690 = arith.addf %select_n3A_1611, %add3A_1689 : vector<16xf32>
      %select_n3A_1691 = arith.select %eq3A_1684, %add3A_1690, %select_n3A_1611 : vector<16xi1>, vector<16xf32>
      %slice3A_1692 = vector.extract_strided_slice %get3A_1527 {offsets = [2], sizes = [1], strides = [1]} : vector<16xi32> to vector<1xi32>
      %squeeze3A_1693 = vector.extract %slice3A_1692[0] : i32 from vector<1xi32>
      %and3A_1694 = arith.constant 127 : i32
      %and3A_1695 = arith.andi %squeeze3A_1693, %and3A_1694 : i32
      %broadcast_in_dim3A_1696 = vector.broadcast %and3A_1695 : i32 to vector<16xi32>
      %slice3A_1697 = vector.extract_strided_slice %get3A_1531 {offsets = [2], sizes = [1], strides = [1]} : vector<16xi32> to vector<1xi32>
      %squeeze3A_1698 = vector.extract %slice3A_1697[0] : i32 from vector<1xi32>
      %and3A_1699 = arith.constant 127 : i32
      %and3A_1700 = arith.andi %squeeze3A_1698, %and3A_1699 : i32
      %broadcast_in_dim3A_1701 = vector.broadcast %and3A_1700 : i32 to vector<16xi32>
      %gather3A_1702 = arith.constant 2 : i32
      %gather3A_1703 = arith.constant 2 : i32
      %gather3A_1704 = arith.constant 0 : i32
      %gather3A_1705 = arith.constant 0 : i32
      %gather3A_1706 = tpu.memref_slice %arg10[%gather3A_1702, %gather3A_1703, %gather3A_1704, %gather3A_1705] : memref<3x4x32x128xf32, #tpu.memory_space<vmem>> -> memref<1x1x32x128xf32, #tpu.memory_space<vmem>>
      %gather3A_1707 = tpu.memref_squeeze %gather3A_1706 : memref<1x1x32x128xf32, #tpu.memory_space<vmem>> -> memref<32x128xf32, #tpu.memory_space<vmem>>
      %gather3A_1708 = tpu.vector_load_idx %gather3A_1707[%iota3A_20, %broadcast_in_dim3A_1696] : memref<32x128xf32, #tpu.memory_space<vmem>>[vector<16xi32>, vector<16xi32>], vector<16xf32>,
      %add3A_1709 = arith.constant 16 : i32
      %add3A_1710 = vector.broadcast %add3A_1709 : i32 to vector<16xi32>
      %add3A_1711 = arith.addi %iota3A_20, %add3A_1710 : vector<16xi32>
      %gather3A_1712 = arith.constant 2 : i32
      %gather3A_1713 = arith.constant 2 : i32
      %gather3A_1714 = arith.constant 0 : i32
      %gather3A_1715 = arith.constant 0 : i32
      %gather3A_1716 = tpu.memref_slice %arg10[%gather3A_1712, %gather3A_1713, %gather3A_1714, %gather3A_1715] : memref<3x4x32x128xf32, #tpu.memory_space<vmem>> -> memref<1x1x32x128xf32, #tpu.memory_space<vmem>>
      %gather3A_1717 = tpu.memref_squeeze %gather3A_1716 : memref<1x1x32x128xf32, #tpu.memory_space<vmem>> -> memref<32x128xf32, #tpu.memory_space<vmem>>
      %gather3A_1718 = tpu.vector_load_idx %gather3A_1717[%add3A_1711, %broadcast_in_dim3A_1696] : memref<32x128xf32, #tpu.memory_space<vmem>>[vector<16xi32>, vector<16xi32>], vector<16xf32>,
      %gather3A_1719 = arith.constant 2 : i32
      %gather3A_1720 = arith.constant 2 : i32
      %gather3A_1721 = arith.constant 0 : i32
      %gather3A_1722 = arith.constant 0 : i32
      %gather3A_1723 = tpu.memref_slice %arg11[%gather3A_1719, %gather3A_1720, %gather3A_1721, %gather3A_1722] : memref<3x4x32x128xf32, #tpu.memory_space<vmem>> -> memref<1x1x32x128xf32, #tpu.memory_space<vmem>>
      %gather3A_1724 = tpu.memref_squeeze %gather3A_1723 : memref<1x1x32x128xf32, #tpu.memory_space<vmem>> -> memref<32x128xf32, #tpu.memory_space<vmem>>
      %gather3A_1725 = tpu.vector_load_idx %gather3A_1724[%iota3A_20, %broadcast_in_dim3A_1701] : memref<32x128xf32, #tpu.memory_space<vmem>>[vector<16xi32>, vector<16xi32>], vector<16xf32>,
      %add3A_1726 = arith.constant 16 : i32
      %add3A_1727 = vector.broadcast %add3A_1726 : i32 to vector<16xi32>
      %add3A_1728 = arith.addi %iota3A_20, %add3A_1727 : vector<16xi32>
      %gather3A_1729 = arith.constant 2 : i32
      %gather3A_1730 = arith.constant 2 : i32
      %gather3A_1731 = arith.constant 0 : i32
      %gather3A_1732 = arith.constant 0 : i32
      %gather3A_1733 = tpu.memref_slice %arg11[%gather3A_1729, %gather3A_1730, %gather3A_1731, %gather3A_1732] : memref<3x4x32x128xf32, #tpu.memory_space<vmem>> -> memref<1x1x32x128xf32, #tpu.memory_space<vmem>>
      %gather3A_1734 = tpu.memref_squeeze %gather3A_1733 : memref<1x1x32x128xf32, #tpu.memory_space<vmem>> -> memref<32x128xf32, #tpu.memory_space<vmem>>
      %gather3A_1735 = tpu.vector_load_idx %gather3A_1734[%add3A_1728, %broadcast_in_dim3A_1701] : memref<32x128xf32, #tpu.memory_space<vmem>>[vector<16xi32>, vector<16xi32>], vector<16xf32>,
      %mul3A_1736 = arith.mulf %gather3A_1708, %get3A_3 : vector<16xf32>
      %mul3A_1737 = arith.mulf %gather3A_1718, %get3A_7 : vector<16xf32>
      %add3A_1738 = arith.addf %mul3A_1736, %mul3A_1737 : vector<16xf32>
      %mul3A_1739 = arith.mulf %gather3A_1725, %get3A_11 : vector<16xf32>
      %add3A_1740 = arith.addf %add3A_1738, %mul3A_1739 : vector<16xf32>
      %mul3A_1741 = arith.mulf %gather3A_1735, %get3A_15 : vector<16xf32>
      %add3A_1742 = arith.addf %add3A_1740, %mul3A_1741 : vector<16xf32>
      %jit3A_1743 = arith.constant 4 : i32
      %eq3A_1744 = arith.constant 0 : i32
      %eq3A_1745 = arith.cmpi eq, %jit3A_1743, %eq3A_1744 : i32
      %jit3A_1746 = arith.constant 1 : i32
      %select_n3A_1747 = arith.select %eq3A_1745, %jit3A_1746, %jit3A_1743 : i32
      %rem3A_1748 = arith.remsi %add3A_1492, %select_n3A_1747 : i32
      %ne3A_1749 = arith.constant 0 : i32
      %ne3A_1750 = arith.cmpi ne, %rem3A_1748, %ne3A_1749 : i32
      %lt3A_1751 = arith.constant 0 : i32
      %lt3A_1752 = arith.cmpi slt, %rem3A_1748, %lt3A_1751 : i32
      %lt3A_1753 = arith.constant 0 : i32
      %lt3A_1754 = arith.cmpi slt, %select_n3A_1747, %lt3A_1753 : i32
      %ne3A_1755 = arith.xori %lt3A_1752, %lt3A_1754 : i1
      %and3A_1756 = arith.andi %ne3A_1755, %ne3A_1750 : i1
      %add3A_1757 = arith.addi %rem3A_1748, %select_n3A_1747 : i32
      %select_n3A_1758 = arith.select %and3A_1756, %add3A_1757, %rem3A_1748 : i32
      %mul3A_1759 = arith.constant 4 : i32
      %mul3A_1760 = arith.muli %select_n3A_1758, %mul3A_1759 : i32
      %add3A_1761 = arith.constant 2 : i32
      %add3A_1762 = arith.addi %mul3A_1760, %add3A_1761 : i32
      %eq3A_1763 = vector.broadcast %add3A_1762 : i32 to vector<16xi32>
      %eq3A_1764 = arith.cmpi eq, %iota3A, %eq3A_1763 : vector<16xi32>
      %reduce_sum3A_1765 = arith.constant true
      %reduce_sum3A_1766 = vector.broadcast %reduce_sum3A_1765 : i1 to vector<16xi1>
      %reduce_sum3A_1767 = tpu.scan <sum>, %add3A_1742 masked %reduce_sum3A_1766 : vector<16xf32>, vector<16xi1> -> vector<16xf32>
      %reduce_sum3A_1768 = vector.extract %reduce_sum3A_1767[15] : f32 from vector<16xf32>
      %add3A_1769 = vector.broadcast %reduce_sum3A_1768 : f32 to vector<16xf32>
      %add3A_1770 = arith.addf %select_n3A_1691, %add3A_1769 : vector<16xf32>
      %select_n3A_1771 = arith.select %eq3A_1764, %add3A_1770, %select_n3A_1691 : vector<16xi1>, vector<16xf32>
      %slice3A_1772 = vector.extract_strided_slice %get3A_1527 {offsets = [3], sizes = [1], strides = [1]} : vector<16xi32> to vector<1xi32>
      %squeeze3A_1773 = vector.extract %slice3A_1772[0] : i32 from vector<1xi32>
      %and3A_1774 = arith.constant 127 : i32
      %and3A_1775 = arith.andi %squeeze3A_1773, %and3A_1774 : i32
      %broadcast_in_dim3A_1776 = vector.broadcast %and3A_1775 : i32 to vector<16xi32>
      %slice3A_1777 = vector.extract_strided_slice %get3A_1531 {offsets = [3], sizes = [1], strides = [1]} : vector<16xi32> to vector<1xi32>
      %squeeze3A_1778 = vector.extract %slice3A_1777[0] : i32 from vector<1xi32>
      %and3A_1779 = arith.constant 127 : i32
      %and3A_1780 = arith.andi %squeeze3A_1778, %and3A_1779 : i32
      %broadcast_in_dim3A_1781 = vector.broadcast %and3A_1780 : i32 to vector<16xi32>
      %gather3A_1782 = arith.constant 2 : i32
      %gather3A_1783 = arith.constant 3 : i32
      %gather3A_1784 = arith.constant 0 : i32
      %gather3A_1785 = arith.constant 0 : i32
      %gather3A_1786 = tpu.memref_slice %arg10[%gather3A_1782, %gather3A_1783, %gather3A_1784, %gather3A_1785] : memref<3x4x32x128xf32, #tpu.memory_space<vmem>> -> memref<1x1x32x128xf32, #tpu.memory_space<vmem>>
      %gather3A_1787 = tpu.memref_squeeze %gather3A_1786 : memref<1x1x32x128xf32, #tpu.memory_space<vmem>> -> memref<32x128xf32, #tpu.memory_space<vmem>>
      %gather3A_1788 = tpu.vector_load_idx %gather3A_1787[%iota3A_20, %broadcast_in_dim3A_1776] : memref<32x128xf32, #tpu.memory_space<vmem>>[vector<16xi32>, vector<16xi32>], vector<16xf32>,
      %add3A_1789 = arith.constant 16 : i32
      %add3A_1790 = vector.broadcast %add3A_1789 : i32 to vector<16xi32>
      %add3A_1791 = arith.addi %iota3A_20, %add3A_1790 : vector<16xi32>
      %gather3A_1792 = arith.constant 2 : i32
      %gather3A_1793 = arith.constant 3 : i32
      %gather3A_1794 = arith.constant 0 : i32
      %gather3A_1795 = arith.constant 0 : i32
      %gather3A_1796 = tpu.memref_slice %arg10[%gather3A_1792, %gather3A_1793, %gather3A_1794, %gather3A_1795] : memref<3x4x32x128xf32, #tpu.memory_space<vmem>> -> memref<1x1x32x128xf32, #tpu.memory_space<vmem>>
      %gather3A_1797 = tpu.memref_squeeze %gather3A_1796 : memref<1x1x32x128xf32, #tpu.memory_space<vmem>> -> memref<32x128xf32, #tpu.memory_space<vmem>>
      %gather3A_1798 = tpu.vector_load_idx %gather3A_1797[%add3A_1791, %broadcast_in_dim3A_1776] : memref<32x128xf32, #tpu.memory_space<vmem>>[vector<16xi32>, vector<16xi32>], vector<16xf32>,
      %gather3A_1799 = arith.constant 2 : i32
      %gather3A_1800 = arith.constant 3 : i32
      %gather3A_1801 = arith.constant 0 : i32
      %gather3A_1802 = arith.constant 0 : i32
      %gather3A_1803 = tpu.memref_slice %arg11[%gather3A_1799, %gather3A_1800, %gather3A_1801, %gather3A_1802] : memref<3x4x32x128xf32, #tpu.memory_space<vmem>> -> memref<1x1x32x128xf32, #tpu.memory_space<vmem>>
      %gather3A_1804 = tpu.memref_squeeze %gather3A_1803 : memref<1x1x32x128xf32, #tpu.memory_space<vmem>> -> memref<32x128xf32, #tpu.memory_space<vmem>>
      %gather3A_1805 = tpu.vector_load_idx %gather3A_1804[%iota3A_20, %broadcast_in_dim3A_1781] : memref<32x128xf32, #tpu.memory_space<vmem>>[vector<16xi32>, vector<16xi32>], vector<16xf32>,
      %add3A_1806 = arith.constant 16 : i32
      %add3A_1807 = vector.broadcast %add3A_1806 : i32 to vector<16xi32>
      %add3A_1808 = arith.addi %iota3A_20, %add3A_1807 : vector<16xi32>
      %gather3A_1809 = arith.constant 2 : i32
      %gather3A_1810 = arith.constant 3 : i32
      %gather3A_1811 = arith.constant 0 : i32
      %gather3A_1812 = arith.constant 0 : i32
      %gather3A_1813 = tpu.memref_slice %arg11[%gather3A_1809, %gather3A_1810, %gather3A_1811, %gather3A_1812] : memref<3x4x32x128xf32, #tpu.memory_space<vmem>> -> memref<1x1x32x128xf32, #tpu.memory_space<vmem>>
      %gather3A_1814 = tpu.memref_squeeze %gather3A_1813 : memref<1x1x32x128xf32, #tpu.memory_space<vmem>> -> memref<32x128xf32, #tpu.memory_space<vmem>>
      %gather3A_1815 = tpu.vector_load_idx %gather3A_1814[%add3A_1808, %broadcast_in_dim3A_1781] : memref<32x128xf32, #tpu.memory_space<vmem>>[vector<16xi32>, vector<16xi32>], vector<16xf32>,
      %mul3A_1816 = arith.mulf %gather3A_1788, %get3A_3 : vector<16xf32>
      %mul3A_1817 = arith.mulf %gather3A_1798, %get3A_7 : vector<16xf32>
      %add3A_1818 = arith.addf %mul3A_1816, %mul3A_1817 : vector<16xf32>
      %mul3A_1819 = arith.mulf %gather3A_1805, %get3A_11 : vector<16xf32>
      %add3A_1820 = arith.addf %add3A_1818, %mul3A_1819 : vector<16xf32>
      %mul3A_1821 = arith.mulf %gather3A_1815, %get3A_15 : vector<16xf32>
      %add3A_1822 = arith.addf %add3A_1820, %mul3A_1821 : vector<16xf32>
      %jit3A_1823 = arith.constant 4 : i32
      %eq3A_1824 = arith.constant 0 : i32
      %eq3A_1825 = arith.cmpi eq, %jit3A_1823, %eq3A_1824 : i32
      %jit3A_1826 = arith.constant 1 : i32
      %select_n3A_1827 = arith.select %eq3A_1825, %jit3A_1826, %jit3A_1823 : i32
      %rem3A_1828 = arith.remsi %add3A_1492, %select_n3A_1827 : i32
      %ne3A_1829 = arith.constant 0 : i32
      %ne3A_1830 = arith.cmpi ne, %rem3A_1828, %ne3A_1829 : i32
      %lt3A_1831 = arith.constant 0 : i32
      %lt3A_1832 = arith.cmpi slt, %rem3A_1828, %lt3A_1831 : i32
      %lt3A_1833 = arith.constant 0 : i32
      %lt3A_1834 = arith.cmpi slt, %select_n3A_1827, %lt3A_1833 : i32
      %ne3A_1835 = arith.xori %lt3A_1832, %lt3A_1834 : i1
      %and3A_1836 = arith.andi %ne3A_1835, %ne3A_1830 : i1
      %add3A_1837 = arith.addi %rem3A_1828, %select_n3A_1827 : i32
      %select_n3A_1838 = arith.select %and3A_1836, %add3A_1837, %rem3A_1828 : i32
      %mul3A_1839 = arith.constant 4 : i32
      %mul3A_1840 = arith.muli %select_n3A_1838, %mul3A_1839 : i32
      %add3A_1841 = arith.constant 3 : i32
      %add3A_1842 = arith.addi %mul3A_1840, %add3A_1841 : i32
      %eq3A_1843 = vector.broadcast %add3A_1842 : i32 to vector<16xi32>
      %eq3A_1844 = arith.cmpi eq, %iota3A, %eq3A_1843 : vector<16xi32>
      %reduce_sum3A_1845 = arith.constant true
      %reduce_sum3A_1846 = vector.broadcast %reduce_sum3A_1845 : i1 to vector<16xi1>
      %reduce_sum3A_1847 = tpu.scan <sum>, %add3A_1822 masked %reduce_sum3A_1846 : vector<16xf32>, vector<16xi1> -> vector<16xf32>
      %reduce_sum3A_1848 = vector.extract %reduce_sum3A_1847[15] : f32 from vector<16xf32>
      %add3A_1849 = vector.broadcast %reduce_sum3A_1848 : f32 to vector<16xf32>
      %add3A_1850 = arith.addf %select_n3A_1771, %add3A_1849 : vector<16xf32>
      %select_n3A_1851 = arith.select %eq3A_1844, %add3A_1850, %select_n3A_1771 : vector<16xi1>, vector<16xf32>
      %jit3A_1852 = arith.constant 4 : i32
      %eq3A_1853 = arith.constant 0 : i32
      %eq3A_1854 = arith.cmpi eq, %jit3A_1852, %eq3A_1853 : i32
      %jit3A_1855 = arith.constant 1 : i32
      %select_n3A_1856 = arith.select %eq3A_1854, %jit3A_1855, %jit3A_1852 : i32
      %rem3A_1857 = arith.remsi %add3A_1492, %select_n3A_1856 : i32
      %ne3A_1858 = arith.constant 0 : i32
      %ne3A_1859 = arith.cmpi ne, %rem3A_1857, %ne3A_1858 : i32
      %lt3A_1860 = arith.constant 0 : i32
      %lt3A_1861 = arith.cmpi slt, %rem3A_1857, %lt3A_1860 : i32
      %lt3A_1862 = arith.constant 0 : i32
      %lt3A_1863 = arith.cmpi slt, %select_n3A_1856, %lt3A_1862 : i32
      %ne3A_1864 = arith.xori %lt3A_1861, %lt3A_1863 : i1
      %and3A_1865 = arith.andi %ne3A_1864, %ne3A_1859 : i1
      %add3A_1866 = arith.addi %rem3A_1857, %select_n3A_1856 : i32
      %select_n3A_1867 = arith.select %and3A_1865, %add3A_1866, %rem3A_1857 : i32
      %eq3A_1868 = arith.constant 3 : i32
      %eq3A_1869 = arith.cmpi eq, %select_n3A_1867, %eq3A_1868 : i32
      %lt3A_1870 = arith.constant 128 : i32
      %lt3A_1871 = arith.cmpi slt, %add3A_1492, %lt3A_1870 : i32
      %and3A_1872 = arith.andi %eq3A_1869, %lt3A_1871 : i1
      %convert_element_type3A_1873 = arith.extui %and3A_1872 : i1 to i32
      %cond3A_1874 = arith.constant 0 : i32
      %cond3A_1875 = arith.cmpi ne, %convert_element_type3A_1873, %cond3A_1874 : i32
      scf.if %cond3A_1875 {
        %neg3A = arith.constant 0.000000e+00 : f32
        %neg3A_1879 = vector.broadcast %neg3A : f32 to vector<16xf32>
        %neg3A_1880 = arith.subf %neg3A_1879, %select_n3A_1851 : vector<16xf32>
        %exp3A = math.exp %neg3A_1880 : vector<16xf32>
        %add3A_1881 = arith.constant 1.000000e+00 : f32
        %add3A_1882 = vector.broadcast %add3A_1881 : f32 to vector<16xf32>
        %add3A_1883 = arith.addf %add3A_1882, %exp3A : vector<16xf32>
        %div3A_1884 = arith.constant 1.000000e+00 : f32
        %div3A_1885 = vector.broadcast %div3A_1884 : f32 to vector<16xf32>
        %div3A_1886 = arith.divf %div3A_1885, %add3A_1883 : vector<16xf32>
        %jit3A_1887 = arith.constant 4 : i32
        %div3A_1888 = arith.divsi %add3A_1492, %jit3A_1887 : i32
        %sign3A_1889 = arith.constant 0 : i32
        %sign3A_1890 = arith.cmpi sgt, %add3A_1492, %sign3A_1889 : i32
        %sign3A_1891 = arith.extui %sign3A_1890 : i1 to i32
        %sign3A_1892 = arith.constant 0 : i32
        %sign3A_1893 = arith.cmpi slt, %add3A_1492, %sign3A_1892 : i32
        %sign3A_1894 = arith.extui %sign3A_1893 : i1 to i32
        %sign3A_1895 = arith.subi %sign3A_1891, %sign3A_1894 : i32
        %sign3A_1896 = arith.constant 0 : i32
        %sign3A_1897 = arith.cmpi sgt, %jit3A_1887, %sign3A_1896 : i32
        %sign3A_1898 = arith.extui %sign3A_1897 : i1 to i32
        %sign3A_1899 = arith.constant 0 : i32
        %sign3A_1900 = arith.cmpi slt, %jit3A_1887, %sign3A_1899 : i32
        %sign3A_1901 = arith.extui %sign3A_1900 : i1 to i32
        %sign3A_1902 = arith.subi %sign3A_1898, %sign3A_1901 : i32
        %ne3A_1903 = arith.cmpi ne, %sign3A_1895, %sign3A_1902 : i32
        %rem3A_1904 = arith.remsi %add3A_1492, %jit3A_1887 : i32
        %ne3A_1905 = arith.constant 0 : i32
        %ne3A_1906 = arith.cmpi ne, %rem3A_1904, %ne3A_1905 : i32
        %and3A_1907 = arith.andi %ne3A_1903, %ne3A_1906 : i1
        %sub3A_1908 = arith.constant 1 : i32
        %sub3A_1909 = arith.subi %div3A_1888, %sub3A_1908 : i32
        %select_n3A_1910 = arith.select %and3A_1907, %sub3A_1909, %div3A_1888 : i32
        %mul3A_1911 = arith.constant 16 : i32
        %mul3A_1912 = arith.muli %select_n3A_1910, %mul3A_1911 : i32
        %swap3A = arith.index_cast %mul3A_1912 : i32 to index
        %swap3A_1913 = tpu.vector_load %arg12[%swap3A] {strides = array<i32>} : memref<512xf32, #tpu.memory_space<vmem>>, vector<16xf32>,
        tpu.vector_store %arg12[%swap3A], %div3A_1886 {strides = array<i32>} : memref<512xf32, #tpu.memory_space<vmem>>, vector<16xf32>,
      } else {
      }
      %lt3A_1876 = arith.constant 128 : i32
      %lt3A_1877 = arith.cmpi slt, %add3A_1492, %lt3A_1876 : i32
      %select_n3A_1878 = arith.select %lt3A_1877, %select_n3A_1851, %select_n3A_1488 : vector<16xf32>
      scf.yield %select_n3A_1878 : vector<16xf32>
    }
    %scan3A_710 = arith.constant 43 : i32
    %mul3A_711 = arith.constant 512 : i32
    %mul3A_712 = arith.muli %add3A, %mul3A_711 : i32
    "tpu.region"() ({
      %run_scoped3A = tpu.sem_alloc : memref<!tpu.dma_semaphore, #tpu.memory_space<semaphore_mem>>
      %dma_start3A_713 = tpu.memref_slice %arg7[%mul3A_712] : memref<16384xf32, #tpu.memory_space<hbm>> -> memref<512xf32, #tpu.memory_space<hbm>>
      %dma_start3A_714 = tpu.memref_slice %arg7[%mul3A_712] : memref<16384xf32, #tpu.memory_space<hbm>> -> memref<512xf32, #tpu.memory_space<hbm>>
      tpu.enqueue_dma source(%arg12 : memref<512xf32, #tpu.memory_space<vmem>>) target(%dma_start3A_714 : memref<512xf32, #tpu.memory_space<hbm>>) target_semaphore(%run_scoped3A : memref<!tpu.dma_semaphore, #tpu.memory_space<semaphore_mem>>)
      %dma_wait3A = tpu.memref_slice %arg7[%mul3A_712] : memref<16384xf32, #tpu.memory_space<hbm>> -> memref<512xf32, #tpu.memory_space<hbm>>
      %dma_wait3A_715 = tpu.memref_slice %arg7[%mul3A_712] : memref<16384xf32, #tpu.memory_space<hbm>> -> memref<512xf32, #tpu.memory_space<hbm>>
      tpu.wait_dma2 semaphore(%run_scoped3A : memref<!tpu.dma_semaphore, #tpu.memory_space<semaphore_mem>>) src(%arg12 : memref<512xf32, #tpu.memory_space<vmem>>) dst(%dma_wait3A_715 : memref<512xf32, #tpu.memory_space<hbm>>)
      tpu.yield
    }) : () -> ()
    return
  }
}

</mosaic_0001>

<sc_bundles>
// kernel: kernel.3.cloned.1.call-start
scs
__scs_entry_jumppad:
0x0: {  	(pc) =	sbr.rel $0x88, $3  }
0x1: {  	(tag) =	ssettag $0x0;
	lr =	simm.s32 $0x1  }
0x2: {  	[smem:$0x3F9B] =	sst lr;
	_ =	strace $0xD0000000  }
0x3: {  	_ = 	snop  }
0x4: {  	_ = 	snop  }
0x5: {  	_ = 	snop  }
0x6: {  	_ = 	snop  }
0x7: {  	_ = 	snop  }
__scs_overlays_trampoline_lowered:
0x8: {  	[smem:$0x3FAA] =	sst s0  }
0x9: {  	[smem:$0x3FAB] =	sst s1  }
0xa: {  	[smem:$0x3FAC] =	sst s2  }
0xb: {  	[smem:$0x3FAD] =	sst s3  }
0xc: {  	[smem:$0x3FAE] =	sst s4  }
0xd: {  	[smem:$0x3FAF] =	sst s5  }
0xe: {  	[smem:$0x3FB0] =	sst s6  }
0xf: {  	[smem:$0x3FB1] =	sst s7  }
0x10: {  	[smem:$0x3FB2] =	sst s8  }
0x11: {  	[smem:$0x3FB3] =	sst s9;
	s0 =	simm.s32 @!p0 $0x0  }
0x12: {  	s1 =	sld [smem:$0x3F99];
	s0 =	simm.s32 @p0 $0x1  }
0x13: {  	[smem:$0x3FB4] =	sst s0;
	s0 =	simm.s32 @!p1 $0x0  }
0x14: {  	s2 =	sld [smem:$0x3F98];
	s0 =	simm.s32 @p1 $0x1  }
0x15: {  	[smem:$0x3FB5] =	sst s0;
	s0 =	simm.s32 @!p2 $0x0  }
0x16: {  	s3 =	sld [smem:$0x3FDB];
	s0 =	simm.s32 @p2 $0x1  }
0x17: {  	s4 =	simm.s32 $0x1BF5;
	[smem:$0x3FB7] =	sst s0  }
0x18: {  	s0 =	sld [smem:$0x3F9A];
	_ =	swait.ge [sflag:s4], $0x0  }
0x19: {  	s7 =	sld [smem:$0x3F9B]  }
0x1a: {  	s8 =	sadd.s32 $0xFFFFE003, lr  }
0x1b: {  	s9 =	sadd.s32 $0xFFFFFEF7, lr;
	s5 =	simm.s32 $0xFFFFFFFF;
	p2 =	slt.u32 s8, $0xFFFFF086  }
0x1c: {  	p1 =	slt.u32 s9, $0xF7A;
	s5 =	simm.s32 @!p2 $0x0  }
0x1d: {  	s5 =	simm.s32 @p1 $0x1;
	p0 =	seq.s32 s7, s2  }
0x1e: {  	s7 =	smul.u32 @!p0 $0xF7A, s2;
	p2 =	seq.s32 @!p0 s5, $0x0  }
0x1f: {  	s9 =	smul.u32 $0xF7A, s1;
	s8 =	simm.s32 @!p0 $0x1BF5;
	p2 =	por !p2, p0  }
0x20: {  	[sflag:s8] =	ssyncset.s32 @!p0 $0xFFFFF086;
	s6 =	sadd.s32 @!p0 s3, s7;
	s7 =	simm.s32 @!p0 $0x108  }
0x21: {  	s3 =	sadd.s32 s3, s9;
	s6 =	sadd.s32 @!p0 $0x88, s6;
	s7 =	simm.s32 @p2 $0x1082  }
0x22: {  	[simem:s7], [sflag:s8] =	dma.local @!p0 [hbm:s6], $0xF7A  }
0x23: {  	s9 =	sor.u32 $0xD0000000, s2;
	s6 =	simm.s32 $0x108;
	_ =	swait.ge @!p0 [sflag:s8], $0x0  }
0x24: {  	s3 =	sadd.s32 $0x88, s3;
	s6 =	simm.s32 @!p1 $0x1082;
	[sflag:s4] =	ssyncset.s32 $0xFFFFF086  }
0x25: {  	[simem:s6], [sflag:s4] =	dma.local [hbm:s3], $0xF7A  }
0x26: {  	[smem:$0x3F9B] =	sst s1;
	(tag) =	ssettag s2;
	_ =	strace s9  }
0x27: {  	s1 =	sld [smem:$0x3FAB]  }
0x28: {  	s2 =	sld [smem:$0x3FAC]  }
0x29: {  	s4 =	sld [smem:$0x3FAE]  }
0x2a: {  	p0 =	seq.s32 s5, $0x0;
	s5 =	sld [smem:$0x3FAF]  }
0x2b: {  	s6 =	sld [smem:$0x3FB0]  }
0x2c: {  	s7 =	sld [smem:$0x3FB1]  }
0x2d: {  	s3 =	simm.s32 $0x108;
	s8 =	sld [smem:$0x3FB2]  }
0x2e: {  	s3 =	simm.s32 @!p0 $0x1082;
	s9 =	sld [smem:$0x3FB3]  }
0x2f: {  	lr =	sadd.s32 s0, s3;
	s0 =	sld [smem:$0x3FAA]  }
0x30: {  	s3 =	sld [smem:$0x3FAD]  }
0x31: {  	[smem:$0x3FB6] =	sst s10  }
0x32: {  	s10 =	sld [smem:$0x3FB4];
	_ =	sdelay $0x3  }
0x33: {  	p0 =	seq.s32 s10, $0x1;
	s10 =	sld [smem:$0x3FB6];
	_ =	sdelay $0x3  }
0x34: {  	[smem:$0x3FB6] =	sst s10  }
0x35: {  	s10 =	sld [smem:$0x3FB5];
	_ =	sdelay $0x3  }
0x36: {  	p1 =	seq.s32 s10, $0x1;
	s10 =	sld [smem:$0x3FB6];
	_ =	sdelay $0x3  }
0x37: {  	[smem:$0x3FB6] =	sst s10  }
0x38: {  	s10 =	sld [smem:$0x3FB7]  }
0x39: {  	_ = 	snop;
	(pc) =	sbr.ind lr, $3  }
0x3a: {  	_ = 	snop  }
0x3b: {  	_ = 	snop  }
0x3c: {  	p2 =	seq.s32 s10, $0x1;
	s10 =	sld [smem:$0x3FB6]  }
0x3d: {  	_ =	shalt  }
0x3e: {  	_ =	shalt  }
0x3f: {  	_ =	shalt  }
0x40: {  	_ =	shalt  }
0x41: {  	_ =	shalt  }
0x42: {  	_ =	shalt  }
0x43: {  	_ =	shalt  }
0x44: {  	_ =	shalt  }
0x45: {  	_ =	shalt  }
0x46: {  	_ =	shalt  }
0x47: {  	_ =	shalt  }
0x48: {  	_ =	shalt  }
0x49: {  	_ =	shalt  }
0x4a: {  	_ =	shalt  }
0x4b: {  	_ =	shalt  }
0x4c: {  	_ =	shalt  }
0x4d: {  	_ =	shalt  }
0x4e: {  	_ =	shalt  }
0x4f: {  	_ =	shalt  }
0x50: {  	_ =	shalt  }
0x51: {  	_ =	shalt  }
0x52: {  	_ =	shalt  }
0x53: {  	_ =	shalt  }
0x54: {  	_ =	shalt  }
0x55: {  	_ =	shalt  }
0x56: {  	_ =	shalt  }
0x57: {  	_ =	shalt  }
0x58: {  	_ =	shalt  }
0x59: {  	_ =	shalt  }
0x5a: {  	_ =	shalt  }
0x5b: {  	_ =	shalt  }
0x5c: {  	_ =	shalt  }
0x5d: {  	_ =	shalt  }
0x5e: {  	_ =	shalt  }
0x5f: {  	_ =	shalt  }
0x60: {  	_ =	shalt  }
0x61: {  	_ =	shalt  }
0x62: {  	_ =	shalt  }
0x63: {  	_ =	shalt  }
0x64: {  	_ =	shalt  }
0x65: {  	_ =	shalt  }
0x66: {  	_ =	shalt  }
0x67: {  	_ =	shalt  }
0x68: {  	_ =	shalt  }
0x69: {  	_ =	shalt  }
0x6a: {  	_ =	shalt  }
0x6b: {  	_ =	shalt  }
0x6c: {  	_ =	shalt  }
0x6d: {  	_ =	shalt  }
0x6e: {  	_ =	shalt  }
0x6f: {  	_ =	shalt  }
0x70: {  	_ =	shalt  }
0x71: {  	_ =	shalt  }
0x72: {  	_ =	shalt  }
0x73: {  	_ =	shalt  }
0x74: {  	_ =	shalt  }
0x75: {  	_ =	shalt  }
0x76: {  	_ =	shalt  }
0x77: {  	_ =	shalt  }
0x78: {  	_ =	shalt  }
0x79: {  	_ =	shalt  }
0x7a: {  	_ =	shalt  }
0x7b: {  	_ =	shalt  }
0x7c: {  	_ =	shalt  }
0x7d: {  	_ =	shalt  }
0x7e: {  	_ =	shalt  }
0x7f: {  	_ =	shalt  }
0x80: {  	_ =	shalt  }
0x81: {  	_ =	shalt  }
0x82: {  	_ =	shalt  }
0x83: {  	_ =	shalt  }
0x84: {  	_ =	shalt  }
0x85: {  	_ =	shalt  }
0x86: {  	_ =	shalt  }
0x87: {  	_ =	shalt  }
.Lfunc_end0:
.L_simem_size_0:
called_computation_lowered:
.L_overlay_start_0:
0x88: {  	s2 =	sld [smem:$0x3FD9]  }
0x89: {  	s3 =	sld [smem:$0x3FFE];
	_ =	sdelay $0x1  }
0x8a: {  	s1 =	srdreg.scid  }
0x8b: {  	s0 =	sand.u32 $0x1, s1  }
0x8c: {  	s17 =	sshll.u32 s0, $0xA;
	s2 =	sadd.s32 s3, s2  }
0x8d: {  	s2 =	sadd.s32 s2, s17  }
0x8e: {  	[smem:$0x3FC2] =	sst s2  }
0x8f: {  	_ = 	snop  }
0x90: {  	s2 =	sld [smem:$0x3FC7]  }
0x91: {  	s18 =	sld [smem:$0x3FC6]  }
0x92: {  	s4 =	sld [smem:$0x3FD0];
	(tm) =	ssettm $0x1  }
0x93: {  	s5 =	sld [smem:$0x3FFB];
	_ =	sdelay $0x3  }
0x94: {  	_ =	strace s5  }
0x95: {  	s5 =	sld [smem:$0x3FFC];
	_ =	sdelay $0x3  }
0x96: {  	_ =	strace s5  }
0x97: {  	s5 =	sld [smem:$0x3FFD];
	_ =	sdelay $0x3  }
0x98: {  	_ =	strace s5  }
0x99: {  	_ =	strace $0x8FFFFFFF  }
0x9a: {  	s19 =	sld [smem:$0x3FDB];
	_ =	sdelay $0x1  }
0x9b: {  	s6 =	simm.s32 $_scs_section_size  }
0x9c: {  	s7 =	simm.s32 $_size__tile_overlayer_lowered;
	s8 =	simm.s32 $_tile_overlayer_lowered  }
0x9d: {  	s22 =	simm.s32 $0x1BFF;
	s21 =	sshll.u32 s8, $0x1;
	s5 =	sadd.s32 s6, s19  }
0x9e: {  	s9 =	simm.s32 $0x0;
	s20 =	sshll.u32 s7, $0x1;
	s7 =	sadd.s32 s21, s5  }
0x9f: {  	[timem:s9], [sflag:s22] =	dma.local [hbm:s7], s20  }
0xa0: {  	_ =	swait.ge [sflag:s22], s20  }
0xa1: {  	s6 =	ssub.s32 $0x0, s20;
	[sflag:s22] =	ssyncset.done $0x0  }
0xa2: {  	[sflag:s22] =	ssyncadd.s32 s6;
	_ =	sdelay $0x1  }
0xa3: {  	s23 =	simm.s32 $0x1B8B  }
0xa4: {  	_ =	swait.ge [sflag:s23], $0x1  }
0xa5: {  	[sflag:s23] =	ssyncset.done $0x0  }
0xa6: {  	s25 =	simm.s32 $0x1B8E;
	s24 =	sld [smem:$0x3FFE];
	[sflag:s23] =	ssyncadd.s32 $0xFFFFFFFF  }
0xa7: {  	s26 =	simm.s32 $execute0_lowered;
	[smem:$0x3FD2] =	sst s25  }
0xa8: {  	s7 =	sshll.u32 s26, $0x1;
	_ =	strace $0x80000046;
	[dreg:$0x1] =	wrdreg $0xFFFFFFFF  }
0xa9: {  	s28 =	simm.s32 $_size_execute0_lowered;
	s5 =	sadd.s32 s5, s7;
	[dreg:$0x0] =	wrdreg $0x0  }
0xaa: {  	s7 =	sshll.u32 s28, $0x1;
	[dreg:$0x2] =	wrdreg s5  }
0xab: {  	[dreg:$0x3] =	wrdreg s7  }
0xac: {  	[dreg:$0x4] =	wrdreg $0xC0  }
0xad: {  	_ =	task [dreg:s9], $0x5FFFF  }
0xae: {  	[dreg:$0x1] =	wrdreg $0xFFFFFFFF  }
0xaf: {  	[dreg:$0x0] =	wrdreg $0x60  }
0xb0: {  	[dreg:$0x2] =	wrdreg s24  }
0xb1: {  	[dreg:$0x3] =	wrdreg s2  }
0xb2: {  	[dreg:$0x4] =	wrdreg s18  }
0xb3: {  	[dreg:$0x5] =	wrdreg s4  }
0xb4: {  	[dreg:$0x6] =	wrdreg $0x9  }
0xb5: {  	_ =	task.clear_ibuf [dreg:s9], $0x7FFFF;
	_ =	strace $0x90000046  }
0xb6: {  	s29 =	simm.s32 $0x9;
	_ =	strace $0x80000048  }
0xb7: {  	_ =	swait.ge [sflag:s29], $0x1  }
0xb8: {  	[sflag:s29] =	ssyncadd.s32 $0xFFFFFFFF  }
0xb9: {  	_ =	strace $0x90000048  }
0xba: {  	_ =	sfence  }
0xbb: {  	s30 =	sld [smem:$0x0];
	_ =	sdelay $0x2  }
0xbc: {  	s31 =	sshll.u32 s1, $0xD;
	s1 =	sshrl.u32 s1, $0x2  }
0xbd: {  	s3 =	sand.u32 $0x4000, s31;
	s1 =	sadd.s32 s1, s30  }
0xbe: {  	s0 =	sor.u32 s3, s0;
	s1 =	sshll.u32 s1, $0x11  }
0xbf: {  	s0 =	sor.u32 s1, s0  }
0xc0: {  	s0 =	sadd.s32 $0x8F2B, s0  }
0xc1: {  	[sflag:s0] =	ssyncadd.remote.s32 $0x1  }
0xc2: {  	_ =	sfence.sel $0xFFFF  }
0xc3: {  	[dreg:$0x0] =	wrdreg $0xFFFFFFFF;
	(pc) =	sbr.abs _section_cstart, $3  }
0xc4: {  	[dreg:$0x1] =	wrdreg $0xFFFFFFFF  }
0xc5: {  	_ =	task.clear_ibuf [dreg:s9], $0x2FFFF;
	_ =	strace $0x9FFFFFFF  }
0xc6: {  	(tm) =	ssettm $0x7FFFFFFF  }
0xc7: {  	_ =	shalt  }
tec
execute0_lowered:
.L_overlay_start_1:
0x0: {  	(tag) =	ssettag $0x1  }
0x1: {  	s0 =	rddreg [dreg:$0x0]  }
0x2: {  	s2 =	srdreg.scid;
	s1 =	rddreg [dreg:$0x1]  }
0x3: {  	s6 =	stileid.u32;
	s3 =	rddreg [dreg:$0x2]  }
0x4: {  	s5 =	rddreg [dreg:$0x3];
	s10 =	simm.s32 $0x0;
	s11 =	simm.s32 $0x400  }
0x5: {  	s18 =	simm.s32 $0x7;
	s16 =	simm.s32 $0x7A1400;
	s9 =	simm.s32 $0x10500  }
0x6: {  	s29 =	simm.s32 $0x5500;
	s30 =	simm.s32 $0x11500;
	s31 =	simm.s32 $0x6500  }
0x7: {  	s15 =	simm.s32 $0x13500;
	s28 =	simm.s32 $0x8500;
	s12 =	simm.s32 $0x9500  }
0x8: {  	s17 =	simm.s32 $0x15500;
	s8 =	simm.s32 $0x16500;
	s14 =	simm.s32 $0x0  }
0x9: {  	s2 =	sand.u32 $0x1, s2;
	s4 =	sshll.u32 s6, $0x1;
	s6 =	sshll.u32 s6, $0x7  }
0xa: {  	[smem:$0x7FF] =	sst s10;
	s4 =	sor.u32 s2, s4;
	s2 =	ssub.s32 $0x2, s2  }
0xb: {  	_ =	strace $0x80000047;
	s7 =	sshll.u32 s4, $0x4;
	s22 =	sshrl.u32 s2, $0x1  }
0xc: {  	s24 =	sshll.u32 s4, $0x6;
	s4 =	simm.s32 $0x14500;
	s6 =	sor.u32 s6, s7  }
0xd: {  	s23 =	ssub.s32 s2, s22;
	s2 =	sadd.s32 s5, s24;
	s5 =	simm.s32 $0x500  }
0xe: {  	s22 =	simm.s32 $0xC500;
	s7 =	simm.s32 $0xB500;
	s6 =	sand.u32 $0x670, s6  }
0xf: {  	[dreg:$0x8] =	wrdreg s2;
	s6 =	sadd.s32 s6, s0;
	s0 =	sadd.s32 $0x1200, s0  }
.Ltmp0:
0x10: {  	[dreg:$0x5] =	wrdreg s0;
	s25 =	sadd.s32 $0x200, s6;
	(pc) =	sbr.rel .LBB2_1-.Ltmp0, $4  }
0x11: {  	v0 =	vlaneseq.u32;
	s24 =	simm.s32 $0x17500;
	s26 =	sadd.s32 $0xA00, s6;
	[dreg:$0x6] =	wrdreg s25  }
0x12: {  	v1 =	vmul.u32 $0x80, v0;
	s2 =	simm.s32 $0x12500;
	s0 =	smax.u32 s23, $0x1;
	[dreg:$0x7] =	wrdreg s26  }
0x13: {  	s6 =	simm.s32 $0x1500;
	s23 =	simm.s32 $0xD500;
	[dreg:$0x9] =	wrdreg s0  }
0x14: {  	v2 =	vor.u32 $0x800, v1;
	s26 =	simm.s32 $0x4500;
	s0 =	simm.s32 $0x7500;
	s25 =	simm.s32 $0xA500  }
.LBB2_9:
0x15: {  	s10 =	simm.s32 $0x0  }
0x16: {  	s13 =	rddreg [dreg:$0x8];
	s14 =	simm.s32 $0x18500;
	s18 =	simm.s32 $0x7  }
0x17: {  	[hbm4b:s13+s10] =	stream.linear.scatter [tilespmem:s14], [sflag:$0x7], $0x200, $0x38;
	[tilespmem:$0x18B00] =	vst v63  }
0x18: {  	_ =	swait.ge [sflag:s18], $0x200  }
0x19: {  	s20 =	rddreg [dreg:$0xa]  }
0x1a: {  	s21 =	rddreg [dreg:$0x9];
	s14 =	sadd.s32 $0x1, s20  }
0x1b: {  	p0 =	sne.s32 s14, s21  }
.Ltmp1:
0x1c: {  	_ = 	snop;
	(pc) =	sbr.rel @!p0 .LBB2_10-.Ltmp1, $3  }
0x1d: {  	_ =	sdelay $0x1  }
0x1e: {  	[sflag:s18] =	ssyncset.done $0x0  }
0x1f: {  	[sflag:s18] =	ssyncadd.s32 $0xFFFFFE00  }
.LBB2_1:
0x20: {  	[dreg:$0xa] =	wrdreg s14  }
0x21: {  	s13 =	rddreg [dreg:$0x6];
	s20 =	simm.s32 $0x80  }
0x22: {  	[tilespmem:s10], [sflag:$0x7] =	stream.strided.gather [hbm4b:s13+s20], $0x200, s11, s20, $0x38;
	[tilespmem:$0x18B00] =	vst v63  }
0x23: {  	_ =	swait.ge [sflag:s18], $0x200  }
0x24: {  	[sflag:s18] =	ssyncset.done $0x0  }
0x25: {  	s19 =	simm.s32 $0x280;
	s21 =	rddreg [dreg:$0x7];
	[sflag:s18] =	ssyncadd.s32 $0xFFFFFE00  }
0x26: {  	[tilespmem:s19], [sflag:$0x7] =	stream.strided.gather [hbm4b:s21+s20], $0x200, s11, s20, $0x38;
	[tilespmem:$0x18B00] =	vst v63  }
0x27: {  	_ =	swait.ge [sflag:s18], $0x200  }
0x28: {  	[sflag:s18] =	ssyncset.done $0x0  }
0x29: {  	s19 =	simm.s32 $0x18700;
	s14 =	rddreg [dreg:$0x5];
	[sflag:s18] =	ssyncadd.s32 $0xFFFFFE00  }
0x2a: {  	[tilespmem:s19], [sflag:$0x7] =	stream.linear.gather [hbm4b:s14+s10], $0x280, $0x38;
	[tilespmem:$0x18B00] =	vst v63  }
0x2b: {  	_ =	swait.ge [sflag:s18], $0x280  }
0x2c: {  	[sflag:s18] =	ssyncset.done $0x0  }
0x2d: {  	[sflag:s18] =	ssyncadd.s32 $0xFFFFFD80  }
0x2e: {  	v8 =	vld [tilespmem:$0x280]  }
0x2f: {  	v9 =	vld [tilespmem:$0x0];
	_ =	sdelay $0x3  }
0x30: {  	(v2sf) =	vpush v8, $0x0  }
0x31: {  	(v2sf) =	vpush v9, $0x0;
	_ =	sdelay $0xd  }
0x32: {  	s13 =	spop (v2sf)  }
0x33: {  	s18 =	spop (v2sf);
	(v2sf) =	vpush v8, $0x1  }
0x34: {  	s20 =	sand.u32 $0x7F, s13;
	s21 =	sshra.s32 s13, $0x1F;
	p6 =	slt.s32 s13, $0x1;
	(v2sf) =	vpush v9, $0x1  }
0x35: {  	p0 =	sne.s32 s20, $0x0;
	s10 =	sand.u32 $0x7F, s18;
	s20 =	sshra.s32 s18, $0x1F  }
0x36: {  	p2 =	slt.s32 s18, $0x1;
	s19 =	sshrl.u32 s21, $0x19;
	p1 =	sne.s32 s10, $0x0  }
0x37: {  	s14 =	sshrl.u32 s20, $0x19;
	s13 =	sadd.s32 s19, s13;
	p1 =	por !p2, !p1  }
0x38: {  	s14 =	sadd.s32 s14, s18;
	s18 =	simm.s32 $0x1;
	p1 =	por !p1, !p1  }
0x39: {  	p0 =	por !p6, !p0;
	s14 =	sshrl.u32 s14, $0x7;
	s18 =	simm.s32 @!p1 $0x0  }
0x3a: {  	v3 =	vld [tilespmem:$0x18700];
	p0 =	por !p0, !p0;
	s14 =	ssub.s32 s14, s18;
	s18 =	simm.s32 $0x1  }
0x3b: {  	v4 =	vld [tilespmem:$0x18780];
	s13 =	sshrl.u32 s13, $0x7;
	s14 =	sshll.u32 s14, $0x7;
	s18 =	simm.s32 @!p0 $0x0  }
0x3c: {  	v5 =	vld [tilespmem:$0x18800];
	s14 =	sand.u32 $0x1FFFFF80, s14;
	s13 =	ssub.s32 s13, s18  }
0x3d: {  	v6 =	vld [tilespmem:$0x18880];
	s14 =	sadd.s32 s1, s14;
	s13 =	sshll.u32 s13, $0x7  }
0x3e: {  	v7 =	vld [tilespmem:$0x18900];
	[tilespmem:s5], [sflag:$0x1] =	stream.strided.gather [hbm4b:s14+s11], $0x1000, s16, s11, $0x38  }
0x3f: {  	s13 =	sand.u32 $0x1FFFFF80, s13  }
0x40: {  	s13 =	sadd.s32 s3, s13  }
0x41: {  	[tilespmem:s22], [sflag:$0x4] =	stream.strided.gather [hbm4b:s13+s11], $0x1000, s16, s11, $0x38;
	[tilespmem:$0x18B00] =	vst v63  }
0x42: {  	s18 =	simm.s32 $0x1;
	s13 =	spop (v2sf);
	(v2sf) =	vpush v8, $0x2  }
0x43: {  	s21 =	sand.u32 $0x7F, s13;
	s22 =	spop (v2sf);
	s5 =	sshra.s32 s13, $0x1F;
	(v2sf) =	vpush v9, $0x2  }
0x44: {  	p6 =	slt.s32 s13, $0x1;
	p3 =	sne.s32 s21, $0x0;
	s10 =	sand.u32 $0x7F, s22  }
0x45: {  	s20 =	sshra.s32 s22, $0x1F;
	p5 =	slt.s32 s22, $0x1;
	p4 =	sne.s32 s10, $0x0  }
0x46: {  	s19 =	sshrl.u32 s5, $0x19;
	s14 =	sshrl.u32 s20, $0x19;
	p1 =	por !p5, !p4  }
0x47: {  	s13 =	sadd.s32 s19, s13;
	s14 =	sadd.s32 s14, s22;
	p1 =	por !p1, !p1  }
0x48: {  	p0 =	por !p6, !p3;
	s14 =	sshrl.u32 s14, $0x7;
	s18 =	simm.s32 @!p1 $0x0  }
0x49: {  	p0 =	por !p0, !p0;
	s14 =	ssub.s32 s14, s18;
	s18 =	simm.s32 $0x1  }
0x4a: {  	s13 =	sshrl.u32 s13, $0x7;
	s14 =	sshll.u32 s14, $0x7;
	s18 =	simm.s32 @!p0 $0x0  }
0x4b: {  	s14 =	sand.u32 $0x1FFFFF80, s14;
	s13 =	ssub.s32 s13, s18  }
0x4c: {  	s14 =	sadd.s32 s1, s14;
	s13 =	sshll.u32 s13, $0x7  }
0x4d: {  	[tilespmem:s6], [sflag:$0x1] =	stream.strided.gather [hbm4b:s14+s11], $0x1000, s16, s11, $0x38;
	[tilespmem:$0x18B00] =	vst v63  }
0x4e: {  	s13 =	sand.u32 $0x1FFFFF80, s13  }
0x4f: {  	s13 =	sadd.s32 s3, s13  }
0x50: {  	[tilespmem:s23], [sflag:$0x4] =	stream.strided.gather [hbm4b:s13+s11], $0x1000, s16, s11, $0x38;
	[tilespmem:$0x18B00] =	vst v63  }
0x51: {  	s18 =	simm.s32 $0x1;
	s21 =	spop (v2sf);
	(v2sf) =	vpush v8, $0x3  }
0x52: {  	s22 =	sand.u32 $0x7F, s21;
	s23 =	spop (v2sf);
	s5 =	sshra.s32 s21, $0x1F;
	(v2sf) =	vpush v9, $0x3  }
0x53: {  	p6 =	slt.s32 s21, $0x1;
	p3 =	sne.s32 s22, $0x0;
	s6 =	sand.u32 $0x7F, s23  }
0x54: {  	s10 =	sshra.s32 s23, $0x1F;
	p5 =	slt.s32 s23, $0x1;
	p4 =	sne.s32 s6, $0x0  }
0x55: {  	s19 =	sshrl.u32 s5, $0x19;
	s14 =	sshrl.u32 s10, $0x19;
	p1 =	por !p5, !p4  }
0x56: {  	s13 =	sadd.s32 s19, s21;
	s14 =	sadd.s32 s14, s23;
	p1 =	por !p1, !p1  }
0x57: {  	p0 =	por !p6, !p3;
	s14 =	sshrl.u32 s14, $0x7;
	s18 =	simm.s32 @!p1 $0x0  }
0x58: {  	p0 =	por !p0, !p0;
	s14 =	ssub.s32 s14, s18;
	s18 =	simm.s32 $0x1  }
0x59: {  	s13 =	sshrl.u32 s13, $0x7;
	s14 =	sshll.u32 s14, $0x7;
	s18 =	simm.s32 @!p0 $0x0  }
0x5a: {  	s14 =	sand.u32 $0x1FFFFF80, s14;
	s13 =	ssub.s32 s13, s18  }
0x5b: {  	s19 =	simm.s32 $0x2500;
	s14 =	sadd.s32 s1, s14;
	s13 =	sshll.u32 s13, $0x7  }
0x5c: {  	[tilespmem:s19], [sflag:$0x1] =	stream.strided.gather [hbm4b:s14+s11], $0x1000, s16, s11, $0x38;
	[tilespmem:$0x18B00] =	vst v63  }
0x5d: {  	s13 =	sand.u32 $0x1FFFFF80, s13  }
0x5e: {  	s20 =	simm.s32 $0xE500;
	s13 =	sadd.s32 s3, s13  }
0x5f: {  	[tilespmem:s20], [sflag:$0x4] =	stream.strided.gather [hbm4b:s13+s11], $0x1000, s16, s11, $0x38;
	[tilespmem:$0x18B00] =	vst v63  }
0x60: {  	s18 =	simm.s32 $0x1;
	s21 =	spop (v2sf)  }
0x61: {  	s22 =	sand.u32 $0x7F, s21;
	s23 =	spop (v2sf);
	s5 =	sshra.s32 s21, $0x1F  }
0x62: {  	p6 =	slt.s32 s21, $0x1;
	p3 =	sne.s32 s22, $0x0;
	s6 =	sand.u32 $0x7F, s23  }
0x63: {  	s10 =	sshra.s32 s23, $0x1F;
	p5 =	slt.s32 s23, $0x1;
	p4 =	sne.s32 s6, $0x0  }
0x64: {  	s19 =	sshrl.u32 s5, $0x19;
	s14 =	sshrl.u32 s10, $0x19;
	p1 =	por !p5, !p4  }
0x65: {  	s13 =	sadd.s32 s19, s21;
	s14 =	sadd.s32 s14, s23;
	p1 =	por !p1, !p1  }
0x66: {  	p0 =	por !p6, !p3;
	s14 =	sshrl.u32 s14, $0x7;
	s18 =	simm.s32 @!p1 $0x0  }
0x67: {  	p0 =	por !p0, !p0;
	s14 =	ssub.s32 s14, s18;
	s18 =	simm.s32 $0x1  }
0x68: {  	s13 =	sshrl.u32 s13, $0x7;
	s14 =	sshll.u32 s14, $0x7;
	s18 =	simm.s32 @!p0 $0x0  }
0x69: {  	s14 =	sand.u32 $0x1FFFFF80, s14;
	s13 =	ssub.s32 s13, s18  }
0x6a: {  	s18 =	simm.s32 $0x3500;
	s14 =	sadd.s32 s1, s14;
	s13 =	sshll.u32 s13, $0x7  }
0x6b: {  	[tilespmem:s18], [sflag:$0x1] =	stream.strided.gather [hbm4b:s14+s11], $0x1000, s16, s11, $0x38;
	[tilespmem:$0x18B00] =	vst v63  }
0x6c: {  	s13 =	sand.u32 $0x1FFFFF80, s13  }
0x6d: {  	s19 =	simm.s32 $0xF500;
	s13 =	sadd.s32 s3, s13  }
0x6e: {  	[tilespmem:s19], [sflag:$0x4] =	stream.strided.gather [hbm4b:s13+s11], $0x1000, s16, s11, $0x38;
	[tilespmem:$0x18B00] =	vst v63  }
0x6f: {  	v8 =	vld [tilespmem:$0x284];
	_ =	sdelay $0x3  }
0x70: {  	v9 =	vld [tilespmem:$0x4]  }
0x71: {  	(v2sf) =	vpush v8, $0x0;
	_ =	sdelay $0x3  }
0x72: {  	(v2sf) =	vpush v9, $0x0;
	_ =	sdelay $0x8  }
0x73: {  	(v2sf) =	vpush v8, $0x1;
	_ =	sdelay $0x1  }
0x74: {  	s20 =	spop (v2sf);
	(v2sf) =	vpush v9, $0x1;
	_ =	sdelay $0x2  }
0x75: {  	s18 =	simm.s32 $0x1  }
0x76: {  	s21 =	sand.u32 $0x7F, s20;
	s22 =	spop (v2sf);
	s23 =	sshra.s32 s20, $0x1F  }
0x77: {  	p6 =	slt.s32 s20, $0x1;
	p3 =	sne.s32 s21, $0x0;
	s5 =	sand.u32 $0x7F, s22  }
0x78: {  	s6 =	sshra.s32 s22, $0x1F;
	p5 =	slt.s32 s22, $0x1;
	p4 =	sne.s32 s5, $0x0  }
0x79: {  	s19 =	sshrl.u32 s23, $0x19;
	s14 =	sshrl.u32 s6, $0x19;
	p1 =	por !p5, !p4  }
0x7a: {  	s13 =	sadd.s32 s19, s20;
	s14 =	sadd.s32 s14, s22;
	p1 =	por !p1, !p1  }
0x7b: {  	p0 =	por !p6, !p3;
	s14 =	sshrl.u32 s14, $0x7;
	s18 =	simm.s32 @!p1 $0x0  }
0x7c: {  	p0 =	por !p0, !p0;
	s14 =	ssub.s32 s14, s18;
	s18 =	simm.s32 $0x1  }
0x7d: {  	s13 =	sshrl.u32 s13, $0x7;
	s14 =	sshll.u32 s14, $0x7;
	s18 =	simm.s32 @!p0 $0x0  }
0x7e: {  	s14 =	sand.u32 $0x1FFFFF80, s14;
	s13 =	ssub.s32 s13, s18  }
0x7f: {  	(v2sf) =	vpush v8, $0x2;
	s10 =	spop (v2sf);
	s14 =	sadd.s32 s1, s14;
	s13 =	sshll.u32 s13, $0x7  }
0x80: {  	[tilespmem:s26], [sflag:$0x2] =	stream.strided.gather [hbm4b:s14+s11], $0x1000, s16, s11, $0x38;
	[tilespmem:$0x18B00] =	vst v63  }
0x81: {  	s19 =	sand.u32 $0x7F, s10;
	s13 =	sand.u32 $0x1FFFFF80, s13;
	s20 =	spop (v2sf);
	(v2sf) =	vpush v9, $0x2  }
0x82: {  	s21 =	sshra.s32 s10, $0x1F;
	p6 =	slt.s32 s10, $0x1;
	s13 =	sadd.s32 s3, s13  }
0x83: {  	[tilespmem:s9], [sflag:$0x5] =	stream.strided.gather [hbm4b:s13+s11], $0x1000, s16, s11, $0x38;
	[tilespmem:$0x18B00] =	vst v63  }
0x84: {  	p3 =	sne.s32 s19, $0x0;
	s19 =	sshrl.u32 s21, $0x19;
	s22 =	sand.u32 $0x7F, s20  }
0x85: {  	s23 =	sshra.s32 s20, $0x1F;
	p5 =	slt.s32 s20, $0x1;
	p4 =	sne.s32 s22, $0x0  }
0x86: {  	p0 =	por !p6, !p3;
	s13 =	sshrl.u32 s23, $0x19;
	p1 =	por !p5, !p4  }
0x87: {  	s18 =	simm.s32 $0x1;
	s13 =	sadd.s32 s13, s20;
	p1 =	por !p1, !p1  }
0x88: {  	p0 =	por !p0, !p0;
	s13 =	sshrl.u32 s13, $0x7;
	s18 =	simm.s32 @!p1 $0x0  }
0x89: {  	s14 =	sadd.s32 s19, s10;
	s13 =	ssub.s32 s13, s18;
	s18 =	simm.s32 $0x1  }
0x8a: {  	s14 =	sshrl.u32 s14, $0x7;
	s13 =	sshll.u32 s13, $0x7;
	s18 =	simm.s32 @!p0 $0x0  }
0x8b: {  	s13 =	sand.u32 $0x1FFFFF80, s13;
	s14 =	ssub.s32 s14, s18  }
0x8c: {  	s13 =	sadd.s32 s1, s13;
	s26 =	sshll.u32 s14, $0x7  }
0x8d: {  	[tilespmem:s29], [sflag:$0x2] =	stream.strided.gather [hbm4b:s13+s11], $0x1000, s16, s11, $0x38;
	[tilespmem:$0x18B00] =	vst v63  }
0x8e: {  	s13 =	sand.u32 $0x1FFFFF80, s26;
	s29 =	spop (v2sf);
	(v2sf) =	vpush v8, $0x3  }
0x8f: {  	s18 =	simm.s32 $0x1;
	s13 =	sadd.s32 s3, s13  }
0x90: {  	s6 =	sshra.s32 s29, $0x1F;
	p6 =	slt.s32 s29, $0x1;
	s5 =	spop (v2sf);
	(v2sf) =	vpush v9, $0x3  }
0x91: {  	[tilespmem:s30], [sflag:$0x5] =	stream.strided.gather [hbm4b:s13+s11], $0x1000, s16, s11, $0x38;
	[tilespmem:$0x18B00] =	vst v63  }
0x92: {  	s30 =	sand.u32 $0x7F, s29;
	s19 =	sshrl.u32 s6, $0x19;
	s9 =	sand.u32 $0x7F, s5  }
0x93: {  	s10 =	sshra.s32 s5, $0x1F;
	p5 =	slt.s32 s5, $0x1;
	p4 =	sne.s32 s9, $0x0  }
0x94: {  	p3 =	sne.s32 s30, $0x0;
	s13 =	sshrl.u32 s10, $0x19;
	p1 =	por !p5, !p4  }
0x95: {  	s14 =	sadd.s32 s19, s29;
	s13 =	sadd.s32 s13, s5;
	p1 =	por !p1, !p1  }
0x96: {  	p0 =	por !p6, !p3;
	s13 =	sshrl.u32 s13, $0x7;
	s18 =	simm.s32 @!p1 $0x0  }
0x97: {  	p0 =	por !p0, !p0;
	s13 =	ssub.s32 s13, s18;
	s18 =	simm.s32 $0x1  }
0x98: {  	s14 =	sshrl.u32 s14, $0x7;
	s13 =	sshll.u32 s13, $0x7;
	s18 =	simm.s32 @!p0 $0x0  }
0x99: {  	s13 =	sand.u32 $0x1FFFFF80, s13;
	s14 =	ssub.s32 s14, s18  }
0x9a: {  	s13 =	sadd.s32 s1, s13;
	s20 =	sshll.u32 s14, $0x7  }
0x9b: {  	[tilespmem:s31], [sflag:$0x2] =	stream.strided.gather [hbm4b:s13+s11], $0x1000, s16, s11, $0x38;
	[tilespmem:$0x18B00] =	vst v63  }
0x9c: {  	s13 =	sand.u32 $0x1FFFFF80, s20  }
0x9d: {  	s21 =	spop (v2sf);
	s13 =	sadd.s32 s3, s13  }
0x9e: {  	[tilespmem:s2], [sflag:$0x5] =	stream.strided.gather [hbm4b:s13+s11], $0x1000, s16, s11, $0x38;
	[tilespmem:$0x18B00] =	vst v63  }
0x9f: {  	s18 =	simm.s32 $0x1;
	s23 =	spop (v2sf)  }
0xa0: {  	s22 =	sand.u32 $0x7F, s21;
	s26 =	sshra.s32 s21, $0x1F;
	s29 =	sand.u32 $0x7F, s23  }
0xa1: {  	s30 =	sshra.s32 s23, $0x1F;
	p5 =	slt.s32 s23, $0x1;
	p4 =	sne.s32 s29, $0x0  }
0xa2: {  	p6 =	slt.s32 s21, $0x1;
	s13 =	sshrl.u32 s30, $0x19;
	p1 =	por !p5, !p4  }
0xa3: {  	p3 =	sne.s32 s22, $0x0;
	s13 =	sadd.s32 s13, s23;
	p1 =	por !p1, !p1  }
0xa4: {  	s19 =	sshrl.u32 s26, $0x19;
	s13 =	sshrl.u32 s13, $0x7;
	s18 =	simm.s32 @!p1 $0x0  }
0xa5: {  	s14 =	sadd.s32 s19, s21;
	p0 =	por !p6, !p3;
	s13 =	ssub.s32 s13, s18  }
0xa6: {  	p0 =	por !p0, !p0;
	s18 =	simm.s32 $0x1;
	s13 =	sshll.u32 s13, $0x7  }
0xa7: {  	s14 =	sshrl.u32 s14, $0x7;
	s18 =	simm.s32 @!p0 $0x0;
	s13 =	sand.u32 $0x1FFFFF80, s13  }
0xa8: {  	s14 =	ssub.s32 s14, s18;
	s13 =	sadd.s32 s1, s13  }
0xa9: {  	[tilespmem:s0], [sflag:$0x2] =	stream.strided.gather [hbm4b:s13+s11], $0x1000, s16, s11, $0x38;
	[tilespmem:$0x18B00] =	vst v63  }
.Ltmp2:
0xaa: {  	s31 =	sshll.u32 s14, $0x7;
	(pc) =	sbr.rel .LBB2_2-.Ltmp2, $4  }
0xab: {  	s13 =	sand.u32 $0x1FFFFF80, s31  }
0xac: {  	s13 =	sadd.s32 s3, s13  }
0xad: {  	[tilespmem:s15], [sflag:$0x5] =	stream.strided.gather [hbm4b:s13+s11], $0x1000, s16, s11, $0x38;
	[tilespmem:$0x18B00] =	vst v63  }
0xae: {  	v8 =	vimm.f32 $0.0e+00;
	s18 =	simm.s32 $0x0;
	s13 =	simm.s32 $0x2  }
.LBB2_8:
0xaf: {  	v9 =	vld [tilespmem:s14+$0x8];
	_ =	sdelay $0x1  }
0xb0: {  	v10 =	vld [tilespmem:s14+$0x288];
	_ =	sdelay $0x2  }
0xb1: {  	(v2sf) =	vpush v9, $0x0;
	_ =	sdelay $0x1  }
0xb2: {  	(v2sf) =	vpush v10, $0x0;
	_ =	sdelay $0x1  }
0xb3: {  	(v2sf) =	vpush v9, $0x1;
	_ =	sdelay $0x1  }
0xb4: {  	(v2sf) =	vpush v10, $0x1;
	_ =	sdelay $0x1  }
0xb5: {  	(v2sf) =	vpush v9, $0x2  }
0xb6: {  	(v2sf) =	vpush v10, $0x2  }
0xb7: {  	(v2sf) =	vpush v9, $0x3;
	_ =	sdelay $0x2  }
0xb8: {  	(v2sf) =	vpush v10, $0x3;
	_ =	sdelay $0x1  }
0xb9: {  	s10 =	spop (v2sf)  }
0xba: {  	s10 =	sand.u32 $0x7F, s10  }
0xbb: {  	s7 =	spop (v2sf);
	v9 =	vor.u32 s10, v1  }
0xbc: {  	s14 =	sand.u32 $0x7F, s7;
	v10 =	vor.u32 s10, v2  }
0xbd: {  	s8 =	spop (v2sf);
	v11 =	vor.u32 s14, v1  }
0xbe: {  	v12 =	vor.u32 s14, v2;
	s10 =	sand.u32 $0x7F, s8  }
0xbf: {  	s19 =	simm.s32 $0x8500;
	s12 =	spop (v2sf);
	v13 =	vor.u32 s10, v1  }
0xc0: {  	s14 =	sand.u32 $0x7F, s12;
	v14 =	vor.u32 s10, v2;
	v9 =	vld.idx.msk [tilespmem:v9+s19+$0x0], $0xffff  }
0xc1: {  	s20 =	simm.s32 $0x14500;
	s17 =	spop (v2sf);
	v15 =	vor.u32 s14, v1;
	v10 =	vld.idx.msk [tilespmem:v10+s19+$0x0], $0xffff  }
0xc2: {  	v16 =	vor.u32 s14, v2;
	s10 =	sand.u32 $0x7F, s17;
	s21 =	spop (v2sf);
	v11 =	vld.idx.msk [tilespmem:v11+s20+$0x0], $0xffff  }
0xc3: {  	v17 =	vor.u32 s10, v1;
	s24 =	spop (v2sf);
	v12 =	vld.idx.msk [tilespmem:v12+s20+$0x0], $0xffff;
	s20 =	simm.s32 $0x9500  }
0xc4: {  	v18 =	vor.u32 s10, v2;
	s25 =	sand.u32 $0x7F, s24;
	v13 =	vld.idx.msk [tilespmem:v13+s20+$0x0], $0xffff  }
0xc5: {  	s7 =	simm.s32 $0x15500;
	s14 =	sand.u32 $0x7F, s21;
	v20 =	vor.u32 s25, v1;
	v14 =	vld.idx.msk [tilespmem:v14+s20+$0x0], $0xffff  }
0xc6: {  	v19 =	vor.u32 s14, v1;
	s8 =	spop (v2sf);
	v15 =	vld.idx.msk [tilespmem:v15+s7+$0x0], $0xffff  }
0xc7: {  	s10 =	simm.s32 $0xA500;
	v22 =	vor.u32 s14, v2;
	v21 =	vor.u32 s25, v2;
	s14 =	sand.u32 $0x7F, s8;
	v16 =	vld.idx.msk [tilespmem:v16+s7+$0x0], $0xffff  }
0xc8: {  	v23 =	vor.u32 s14, v1;
	v17 =	vld.idx.msk [tilespmem:v17+s10+$0x0], $0xffff;
	v9 =	vmul.f32 v9, v3;
	v10 =	vmul.f32 v10, v4  }
0xc9: {  	s8 =	simm.s32 $0xB500;
	v18 =	vld.idx.msk [tilespmem:v18+s10+$0x0], $0xffff  }
0xca: {  	s19 =	simm.s32 $0x16500;
	v51 =	vld.idx.msk [tilespmem:v20+s8+$0x0], $0xffff;
	v9 =	vadd.f32 v10, v9;
	v10 =	vmul.f32 v11, v5  }
0xcb: {  	v52 =	vor.u32 s14, v2;
	v11 =	vld.idx.msk [tilespmem:v19+s19+$0x0], $0xffff;
	v13 =	vmul.f32 v13, v3;
	v14 =	vmul.f32 v14, v4  }
0xcc: {  	s20 =	simm.s32 $0x17500;
	v53 =	vld.idx.msk [tilespmem:v21+s8+$0x0], $0xffff;
	v9 =	vadd.f32 v10, v9;
	v10 =	vmul.f32 v12, v6  }
0xcd: {  	v57 =	vld.idx.msk [tilespmem:v23+s20+$0x0], $0xffff;
	v54 =	vmul.f32 v15, v5;
	v13 =	vadd.f32 v14, v13  }
0xce: {  	v55 =	vld.idx.msk [tilespmem:v22+s19+$0x0], $0xffff;
	v56 =	vmul.f32 v18, v4;
	v9 =	vadd.f32 v10, v9;
	v10 =	vmul.f32 v17, v3  }
0xcf: {  	v58 =	vmul.f32 v16, v6;
	v13 =	vadd.f32 v54, v13  }
0xd0: {  	(xrf2) =	vadd.scan.msk.f32 $0xffff, v9;
	v9 =	vadd.f32 v56, v10;
	v10 =	vmul.f32 v11, v5;
	v11 =	vld.idx.msk [tilespmem:v52+s20+$0x0], $0xffff  }
0xd1: {  	v59 =	vmul.f32 v51, v3;
	v12 =	vmul.f32 v53, v4  }
0xd2: {  	v60 =	vmul.f32 v57, v5;
	v13 =	vadd.f32 v58, v13  }
0xd3: {  	v12 =	vadd.f32 v12, v59;
	v9 =	vadd.f32 v10, v9;
	v10 =	vmul.f32 v55, v6  }
0xd4: {  	(xrf2) =	vadd.scan.msk.f32 $0xffff, v13  }
0xd5: {  	v9 =	vadd.f32 v10, v9;
	v10 =	vadd.f32 v60, v12;
	v11 =	vmul.f32 v11, v6;
	_ =	sdelay $0x1  }
0xd6: {  	(xrf2) =	vadd.scan.msk.f32 $0xffff, v9;
	v9 =	vadd.f32 v11, v10;
	_ =	sdelay $0x2  }
0xd7: {  	(xrf2) =	vadd.scan.msk.f32 $0xffff, v9  }
0xd8: {  	s10 =	sand.u32 $0x3, s13;
	v9, _, _ =	vpop (xrf2)  }
0xd9: {  	p1 =	seq.s32 s10, $0x0;
	v9 =	vbroadcast v9, $0xF  }
0xda: {  	s21 =	sshll.u32 s10, $0x2;
	v10 =	vpsel p1, v7, v8  }
0xdb: {  	v61 =	vmov s21;
	v11, _, _ =	vpop (xrf2);
	v9 =	vadd.f32 v9, v10  }
0xdc: {  	vm0 =	veq.s32 v61, v0;
	v11 =	vbroadcast v11, $0xF  }
0xdd: {  	s20 =	sor.u32 $0x1, s21;
	v9 =	vsel vm0, v9, v10  }
0xde: {  	v62 =	vmov s20;
	v10, _, _ =	vpop (xrf2);
	v11 =	vadd.f32 v11, v9  }
0xdf: {  	vm13 =	veq.s32 v62, v0;
	v10 =	vbroadcast v10, $0xF  }
0xe0: {  	s14 =	sor.u32 $0x2, s21;
	v9 =	vsel vm13, v11, v9  }
0xe1: {  	v11 =	vmov s14;
	v63, _, _ =	vpop (xrf2);
	v10 =	vadd.f32 v10, v9  }
0xe2: {  	vm14 =	veq.s32 v11, v0;
	v11 =	vbroadcast v63, $0xF  }
0xe3: {  	s21 =	sshllo.u32 s10, $0x2;
	v9 =	vsel vm14, v10, v9  }
0xe4: {  	v10 =	vmov s21;
	v11 =	vadd.f32 v11, v9  }
0xe5: {  	p1 =	sne.s32 @!p0 s10, $0x3;
	vm15 =	veq.s32 v10, v0  }
0xe6: {  	p0 =	por p1, p0;
	v9 =	vsel vm15, v11, v9  }
0xe7: {  	v10 =	vsub.f32 @!p0 $0.0e+00, v9;
	_ =	sdelay $0x1  }
0xe8: {  	v10 =	vmul.f32 @!p0 $1.442695020e+00, v10;
	_ =	sdelay $0x1  }
0xe9: {  	(erf) = vpow2.f32 @!p0 v10;
	_ =	sdelay $0x8  }
0xea: {  	v10 =	vpop @!p0 (erf)  }
0xeb: {  	v10 =	vadd.f32 @!p0 $1.000000000e+00, v10;
	_ =	sdelay $0x1  }
0xec: {  	(erf) = vrcp.f32 @!p0 v10;
	_ =	sdelay $0x3  }
0xed: {  	p6 =	sne.s32 s18, $0x7E0;
	s10 =	sadd.s32 @!p0 $0x20, s18;
	s18 =	sadd.s32 $0x30, s18  }
0xee: {  	p2 =	sne.s32 s18, $0x810  }
.Ltmp3:
0xef: {  	_ = 	snop;
	(pc) =	sbr.rel @!p2 .LBB2_9-.Ltmp3, $4  }
0xf0: {  	s28 =	simm.s32 $0x8500;
	s4 =	simm.s32 $0x14500  }
0xf1: {  	s12 =	simm.s32 $0x9500;
	s17 =	simm.s32 $0x15500;
	s10 =	sand.u32 @!p0 $0x1FC0, s10  }
0xf2: {  	s24 =	simm.s32 $0x17500;
	s25 =	simm.s32 $0xA500;
	s10 =	sshrl.u32 @!p0 s10, $0x2;
	v10 =	vpop @!p0 (erf)  }
0xf3: {  	s7 =	simm.s32 $0xB500;
	s13 =	sadd.s32 $0x3, s13;
	s8 =	simm.s32 $0x16500;
	v8 =	vpsel p6, v9, v8;
	[tilespmem:s10+$0x18500] =	vst @!p0 v10  }
.LBB2_2:
0xf4: {  	p0 =	seq.s32 s18, $0x7E0  }
.Ltmp4:
0xf5: {  	_ = 	snop;
	(pc) =	sbr.rel @p0 .LBB2_4-.Ltmp4, $2  }
0xf6: {  	_ =	sdelay $0x2  }
0xf7: {  	s14 =	sshra.s32 s18, $0x2  }
0xf8: {  	v9 =	vld [tilespmem:s14+$0x288];
	_ =	sdelay $0x2  }
0xf9: {  	v10 =	vld [tilespmem:s14+$0x8];
	_ =	sdelay $0x1  }
0xfa: {  	(v2sf) =	vpush v9, $0x0;
	_ =	sdelay $0x2  }
0xfb: {  	(v2sf) =	vpush v10, $0x0;
	_ =	sdelay $0xa  }
0xfc: {  	(v2sf) =	vpush v9, $0x1  }
0xfd: {  	s19 =	spop (v2sf);
	(v2sf) =	vpush v10, $0x1;
	_ =	sdelay $0x2  }
0xfe: {  	s20 =	spop (v2sf)  }
0xff: {  	s10 =	sand.u32 $0x7F, s19;
	s22 =	sand.u32 $0x7F, s20  }
0x100: {  	s23 =	sshra.s32 s20, $0x1F;
	p3 =	slt.s32 s20, $0x1;
	p2 =	sne.s32 s22, $0x0  }
0x101: {  	p1 =	sne.s32 s10, $0x0;
	s10 =	sshrl.u32 s23, $0x19;
	p2 =	por !p3, !p2  }
0x102: {  	s10 =	sadd.s32 s10, s20;
	s20 =	simm.s32 $0x1;
	p2 =	por !p2, !p2  }
0x103: {  	s21 =	sshra.s32 s19, $0x1F;
	s10 =	sshrl.u32 s10, $0x7;
	s20 =	simm.s32 @!p2 $0x0  }
0x104: {  	p6 =	slt.s32 s19, $0x1;
	s21 =	sshrl.u32 s21, $0x19;
	s10 =	ssub.s32 s10, s20  }
0x105: {  	s19 =	sadd.s32 s21, s19;
	p1 =	por !p6, !p1;
	s10 =	sshll.u32 s10, $0x7  }
0x106: {  	p1 =	por !p1, !p1;
	s20 =	simm.s32 $0x1;
	s10 =	sand.u32 $0x1FFFFF80, s10  }
0x107: {  	(v2sf) =	vpush v9, $0x2;
	s19 =	sshrl.u32 s19, $0x7;
	s20 =	simm.s32 @!p1 $0x0;
	s10 =	sadd.s32 s1, s10  }
0x108: {  	[tilespmem:s28], [sflag:$0x3] =	stream.strided.gather [hbm4b:s10+s11], $0x1000, s16, s11, $0x38;
	[tilespmem:$0x18B00] =	vst v63  }
0x109: {  	s19 =	ssub.s32 s19, s20;
	s28 =	spop (v2sf)  }
0x10a: {  	s26 =	sshll.u32 s19, $0x7;
	s30 =	spop (v2sf);
	(v2sf) =	vpush v10, $0x2  }
0x10b: {  	s20 =	simm.s32 $0x1;
	s10 =	sand.u32 $0x1FFFFF80, s26  }
0x10c: {  	s10 =	sadd.s32 s3, s10;
	s29 =	sand.u32 $0x7F, s28;
	s31 =	sshra.s32 s28, $0x1F  }
0x10d: {  	[tilespmem:s4], [sflag:$0x6] =	stream.strided.gather [hbm4b:s10+s11], $0x1000, s16, s11, $0x38;
	[tilespmem:$0x18B00] =	vst v63  }
0x10e: {  	p6 =	slt.s32 s28, $0x1;
	p1 =	sne.s32 s29, $0x0;
	s0 =	sand.u32 $0x7F, s30  }
0x10f: {  	s2 =	sshra.s32 s30, $0x1F;
	p5 =	slt.s32 s30, $0x1;
	p4 =	sne.s32 s0, $0x0  }
0x110: {  	s21 =	sshrl.u32 s31, $0x19;
	s10 =	sshrl.u32 s2, $0x19;
	p2 =	por !p5, !p4  }
0x111: {  	s19 =	sadd.s32 s21, s28;
	s10 =	sadd.s32 s10, s30;
	p2 =	por !p2, !p2  }
0x112: {  	p1 =	por !p6, !p1;
	s10 =	sshrl.u32 s10, $0x7;
	s20 =	simm.s32 @!p2 $0x0  }
0x113: {  	p1 =	por !p1, !p1;
	s10 =	ssub.s32 s10, s20;
	s20 =	simm.s32 $0x1  }
0x114: {  	s19 =	sshrl.u32 s19, $0x7;
	s10 =	sshll.u32 s10, $0x7;
	s20 =	simm.s32 @!p1 $0x0  }
0x115: {  	s10 =	sand.u32 $0x1FFFFF80, s10;
	s19 =	ssub.s32 s19, s20  }
0x116: {  	s5 =	spop (v2sf);
	(v2sf) =	vpush v9, $0x3;
	s10 =	sadd.s32 s1, s10;
	s4 =	sshll.u32 s19, $0x7  }
0x117: {  	[tilespmem:s12], [sflag:$0x3] =	stream.strided.gather [hbm4b:s10+s11], $0x1000, s16, s11, $0x38;
	[tilespmem:$0x18B00] =	vst v63  }
0x118: {  	s6 =	sand.u32 $0x7F, s5;
	p6 =	slt.s32 s5, $0x1;
	s10 =	sand.u32 $0x1FFFFF80, s4  }
0x119: {  	p1 =	sne.s32 s6, $0x0;
	s10 =	sadd.s32 s3, s10;
	s9 =	spop (v2sf);
	(v2sf) =	vpush v10, $0x3  }
0x11a: {  	[tilespmem:s17], [sflag:$0x6] =	stream.strided.gather [hbm4b:s10+s11], $0x1000, s16, s11, $0x38;
	[tilespmem:$0x18B00] =	vst v63  }
0x11b: {  	s20 =	simm.s32 $0x1;
	p1 =	por !p6, !p1;
	s15 =	sand.u32 $0x7F, s9  }
0x11c: {  	s17 =	sshra.s32 s9, $0x1F;
	p5 =	slt.s32 s9, $0x1;
	p4 =	sne.s32 s15, $0x0  }
0x11d: {  	p1 =	por !p1, !p1;
	s10 =	sshrl.u32 s17, $0x19;
	p2 =	por !p5, !p4  }
0x11e: {  	s12 =	sshra.s32 s5, $0x1F;
	s10 =	sadd.s32 s10, s9;
	p2 =	por !p2, !p2  }
0x11f: {  	s21 =	sshrl.u32 s12, $0x19;
	s10 =	sshrl.u32 s10, $0x7;
	s20 =	simm.s32 @!p2 $0x0  }
0x120: {  	s19 =	sadd.s32 s21, s5;
	s10 =	ssub.s32 s10, s20;
	s20 =	simm.s32 $0x1  }
0x121: {  	s19 =	sshrl.u32 s19, $0x7;
	s10 =	sshll.u32 s10, $0x7;
	s20 =	simm.s32 @!p1 $0x0  }
0x122: {  	s10 =	sand.u32 $0x1FFFFF80, s10;
	s19 =	ssub.s32 s19, s20  }
0x123: {  	s10 =	sadd.s32 s1, s10;
	s22 =	sshll.u32 s19, $0x7  }
0x124: {  	[tilespmem:s25], [sflag:$0x3] =	stream.strided.gather [hbm4b:s10+s11], $0x1000, s16, s11, $0x38;
	[tilespmem:$0x18B00] =	vst v63  }
0x125: {  	s23 =	spop (v2sf);
	s10 =	sand.u32 $0x1FFFFF80, s22  }
0x126: {  	s28 =	sshra.s32 s23, $0x1F;
	s10 =	sadd.s32 s3, s10  }
0x127: {  	[tilespmem:s8], [sflag:$0x6] =	stream.strided.gather [hbm4b:s10+s11], $0x1000, s16, s11, $0x38;
	[tilespmem:$0x18B00] =	vst v63  }
0x128: {  	p6 =	slt.s32 s23, $0x1;
	s21 =	sshrl.u32 s28, $0x19;
	s26 =	spop (v2sf)  }
0x129: {  	s20 =	simm.s32 $0x1;
	s19 =	sadd.s32 s21, s23;
	s29 =	sand.u32 $0x7F, s26  }
0x12a: {  	s30 =	sshra.s32 s26, $0x1F;
	p5 =	slt.s32 s26, $0x1;
	p4 =	sne.s32 s29, $0x0  }
0x12b: {  	s25 =	sand.u32 $0x7F, s23;
	s10 =	sshrl.u32 s30, $0x19;
	p2 =	por !p5, !p4  }
0x12c: {  	p1 =	sne.s32 s25, $0x0;
	s10 =	sadd.s32 s10, s26;
	p2 =	por !p2, !p2  }
0x12d: {  	p1 =	por !p6, !p1;
	s10 =	sshrl.u32 s10, $0x7;
	s20 =	simm.s32 @!p2 $0x0  }
0x12e: {  	p1 =	por !p1, !p1;
	s10 =	ssub.s32 s10, s20;
	s20 =	simm.s32 $0x1  }
0x12f: {  	s19 =	sshrl.u32 s19, $0x7;
	s10 =	sshll.u32 s10, $0x7;
	s20 =	simm.s32 @!p1 $0x0  }
0x130: {  	s10 =	sand.u32 $0x1FFFFF80, s10;
	s19 =	ssub.s32 s19, s20  }
0x131: {  	s10 =	sadd.s32 s1, s10;
	s31 =	sshll.u32 s19, $0x7  }
0x132: {  	[tilespmem:s7], [sflag:$0x3] =	stream.strided.gather [hbm4b:s10+s11], $0x1000, s16, s11, $0x38;
	[tilespmem:$0x18B00] =	vst v63  }
0x133: {  	s10 =	sand.u32 $0x1FFFFF80, s31  }
0x134: {  	s10 =	sadd.s32 s3, s10  }
0x135: {  	[tilespmem:s24], [sflag:$0x6] =	stream.strided.gather [hbm4b:s10+s11], $0x1000, s16, s11, $0x38;
	[tilespmem:$0x18B00] =	vst v63  }
.LBB2_4:
0x136: {  	s0 =	simm.s32 $0x1  }
0x137: {  	_ =	swait.ge [sflag:s0], $0x4000  }
0x138: {  	[sflag:s0] =	ssyncset.done $0x0  }
0x139: {  	s31 =	simm.s32 $0x4;
	[sflag:s0] =	ssyncadd.s32 $0xFFFFC000  }
0x13a: {  	_ =	swait.ge [sflag:s31], $0x4000  }
0x13b: {  	[sflag:s31] =	ssyncset.done $0x0  }
0x13c: {  	[sflag:s31] =	ssyncadd.s32 $0xFFFFC000  }
0x13d: {  	v9 =	vld [tilespmem:s14+$0x0];
	_ =	sdelay $0x1  }
0x13e: {  	v10 =	vld [tilespmem:s14+$0x280];
	_ =	sdelay $0x2  }
0x13f: {  	(v2sf) =	vpush v9, $0x0;
	_ =	sdelay $0x1  }
0x140: {  	(v2sf) =	vpush v10, $0x0;
	_ =	sdelay $0x1  }
0x141: {  	(v2sf) =	vpush v9, $0x1;
	_ =	sdelay $0x1  }
0x142: {  	(v2sf) =	vpush v10, $0x1;
	_ =	sdelay $0x1  }
0x143: {  	(v2sf) =	vpush v9, $0x2  }
0x144: {  	(v2sf) =	vpush v10, $0x2  }
0x145: {  	(v2sf) =	vpush v9, $0x3;
	_ =	sdelay $0x2  }
0x146: {  	(v2sf) =	vpush v10, $0x3;
	_ =	sdelay $0x1  }
0x147: {  	s10 =	spop (v2sf)  }
0x148: {  	s10 =	sand.u32 $0x7F, s10  }
0x149: {  	s19 =	spop (v2sf);
	v9 =	vor.u32 s10, v1  }
0x14a: {  	s19 =	sand.u32 $0x7F, s19;
	v10 =	vor.u32 s10, v2  }
0x14b: {  	s0 =	spop (v2sf);
	v11 =	vor.u32 s19, v1  }
0x14c: {  	v12 =	vor.u32 s19, v2;
	s10 =	sand.u32 $0x7F, s0  }
0x14d: {  	s20 =	simm.s32 $0x500;
	s2 =	spop (v2sf);
	v13 =	vor.u32 s10, v1  }
0x14e: {  	s19 =	sand.u32 $0x7F, s2;
	v14 =	vor.u32 s10, v2;
	v9 =	vld.idx.msk [tilespmem:v9+s20+$0x0], $0xffff  }
0x14f: {  	s6 =	simm.s32 $0xC500;
	s4 =	spop (v2sf);
	v15 =	vor.u32 s19, v1;
	v10 =	vld.idx.msk [tilespmem:v10+s20+$0x0], $0xffff  }
0x150: {  	v16 =	vor.u32 s19, v2;
	s10 =	sand.u32 $0x7F, s4;
	s7 =	spop (v2sf);
	v11 =	vld.idx.msk [tilespmem:v11+s6+$0x0], $0xffff  }
0x151: {  	s21 =	simm.s32 $0x1500;
	v17 =	vor.u32 s10, v1;
	s8 =	spop (v2sf);
	v12 =	vld.idx.msk [tilespmem:v12+s6+$0x0], $0xffff  }
0x152: {  	v18 =	vor.u32 s10, v2;
	s9 =	sand.u32 $0x7F, s8;
	v13 =	vld.idx.msk [tilespmem:v13+s21+$0x0], $0xffff  }
0x153: {  	s12 =	simm.s32 $0xD500;
	s19 =	sand.u32 $0x7F, s7;
	v20 =	vor.u32 s9, v1;
	v14 =	vld.idx.msk [tilespmem:v14+s21+$0x0], $0xffff  }
0x154: {  	v19 =	vor.u32 s19, v1;
	s15 =	spop (v2sf);
	v15 =	vld.idx.msk [tilespmem:v15+s12+$0x0], $0xffff  }
0x155: {  	s17 =	simm.s32 $0x2500;
	v21 =	vor.u32 s9, v2;
	s20 =	sand.u32 $0x7F, s15;
	v16 =	vld.idx.msk [tilespmem:v16+s12+$0x0], $0xffff  }
0x156: {  	v23 =	vor.u32 s20, v1;
	v17 =	vld.idx.msk [tilespmem:v17+s17+$0x0], $0xffff;
	v9 =	vmul.f32 v9, v3;
	v10 =	vmul.f32 v10, v4  }
0x157: {  	s25 =	simm.s32 $0x3500;
	v22 =	vor.u32 s19, v2;
	v18 =	vld.idx.msk [tilespmem:v18+s17+$0x0], $0xffff  }
0x158: {  	s24 =	simm.s32 $0xE500;
	v54 =	vld.idx.msk [tilespmem:v20+s25+$0x0], $0xffff;
	v9 =	vadd.f32 v10, v9;
	v10 =	vmul.f32 v11, v5  }
0x159: {  	v55 =	vor.u32 s20, v2;
	v11 =	vld.idx.msk [tilespmem:v19+s24+$0x0], $0xffff;
	v13 =	vmul.f32 v13, v3;
	v14 =	vmul.f32 v14, v4  }
0x15a: {  	s26 =	simm.s32 $0xF500;
	v56 =	vld.idx.msk [tilespmem:v21+s25+$0x0], $0xffff;
	v9 =	vadd.f32 v10, v9;
	v10 =	vmul.f32 v12, v6  }
0x15b: {  	v60 =	vld.idx.msk [tilespmem:v23+s26+$0x0], $0xffff;
	v57 =	vmul.f32 v15, v5;
	v13 =	vadd.f32 v14, v13  }
0x15c: {  	v58 =	vld.idx.msk [tilespmem:v22+s24+$0x0], $0xffff;
	v59 =	vmul.f32 v18, v4;
	v9 =	vadd.f32 v10, v9;
	v10 =	vmul.f32 v17, v3  }
0x15d: {  	v61 =	vmul.f32 v16, v6;
	v13 =	vadd.f32 v57, v13  }
0x15e: {  	(xrf2) =	vadd.scan.msk.f32 $0xffff, v9;
	v9 =	vadd.f32 v59, v10;
	v10 =	vmul.f32 v11, v5;
	v11 =	vld.idx.msk [tilespmem:v55+s26+$0x0], $0xffff  }
0x15f: {  	v62 =	vmul.f32 v54, v3;
	v12 =	vmul.f32 v56, v4  }
0x160: {  	v63 =	vmul.f32 v60, v5;
	v13 =	vadd.f32 v61, v13  }
0x161: {  	v12 =	vadd.f32 v12, v62;
	v9 =	vadd.f32 v10, v9;
	v10 =	vmul.f32 v58, v6;
	_ =	sdelay $0x1  }
0x162: {  	(xrf2) =	vadd.scan.msk.f32 $0xffff, v13;
	v9 =	vadd.f32 v10, v9;
	v10 =	vadd.f32 v63, v12;
	v11 =	vmul.f32 v11, v6;
	_ =	sdelay $0x1  }
0x163: {  	(xrf2) =	vadd.scan.msk.f32 $0xffff, v9;
	v9 =	vadd.f32 v11, v10;
	_ =	sdelay $0x2  }
0x164: {  	s10 =	sadd.s32 $0xFFFFFFFE, s13  }
0x165: {  	s28 =	sand.u32 $0x3, s10;
	(xrf2) =	vadd.scan.msk.f32 $0xffff, v9;
	v9, _, _ =	vpop (xrf2)  }
0x166: {  	p1 =	seq.s32 s28, $0x0;
	v9 =	vbroadcast v9, $0xF  }
0x167: {  	v8 =	vpsel p1, v7, v8  }
0x168: {  	s29 =	sshll.u32 s28, $0x2;
	v9 =	vadd.f32 v9, v8  }
0x169: {  	v11 =	vmov s29;
	v10, _, _ =	vpop (xrf2)  }
0x16a: {  	vm0 =	veq.s32 v11, v0;
	v10 =	vbroadcast v10, $0xF  }
0x16b: {  	s30 =	sor.u32 $0x1, s29;
	v8 =	vsel vm0, v9, v8  }
0x16c: {  	v11 =	vmov s30;
	v10 =	vadd.f32 v10, v8;
	v9, _, _ =	vpop (xrf2)  }
0x16d: {  	vm13 =	veq.s32 v11, v0;
	v9 =	vbroadcast v9, $0xF  }
0x16e: {  	s20 =	sor.u32 $0x2, s29;
	v8 =	vsel vm13, v10, v8  }
0x16f: {  	v10 =	vmov s20;
	v11, _, _ =	vpop (xrf2);
	v9 =	vadd.f32 v9, v8  }
0x170: {  	vm14 =	veq.s32 v10, v0;
	v10 =	vbroadcast v11, $0xF  }
0x171: {  	s31 =	sshllo.u32 s28, $0x2;
	v8 =	vsel vm14, v9, v8  }
0x172: {  	v9 =	vmov s31;
	v10 =	vadd.f32 v10, v8  }
0x173: {  	vm15 =	veq.s32 v9, v0  }
0x174: {  	p1 =	sne.s32 s28, $0x3;
	v8 =	vsel vm15, v10, v8  }
0x175: {  	v9 =	vsub.f32 @!p1 $0.0e+00, v8;
	_ =	sdelay $0x1  }
0x176: {  	v9 =	vmul.f32 @!p1 $1.442695020e+00, v9;
	_ =	sdelay $0x1  }
0x177: {  	(erf) = vpow2.f32 @!p1 v9;
	_ =	sdelay $0x8  }
0x178: {  	v9 =	vpop @!p1 (erf)  }
0x179: {  	v9 =	vadd.f32 @!p1 $1.000000000e+00, v9;
	_ =	sdelay $0x1  }
0x17a: {  	(erf) = vrcp.f32 @!p1 v9;
	_ =	sdelay $0x3  }
0x17b: {  	p2 =	seq.s32 @!p1 s18, $0x0  }
0x17c: {  	s19 =	simm.s32 @!p1 $0x1;
	p2 =	por !p2, p1  }
.Ltmp5:
0x17d: {  	s10 =	sshrl.u32 @!p1 s10, $0x2;
	s19 =	simm.s32 @p2 $0x0;
	(pc) =	sbr.rel @p0 .LBB2_6-.Ltmp5, $4  }
0x17e: {  	s10 =	ssub.s32 @!p1 s10, s19  }
0x17f: {  	s10 =	sshll.u32 @!p1 s10, $0x6  }
0x180: {  	s5 =	simm.s32 $0x500;
	s10 =	sshra.s32 @!p1 s10, $0x2;
	v9 =	vpop @!p1 (erf)  }
0x181: {  	s22 =	simm.s32 $0xC500;
	s23 =	simm.s32 $0xD500;
	s6 =	simm.s32 $0x1500;
	[tilespmem:s10+$0x18500] =	vst @!p1 v9  }
0x182: {  	v9 =	vld [tilespmem:s14+$0x28C];
	_ =	sdelay $0x3  }
0x183: {  	v10 =	vld [tilespmem:s14+$0xC]  }
0x184: {  	(v2sf) =	vpush v9, $0x0;
	_ =	sdelay $0x3  }
0x185: {  	(v2sf) =	vpush v10, $0x0;
	_ =	sdelay $0x8  }
0x186: {  	(v2sf) =	vpush v9, $0x1;
	_ =	sdelay $0x1  }
0x187: {  	s10 =	spop (v2sf);
	(v2sf) =	vpush v10, $0x1;
	_ =	sdelay $0x3  }
0x188: {  	s19 =	sand.u32 $0x7F, s10;
	s20 =	spop (v2sf)  }
0x189: {  	s21 =	sshra.s32 s10, $0x1F;
	p6 =	slt.s32 s10, $0x1;
	s17 =	sand.u32 $0x7F, s20  }
0x18a: {  	s24 =	sshra.s32 s20, $0x1F;
	p3 =	slt.s32 s20, $0x1;
	p2 =	sne.s32 s17, $0x0  }
0x18b: {  	p1 =	sne.s32 s19, $0x0;
	s19 =	sshrl.u32 s24, $0x19;
	p2 =	por !p3, !p2  }
0x18c: {  	s19 =	sadd.s32 s19, s20;
	s20 =	simm.s32 $0x1;
	p2 =	por !p2, !p2  }
0x18d: {  	s21 =	sshrl.u32 s21, $0x19;
	s19 =	sshrl.u32 s19, $0x7;
	s20 =	simm.s32 @!p2 $0x0  }
0x18e: {  	s10 =	sadd.s32 s21, s10;
	p1 =	por !p6, !p1;
	s19 =	ssub.s32 s19, s20  }
0x18f: {  	p1 =	por !p1, !p1;
	s20 =	simm.s32 $0x1;
	s19 =	sshll.u32 s19, $0x7  }
0x190: {  	(v2sf) =	vpush v9, $0x2;
	s10 =	sshrl.u32 s10, $0x7;
	s20 =	simm.s32 @!p1 $0x0;
	s19 =	sand.u32 $0x1FFFFF80, s19  }
0x191: {  	s25 =	spop (v2sf);
	s10 =	ssub.s32 s10, s20;
	s19 =	sadd.s32 s1, s19  }
0x192: {  	[tilespmem:s5], [sflag:$0x1] =	stream.strided.gather [hbm4b:s19+s11], $0x1000, s16, s11, $0x38;
	[tilespmem:$0x18B00] =	vst v63  }
0x193: {  	s10 =	sshll.u32 s10, $0x7;
	s28 =	spop (v2sf);
	(v2sf) =	vpush v10, $0x2  }
0x194: {  	s26 =	sand.u32 $0x7F, s25;
	s10 =	sand.u32 $0x1FFFFF80, s10  }
0x195: {  	s29 =	sshra.s32 s25, $0x1F;
	p6 =	slt.s32 s25, $0x1;
	s10 =	sadd.s32 s3, s10  }
0x196: {  	[tilespmem:s22], [sflag:$0x4] =	stream.strided.gather [hbm4b:s10+s11], $0x1000, s16, s11, $0x38;
	[tilespmem:$0x18B00] =	vst v63  }
0x197: {  	s21 =	sshrl.u32 s29, $0x19;
	p1 =	sne.s32 s26, $0x0;
	s30 =	sand.u32 $0x7F, s28  }
0x198: {  	s31 =	sshra.s32 s28, $0x1F;
	p5 =	slt.s32 s28, $0x1;
	p4 =	sne.s32 s30, $0x0  }
0x199: {  	s20 =	simm.s32 $0x1;
	s10 =	sshrl.u32 s31, $0x19;
	p2 =	por !p5, !p4  }
0x19a: {  	p1 =	por !p6, !p1;
	s10 =	sadd.s32 s10, s28;
	p2 =	por !p2, !p2  }
0x19b: {  	p1 =	por !p1, !p1;
	s10 =	sshrl.u32 s10, $0x7;
	s20 =	simm.s32 @!p2 $0x0  }
0x19c: {  	s19 =	sadd.s32 s21, s25;
	s10 =	ssub.s32 s10, s20;
	s20 =	simm.s32 $0x1  }
0x19d: {  	s19 =	sshrl.u32 s19, $0x7;
	s10 =	sshll.u32 s10, $0x7;
	s20 =	simm.s32 @!p1 $0x0  }
0x19e: {  	s10 =	sand.u32 $0x1FFFFF80, s10;
	s19 =	ssub.s32 s19, s20  }
0x19f: {  	s2 =	spop (v2sf);
	(v2sf) =	vpush v9, $0x3;
	s10 =	sadd.s32 s1, s10;
	s0 =	sshll.u32 s19, $0x7  }
0x1a0: {  	[tilespmem:s6], [sflag:$0x1] =	stream.strided.gather [hbm4b:s10+s11], $0x1000, s16, s11, $0x38;
	[tilespmem:$0x18B00] =	vst v63  }
0x1a1: {  	s4 =	sand.u32 $0x7F, s2;
	s8 =	sshra.s32 s2, $0x1F;
	s10 =	sand.u32 $0x1FFFFF80, s0  }
0x1a2: {  	p6 =	slt.s32 s2, $0x1;
	s10 =	sadd.s32 s3, s10;
	s7 =	spop (v2sf);
	(v2sf) =	vpush v10, $0x3  }
0x1a3: {  	[tilespmem:s23], [sflag:$0x4] =	stream.strided.gather [hbm4b:s10+s11], $0x1000, s16, s11, $0x38;
	[tilespmem:$0x18B00] =	vst v63  }
0x1a4: {  	s21 =	sshrl.u32 s8, $0x19;
	p1 =	sne.s32 s4, $0x0;
	s9 =	sand.u32 $0x7F, s7  }
0x1a5: {  	s12 =	sshra.s32 s7, $0x1F;
	p5 =	slt.s32 s7, $0x1;
	p4 =	sne.s32 s9, $0x0  }
0x1a6: {  	s20 =	simm.s32 $0x1;
	s10 =	sshrl.u32 s12, $0x19;
	p2 =	por !p5, !p4  }
0x1a7: {  	p1 =	por !p6, !p1;
	s10 =	sadd.s32 s10, s7;
	p2 =	por !p2, !p2  }
0x1a8: {  	s19 =	sadd.s32 s21, s2;
	s10 =	sshrl.u32 s10, $0x7;
	s20 =	simm.s32 @!p2 $0x0  }
0x1a9: {  	p1 =	por !p1, !p1;
	s10 =	ssub.s32 s10, s20;
	s20 =	simm.s32 $0x1  }
0x1aa: {  	s19 =	sshrl.u32 s19, $0x7;
	s10 =	sshll.u32 s10, $0x7;
	s20 =	simm.s32 @!p1 $0x0  }
0x1ab: {  	s10 =	sand.u32 $0x1FFFFF80, s10;
	s19 =	ssub.s32 s19, s20  }
0x1ac: {  	s0 =	simm.s32 $0x2500;
	s10 =	sadd.s32 s1, s10;
	s15 =	sshll.u32 s19, $0x7  }
0x1ad: {  	[tilespmem:s0], [sflag:$0x1] =	stream.strided.gather [hbm4b:s10+s11], $0x1000, s16, s11, $0x38;
	[tilespmem:$0x18B00] =	vst v63  }
0x1ae: {  	s17 =	spop (v2sf);
	s10 =	sand.u32 $0x1FFFFF80, s15  }
0x1af: {  	s21 =	sand.u32 $0x7F, s17;
	s20 =	simm.s32 $0xE500;
	s10 =	sadd.s32 s3, s10  }
0x1b0: {  	[tilespmem:s20], [sflag:$0x4] =	stream.strided.gather [hbm4b:s10+s11], $0x1000, s16, s11, $0x38;
	[tilespmem:$0x18B00] =	vst v63  }
0x1b1: {  	s25 =	sshra.s32 s17, $0x1F;
	p6 =	slt.s32 s17, $0x1;
	s24 =	spop (v2sf)  }
0x1b2: {  	p1 =	sne.s32 s21, $0x0;
	s21 =	sshrl.u32 s25, $0x19;
	s26 =	sand.u32 $0x7F, s24  }
0x1b3: {  	s28 =	sshra.s32 s24, $0x1F;
	p5 =	slt.s32 s24, $0x1;
	p4 =	sne.s32 s26, $0x0  }
0x1b4: {  	p1 =	por !p6, !p1;
	s10 =	sshrl.u32 s28, $0x19;
	p2 =	por !p5, !p4  }
0x1b5: {  	s20 =	simm.s32 $0x1;
	s10 =	sadd.s32 s10, s24;
	p2 =	por !p2, !p2  }
0x1b6: {  	s19 =	sadd.s32 s21, s17;
	s10 =	sshrl.u32 s10, $0x7;
	s20 =	simm.s32 @!p2 $0x0  }
0x1b7: {  	p1 =	por !p1, !p1;
	s10 =	ssub.s32 s10, s20;
	s20 =	simm.s32 $0x1  }
0x1b8: {  	s19 =	sshrl.u32 s19, $0x7;
	s10 =	sshll.u32 s10, $0x7;
	s20 =	simm.s32 @!p1 $0x0  }
0x1b9: {  	s10 =	sand.u32 $0x1FFFFF80, s10;
	s19 =	ssub.s32 s19, s20  }
0x1ba: {  	s29 =	simm.s32 $0x3500;
	s10 =	sadd.s32 s1, s10;
	s30 =	sshll.u32 s19, $0x7  }
0x1bb: {  	[tilespmem:s29], [sflag:$0x1] =	stream.strided.gather [hbm4b:s10+s11], $0x1000, s16, s11, $0x38;
	[tilespmem:$0x18B00] =	vst v63  }
0x1bc: {  	s10 =	sand.u32 $0x1FFFFF80, s30  }
0x1bd: {  	s31 =	simm.s32 $0xF500;
	s10 =	sadd.s32 s3, s10  }
0x1be: {  	[tilespmem:s31], [sflag:$0x4] =	stream.strided.gather [hbm4b:s10+s11], $0x1000, s16, s11, $0x38;
	[tilespmem:$0x18B00] =	vst v63  }
.LBB2_6:
0x1bf: {  	s0 =	simm.s32 $0x2  }
0x1c0: {  	_ =	swait.ge [sflag:s0], $0x4000  }
0x1c1: {  	[sflag:s0] =	ssyncset.done $0x0  }
0x1c2: {  	s20 =	simm.s32 $0x5;
	[sflag:s0] =	ssyncadd.s32 $0xFFFFC000  }
0x1c3: {  	_ =	swait.ge [sflag:s20], $0x4000  }
0x1c4: {  	[sflag:s20] =	ssyncset.done $0x0  }
0x1c5: {  	[sflag:s20] =	ssyncadd.s32 $0xFFFFC000  }
0x1c6: {  	v9 =	vld [tilespmem:s14+$0x4];
	_ =	sdelay $0x1  }
0x1c7: {  	v10 =	vld [tilespmem:s14+$0x284];
	_ =	sdelay $0x2  }
0x1c8: {  	(v2sf) =	vpush v9, $0x0;
	_ =	sdelay $0x1  }
0x1c9: {  	(v2sf) =	vpush v10, $0x0;
	_ =	sdelay $0x1  }
0x1ca: {  	(v2sf) =	vpush v9, $0x1;
	_ =	sdelay $0x1  }
0x1cb: {  	(v2sf) =	vpush v10, $0x1;
	_ =	sdelay $0x1  }
0x1cc: {  	(v2sf) =	vpush v9, $0x2  }
0x1cd: {  	(v2sf) =	vpush v10, $0x2  }
0x1ce: {  	(v2sf) =	vpush v9, $0x3;
	_ =	sdelay $0x2  }
0x1cf: {  	(v2sf) =	vpush v10, $0x3;
	_ =	sdelay $0x1  }
0x1d0: {  	s10 =	spop (v2sf)  }
0x1d1: {  	s10 =	sand.u32 $0x7F, s10  }
0x1d2: {  	s19 =	spop (v2sf);
	v9 =	vor.u32 s10, v1  }
0x1d3: {  	s19 =	sand.u32 $0x7F, s19;
	v10 =	vor.u32 s10, v2  }
0x1d4: {  	s21 =	spop (v2sf);
	v11 =	vor.u32 s19, v1  }
0x1d5: {  	v12 =	vor.u32 s19, v2;
	s10 =	sand.u32 $0x7F, s21  }
0x1d6: {  	s20 =	simm.s32 $0x4500;
	s24 =	spop (v2sf);
	v13 =	vor.u32 s10, v1  }
0x1d7: {  	s19 =	sand.u32 $0x7F, s24;
	v14 =	vor.u32 s10, v2;
	v9 =	vld.idx.msk [tilespmem:v9+s20+$0x0], $0xffff  }
0x1d8: {  	s28 =	simm.s32 $0x10500;
	s25 =	spop (v2sf);
	v15 =	vor.u32 s19, v1;
	v10 =	vld.idx.msk [tilespmem:v10+s20+$0x0], $0xffff  }
0x1d9: {  	v16 =	vor.u32 s19, v2;
	s10 =	sand.u32 $0x7F, s25;
	s0 =	spop (v2sf);
	v11 =	vld.idx.msk [tilespmem:v11+s28+$0x0], $0xffff  }
0x1da: {  	s21 =	simm.s32 $0x5500;
	v17 =	vor.u32 s10, v1;
	s2 =	spop (v2sf);
	v12 =	vld.idx.msk [tilespmem:v12+s28+$0x0], $0xffff  }
0x1db: {  	v18 =	vor.u32 s10, v2;
	s4 =	sand.u32 $0x7F, s2;
	v13 =	vld.idx.msk [tilespmem:v13+s21+$0x0], $0xffff  }
0x1dc: {  	s7 =	simm.s32 $0x11500;
	s19 =	sand.u32 $0x7F, s0;
	v20 =	vor.u32 s4, v1;
	v14 =	vld.idx.msk [tilespmem:v14+s21+$0x0], $0xffff  }
0x1dd: {  	v19 =	vor.u32 s19, v1;
	s8 =	spop (v2sf);
	v15 =	vld.idx.msk [tilespmem:v15+s7+$0x0], $0xffff  }
0x1de: {  	s12 =	simm.s32 $0x6500;
	v21 =	vor.u32 s4, v2;
	s15 =	sand.u32 $0x7F, s8;
	v16 =	vld.idx.msk [tilespmem:v16+s7+$0x0], $0xffff  }
0x1df: {  	v23 =	vor.u32 s15, v1;
	v17 =	vld.idx.msk [tilespmem:v17+s12+$0x0], $0xffff;
	v9 =	vmul.f32 v9, v3;
	v10 =	vmul.f32 v10, v4  }
0x1e0: {  	v22 =	vor.u32 s19, v2;
	s2 =	simm.s32 $0x7500;
	v18 =	vld.idx.msk [tilespmem:v18+s12+$0x0], $0xffff  }
0x1e1: {  	s17 =	simm.s32 $0x12500;
	v54 =	vld.idx.msk [tilespmem:v20+s2+$0x0], $0xffff;
	v9 =	vadd.f32 v10, v9;
	v10 =	vmul.f32 v11, v5  }
0x1e2: {  	v55 =	vor.u32 s15, v2;
	v11 =	vld.idx.msk [tilespmem:v19+s17+$0x0], $0xffff;
	v13 =	vmul.f32 v13, v3;
	v14 =	vmul.f32 v14, v4  }
0x1e3: {  	s20 =	simm.s32 $0x13500;
	v56 =	vld.idx.msk [tilespmem:v21+s2+$0x0], $0xffff;
	v9 =	vadd.f32 v10, v9;
	v10 =	vmul.f32 v12, v6  }
0x1e4: {  	v60 =	vld.idx.msk [tilespmem:v23+s20+$0x0], $0xffff;
	v57 =	vmul.f32 v15, v5;
	v13 =	vadd.f32 v14, v13  }
0x1e5: {  	v58 =	vld.idx.msk [tilespmem:v22+s17+$0x0], $0xffff;
	v59 =	vmul.f32 v18, v4;
	v9 =	vadd.f32 v10, v9;
	v10 =	vmul.f32 v17, v3  }
0x1e6: {  	v61 =	vmul.f32 v16, v6;
	v13 =	vadd.f32 v57, v13  }
0x1e7: {  	(xrf2) =	vadd.scan.msk.f32 $0xffff, v9;
	v9 =	vadd.f32 v59, v10;
	v10 =	vmul.f32 v11, v5;
	v11 =	vld.idx.msk [tilespmem:v55+s20+$0x0], $0xffff  }
0x1e8: {  	v62 =	vmul.f32 v54, v3;
	v12 =	vmul.f32 v56, v4  }
0x1e9: {  	v63 =	vmul.f32 v60, v5;
	v13 =	vadd.f32 v61, v13  }
0x1ea: {  	v12 =	vadd.f32 v12, v62;
	v9 =	vadd.f32 v10, v9;
	v10 =	vmul.f32 v58, v6;
	_ =	sdelay $0x1  }
0x1eb: {  	(xrf2) =	vadd.scan.msk.f32 $0xffff, v13;
	v9 =	vadd.f32 v10, v9;
	v10 =	vadd.f32 v63, v12;
	v11 =	vmul.f32 v11, v6;
	_ =	sdelay $0x1  }
0x1ec: {  	(xrf2) =	vadd.scan.msk.f32 $0xffff, v9;
	v9 =	vadd.f32 v11, v10;
	_ =	sdelay $0x2  }
0x1ed: {  	s21 =	sadd.s32 $0xFFFFFFFF, s13  }
0x1ee: {  	s10 =	sand.u32 $0x3, s21;
	(xrf2) =	vadd.scan.msk.f32 $0xffff, v9;
	v9, _, _ =	vpop (xrf2)  }
0x1ef: {  	p1 =	seq.s32 s10, $0x0;
	v9 =	vbroadcast v9, $0xF  }
0x1f0: {  	v8 =	vpsel p1, v7, v8  }
0x1f1: {  	s24 =	sshll.u32 s10, $0x2;
	v9 =	vadd.f32 v9, v8  }
0x1f2: {  	v11 =	vmov s24;
	v10, _, _ =	vpop (xrf2)  }
0x1f3: {  	vm0 =	veq.s32 v11, v0;
	v10 =	vbroadcast v10, $0xF  }
0x1f4: {  	s25 =	sor.u32 $0x1, s24;
	v8 =	vsel vm0, v9, v8  }
0x1f5: {  	v11 =	vmov s25;
	v10 =	vadd.f32 v10, v8;
	v9, _, _ =	vpop (xrf2)  }
0x1f6: {  	vm13 =	veq.s32 v11, v0;
	v9 =	vbroadcast v9, $0xF  }
0x1f7: {  	s19 =	sor.u32 $0x2, s24;
	v8 =	vsel vm13, v10, v8  }
0x1f8: {  	v10 =	vmov s19;
	v11, _, _ =	vpop (xrf2);
	v9 =	vadd.f32 v9, v8  }
0x1f9: {  	vm14 =	veq.s32 v10, v0;
	v10 =	vbroadcast v11, $0xF  }
0x1fa: {  	s28 =	sshllo.u32 s10, $0x2;
	v8 =	vsel vm14, v9, v8  }
0x1fb: {  	v9 =	vmov s28;
	v10 =	vadd.f32 v10, v8  }
0x1fc: {  	vm15 =	veq.s32 v9, v0  }
0x1fd: {  	p1 =	sne.s32 s10, $0x3;
	v8 =	vsel vm15, v10, v8  }
0x1fe: {  	v9 =	vsub.f32 @!p1 $0.0e+00, v8;
	_ =	sdelay $0x1  }
0x1ff: {  	v9 =	vmul.f32 @!p1 $1.442695020e+00, v9;
	_ =	sdelay $0x1  }
0x200: {  	(erf) = vpow2.f32 @!p1 v9;
	_ =	sdelay $0x8  }
0x201: {  	v9 =	vpop @!p1 (erf)  }
0x202: {  	v9 =	vadd.f32 @!p1 $1.000000000e+00, v9;
	_ =	sdelay $0x1  }
0x203: {  	(erf) = vrcp.f32 @!p1 v9;
	_ =	sdelay $0x5  }
.Ltmp6:
0x204: {  	_ = 	snop;
	(pc) =	sbr.rel @p0 .LBB2_8-.Ltmp6, $4  }
0x205: {  	s26 =	simm.s32 $0x4500;
	s10 =	sadd.s32 @!p1 $0x10, s18  }
0x206: {  	s9 =	simm.s32 $0x10500;
	s29 =	simm.s32 $0x5500;
	s10 =	sand.u32 @!p1 $0x1FC0, s10  }
0x207: {  	s30 =	simm.s32 $0x11500;
	s31 =	simm.s32 $0x6500;
	s10 =	sshrl.u32 @!p1 s10, $0x2;
	v9 =	vpop @!p1 (erf)  }
0x208: {  	s0 =	simm.s32 $0x7500;
	s15 =	simm.s32 $0x13500;
	s2 =	simm.s32 $0x12500;
	[tilespmem:s10+$0x18500] =	vst @!p1 v9  }
0x209: {  	v9 =	vld [tilespmem:s14+$0x290];
	_ =	sdelay $0x3  }
0x20a: {  	v10 =	vld [tilespmem:s14+$0x10]  }
0x20b: {  	(v2sf) =	vpush v9, $0x0;
	_ =	sdelay $0x3  }
0x20c: {  	(v2sf) =	vpush v10, $0x0;
	_ =	sdelay $0x8  }
0x20d: {  	(v2sf) =	vpush v9, $0x1;
	_ =	sdelay $0x1  }
0x20e: {  	s10 =	spop (v2sf);
	(v2sf) =	vpush v10, $0x1;
	_ =	sdelay $0x3  }
0x20f: {  	s19 =	sand.u32 $0x7F, s10;
	s20 =	spop (v2sf)  }
0x210: {  	s21 =	sshra.s32 s10, $0x1F;
	p6 =	slt.s32 s10, $0x1;
	s4 =	sand.u32 $0x7F, s20  }
0x211: {  	s7 =	sshra.s32 s20, $0x1F;
	p3 =	slt.s32 s20, $0x1;
	p2 =	sne.s32 s4, $0x0  }
0x212: {  	p1 =	sne.s32 s19, $0x0;
	s19 =	sshrl.u32 s7, $0x19;
	p2 =	por !p3, !p2  }
0x213: {  	s19 =	sadd.s32 s19, s20;
	s20 =	simm.s32 $0x1;
	p2 =	por !p2, !p2  }
0x214: {  	s21 =	sshrl.u32 s21, $0x19;
	s19 =	sshrl.u32 s19, $0x7;
	s20 =	simm.s32 @!p2 $0x0  }
0x215: {  	s10 =	sadd.s32 s21, s10;
	p1 =	por !p6, !p1;
	s19 =	ssub.s32 s19, s20  }
0x216: {  	p1 =	por !p1, !p1;
	s20 =	simm.s32 $0x1;
	s19 =	sshll.u32 s19, $0x7  }
0x217: {  	(v2sf) =	vpush v9, $0x2;
	s10 =	sshrl.u32 s10, $0x7;
	s20 =	simm.s32 @!p1 $0x0;
	s19 =	sand.u32 $0x1FFFFF80, s19  }
0x218: {  	s8 =	spop (v2sf);
	s10 =	ssub.s32 s10, s20;
	s19 =	sadd.s32 s1, s19  }
0x219: {  	[tilespmem:s26], [sflag:$0x2] =	stream.strided.gather [hbm4b:s19+s11], $0x1000, s16, s11, $0x38;
	[tilespmem:$0x18B00] =	vst v63  }
0x21a: {  	s10 =	sshll.u32 s10, $0x7;
	s17 =	spop (v2sf);
	(v2sf) =	vpush v10, $0x2  }
0x21b: {  	s12 =	sand.u32 $0x7F, s8;
	s10 =	sand.u32 $0x1FFFFF80, s10  }
0x21c: {  	s24 =	sshra.s32 s8, $0x1F;
	p6 =	slt.s32 s8, $0x1;
	s10 =	sadd.s32 s3, s10  }
0x21d: {  	[tilespmem:s9], [sflag:$0x5] =	stream.strided.gather [hbm4b:s10+s11], $0x1000, s16, s11, $0x38;
	[tilespmem:$0x18B00] =	vst v63  }
0x21e: {  	s21 =	sshrl.u32 s24, $0x19;
	p1 =	sne.s32 s12, $0x0;
	s25 =	sand.u32 $0x7F, s17  }
0x21f: {  	s28 =	sshra.s32 s17, $0x1F;
	p5 =	slt.s32 s17, $0x1;
	p4 =	sne.s32 s25, $0x0  }
0x220: {  	s20 =	simm.s32 $0x1;
	s10 =	sshrl.u32 s28, $0x19;
	p2 =	por !p5, !p4  }
0x221: {  	p1 =	por !p6, !p1;
	s10 =	sadd.s32 s10, s17;
	p2 =	por !p2, !p2  }
0x222: {  	p1 =	por !p1, !p1;
	s10 =	sshrl.u32 s10, $0x7;
	s20 =	simm.s32 @!p2 $0x0  }
0x223: {  	s19 =	sadd.s32 s21, s8;
	s10 =	ssub.s32 s10, s20;
	s20 =	simm.s32 $0x1  }
0x224: {  	s19 =	sshrl.u32 s19, $0x7;
	s10 =	sshll.u32 s10, $0x7;
	s20 =	simm.s32 @!p1 $0x0  }
0x225: {  	s10 =	sand.u32 $0x1FFFFF80, s10;
	s19 =	ssub.s32 s19, s20  }
0x226: {  	s7 =	spop (v2sf);
	(v2sf) =	vpush v9, $0x3;
	s10 =	sadd.s32 s1, s10;
	s4 =	sshll.u32 s19, $0x7  }
0x227: {  	[tilespmem:s29], [sflag:$0x2] =	stream.strided.gather [hbm4b:s10+s11], $0x1000, s16, s11, $0x38;
	[tilespmem:$0x18B00] =	vst v63  }
0x228: {  	s8 =	sand.u32 $0x7F, s7;
	p6 =	slt.s32 s7, $0x1;
	s10 =	sand.u32 $0x1FFFFF80, s4  }
0x229: {  	s17 =	sshra.s32 s7, $0x1F;
	s10 =	sadd.s32 s3, s10;
	s12 =	spop (v2sf);
	(v2sf) =	vpush v10, $0x3  }
0x22a: {  	[tilespmem:s30], [sflag:$0x5] =	stream.strided.gather [hbm4b:s10+s11], $0x1000, s16, s11, $0x38;
	[tilespmem:$0x18B00] =	vst v63  }
0x22b: {  	s21 =	sshrl.u32 s17, $0x19;
	p1 =	sne.s32 s8, $0x0;
	s24 =	sand.u32 $0x7F, s12  }
0x22c: {  	s25 =	sshra.s32 s12, $0x1F;
	p5 =	slt.s32 s12, $0x1;
	p4 =	sne.s32 s24, $0x0  }
0x22d: {  	s20 =	simm.s32 $0x1;
	s10 =	sshrl.u32 s25, $0x19;
	p2 =	por !p5, !p4  }
0x22e: {  	p1 =	por !p6, !p1;
	s10 =	sadd.s32 s10, s12;
	p2 =	por !p2, !p2  }
0x22f: {  	s19 =	sadd.s32 s21, s7;
	s10 =	sshrl.u32 s10, $0x7;
	s20 =	simm.s32 @!p2 $0x0  }
0x230: {  	p1 =	por !p1, !p1;
	s10 =	ssub.s32 s10, s20;
	s20 =	simm.s32 $0x1  }
0x231: {  	s19 =	sshrl.u32 s19, $0x7;
	s10 =	sshll.u32 s10, $0x7;
	s20 =	simm.s32 @!p1 $0x0  }
0x232: {  	s10 =	sand.u32 $0x1FFFFF80, s10;
	s19 =	ssub.s32 s19, s20  }
0x233: {  	s10 =	sadd.s32 s1, s10;
	s28 =	sshll.u32 s19, $0x7  }
0x234: {  	[tilespmem:s31], [sflag:$0x2] =	stream.strided.gather [hbm4b:s10+s11], $0x1000, s16, s11, $0x38;
	[tilespmem:$0x18B00] =	vst v63  }
0x235: {  	s4 =	spop (v2sf);
	s10 =	sand.u32 $0x1FFFFF80, s28  }
0x236: {  	s7 =	sand.u32 $0x7F, s4;
	s10 =	sadd.s32 s3, s10  }
0x237: {  	[tilespmem:s2], [sflag:$0x5] =	stream.strided.gather [hbm4b:s10+s11], $0x1000, s16, s11, $0x38;
	[tilespmem:$0x18B00] =	vst v63  }
0x238: {  	p6 =	slt.s32 s4, $0x1;
	s12 =	sshra.s32 s4, $0x1F;
	s8 =	spop (v2sf)  }
0x239: {  	s21 =	sshrl.u32 s12, $0x19;
	p1 =	sne.s32 s7, $0x0;
	s17 =	sand.u32 $0x7F, s8  }
0x23a: {  	s24 =	sshra.s32 s8, $0x1F;
	p5 =	slt.s32 s8, $0x1;
	p4 =	sne.s32 s17, $0x0  }
0x23b: {  	s20 =	simm.s32 $0x1;
	s10 =	sshrl.u32 s24, $0x19;
	p2 =	por !p5, !p4  }
0x23c: {  	p1 =	por !p6, !p1;
	s10 =	sadd.s32 s10, s8;
	p2 =	por !p2, !p2  }
0x23d: {  	s19 =	sadd.s32 s21, s4;
	s10 =	sshrl.u32 s10, $0x7;
	s20 =	simm.s32 @!p2 $0x0  }
0x23e: {  	p1 =	por !p1, !p1;
	s10 =	ssub.s32 s10, s20;
	s20 =	simm.s32 $0x1  }
0x23f: {  	s19 =	sshrl.u32 s19, $0x7;
	s10 =	sshll.u32 s10, $0x7;
	s20 =	simm.s32 @!p1 $0x0  }
0x240: {  	s10 =	sand.u32 $0x1FFFFF80, s10;
	s19 =	ssub.s32 s19, s20  }
0x241: {  	s10 =	sadd.s32 s1, s10;
	s25 =	sshll.u32 s19, $0x7  }
0x242: {  	[tilespmem:s0], [sflag:$0x2] =	stream.strided.gather [hbm4b:s10+s11], $0x1000, s16, s11, $0x38;
	[tilespmem:$0x18B00] =	vst v63  }
0x243: {  	s10 =	sand.u32 $0x1FFFFF80, s25  }
0x244: {  	s4 =	simm.s32 $0x3;
	s10 =	sadd.s32 s3, s10  }
0x245: {  	[tilespmem:s15], [sflag:$0x5] =	stream.strided.gather [hbm4b:s10+s11], $0x1000, s16, s11, $0x38;
	[tilespmem:$0x18B00] =	vst v63  }
0x246: {  	_ =	swait.ge [sflag:s4], $0x4000  }
.Ltmp7:
0x247: {  	[sflag:s4] =	ssyncset.done $0x0;
	(pc) =	sbr.rel .LBB2_8-.Ltmp7, $4  }
0x248: {  	s28 =	simm.s32 $0x6;
	[sflag:s4] =	ssyncadd.s32 $0xFFFFC000  }
0x249: {  	_ =	swait.ge [sflag:s28], $0x4000  }
0x24a: {  	[sflag:s28] =	ssyncset.done $0x0  }
0x24b: {  	[sflag:s28] =	ssyncadd.s32 $0xFFFFC000  }
.LBB2_10:
0x24c: {  	_ =	sfence.sel $0x180000  }
0x24d: {  	[bflag:$0x0] =	sbarrier.arrive $0xFFFF  }
0x24e: {  	_ =	strace $0x90000047  }
0x24f: {  	s0 =	stileid.u32;
	[bflag:$0x2] =	sbarrier.arrive $0xFFFF  }
0x250: {  	p0 =	sne.s32 s0, $0x0;
	s0 =	rddreg [dreg:$0x4]  }
0x251: {  	s0 =	sadd.s32 @!p0 $0x100000, s0  }
0x252: {  	[sflag:s0] =	ssyncadd.tile.s32 @!p0 $0x1;
	_ =	shalt  }
.Lfunc_end2:
_tile_overlayer_lowered:
.L_overlay_start_2:
0x253: {  	(tag) =	ssettag $0x2  }
0x254: {  	s0 =	rddreg [dreg:$0x0];
	s2 =	stileid.u32  }
0x255: {  	s1 =	rddreg [dreg:$0x1];
	p0 =	sne.s32 s2, $0x0  }
0x256: {  	s3 =	rddreg [dreg:$0x2];
	[bflag:$0x3] =	sbarrier.arrive $0xFFFF;
	s2 =	simm.s32 @!p0 $0x1C07  }
0x257: {  	[timem:s3], [sflag:s2] =	dma.local @!p0 [hbm:s0], s1  }
0x258: {  	s0 =	simm.s32 @!p0 $0x7  }
0x259: {  	_ =	swait.ge @!p0 [sflag:s0], s1  }
0x25a: {  	s1 =	ssub.s32 @!p0 $0x0, s1;
	[sflag:s0] =	ssyncset.done @!p0 $0x0  }
0x25b: {  	[sflag:s0] =	ssyncadd.s32 @!p0 s1  }
0x25c: {  	[bflag:$0x3] =	sbarrier.arrive $0xFFFF  }
0x25d: {  	_ =	shalt  }

</sc_bundles>
